<compile_context>
chip_gen: v7x
topology: tpu7x:2x2x1
jax: 0.10.2.dev20260603
libtpu: 0.0.44.dev20260713+nightly
codegen_flags: <defaults>
</compile_context>

<pallas_src>
import functools

import jax
import jax.numpy as jnp
from jax import lax
from jax.experimental import pallas as pl
from jax.experimental.pallas import tpu as pltpu
from jax.experimental.pallas import tpu_sc as plsc

SEL = 4096
LANES = 16
RADIX = 256


def _pack_body(box_ref, cls_ref, comb_ref):
  box = box_ref[0]
  cls = cls_ref[0]
  nc = box.shape[0]
  comb_ref[0] = jnp.concatenate(
      [box, jnp.zeros((nc, 1), jnp.float32), cls,
       jnp.zeros((nc, 5), jnp.float32)], axis=1)


def _keys_body(n, cls_ref, keys_ref):
  m = jnp.max(cls_ref[...], axis=0)
  bits = lax.bitcast_convert_type(m, jnp.int32)
  ck = jnp.where(bits < 0, bits, ~(bits | jnp.int32(-2147483648)))
  keys_ref[:, :n] = ck
  keys_ref[:, n:] = jnp.full(
      (keys_ref.shape[0], keys_ref.shape[1] - n), -1, jnp.int32)


def _sc_body(n, npad, keys_hbm, comb_hbm, out_hbm,
             keys_a, idx_a, keys_b, idx_b, hist, idx2d, rows, sem):
  b = lax.axis_index("s") * 2 + lax.axis_index("c")
  nb = keys_hbm.shape[0]
  nstream = 4
  vl = nstream * LANES
  chunk = npad // vl
  iota = lax.iota(jnp.int32, LANES)
  lane_bases = [(s * LANES + iota) * chunk for s in range(nstream)]
  lane_cols = [s * LANES + iota for s in range(nstream)]
  ones = jnp.ones((LANES,), jnp.int32)

  @pl.when(b < nb)
  def _():
    pltpu.sync_copy(keys_hbm.at[b], keys_a)

    @pl.loop(0, npad // LANES)
    def _(t):
      idx_a[pl.ds(t * LANES, LANES)] = t * LANES + iota

    for p, (ks, vs, kd, vd) in enumerate((
        (keys_a, idx_a, keys_b, idx_b),
        (keys_b, idx_b, keys_a, idx_a),
        (keys_a, idx_a, keys_b, idx_b),
        (keys_b, idx_b, None, None),
    )):
      shift = 8 * p

      @pl.loop(0, RADIX)
      def _(d):
        for s in range(nstream):
          hist[d, pl.ds(s * LANES, LANES)] = jnp.zeros((LANES,), jnp.int32)

      @pl.loop(0, chunk)
      def _(t):
        for s in range(nstream):
          k = plsc.load_gather(ks, [lane_bases[s] + t])
          d = lax.shift_right_logical(k, shift) & 0xFF
          plsc.addupdate_scatter(hist, [d, lane_cols[s]], ones)

      @pl.loop(0, RADIX, init_carry=jnp.int32(0))
      def _(d, run):
        for s in range(nstream):
          v = hist[d, pl.ds(s * LANES, LANES)]
          inc = plsc.cumsum(v)
          hist[d, pl.ds(s * LANES, LANES)] = (inc - v) + run
          run = run + jnp.sum(v)
        return run

      if kd is not None:
        @pl.loop(0, chunk)
        def _(t):
          for s in range(nstream):
            g = lane_bases[s] + t
            k = plsc.load_gather(ks, [g])
            v = plsc.load_gather(vs, [g])
            d = lax.shift_right_logical(k, shift) & 0xFF
            pos = plsc.load_gather(hist, [d, lane_cols[s]])
            plsc.store_scatter(kd, [pos], k)
            plsc.store_scatter(vd, [pos], v)
            plsc.store_scatter(hist, [d, lane_cols[s]], pos + 1)
      else:
        @pl.loop(0, chunk)
        def _(t):
          for s in range(nstream):
            g = lane_bases[s] + t
            k = plsc.load_gather(ks, [g])
            v = plsc.load_gather(vs, [g])
            d = lax.shift_right_logical(k, shift) & 0xFF
            pos = plsc.load_gather(hist, [d, lane_cols[s]])
            plsc.store_scatter(idx2d, [lax.shift_right_logical(pos, 7),
                                       pos & 127], v, mask=pos < SEL)
            plsc.store_scatter(hist, [d, lane_cols[s]], pos + 1)

    for q in range(4):
      descs = []
      for j in range(8):
        descs.append(pltpu.async_copy(
            comb_hbm.at[b].at[idx2d.at[8 * q + j]],
            rows.at[pl.ds(j * 128, 128)], sem))
      for dsc in descs:
        dsc.wait()
      pltpu.sync_copy(rows, out_hbm.at[b].at[pl.ds(q * 1024, 1024)])


def _mm(x, w):
  return lax.dot_general(x, w, (((1,), (0,)), ((), ())),
                         preferred_element_type=jnp.float32)


def _head_body(comb_ref, w1_ref, b1_ref, w2_ref, b2_ref, wb_ref, bb_ref,
               wr_ref, br_ref, bin_ref, res_ref, boxo_ref, clso_ref):
  x = comb_ref[0]
  boxo_ref[0] = x[:, 0:7]
  clso_ref[0] = x[:, 8:11]
  z = jnp.zeros((1, x.shape[1]), jnp.float32)
  xd = jnp.concatenate([z, x[:-1, :]], axis=0)
  xu = jnp.concatenate([x[1:, :], z], axis=0)
  w1 = w1_ref[...]
  h1 = _mm(xd, w1[0:16]) + _mm(x, w1[16:32]) + _mm(xu, w1[32:48])
  h1 = jnp.maximum(h1 + b1_ref[...], 0.0)
  z1 = jnp.zeros((1, h1.shape[1]), jnp.float32)
  h1d = jnp.concatenate([z1, h1[:-1, :]], axis=0)
  h1u = jnp.concatenate([h1[1:, :], z1], axis=0)
  w2 = w2_ref[...]
  h2 = _mm(h1d, w2[0:32]) + _mm(h1, w2[32:64]) + _mm(h1u, w2[64:96])
  h2 = jnp.maximum(h2 + b2_ref[...], 0.0)
  bin_ref[0] = _mm(h2, wb_ref[...]) + bb_ref[...]
  res_ref[0] = _mm(h2, wr_ref[...]) + br_ref[...]


def kernel(rpn_box_preds, rpn_cls_preds, batch_size, w1, g1, be1, rm1, rv1,
           w2, g2, be2, rm2, rv2, wb, bb, wr, br):
  bsz, n, _ = rpn_box_preds.shape
  npad = ((n + 127) // 128) * 128

  cls_t = jnp.transpose(rpn_cls_preds, (2, 0, 1))

  eps = 1e-5
  s1 = g1 * lax.rsqrt(rv1 + eps)
  wt1 = jnp.transpose(w1 * s1[:, None, None], (2, 1, 0))
  w1c = jnp.zeros((3, 16, 32), jnp.float32)
  w1c = w1c.at[:, 0:7].set(wt1[:, 0:7]).at[:, 8:11].set(wt1[:, 7:10])
  w1c = w1c.reshape(48, 32)
  b1c = be1 - rm1 * s1
  s2 = g2 * lax.rsqrt(rv2 + eps)
  w2c = jnp.transpose(w2 * s2[:, None, None], (2, 1, 0)).reshape(96, 64)
  b2c = be2 - rm2 * s2
  wb2 = wb[:, :, 0].T
  wr2 = wr[:, :, 0].T

  nc = 2000
  comb = pl.pallas_call(
      _pack_body,
      grid=(bsz, n // nc),
      in_specs=[
          pl.BlockSpec((1, nc, 7), lambda b, c: (b, c, 0)),
          pl.BlockSpec((1, nc, 3), lambda b, c: (b, c, 0)),
      ],
      out_specs=pl.BlockSpec((1, nc, 16), lambda b, c: (b, c, 0)),
      out_shape=jax.ShapeDtypeStruct((bsz, n, 16), jnp.float32),
  )(rpn_box_preds, rpn_cls_preds)

  keys = pl.pallas_call(
      functools.partial(_keys_body, n),
      out_shape=jax.ShapeDtypeStruct((bsz, npad), jnp.int32),
  )(cls_t)

  mesh = plsc.VectorSubcoreMesh(core_axis_name="c", subcore_axis_name="s",
                                num_cores=2, num_subcores=16)
  comb_sel = pl.kernel(
      functools.partial(_sc_body, n, npad),
      out_type=jax.ShapeDtypeStruct((bsz, SEL, 16), jnp.float32),
      mesh=mesh,
      compiler_params=pltpu.CompilerParams(needs_layout_passes=False,
                                           use_tc_tiling_on_sc=False),
      scratch_types=[
          pltpu.VMEM((npad,), jnp.int32),
          pltpu.VMEM((npad,), jnp.int32),
          pltpu.VMEM((npad,), jnp.int32),
          pltpu.VMEM((npad,), jnp.int32),
          pltpu.VMEM((RADIX, 4 * LANES), jnp.int32),
          pltpu.VMEM((32, 128), jnp.int32),
          pltpu.VMEM((1024, 16), jnp.float32),
          pltpu.SemaphoreType.DMA,
      ],
  )(keys, comb)

  head_out = pl.pallas_call(
      _head_body,
      grid=(bsz,),
      in_specs=[
          pl.BlockSpec((1, SEL, 16), lambda i: (i, 0, 0)),
          pl.BlockSpec((48, 32), lambda i: (0, 0)),
          pl.BlockSpec((32,), lambda i: (0,)),
          pl.BlockSpec((96, 64), lambda i: (0, 0)),
          pl.BlockSpec((64,), lambda i: (0,)),
          pl.BlockSpec((64, 5), lambda i: (0, 0)),
          pl.BlockSpec((5,), lambda i: (0,)),
          pl.BlockSpec((64, 1), lambda i: (0, 0)),
          pl.BlockSpec((1,), lambda i: (0,)),
      ],
      out_specs=[
          pl.BlockSpec((1, SEL, 5), lambda i: (i, 0, 0)),
          pl.BlockSpec((1, SEL, 1), lambda i: (i, 0, 0)),
          pl.BlockSpec((1, SEL, 7), lambda i: (i, 0, 0)),
          pl.BlockSpec((1, SEL, 3), lambda i: (i, 0, 0)),
      ],
      out_shape=[
          jax.ShapeDtypeStruct((bsz, SEL, 5), jnp.float32),
          jax.ShapeDtypeStruct((bsz, SEL, 1), jnp.float32),
          jax.ShapeDtypeStruct((bsz, SEL, 7), jnp.float32),
          jax.ShapeDtypeStruct((bsz, SEL, 3), jnp.float32),
      ],
  )(comb_sel, w1c, b1c, w2c, b2c, wb2, bb, wr2, br)

  iou_bin, iou_res, box_sel, cls_sel = head_out
  return (iou_bin, iou_res, box_sel, cls_sel)

# --- scband reference (transcript-rebuilt; emitter-appended) ---
"""Pipeline reference for scband-iou-head-4681514353318 (READ-ONLY COPY).

The authoritative reference and input builder live on the scoring server;
editing this copy changes nothing except your own understanding.
"""

import jax, jax.numpy as jnp
import numpy as np

SELECTED_NUM = 4096

def conv1d(x, w, b=None, padding=0):
    out = jax.lax.conv_general_dilated(x, w, window_strides=(1,), padding=[(padding, padding)], dimension_numbers=('NCH', 'OIH', 'NCH'))
    if b is not None:
        out = out + b[None, :, None]
    return out

def bn_eval(x, gamma, beta, rm, rv, eps=1e-5):
    return (x - rm[None, :, None]) / jnp.sqrt(rv[None, :, None] + eps) * gamma[None, :, None] + beta[None, :, None]

def setup_inputs(seed: int = 0) -> dict:
    key = jax.random.key(seed)
    ks = jax.random.split(key, 8)
    B, N = 8, 20000
    rpn_box_preds = jax.random.normal(ks[0], (B, N, 7), dtype=jnp.float32)
    rpn_cls_preds = jax.random.normal(ks[1], (B, N, 3), dtype=jnp.float32)
    w1 = jax.random.normal(ks[2], (32, 10, 3), dtype=jnp.float32) * 0.1
    g1 = jnp.ones((32,), jnp.float32); be1 = jnp.zeros((32,), jnp.float32)
    rm1 = jnp.zeros((32,), jnp.float32); rv1 = jnp.ones((32,), jnp.float32)
    w2 = jax.random.normal(ks[3], (64, 32, 3), dtype=jnp.float32) * 0.1
    g2 = jnp.ones((64,), jnp.float32); be2 = jnp.zeros((64,), jnp.float32)
    rm2 = jnp.zeros((64,), jnp.float32); rv2 = jnp.ones((64,), jnp.float32)
    wb = jax.random.normal(ks[4], (5, 64, 1), dtype=jnp.float32) * 0.1
    bb = jnp.full((5,), -np.log((1 - 0.01) / 0.01), dtype=jnp.float32)
    wr = jax.random.normal(ks[5], (1, 64, 1), dtype=jnp.float32) * 0.001
    br = jnp.zeros((1,), jnp.float32)
    return {"rpn_box_preds": rpn_box_preds, "rpn_cls_preds": rpn_cls_preds, "batch_size": B,
            "w1": w1, "g1": g1, "be1": be1, "rm1": rm1, "rv1": rv1,
            "w2": w2, "g2": g2, "be2": be2, "rm2": rm2, "rv2": rv2,
            "wb": wb, "bb": bb, "wr": wr, "br": br}

def reference(rpn_box_preds, rpn_cls_preds, batch_size, w1, g1, be1, rm1, rv1, w2, g2, be2, rm2, rv2, wb, bb, wr, br):
    # proposal_layer: per-batch topk over sigmoid(max cls score)
    scores = jax.nn.sigmoid(jnp.max(rpn_cls_preds, axis=-1))  # [B, N]
    _, idx = jax.lax.top_k(scores, SELECTED_NUM)              # [B, K]
    box_sel = jnp.take_along_axis(rpn_box_preds, idx[..., None], axis=1)  # [B, K, 7]
    cls_sel = jnp.take_along_axis(rpn_cls_preds, idx[..., None], axis=1)  # [B, K, 3]
    x_in = jnp.concatenate([jnp.transpose(box_sel, (0, 2, 1)), jnp.transpose(cls_sel, (0, 2, 1))], axis=1)  # [B, 10, K]
    h = jax.nn.relu(bn_eval(conv1d(x_in, w1, None, padding=1), g1, be1, rm1, rv1))
    h = jax.nn.relu(bn_eval(conv1d(h, w2, None, padding=1), g2, be2, rm2, rv2))
    iou_preds_bin = jnp.transpose(conv1d(h, wb, bb, padding=0), (0, 2, 1))       # [B, K, 5]
    iou_preds_residual = jnp.transpose(conv1d(h, wr, br, padding=0), (0, 2, 1))  # [B, K, 1]
    return (iou_preds_bin, iou_preds_residual, box_sel, cls_sel)

if __name__ == "__main__":
    import jax
    _d = setup_inputs()
    print(jax.jit(kernel)(*tuple(_d.values())))

</pallas_src>

<mosaic_0001>
#map = affine_map<(d0, d1) -> (0, 0)>
#map1 = affine_map<(d0, d1) -> (0, 0, 0)>
module attributes {stable_mosaic.version = 14 : i64} {
  func.func @_sc_body(%arg0: i32, %arg1: i32, %arg2: memref<8x20096xi32, #tpu.memory_space<hbm>>, %arg3: memref<8x20000x16xf32, #tpu.memory_space<hbm>>, %arg4: memref<8x4096x16xf32, #tpu.memory_space<hbm>>, %arg5: memref<20096xi32, #tpu.memory_space<vmem>>, %arg6: memref<20096xi32, #tpu.memory_space<vmem>>, %arg7: memref<20096xi32, #tpu.memory_space<vmem>>, %arg8: memref<20096xi32, #tpu.memory_space<vmem>>, %arg9: memref<256x64xi32, #tpu.memory_space<vmem>>, %arg10: memref<32x128xi32, #tpu.memory_space<vmem>>, %arg11: memref<1024x16xf32, #tpu.memory_space<vmem>>, %arg12: memref<!tpu.dma_semaphore, #tpu.memory_space<semaphore_mem>>) attributes {dimension_semantics = [#tpu.dimension_semantics<core_parallel>, #tpu.dimension_semantics<subcore_parallel>], iteration_bounds = array<i64: 2, 16>, scalar_prefetch = 0 : i64, scratch_operands = 8 : i64, tpu.core_type = #tpu.core_type<sc_vector_subcore>, window_params = [{transform_indices = #map}, {transform_indices = #map1}, {transform_indices = #map1}]} {
    %mul3A = arith.constant 2 : i32
    %mul3A_0 = arith.muli %arg1, %mul3A : i32
    %add3A = arith.addi %mul3A_0, %arg0 : i32
    %iota3A = tpu.iota {dimensions = array<i32: 0>} : vector<16xi32>
    %add3A_1 = arith.constant 0 : i32
    %add3A_2 = vector.broadcast %add3A_1 : i32 to vector<16xi32>
    %add3A_3 = arith.addi %add3A_2, %iota3A : vector<16xi32>
    %mul3A_4 = arith.constant 314 : i32
    %mul3A_5 = vector.broadcast %mul3A_4 : i32 to vector<16xi32>
    %mul3A_6 = arith.muli %add3A_3, %mul3A_5 : vector<16xi32>
    %add3A_7 = arith.constant 16 : i32
    %add3A_8 = vector.broadcast %add3A_7 : i32 to vector<16xi32>
    %add3A_9 = arith.addi %add3A_8, %iota3A : vector<16xi32>
    %mul3A_10 = arith.constant 314 : i32
    %mul3A_11 = vector.broadcast %mul3A_10 : i32 to vector<16xi32>
    %mul3A_12 = arith.muli %add3A_9, %mul3A_11 : vector<16xi32>
    %add3A_13 = arith.constant 32 : i32
    %add3A_14 = vector.broadcast %add3A_13 : i32 to vector<16xi32>
    %add3A_15 = arith.addi %add3A_14, %iota3A : vector<16xi32>
    %mul3A_16 = arith.constant 314 : i32
    %mul3A_17 = vector.broadcast %mul3A_16 : i32 to vector<16xi32>
    %mul3A_18 = arith.muli %add3A_15, %mul3A_17 : vector<16xi32>
    %add3A_19 = arith.constant 48 : i32
    %add3A_20 = vector.broadcast %add3A_19 : i32 to vector<16xi32>
    %add3A_21 = arith.addi %add3A_20, %iota3A : vector<16xi32>
    %mul3A_22 = arith.constant 314 : i32
    %mul3A_23 = vector.broadcast %mul3A_22 : i32 to vector<16xi32>
    %mul3A_24 = arith.muli %add3A_21, %mul3A_23 : vector<16xi32>
    %add3A_25 = arith.constant 0 : i32
    %add3A_26 = vector.broadcast %add3A_25 : i32 to vector<16xi32>
    %add3A_27 = arith.addi %add3A_26, %iota3A : vector<16xi32>
    %add3A_28 = arith.constant 16 : i32
    %add3A_29 = vector.broadcast %add3A_28 : i32 to vector<16xi32>
    %add3A_30 = arith.addi %add3A_29, %iota3A : vector<16xi32>
    %add3A_31 = arith.constant 32 : i32
    %add3A_32 = vector.broadcast %add3A_31 : i32 to vector<16xi32>
    %add3A_33 = arith.addi %add3A_32, %iota3A : vector<16xi32>
    %add3A_34 = arith.constant 48 : i32
    %add3A_35 = vector.broadcast %add3A_34 : i32 to vector<16xi32>
    %add3A_36 = arith.addi %add3A_35, %iota3A : vector<16xi32>
    %broadcast_in_dim3A = arith.constant 1 : i32
    %broadcast_in_dim3A_37 = vector.broadcast %broadcast_in_dim3A : i32 to vector<16xi32>
    %lt3A = arith.constant 8 : i32
    %lt3A_38 = arith.cmpi slt, %add3A, %lt3A : i32
    %convert_element_type3A = arith.extui %lt3A_38 : i1 to i32
    %cond3A = arith.constant 0 : i32
    %cond3A_39 = arith.cmpi ne, %convert_element_type3A, %cond3A : i32
    scf.if %cond3A_39 {
      "tpu.region"() ({
        %run_scoped3A = tpu.sem_alloc : memref<!tpu.dma_semaphore, #tpu.memory_space<semaphore_mem>>
        %dma_start3A_1026 = arith.constant 0 : i32
        %dma_start3A_1027 = tpu.memref_slice %arg2[%add3A, %dma_start3A_1026] : memref<8x20096xi32, #tpu.memory_space<hbm>> -> memref<1x20096xi32, #tpu.memory_space<hbm>>
        %dma_start3A_1028 = tpu.memref_squeeze %dma_start3A_1027 : memref<1x20096xi32, #tpu.memory_space<hbm>> -> memref<20096xi32, #tpu.memory_space<hbm>>
        %dma_start3A_1029 = arith.constant 0 : i32
        %dma_start3A_1030 = tpu.memref_slice %arg2[%add3A, %dma_start3A_1029] : memref<8x20096xi32, #tpu.memory_space<hbm>> -> memref<1x20096xi32, #tpu.memory_space<hbm>>
        %dma_start3A_1031 = tpu.memref_squeeze %dma_start3A_1030 : memref<1x20096xi32, #tpu.memory_space<hbm>> -> memref<20096xi32, #tpu.memory_space<hbm>>
        tpu.enqueue_dma source(%dma_start3A_1031 : memref<20096xi32, #tpu.memory_space<hbm>>) target(%arg5 : memref<20096xi32, #tpu.memory_space<vmem>>) target_semaphore(%run_scoped3A : memref<!tpu.dma_semaphore, #tpu.memory_space<semaphore_mem>>)
        %dma_wait3A_1032 = arith.constant 0 : i32
        %dma_wait3A_1033 = tpu.memref_slice %arg2[%add3A, %dma_wait3A_1032] : memref<8x20096xi32, #tpu.memory_space<hbm>> -> memref<1x20096xi32, #tpu.memory_space<hbm>>
        %dma_wait3A_1034 = tpu.memref_squeeze %dma_wait3A_1033 : memref<1x20096xi32, #tpu.memory_space<hbm>> -> memref<20096xi32, #tpu.memory_space<hbm>>
        %dma_wait3A_1035 = arith.constant 0 : i32
        %dma_wait3A_1036 = tpu.memref_slice %arg2[%add3A, %dma_wait3A_1035] : memref<8x20096xi32, #tpu.memory_space<hbm>> -> memref<1x20096xi32, #tpu.memory_space<hbm>>
        %dma_wait3A_1037 = tpu.memref_squeeze %dma_wait3A_1036 : memref<1x20096xi32, #tpu.memory_space<hbm>> -> memref<20096xi32, #tpu.memory_space<hbm>>
        tpu.wait_dma2 semaphore(%run_scoped3A : memref<!tpu.dma_semaphore, #tpu.memory_space<semaphore_mem>>) src(%dma_wait3A_1037 : memref<20096xi32, #tpu.memory_space<hbm>>) dst(%arg5 : memref<20096xi32, #tpu.memory_space<vmem>>)
        tpu.yield
      }) : () -> ()
      %scan3A = arith.constant 0 : i32
      %scan3A_40 = arith.constant 1256 : i32
      %scan3A_41 = arith.addi %scan3A, %scan3A_40 : i32
      %scan3A_42 = arith.constant 1 : i32
      scf.for %scan3A_1026 = %scan3A to %scan3A_41 step %scan3A_42  : i32 {
        %mul3A_1027 = arith.constant 1 : i32
        %mul3A_1028 = arith.muli %scan3A_1026, %mul3A_1027 : i32
        %add3A_1029 = arith.constant 0 : i32
        %add3A_1030 = arith.addi %add3A_1029, %mul3A_1028 : i32
        %mul3A_1031 = arith.constant 16 : i32
        %mul3A_1032 = arith.muli %add3A_1030, %mul3A_1031 : i32
        %add3A_1033 = vector.broadcast %mul3A_1032 : i32 to vector<16xi32>
        %add3A_1034 = arith.addi %add3A_1033, %iota3A : vector<16xi32>
        %mul3A_1035 = arith.constant 16 : i32
        %mul3A_1036 = arith.muli %add3A_1030, %mul3A_1035 : i32
        %swap3A = arith.index_cast %mul3A_1036 : i32 to index
        %swap3A_1037 = tpu.vector_load %arg6[%swap3A] {strides = array<i32>} : memref<20096xi32, #tpu.memory_space<vmem>>, vector<16xi32>,
        tpu.vector_store %arg6[%swap3A], %add3A_1034 {strides = array<i32>} : memref<20096xi32, #tpu.memory_space<vmem>>, vector<16xi32>,
      }
      %scan3A_43 = arith.constant 1256 : i32
      %scan3A_44 = arith.constant 0 : i32
      %scan3A_45 = arith.constant 256 : i32
      %scan3A_46 = arith.addi %scan3A_44, %scan3A_45 : i32
      %scan3A_47 = arith.constant 1 : i32
      scf.for %scan3A_1026 = %scan3A_44 to %scan3A_46 step %scan3A_47  : i32 {
        %mul3A_1027 = arith.constant 1 : i32
        %mul3A_1028 = arith.muli %scan3A_1026, %mul3A_1027 : i32
        %add3A_1029 = arith.constant 0 : i32
        %add3A_1030 = arith.addi %add3A_1029, %mul3A_1028 : i32
        %broadcast_in_dim3A_1031 = arith.constant 0 : i32
        %broadcast_in_dim3A_1032 = vector.broadcast %broadcast_in_dim3A_1031 : i32 to vector<16xi32>
        %swap3A = arith.index_cast %add3A_1030 : i32 to index
        %swap3A_1033 = arith.constant 0 : index
        %swap3A_1034 = tpu.vector_load %arg9[%swap3A, %swap3A_1033] {strides = array<i32>} : memref<256x64xi32, #tpu.memory_space<vmem>>, vector<16xi32>,
        tpu.vector_store %arg9[%swap3A, %swap3A_1033], %broadcast_in_dim3A_1032 {strides = array<i32>} : memref<256x64xi32, #tpu.memory_space<vmem>>, vector<16xi32>,
        %broadcast_in_dim3A_1035 = arith.constant 0 : i32
        %broadcast_in_dim3A_1036 = vector.broadcast %broadcast_in_dim3A_1035 : i32 to vector<16xi32>
        %swap3A_1037 = arith.index_cast %add3A_1030 : i32 to index
        %swap3A_1038 = arith.constant 16 : index
        %swap3A_1039 = tpu.vector_load %arg9[%swap3A_1037, %swap3A_1038] {strides = array<i32>} : memref<256x64xi32, #tpu.memory_space<vmem>>, vector<16xi32>,
        tpu.vector_store %arg9[%swap3A_1037, %swap3A_1038], %broadcast_in_dim3A_1036 {strides = array<i32>} : memref<256x64xi32, #tpu.memory_space<vmem>>, vector<16xi32>,
        %broadcast_in_dim3A_1040 = arith.constant 0 : i32
        %broadcast_in_dim3A_1041 = vector.broadcast %broadcast_in_dim3A_1040 : i32 to vector<16xi32>
        %swap3A_1042 = arith.index_cast %add3A_1030 : i32 to index
        %swap3A_1043 = arith.constant 32 : index
        %swap3A_1044 = tpu.vector_load %arg9[%swap3A_1042, %swap3A_1043] {strides = array<i32>} : memref<256x64xi32, #tpu.memory_space<vmem>>, vector<16xi32>,
        tpu.vector_store %arg9[%swap3A_1042, %swap3A_1043], %broadcast_in_dim3A_1041 {strides = array<i32>} : memref<256x64xi32, #tpu.memory_space<vmem>>, vector<16xi32>,
        %broadcast_in_dim3A_1045 = arith.constant 0 : i32
        %broadcast_in_dim3A_1046 = vector.broadcast %broadcast_in_dim3A_1045 : i32 to vector<16xi32>
        %swap3A_1047 = arith.index_cast %add3A_1030 : i32 to index
        %swap3A_1048 = arith.constant 48 : index
        %swap3A_1049 = tpu.vector_load %arg9[%swap3A_1047, %swap3A_1048] {strides = array<i32>} : memref<256x64xi32, #tpu.memory_space<vmem>>, vector<16xi32>,
        tpu.vector_store %arg9[%swap3A_1047, %swap3A_1048], %broadcast_in_dim3A_1046 {strides = array<i32>} : memref<256x64xi32, #tpu.memory_space<vmem>>, vector<16xi32>,
      }
      %scan3A_48 = arith.constant 256 : i32
      %scan3A_49 = arith.constant 0 : i32
      %scan3A_50 = arith.constant 314 : i32
      %scan3A_51 = arith.addi %scan3A_49, %scan3A_50 : i32
      %scan3A_52 = arith.constant 1 : i32
      scf.for %scan3A_1026 = %scan3A_49 to %scan3A_51 step %scan3A_52  : i32 {
        %mul3A_1027 = arith.constant 1 : i32
        %mul3A_1028 = arith.muli %scan3A_1026, %mul3A_1027 : i32
        %add3A_1029 = arith.constant 0 : i32
        %add3A_1030 = arith.addi %add3A_1029, %mul3A_1028 : i32
        %add3A_1031 = vector.broadcast %add3A_1030 : i32 to vector<16xi32>
        %add3A_1032 = arith.addi %mul3A_6, %add3A_1031 : vector<16xi32>
        %gather3A = tpu.vector_load_idx %arg5[%add3A_1032] : memref<20096xi32, #tpu.memory_space<vmem>>[vector<16xi32>], vector<16xi32>,
        %shift_right_logical3A = arith.constant 0 : i32
        %shift_right_logical3A_1033 = vector.broadcast %shift_right_logical3A : i32 to vector<16xi32>
        %shift_right_logical3A_1034 = arith.shrui %gather3A, %shift_right_logical3A_1033 : vector<16xi32>
        %and3A = arith.constant 255 : i32
        %and3A_1035 = vector.broadcast %and3A : i32 to vector<16xi32>
        %and3A_1036 = arith.andi %shift_right_logical3A_1034, %and3A_1035 : vector<16xi32>
        tpu.vector_store_idx %arg9[%and3A_1036, %add3A_27], %broadcast_in_dim3A_37 {add = true} : memref<256x64xi32, #tpu.memory_space<vmem>>[vector<16xi32>, vector<16xi32>], vector<16xi32>,
        %add3A_1037 = vector.broadcast %add3A_1030 : i32 to vector<16xi32>
        %add3A_1038 = arith.addi %mul3A_12, %add3A_1037 : vector<16xi32>
        %gather3A_1039 = tpu.vector_load_idx %arg5[%add3A_1038] : memref<20096xi32, #tpu.memory_space<vmem>>[vector<16xi32>], vector<16xi32>,
        %shift_right_logical3A_1040 = arith.constant 0 : i32
        %shift_right_logical3A_1041 = vector.broadcast %shift_right_logical3A_1040 : i32 to vector<16xi32>
        %shift_right_logical3A_1042 = arith.shrui %gather3A_1039, %shift_right_logical3A_1041 : vector<16xi32>
        %and3A_1043 = arith.constant 255 : i32
        %and3A_1044 = vector.broadcast %and3A_1043 : i32 to vector<16xi32>
        %and3A_1045 = arith.andi %shift_right_logical3A_1042, %and3A_1044 : vector<16xi32>
        tpu.vector_store_idx %arg9[%and3A_1045, %add3A_30], %broadcast_in_dim3A_37 {add = true} : memref<256x64xi32, #tpu.memory_space<vmem>>[vector<16xi32>, vector<16xi32>], vector<16xi32>,
        %add3A_1046 = vector.broadcast %add3A_1030 : i32 to vector<16xi32>
        %add3A_1047 = arith.addi %mul3A_18, %add3A_1046 : vector<16xi32>
        %gather3A_1048 = tpu.vector_load_idx %arg5[%add3A_1047] : memref<20096xi32, #tpu.memory_space<vmem>>[vector<16xi32>], vector<16xi32>,
        %shift_right_logical3A_1049 = arith.constant 0 : i32
        %shift_right_logical3A_1050 = vector.broadcast %shift_right_logical3A_1049 : i32 to vector<16xi32>
        %shift_right_logical3A_1051 = arith.shrui %gather3A_1048, %shift_right_logical3A_1050 : vector<16xi32>
        %and3A_1052 = arith.constant 255 : i32
        %and3A_1053 = vector.broadcast %and3A_1052 : i32 to vector<16xi32>
        %and3A_1054 = arith.andi %shift_right_logical3A_1051, %and3A_1053 : vector<16xi32>
        tpu.vector_store_idx %arg9[%and3A_1054, %add3A_33], %broadcast_in_dim3A_37 {add = true} : memref<256x64xi32, #tpu.memory_space<vmem>>[vector<16xi32>, vector<16xi32>], vector<16xi32>,
        %add3A_1055 = vector.broadcast %add3A_1030 : i32 to vector<16xi32>
        %add3A_1056 = arith.addi %mul3A_24, %add3A_1055 : vector<16xi32>
        %gather3A_1057 = tpu.vector_load_idx %arg5[%add3A_1056] : memref<20096xi32, #tpu.memory_space<vmem>>[vector<16xi32>], vector<16xi32>,
        %shift_right_logical3A_1058 = arith.constant 0 : i32
        %shift_right_logical3A_1059 = vector.broadcast %shift_right_logical3A_1058 : i32 to vector<16xi32>
        %shift_right_logical3A_1060 = arith.shrui %gather3A_1057, %shift_right_logical3A_1059 : vector<16xi32>
        %and3A_1061 = arith.constant 255 : i32
        %and3A_1062 = vector.broadcast %and3A_1061 : i32 to vector<16xi32>
        %and3A_1063 = arith.andi %shift_right_logical3A_1060, %and3A_1062 : vector<16xi32>
        tpu.vector_store_idx %arg9[%and3A_1063, %add3A_36], %broadcast_in_dim3A_37 {add = true} : memref<256x64xi32, #tpu.memory_space<vmem>>[vector<16xi32>, vector<16xi32>], vector<16xi32>,
      }
      %scan3A_53 = arith.constant 314 : i32
      %scan3A_54 = arith.constant 0 : i32
      %scan3A_55 = arith.constant 0 : i32
      %scan3A_56 = arith.constant 256 : i32
      %scan3A_57 = arith.addi %scan3A_55, %scan3A_56 : i32
      %scan3A_58 = arith.constant 1 : i32
      %scan3A_59 = scf.for %scan3A_1026 = %scan3A_55 to %scan3A_57 step %scan3A_58 iter_args(%scan3A_1027 = %scan3A_54) -> (i32)  : i32 {
        %mul3A_1028 = arith.constant 1 : i32
        %mul3A_1029 = arith.muli %scan3A_1026, %mul3A_1028 : i32
        %add3A_1030 = arith.constant 0 : i32
        %add3A_1031 = arith.addi %add3A_1030, %mul3A_1029 : i32
        %get3A = arith.index_cast %add3A_1031 : i32 to index
        %get3A_1032 = arith.constant 0 : index
        %get3A_1033 = tpu.vector_load %arg9[%get3A, %get3A_1032] {strides = array<i32>} : memref<256x64xi32, #tpu.memory_space<vmem>>, vector<16xi32>,
        %broadcast_in_dim3A_1034 = arith.constant true
        %broadcast_in_dim3A_1035 = vector.broadcast %broadcast_in_dim3A_1034 : i1 to vector<16xi1>
        %masked_cumsum3A = tpu.scan <sum>, %get3A_1033 masked %broadcast_in_dim3A_1035 : vector<16xi32>, vector<16xi1> -> vector<16xi32>
        %sub3A = arith.subi %masked_cumsum3A, %get3A_1033 : vector<16xi32>
        %add3A_1036 = vector.broadcast %scan3A_1027 : i32 to vector<16xi32>
        %add3A_1037 = arith.addi %sub3A, %add3A_1036 : vector<16xi32>
        %swap3A = arith.index_cast %add3A_1031 : i32 to index
        %swap3A_1038 = arith.constant 0 : index
        %swap3A_1039 = tpu.vector_load %arg9[%swap3A, %swap3A_1038] {strides = array<i32>} : memref<256x64xi32, #tpu.memory_space<vmem>>, vector<16xi32>,
        tpu.vector_store %arg9[%swap3A, %swap3A_1038], %add3A_1037 {strides = array<i32>} : memref<256x64xi32, #tpu.memory_space<vmem>>, vector<16xi32>,
        %reduce_sum3A = arith.constant true
        %reduce_sum3A_1040 = vector.broadcast %reduce_sum3A : i1 to vector<16xi1>
        %reduce_sum3A_1041 = tpu.scan <sum>, %get3A_1033 masked %reduce_sum3A_1040 : vector<16xi32>, vector<16xi1> -> vector<16xi32>
        %reduce_sum3A_1042 = vector.extract %reduce_sum3A_1041[15] : i32 from vector<16xi32>
        %add3A_1043 = arith.addi %scan3A_1027, %reduce_sum3A_1042 : i32
        %get3A_1044 = arith.index_cast %add3A_1031 : i32 to index
        %get3A_1045 = arith.constant 16 : index
        %get3A_1046 = tpu.vector_load %arg9[%get3A_1044, %get3A_1045] {strides = array<i32>} : memref<256x64xi32, #tpu.memory_space<vmem>>, vector<16xi32>,
        %broadcast_in_dim3A_1047 = arith.constant true
        %broadcast_in_dim3A_1048 = vector.broadcast %broadcast_in_dim3A_1047 : i1 to vector<16xi1>
        %masked_cumsum3A_1049 = tpu.scan <sum>, %get3A_1046 masked %broadcast_in_dim3A_1048 : vector<16xi32>, vector<16xi1> -> vector<16xi32>
        %sub3A_1050 = arith.subi %masked_cumsum3A_1049, %get3A_1046 : vector<16xi32>
        %add3A_1051 = vector.broadcast %add3A_1043 : i32 to vector<16xi32>
        %add3A_1052 = arith.addi %sub3A_1050, %add3A_1051 : vector<16xi32>
        %swap3A_1053 = arith.index_cast %add3A_1031 : i32 to index
        %swap3A_1054 = arith.constant 16 : index
        %swap3A_1055 = tpu.vector_load %arg9[%swap3A_1053, %swap3A_1054] {strides = array<i32>} : memref<256x64xi32, #tpu.memory_space<vmem>>, vector<16xi32>,
        tpu.vector_store %arg9[%swap3A_1053, %swap3A_1054], %add3A_1052 {strides = array<i32>} : memref<256x64xi32, #tpu.memory_space<vmem>>, vector<16xi32>,
        %reduce_sum3A_1056 = arith.constant true
        %reduce_sum3A_1057 = vector.broadcast %reduce_sum3A_1056 : i1 to vector<16xi1>
        %reduce_sum3A_1058 = tpu.scan <sum>, %get3A_1046 masked %reduce_sum3A_1057 : vector<16xi32>, vector<16xi1> -> vector<16xi32>
        %reduce_sum3A_1059 = vector.extract %reduce_sum3A_1058[15] : i32 from vector<16xi32>
        %add3A_1060 = arith.addi %add3A_1043, %reduce_sum3A_1059 : i32
        %get3A_1061 = arith.index_cast %add3A_1031 : i32 to index
        %get3A_1062 = arith.constant 32 : index
        %get3A_1063 = tpu.vector_load %arg9[%get3A_1061, %get3A_1062] {strides = array<i32>} : memref<256x64xi32, #tpu.memory_space<vmem>>, vector<16xi32>,
        %broadcast_in_dim3A_1064 = arith.constant true
        %broadcast_in_dim3A_1065 = vector.broadcast %broadcast_in_dim3A_1064 : i1 to vector<16xi1>
        %masked_cumsum3A_1066 = tpu.scan <sum>, %get3A_1063 masked %broadcast_in_dim3A_1065 : vector<16xi32>, vector<16xi1> -> vector<16xi32>
        %sub3A_1067 = arith.subi %masked_cumsum3A_1066, %get3A_1063 : vector<16xi32>
        %add3A_1068 = vector.broadcast %add3A_1060 : i32 to vector<16xi32>
        %add3A_1069 = arith.addi %sub3A_1067, %add3A_1068 : vector<16xi32>
        %swap3A_1070 = arith.index_cast %add3A_1031 : i32 to index
        %swap3A_1071 = arith.constant 32 : index
        %swap3A_1072 = tpu.vector_load %arg9[%swap3A_1070, %swap3A_1071] {strides = array<i32>} : memref<256x64xi32, #tpu.memory_space<vmem>>, vector<16xi32>,
        tpu.vector_store %arg9[%swap3A_1070, %swap3A_1071], %add3A_1069 {strides = array<i32>} : memref<256x64xi32, #tpu.memory_space<vmem>>, vector<16xi32>,
        %reduce_sum3A_1073 = arith.constant true
        %reduce_sum3A_1074 = vector.broadcast %reduce_sum3A_1073 : i1 to vector<16xi1>
        %reduce_sum3A_1075 = tpu.scan <sum>, %get3A_1063 masked %reduce_sum3A_1074 : vector<16xi32>, vector<16xi1> -> vector<16xi32>
        %reduce_sum3A_1076 = vector.extract %reduce_sum3A_1075[15] : i32 from vector<16xi32>
        %add3A_1077 = arith.addi %add3A_1060, %reduce_sum3A_1076 : i32
        %get3A_1078 = arith.index_cast %add3A_1031 : i32 to index
        %get3A_1079 = arith.constant 48 : index
        %get3A_1080 = tpu.vector_load %arg9[%get3A_1078, %get3A_1079] {strides = array<i32>} : memref<256x64xi32, #tpu.memory_space<vmem>>, vector<16xi32>,
        %broadcast_in_dim3A_1081 = arith.constant true
        %broadcast_in_dim3A_1082 = vector.broadcast %broadcast_in_dim3A_1081 : i1 to vector<16xi1>
        %masked_cumsum3A_1083 = tpu.scan <sum>, %get3A_1080 masked %broadcast_in_dim3A_1082 : vector<16xi32>, vector<16xi1> -> vector<16xi32>
        %sub3A_1084 = arith.subi %masked_cumsum3A_1083, %get3A_1080 : vector<16xi32>
        %add3A_1085 = vector.broadcast %add3A_1077 : i32 to vector<16xi32>
        %add3A_1086 = arith.addi %sub3A_1084, %add3A_1085 : vector<16xi32>
        %swap3A_1087 = arith.index_cast %add3A_1031 : i32 to index
        %swap3A_1088 = arith.constant 48 : index
        %swap3A_1089 = tpu.vector_load %arg9[%swap3A_1087, %swap3A_1088] {strides = array<i32>} : memref<256x64xi32, #tpu.memory_space<vmem>>, vector<16xi32>,
        tpu.vector_store %arg9[%swap3A_1087, %swap3A_1088], %add3A_1086 {strides = array<i32>} : memref<256x64xi32, #tpu.memory_space<vmem>>, vector<16xi32>,
        %reduce_sum3A_1090 = arith.constant true
        %reduce_sum3A_1091 = vector.broadcast %reduce_sum3A_1090 : i1 to vector<16xi1>
        %reduce_sum3A_1092 = tpu.scan <sum>, %get3A_1080 masked %reduce_sum3A_1091 : vector<16xi32>, vector<16xi1> -> vector<16xi32>
        %reduce_sum3A_1093 = vector.extract %reduce_sum3A_1092[15] : i32 from vector<16xi32>
        %add3A_1094 = arith.addi %add3A_1077, %reduce_sum3A_1093 : i32
        scf.yield %add3A_1094 : i32
      }
      %scan3A_60 = arith.constant 256 : i32
      %scan3A_61 = arith.constant 0 : i32
      %scan3A_62 = arith.constant 314 : i32
      %scan3A_63 = arith.addi %scan3A_61, %scan3A_62 : i32
      %scan3A_64 = arith.constant 1 : i32
      scf.for %scan3A_1026 = %scan3A_61 to %scan3A_63 step %scan3A_64  : i32 {
        %mul3A_1027 = arith.constant 1 : i32
        %mul3A_1028 = arith.muli %scan3A_1026, %mul3A_1027 : i32
        %add3A_1029 = arith.constant 0 : i32
        %add3A_1030 = arith.addi %add3A_1029, %mul3A_1028 : i32
        %add3A_1031 = vector.broadcast %add3A_1030 : i32 to vector<16xi32>
        %add3A_1032 = arith.addi %mul3A_6, %add3A_1031 : vector<16xi32>
        %gather3A = tpu.vector_load_idx %arg5[%add3A_1032] : memref<20096xi32, #tpu.memory_space<vmem>>[vector<16xi32>], vector<16xi32>,
        %gather3A_1033 = tpu.vector_load_idx %arg6[%add3A_1032] : memref<20096xi32, #tpu.memory_space<vmem>>[vector<16xi32>], vector<16xi32>,
        %shift_right_logical3A = arith.constant 0 : i32
        %shift_right_logical3A_1034 = vector.broadcast %shift_right_logical3A : i32 to vector<16xi32>
        %shift_right_logical3A_1035 = arith.shrui %gather3A, %shift_right_logical3A_1034 : vector<16xi32>
        %and3A = arith.constant 255 : i32
        %and3A_1036 = vector.broadcast %and3A : i32 to vector<16xi32>
        %and3A_1037 = arith.andi %shift_right_logical3A_1035, %and3A_1036 : vector<16xi32>
        %gather3A_1038 = tpu.vector_load_idx %arg9[%and3A_1037, %add3A_27] : memref<256x64xi32, #tpu.memory_space<vmem>>[vector<16xi32>, vector<16xi32>], vector<16xi32>,
        tpu.vector_store_idx %arg7[%gather3A_1038], %gather3A : memref<20096xi32, #tpu.memory_space<vmem>>[vector<16xi32>], vector<16xi32>,
        tpu.vector_store_idx %arg8[%gather3A_1038], %gather3A_1033 : memref<20096xi32, #tpu.memory_space<vmem>>[vector<16xi32>], vector<16xi32>,
        %add3A_1039 = arith.constant 1 : i32
        %add3A_1040 = vector.broadcast %add3A_1039 : i32 to vector<16xi32>
        %add3A_1041 = arith.addi %gather3A_1038, %add3A_1040 : vector<16xi32>
        tpu.vector_store_idx %arg9[%and3A_1037, %add3A_27], %add3A_1041 : memref<256x64xi32, #tpu.memory_space<vmem>>[vector<16xi32>, vector<16xi32>], vector<16xi32>,
        %add3A_1042 = vector.broadcast %add3A_1030 : i32 to vector<16xi32>
        %add3A_1043 = arith.addi %mul3A_12, %add3A_1042 : vector<16xi32>
        %gather3A_1044 = tpu.vector_load_idx %arg5[%add3A_1043] : memref<20096xi32, #tpu.memory_space<vmem>>[vector<16xi32>], vector<16xi32>,
        %gather3A_1045 = tpu.vector_load_idx %arg6[%add3A_1043] : memref<20096xi32, #tpu.memory_space<vmem>>[vector<16xi32>], vector<16xi32>,
        %shift_right_logical3A_1046 = arith.constant 0 : i32
        %shift_right_logical3A_1047 = vector.broadcast %shift_right_logical3A_1046 : i32 to vector<16xi32>
        %shift_right_logical3A_1048 = arith.shrui %gather3A_1044, %shift_right_logical3A_1047 : vector<16xi32>
        %and3A_1049 = arith.constant 255 : i32
        %and3A_1050 = vector.broadcast %and3A_1049 : i32 to vector<16xi32>
        %and3A_1051 = arith.andi %shift_right_logical3A_1048, %and3A_1050 : vector<16xi32>
        %gather3A_1052 = tpu.vector_load_idx %arg9[%and3A_1051, %add3A_30] : memref<256x64xi32, #tpu.memory_space<vmem>>[vector<16xi32>, vector<16xi32>], vector<16xi32>,
        tpu.vector_store_idx %arg7[%gather3A_1052], %gather3A_1044 : memref<20096xi32, #tpu.memory_space<vmem>>[vector<16xi32>], vector<16xi32>,
        tpu.vector_store_idx %arg8[%gather3A_1052], %gather3A_1045 : memref<20096xi32, #tpu.memory_space<vmem>>[vector<16xi32>], vector<16xi32>,
        %add3A_1053 = arith.constant 1 : i32
        %add3A_1054 = vector.broadcast %add3A_1053 : i32 to vector<16xi32>
        %add3A_1055 = arith.addi %gather3A_1052, %add3A_1054 : vector<16xi32>
        tpu.vector_store_idx %arg9[%and3A_1051, %add3A_30], %add3A_1055 : memref<256x64xi32, #tpu.memory_space<vmem>>[vector<16xi32>, vector<16xi32>], vector<16xi32>,
        %add3A_1056 = vector.broadcast %add3A_1030 : i32 to vector<16xi32>
        %add3A_1057 = arith.addi %mul3A_18, %add3A_1056 : vector<16xi32>
        %gather3A_1058 = tpu.vector_load_idx %arg5[%add3A_1057] : memref<20096xi32, #tpu.memory_space<vmem>>[vector<16xi32>], vector<16xi32>,
        %gather3A_1059 = tpu.vector_load_idx %arg6[%add3A_1057] : memref<20096xi32, #tpu.memory_space<vmem>>[vector<16xi32>], vector<16xi32>,
        %shift_right_logical3A_1060 = arith.constant 0 : i32
        %shift_right_logical3A_1061 = vector.broadcast %shift_right_logical3A_1060 : i32 to vector<16xi32>
        %shift_right_logical3A_1062 = arith.shrui %gather3A_1058, %shift_right_logical3A_1061 : vector<16xi32>
        %and3A_1063 = arith.constant 255 : i32
        %and3A_1064 = vector.broadcast %and3A_1063 : i32 to vector<16xi32>
        %and3A_1065 = arith.andi %shift_right_logical3A_1062, %and3A_1064 : vector<16xi32>
        %gather3A_1066 = tpu.vector_load_idx %arg9[%and3A_1065, %add3A_33] : memref<256x64xi32, #tpu.memory_space<vmem>>[vector<16xi32>, vector<16xi32>], vector<16xi32>,
        tpu.vector_store_idx %arg7[%gather3A_1066], %gather3A_1058 : memref<20096xi32, #tpu.memory_space<vmem>>[vector<16xi32>], vector<16xi32>,
        tpu.vector_store_idx %arg8[%gather3A_1066], %gather3A_1059 : memref<20096xi32, #tpu.memory_space<vmem>>[vector<16xi32>], vector<16xi32>,
        %add3A_1067 = arith.constant 1 : i32
        %add3A_1068 = vector.broadcast %add3A_1067 : i32 to vector<16xi32>
        %add3A_1069 = arith.addi %gather3A_1066, %add3A_1068 : vector<16xi32>
        tpu.vector_store_idx %arg9[%and3A_1065, %add3A_33], %add3A_1069 : memref<256x64xi32, #tpu.memory_space<vmem>>[vector<16xi32>, vector<16xi32>], vector<16xi32>,
        %add3A_1070 = vector.broadcast %add3A_1030 : i32 to vector<16xi32>
        %add3A_1071 = arith.addi %mul3A_24, %add3A_1070 : vector<16xi32>
        %gather3A_1072 = tpu.vector_load_idx %arg5[%add3A_1071] : memref<20096xi32, #tpu.memory_space<vmem>>[vector<16xi32>], vector<16xi32>,
        %gather3A_1073 = tpu.vector_load_idx %arg6[%add3A_1071] : memref<20096xi32, #tpu.memory_space<vmem>>[vector<16xi32>], vector<16xi32>,
        %shift_right_logical3A_1074 = arith.constant 0 : i32
        %shift_right_logical3A_1075 = vector.broadcast %shift_right_logical3A_1074 : i32 to vector<16xi32>
        %shift_right_logical3A_1076 = arith.shrui %gather3A_1072, %shift_right_logical3A_1075 : vector<16xi32>
        %and3A_1077 = arith.constant 255 : i32
        %and3A_1078 = vector.broadcast %and3A_1077 : i32 to vector<16xi32>
        %and3A_1079 = arith.andi %shift_right_logical3A_1076, %and3A_1078 : vector<16xi32>
        %gather3A_1080 = tpu.vector_load_idx %arg9[%and3A_1079, %add3A_36] : memref<256x64xi32, #tpu.memory_space<vmem>>[vector<16xi32>, vector<16xi32>], vector<16xi32>,
        tpu.vector_store_idx %arg7[%gather3A_1080], %gather3A_1072 : memref<20096xi32, #tpu.memory_space<vmem>>[vector<16xi32>], vector<16xi32>,
        tpu.vector_store_idx %arg8[%gather3A_1080], %gather3A_1073 : memref<20096xi32, #tpu.memory_space<vmem>>[vector<16xi32>], vector<16xi32>,
        %add3A_1081 = arith.constant 1 : i32
        %add3A_1082 = vector.broadcast %add3A_1081 : i32 to vector<16xi32>
        %add3A_1083 = arith.addi %gather3A_1080, %add3A_1082 : vector<16xi32>
        tpu.vector_store_idx %arg9[%and3A_1079, %add3A_36], %add3A_1083 : memref<256x64xi32, #tpu.memory_space<vmem>>[vector<16xi32>, vector<16xi32>], vector<16xi32>,
      }
      %scan3A_65 = arith.constant 314 : i32
      %scan3A_66 = arith.constant 0 : i32
      %scan3A_67 = arith.constant 256 : i32
      %scan3A_68 = arith.addi %scan3A_66, %scan3A_67 : i32
      %scan3A_69 = arith.constant 1 : i32
      scf.for %scan3A_1026 = %scan3A_66 to %scan3A_68 step %scan3A_69  : i32 {
        %mul3A_1027 = arith.constant 1 : i32
        %mul3A_1028 = arith.muli %scan3A_1026, %mul3A_1027 : i32
        %add3A_1029 = arith.constant 0 : i32
        %add3A_1030 = arith.addi %add3A_1029, %mul3A_1028 : i32
        %broadcast_in_dim3A_1031 = arith.constant 0 : i32
        %broadcast_in_dim3A_1032 = vector.broadcast %broadcast_in_dim3A_1031 : i32 to vector<16xi32>
        %swap3A = arith.index_cast %add3A_1030 : i32 to index
        %swap3A_1033 = arith.constant 0 : index
        %swap3A_1034 = tpu.vector_load %arg9[%swap3A, %swap3A_1033] {strides = array<i32>} : memref<256x64xi32, #tpu.memory_space<vmem>>, vector<16xi32>,
        tpu.vector_store %arg9[%swap3A, %swap3A_1033], %broadcast_in_dim3A_1032 {strides = array<i32>} : memref<256x64xi32, #tpu.memory_space<vmem>>, vector<16xi32>,
        %broadcast_in_dim3A_1035 = arith.constant 0 : i32
        %broadcast_in_dim3A_1036 = vector.broadcast %broadcast_in_dim3A_1035 : i32 to vector<16xi32>
        %swap3A_1037 = arith.index_cast %add3A_1030 : i32 to index
        %swap3A_1038 = arith.constant 16 : index
        %swap3A_1039 = tpu.vector_load %arg9[%swap3A_1037, %swap3A_1038] {strides = array<i32>} : memref<256x64xi32, #tpu.memory_space<vmem>>, vector<16xi32>,
        tpu.vector_store %arg9[%swap3A_1037, %swap3A_1038], %broadcast_in_dim3A_1036 {strides = array<i32>} : memref<256x64xi32, #tpu.memory_space<vmem>>, vector<16xi32>,
        %broadcast_in_dim3A_1040 = arith.constant 0 : i32
        %broadcast_in_dim3A_1041 = vector.broadcast %broadcast_in_dim3A_1040 : i32 to vector<16xi32>
        %swap3A_1042 = arith.index_cast %add3A_1030 : i32 to index
        %swap3A_1043 = arith.constant 32 : index
        %swap3A_1044 = tpu.vector_load %arg9[%swap3A_1042, %swap3A_1043] {strides = array<i32>} : memref<256x64xi32, #tpu.memory_space<vmem>>, vector<16xi32>,
        tpu.vector_store %arg9[%swap3A_1042, %swap3A_1043], %broadcast_in_dim3A_1041 {strides = array<i32>} : memref<256x64xi32, #tpu.memory_space<vmem>>, vector<16xi32>,
        %broadcast_in_dim3A_1045 = arith.constant 0 : i32
        %broadcast_in_dim3A_1046 = vector.broadcast %broadcast_in_dim3A_1045 : i32 to vector<16xi32>
        %swap3A_1047 = arith.index_cast %add3A_1030 : i32 to index
        %swap3A_1048 = arith.constant 48 : index
        %swap3A_1049 = tpu.vector_load %arg9[%swap3A_1047, %swap3A_1048] {strides = array<i32>} : memref<256x64xi32, #tpu.memory_space<vmem>>, vector<16xi32>,
        tpu.vector_store %arg9[%swap3A_1047, %swap3A_1048], %broadcast_in_dim3A_1046 {strides = array<i32>} : memref<256x64xi32, #tpu.memory_space<vmem>>, vector<16xi32>,
      }
      %scan3A_70 = arith.constant 256 : i32
      %scan3A_71 = arith.constant 0 : i32
      %scan3A_72 = arith.constant 314 : i32
      %scan3A_73 = arith.addi %scan3A_71, %scan3A_72 : i32
      %scan3A_74 = arith.constant 1 : i32
      scf.for %scan3A_1026 = %scan3A_71 to %scan3A_73 step %scan3A_74  : i32 {
        %mul3A_1027 = arith.constant 1 : i32
        %mul3A_1028 = arith.muli %scan3A_1026, %mul3A_1027 : i32
        %add3A_1029 = arith.constant 0 : i32
        %add3A_1030 = arith.addi %add3A_1029, %mul3A_1028 : i32
        %add3A_1031 = vector.broadcast %add3A_1030 : i32 to vector<16xi32>
        %add3A_1032 = arith.addi %mul3A_6, %add3A_1031 : vector<16xi32>
        %gather3A = tpu.vector_load_idx %arg7[%add3A_1032] : memref<20096xi32, #tpu.memory_space<vmem>>[vector<16xi32>], vector<16xi32>,
        %shift_right_logical3A = arith.constant 8 : i32
        %shift_right_logical3A_1033 = vector.broadcast %shift_right_logical3A : i32 to vector<16xi32>
        %shift_right_logical3A_1034 = arith.shrui %gather3A, %shift_right_logical3A_1033 : vector<16xi32>
        %and3A = arith.constant 255 : i32
        %and3A_1035 = vector.broadcast %and3A : i32 to vector<16xi32>
        %and3A_1036 = arith.andi %shift_right_logical3A_1034, %and3A_1035 : vector<16xi32>
        tpu.vector_store_idx %arg9[%and3A_1036, %add3A_27], %broadcast_in_dim3A_37 {add = true} : memref<256x64xi32, #tpu.memory_space<vmem>>[vector<16xi32>, vector<16xi32>], vector<16xi32>,
        %add3A_1037 = vector.broadcast %add3A_1030 : i32 to vector<16xi32>
        %add3A_1038 = arith.addi %mul3A_12, %add3A_1037 : vector<16xi32>
        %gather3A_1039 = tpu.vector_load_idx %arg7[%add3A_1038] : memref<20096xi32, #tpu.memory_space<vmem>>[vector<16xi32>], vector<16xi32>,
        %shift_right_logical3A_1040 = arith.constant 8 : i32
        %shift_right_logical3A_1041 = vector.broadcast %shift_right_logical3A_1040 : i32 to vector<16xi32>
        %shift_right_logical3A_1042 = arith.shrui %gather3A_1039, %shift_right_logical3A_1041 : vector<16xi32>
        %and3A_1043 = arith.constant 255 : i32
        %and3A_1044 = vector.broadcast %and3A_1043 : i32 to vector<16xi32>
        %and3A_1045 = arith.andi %shift_right_logical3A_1042, %and3A_1044 : vector<16xi32>
        tpu.vector_store_idx %arg9[%and3A_1045, %add3A_30], %broadcast_in_dim3A_37 {add = true} : memref<256x64xi32, #tpu.memory_space<vmem>>[vector<16xi32>, vector<16xi32>], vector<16xi32>,
        %add3A_1046 = vector.broadcast %add3A_1030 : i32 to vector<16xi32>
        %add3A_1047 = arith.addi %mul3A_18, %add3A_1046 : vector<16xi32>
        %gather3A_1048 = tpu.vector_load_idx %arg7[%add3A_1047] : memref<20096xi32, #tpu.memory_space<vmem>>[vector<16xi32>], vector<16xi32>,
        %shift_right_logical3A_1049 = arith.constant 8 : i32
        %shift_right_logical3A_1050 = vector.broadcast %shift_right_logical3A_1049 : i32 to vector<16xi32>
        %shift_right_logical3A_1051 = arith.shrui %gather3A_1048, %shift_right_logical3A_1050 : vector<16xi32>
        %and3A_1052 = arith.constant 255 : i32
        %and3A_1053 = vector.broadcast %and3A_1052 : i32 to vector<16xi32>
        %and3A_1054 = arith.andi %shift_right_logical3A_1051, %and3A_1053 : vector<16xi32>
        tpu.vector_store_idx %arg9[%and3A_1054, %add3A_33], %broadcast_in_dim3A_37 {add = true} : memref<256x64xi32, #tpu.memory_space<vmem>>[vector<16xi32>, vector<16xi32>], vector<16xi32>,
        %add3A_1055 = vector.broadcast %add3A_1030 : i32 to vector<16xi32>
        %add3A_1056 = arith.addi %mul3A_24, %add3A_1055 : vector<16xi32>
        %gather3A_1057 = tpu.vector_load_idx %arg7[%add3A_1056] : memref<20096xi32, #tpu.memory_space<vmem>>[vector<16xi32>], vector<16xi32>,
        %shift_right_logical3A_1058 = arith.constant 8 : i32
        %shift_right_logical3A_1059 = vector.broadcast %shift_right_logical3A_1058 : i32 to vector<16xi32>
        %shift_right_logical3A_1060 = arith.shrui %gather3A_1057, %shift_right_logical3A_1059 : vector<16xi32>
        %and3A_1061 = arith.constant 255 : i32
        %and3A_1062 = vector.broadcast %and3A_1061 : i32 to vector<16xi32>
        %and3A_1063 = arith.andi %shift_right_logical3A_1060, %and3A_1062 : vector<16xi32>
        tpu.vector_store_idx %arg9[%and3A_1063, %add3A_36], %broadcast_in_dim3A_37 {add = true} : memref<256x64xi32, #tpu.memory_space<vmem>>[vector<16xi32>, vector<16xi32>], vector<16xi32>,
      }
      %scan3A_75 = arith.constant 314 : i32
      %scan3A_76 = arith.constant 0 : i32
      %scan3A_77 = arith.constant 0 : i32
      %scan3A_78 = arith.constant 256 : i32
      %scan3A_79 = arith.addi %scan3A_77, %scan3A_78 : i32
      %scan3A_80 = arith.constant 1 : i32
      %scan3A_81 = scf.for %scan3A_1026 = %scan3A_77 to %scan3A_79 step %scan3A_80 iter_args(%scan3A_1027 = %scan3A_76) -> (i32)  : i32 {
        %mul3A_1028 = arith.constant 1 : i32
        %mul3A_1029 = arith.muli %scan3A_1026, %mul3A_1028 : i32
        %add3A_1030 = arith.constant 0 : i32
        %add3A_1031 = arith.addi %add3A_1030, %mul3A_1029 : i32
        %get3A = arith.index_cast %add3A_1031 : i32 to index
        %get3A_1032 = arith.constant 0 : index
        %get3A_1033 = tpu.vector_load %arg9[%get3A, %get3A_1032] {strides = array<i32>} : memref<256x64xi32, #tpu.memory_space<vmem>>, vector<16xi32>,
        %broadcast_in_dim3A_1034 = arith.constant true
        %broadcast_in_dim3A_1035 = vector.broadcast %broadcast_in_dim3A_1034 : i1 to vector<16xi1>
        %masked_cumsum3A = tpu.scan <sum>, %get3A_1033 masked %broadcast_in_dim3A_1035 : vector<16xi32>, vector<16xi1> -> vector<16xi32>
        %sub3A = arith.subi %masked_cumsum3A, %get3A_1033 : vector<16xi32>
        %add3A_1036 = vector.broadcast %scan3A_1027 : i32 to vector<16xi32>
        %add3A_1037 = arith.addi %sub3A, %add3A_1036 : vector<16xi32>
        %swap3A = arith.index_cast %add3A_1031 : i32 to index
        %swap3A_1038 = arith.constant 0 : index
        %swap3A_1039 = tpu.vector_load %arg9[%swap3A, %swap3A_1038] {strides = array<i32>} : memref<256x64xi32, #tpu.memory_space<vmem>>, vector<16xi32>,
        tpu.vector_store %arg9[%swap3A, %swap3A_1038], %add3A_1037 {strides = array<i32>} : memref<256x64xi32, #tpu.memory_space<vmem>>, vector<16xi32>,
        %reduce_sum3A = arith.constant true
        %reduce_sum3A_1040 = vector.broadcast %reduce_sum3A : i1 to vector<16xi1>
        %reduce_sum3A_1041 = tpu.scan <sum>, %get3A_1033 masked %reduce_sum3A_1040 : vector<16xi32>, vector<16xi1> -> vector<16xi32>
        %reduce_sum3A_1042 = vector.extract %reduce_sum3A_1041[15] : i32 from vector<16xi32>
        %add3A_1043 = arith.addi %scan3A_1027, %reduce_sum3A_1042 : i32
        %get3A_1044 = arith.index_cast %add3A_1031 : i32 to index
        %get3A_1045 = arith.constant 16 : index
        %get3A_1046 = tpu.vector_load %arg9[%get3A_1044, %get3A_1045] {strides = array<i32>} : memref<256x64xi32, #tpu.memory_space<vmem>>, vector<16xi32>,
        %broadcast_in_dim3A_1047 = arith.constant true
        %broadcast_in_dim3A_1048 = vector.broadcast %broadcast_in_dim3A_1047 : i1 to vector<16xi1>
        %masked_cumsum3A_1049 = tpu.scan <sum>, %get3A_1046 masked %broadcast_in_dim3A_1048 : vector<16xi32>, vector<16xi1> -> vector<16xi32>
        %sub3A_1050 = arith.subi %masked_cumsum3A_1049, %get3A_1046 : vector<16xi32>
        %add3A_1051 = vector.broadcast %add3A_1043 : i32 to vector<16xi32>
        %add3A_1052 = arith.addi %sub3A_1050, %add3A_1051 : vector<16xi32>
        %swap3A_1053 = arith.index_cast %add3A_1031 : i32 to index
        %swap3A_1054 = arith.constant 16 : index
        %swap3A_1055 = tpu.vector_load %arg9[%swap3A_1053, %swap3A_1054] {strides = array<i32>} : memref<256x64xi32, #tpu.memory_space<vmem>>, vector<16xi32>,
        tpu.vector_store %arg9[%swap3A_1053, %swap3A_1054], %add3A_1052 {strides = array<i32>} : memref<256x64xi32, #tpu.memory_space<vmem>>, vector<16xi32>,
        %reduce_sum3A_1056 = arith.constant true
        %reduce_sum3A_1057 = vector.broadcast %reduce_sum3A_1056 : i1 to vector<16xi1>
        %reduce_sum3A_1058 = tpu.scan <sum>, %get3A_1046 masked %reduce_sum3A_1057 : vector<16xi32>, vector<16xi1> -> vector<16xi32>
        %reduce_sum3A_1059 = vector.extract %reduce_sum3A_1058[15] : i32 from vector<16xi32>
        %add3A_1060 = arith.addi %add3A_1043, %reduce_sum3A_1059 : i32
        %get3A_1061 = arith.index_cast %add3A_1031 : i32 to index
        %get3A_1062 = arith.constant 32 : index
        %get3A_1063 = tpu.vector_load %arg9[%get3A_1061, %get3A_1062] {strides = array<i32>} : memref<256x64xi32, #tpu.memory_space<vmem>>, vector<16xi32>,
        %broadcast_in_dim3A_1064 = arith.constant true
        %broadcast_in_dim3A_1065 = vector.broadcast %broadcast_in_dim3A_1064 : i1 to vector<16xi1>
        %masked_cumsum3A_1066 = tpu.scan <sum>, %get3A_1063 masked %broadcast_in_dim3A_1065 : vector<16xi32>, vector<16xi1> -> vector<16xi32>
        %sub3A_1067 = arith.subi %masked_cumsum3A_1066, %get3A_1063 : vector<16xi32>
        %add3A_1068 = vector.broadcast %add3A_1060 : i32 to vector<16xi32>
        %add3A_1069 = arith.addi %sub3A_1067, %add3A_1068 : vector<16xi32>
        %swap3A_1070 = arith.index_cast %add3A_1031 : i32 to index
        %swap3A_1071 = arith.constant 32 : index
        %swap3A_1072 = tpu.vector_load %arg9[%swap3A_1070, %swap3A_1071] {strides = array<i32>} : memref<256x64xi32, #tpu.memory_space<vmem>>, vector<16xi32>,
        tpu.vector_store %arg9[%swap3A_1070, %swap3A_1071], %add3A_1069 {strides = array<i32>} : memref<256x64xi32, #tpu.memory_space<vmem>>, vector<16xi32>,
        %reduce_sum3A_1073 = arith.constant true
        %reduce_sum3A_1074 = vector.broadcast %reduce_sum3A_1073 : i1 to vector<16xi1>
        %reduce_sum3A_1075 = tpu.scan <sum>, %get3A_1063 masked %reduce_sum3A_1074 : vector<16xi32>, vector<16xi1> -> vector<16xi32>
        %reduce_sum3A_1076 = vector.extract %reduce_sum3A_1075[15] : i32 from vector<16xi32>
        %add3A_1077 = arith.addi %add3A_1060, %reduce_sum3A_1076 : i32
        %get3A_1078 = arith.index_cast %add3A_1031 : i32 to index
        %get3A_1079 = arith.constant 48 : index
        %get3A_1080 = tpu.vector_load %arg9[%get3A_1078, %get3A_1079] {strides = array<i32>} : memref<256x64xi32, #tpu.memory_space<vmem>>, vector<16xi32>,
        %broadcast_in_dim3A_1081 = arith.constant true
        %broadcast_in_dim3A_1082 = vector.broadcast %broadcast_in_dim3A_1081 : i1 to vector<16xi1>
        %masked_cumsum3A_1083 = tpu.scan <sum>, %get3A_1080 masked %broadcast_in_dim3A_1082 : vector<16xi32>, vector<16xi1> -> vector<16xi32>
        %sub3A_1084 = arith.subi %masked_cumsum3A_1083, %get3A_1080 : vector<16xi32>
        %add3A_1085 = vector.broadcast %add3A_1077 : i32 to vector<16xi32>
        %add3A_1086 = arith.addi %sub3A_1084, %add3A_1085 : vector<16xi32>
        %swap3A_1087 = arith.index_cast %add3A_1031 : i32 to index
        %swap3A_1088 = arith.constant 48 : index
        %swap3A_1089 = tpu.vector_load %arg9[%swap3A_1087, %swap3A_1088] {strides = array<i32>} : memref<256x64xi32, #tpu.memory_space<vmem>>, vector<16xi32>,
        tpu.vector_store %arg9[%swap3A_1087, %swap3A_1088], %add3A_1086 {strides = array<i32>} : memref<256x64xi32, #tpu.memory_space<vmem>>, vector<16xi32>,
        %reduce_sum3A_1090 = arith.constant true
        %reduce_sum3A_1091 = vector.broadcast %reduce_sum3A_1090 : i1 to vector<16xi1>
        %reduce_sum3A_1092 = tpu.scan <sum>, %get3A_1080 masked %reduce_sum3A_1091 : vector<16xi32>, vector<16xi1> -> vector<16xi32>
        %reduce_sum3A_1093 = vector.extract %reduce_sum3A_1092[15] : i32 from vector<16xi32>
        %add3A_1094 = arith.addi %add3A_1077, %reduce_sum3A_1093 : i32
        scf.yield %add3A_1094 : i32
      }
      %scan3A_82 = arith.constant 256 : i32
      %scan3A_83 = arith.constant 0 : i32
      %scan3A_84 = arith.constant 314 : i32
      %scan3A_85 = arith.addi %scan3A_83, %scan3A_84 : i32
      %scan3A_86 = arith.constant 1 : i32
      scf.for %scan3A_1026 = %scan3A_83 to %scan3A_85 step %scan3A_86  : i32 {
        %mul3A_1027 = arith.constant 1 : i32
        %mul3A_1028 = arith.muli %scan3A_1026, %mul3A_1027 : i32
        %add3A_1029 = arith.constant 0 : i32
        %add3A_1030 = arith.addi %add3A_1029, %mul3A_1028 : i32
        %add3A_1031 = vector.broadcast %add3A_1030 : i32 to vector<16xi32>
        %add3A_1032 = arith.addi %mul3A_6, %add3A_1031 : vector<16xi32>
        %gather3A = tpu.vector_load_idx %arg7[%add3A_1032] : memref<20096xi32, #tpu.memory_space<vmem>>[vector<16xi32>], vector<16xi32>,
        %gather3A_1033 = tpu.vector_load_idx %arg8[%add3A_1032] : memref<20096xi32, #tpu.memory_space<vmem>>[vector<16xi32>], vector<16xi32>,
        %shift_right_logical3A = arith.constant 8 : i32
        %shift_right_logical3A_1034 = vector.broadcast %shift_right_logical3A : i32 to vector<16xi32>
        %shift_right_logical3A_1035 = arith.shrui %gather3A, %shift_right_logical3A_1034 : vector<16xi32>
        %and3A = arith.constant 255 : i32
        %and3A_1036 = vector.broadcast %and3A : i32 to vector<16xi32>
        %and3A_1037 = arith.andi %shift_right_logical3A_1035, %and3A_1036 : vector<16xi32>
        %gather3A_1038 = tpu.vector_load_idx %arg9[%and3A_1037, %add3A_27] : memref<256x64xi32, #tpu.memory_space<vmem>>[vector<16xi32>, vector<16xi32>], vector<16xi32>,
        tpu.vector_store_idx %arg5[%gather3A_1038], %gather3A : memref<20096xi32, #tpu.memory_space<vmem>>[vector<16xi32>], vector<16xi32>,
        tpu.vector_store_idx %arg6[%gather3A_1038], %gather3A_1033 : memref<20096xi32, #tpu.memory_space<vmem>>[vector<16xi32>], vector<16xi32>,
        %add3A_1039 = arith.constant 1 : i32
        %add3A_1040 = vector.broadcast %add3A_1039 : i32 to vector<16xi32>
        %add3A_1041 = arith.addi %gather3A_1038, %add3A_1040 : vector<16xi32>
        tpu.vector_store_idx %arg9[%and3A_1037, %add3A_27], %add3A_1041 : memref<256x64xi32, #tpu.memory_space<vmem>>[vector<16xi32>, vector<16xi32>], vector<16xi32>,
        %add3A_1042 = vector.broadcast %add3A_1030 : i32 to vector<16xi32>
        %add3A_1043 = arith.addi %mul3A_12, %add3A_1042 : vector<16xi32>
        %gather3A_1044 = tpu.vector_load_idx %arg7[%add3A_1043] : memref<20096xi32, #tpu.memory_space<vmem>>[vector<16xi32>], vector<16xi32>,
        %gather3A_1045 = tpu.vector_load_idx %arg8[%add3A_1043] : memref<20096xi32, #tpu.memory_space<vmem>>[vector<16xi32>], vector<16xi32>,
        %shift_right_logical3A_1046 = arith.constant 8 : i32
        %shift_right_logical3A_1047 = vector.broadcast %shift_right_logical3A_1046 : i32 to vector<16xi32>
        %shift_right_logical3A_1048 = arith.shrui %gather3A_1044, %shift_right_logical3A_1047 : vector<16xi32>
        %and3A_1049 = arith.constant 255 : i32
        %and3A_1050 = vector.broadcast %and3A_1049 : i32 to vector<16xi32>
        %and3A_1051 = arith.andi %shift_right_logical3A_1048, %and3A_1050 : vector<16xi32>
        %gather3A_1052 = tpu.vector_load_idx %arg9[%and3A_1051, %add3A_30] : memref<256x64xi32, #tpu.memory_space<vmem>>[vector<16xi32>, vector<16xi32>], vector<16xi32>,
        tpu.vector_store_idx %arg5[%gather3A_1052], %gather3A_1044 : memref<20096xi32, #tpu.memory_space<vmem>>[vector<16xi32>], vector<16xi32>,
        tpu.vector_store_idx %arg6[%gather3A_1052], %gather3A_1045 : memref<20096xi32, #tpu.memory_space<vmem>>[vector<16xi32>], vector<16xi32>,
        %add3A_1053 = arith.constant 1 : i32
        %add3A_1054 = vector.broadcast %add3A_1053 : i32 to vector<16xi32>
        %add3A_1055 = arith.addi %gather3A_1052, %add3A_1054 : vector<16xi32>
        tpu.vector_store_idx %arg9[%and3A_1051, %add3A_30], %add3A_1055 : memref<256x64xi32, #tpu.memory_space<vmem>>[vector<16xi32>, vector<16xi32>], vector<16xi32>,
        %add3A_1056 = vector.broadcast %add3A_1030 : i32 to vector<16xi32>
        %add3A_1057 = arith.addi %mul3A_18, %add3A_1056 : vector<16xi32>
        %gather3A_1058 = tpu.vector_load_idx %arg7[%add3A_1057] : memref<20096xi32, #tpu.memory_space<vmem>>[vector<16xi32>], vector<16xi32>,
        %gather3A_1059 = tpu.vector_load_idx %arg8[%add3A_1057] : memref<20096xi32, #tpu.memory_space<vmem>>[vector<16xi32>], vector<16xi32>,
        %shift_right_logical3A_1060 = arith.constant 8 : i32
        %shift_right_logical3A_1061 = vector.broadcast %shift_right_logical3A_1060 : i32 to vector<16xi32>
        %shift_right_logical3A_1062 = arith.shrui %gather3A_1058, %shift_right_logical3A_1061 : vector<16xi32>
        %and3A_1063 = arith.constant 255 : i32
        %and3A_1064 = vector.broadcast %and3A_1063 : i32 to vector<16xi32>
        %and3A_1065 = arith.andi %shift_right_logical3A_1062, %and3A_1064 : vector<16xi32>
        %gather3A_1066 = tpu.vector_load_idx %arg9[%and3A_1065, %add3A_33] : memref<256x64xi32, #tpu.memory_space<vmem>>[vector<16xi32>, vector<16xi32>], vector<16xi32>,
        tpu.vector_store_idx %arg5[%gather3A_1066], %gather3A_1058 : memref<20096xi32, #tpu.memory_space<vmem>>[vector<16xi32>], vector<16xi32>,
        tpu.vector_store_idx %arg6[%gather3A_1066], %gather3A_1059 : memref<20096xi32, #tpu.memory_space<vmem>>[vector<16xi32>], vector<16xi32>,
        %add3A_1067 = arith.constant 1 : i32
        %add3A_1068 = vector.broadcast %add3A_1067 : i32 to vector<16xi32>
        %add3A_1069 = arith.addi %gather3A_1066, %add3A_1068 : vector<16xi32>
        tpu.vector_store_idx %arg9[%and3A_1065, %add3A_33], %add3A_1069 : memref<256x64xi32, #tpu.memory_space<vmem>>[vector<16xi32>, vector<16xi32>], vector<16xi32>,
        %add3A_1070 = vector.broadcast %add3A_1030 : i32 to vector<16xi32>
        %add3A_1071 = arith.addi %mul3A_24, %add3A_1070 : vector<16xi32>
        %gather3A_1072 = tpu.vector_load_idx %arg7[%add3A_1071] : memref<20096xi32, #tpu.memory_space<vmem>>[vector<16xi32>], vector<16xi32>,
        %gather3A_1073 = tpu.vector_load_idx %arg8[%add3A_1071] : memref<20096xi32, #tpu.memory_space<vmem>>[vector<16xi32>], vector<16xi32>,
        %shift_right_logical3A_1074 = arith.constant 8 : i32
        %shift_right_logical3A_1075 = vector.broadcast %shift_right_logical3A_1074 : i32 to vector<16xi32>
        %shift_right_logical3A_1076 = arith.shrui %gather3A_1072, %shift_right_logical3A_1075 : vector<16xi32>
        %and3A_1077 = arith.constant 255 : i32
        %and3A_1078 = vector.broadcast %and3A_1077 : i32 to vector<16xi32>
        %and3A_1079 = arith.andi %shift_right_logical3A_1076, %and3A_1078 : vector<16xi32>
        %gather3A_1080 = tpu.vector_load_idx %arg9[%and3A_1079, %add3A_36] : memref<256x64xi32, #tpu.memory_space<vmem>>[vector<16xi32>, vector<16xi32>], vector<16xi32>,
        tpu.vector_store_idx %arg5[%gather3A_1080], %gather3A_1072 : memref<20096xi32, #tpu.memory_space<vmem>>[vector<16xi32>], vector<16xi32>,
        tpu.vector_store_idx %arg6[%gather3A_1080], %gather3A_1073 : memref<20096xi32, #tpu.memory_space<vmem>>[vector<16xi32>], vector<16xi32>,
        %add3A_1081 = arith.constant 1 : i32
        %add3A_1082 = vector.broadcast %add3A_1081 : i32 to vector<16xi32>
        %add3A_1083 = arith.addi %gather3A_1080, %add3A_1082 : vector<16xi32>
        tpu.vector_store_idx %arg9[%and3A_1079, %add3A_36], %add3A_1083 : memref<256x64xi32, #tpu.memory_space<vmem>>[vector<16xi32>, vector<16xi32>], vector<16xi32>,
      }
      %scan3A_87 = arith.constant 314 : i32
      %scan3A_88 = arith.constant 0 : i32
      %scan3A_89 = arith.constant 256 : i32
      %scan3A_90 = arith.addi %scan3A_88, %scan3A_89 : i32
      %scan3A_91 = arith.constant 1 : i32
      scf.for %scan3A_1026 = %scan3A_88 to %scan3A_90 step %scan3A_91  : i32 {
        %mul3A_1027 = arith.constant 1 : i32
        %mul3A_1028 = arith.muli %scan3A_1026, %mul3A_1027 : i32
        %add3A_1029 = arith.constant 0 : i32
        %add3A_1030 = arith.addi %add3A_1029, %mul3A_1028 : i32
        %broadcast_in_dim3A_1031 = arith.constant 0 : i32
        %broadcast_in_dim3A_1032 = vector.broadcast %broadcast_in_dim3A_1031 : i32 to vector<16xi32>
        %swap3A = arith.index_cast %add3A_1030 : i32 to index
        %swap3A_1033 = arith.constant 0 : index
        %swap3A_1034 = tpu.vector_load %arg9[%swap3A, %swap3A_1033] {strides = array<i32>} : memref<256x64xi32, #tpu.memory_space<vmem>>, vector<16xi32>,
        tpu.vector_store %arg9[%swap3A, %swap3A_1033], %broadcast_in_dim3A_1032 {strides = array<i32>} : memref<256x64xi32, #tpu.memory_space<vmem>>, vector<16xi32>,
        %broadcast_in_dim3A_1035 = arith.constant 0 : i32
        %broadcast_in_dim3A_1036 = vector.broadcast %broadcast_in_dim3A_1035 : i32 to vector<16xi32>
        %swap3A_1037 = arith.index_cast %add3A_1030 : i32 to index
        %swap3A_1038 = arith.constant 16 : index
        %swap3A_1039 = tpu.vector_load %arg9[%swap3A_1037, %swap3A_1038] {strides = array<i32>} : memref<256x64xi32, #tpu.memory_space<vmem>>, vector<16xi32>,
        tpu.vector_store %arg9[%swap3A_1037, %swap3A_1038], %broadcast_in_dim3A_1036 {strides = array<i32>} : memref<256x64xi32, #tpu.memory_space<vmem>>, vector<16xi32>,
        %broadcast_in_dim3A_1040 = arith.constant 0 : i32
        %broadcast_in_dim3A_1041 = vector.broadcast %broadcast_in_dim3A_1040 : i32 to vector<16xi32>
        %swap3A_1042 = arith.index_cast %add3A_1030 : i32 to index
        %swap3A_1043 = arith.constant 32 : index
        %swap3A_1044 = tpu.vector_load %arg9[%swap3A_1042, %swap3A_1043] {strides = array<i32>} : memref<256x64xi32, #tpu.memory_space<vmem>>, vector<16xi32>,
        tpu.vector_store %arg9[%swap3A_1042, %swap3A_1043], %broadcast_in_dim3A_1041 {strides = array<i32>} : memref<256x64xi32, #tpu.memory_space<vmem>>, vector<16xi32>,
        %broadcast_in_dim3A_1045 = arith.constant 0 : i32
        %broadcast_in_dim3A_1046 = vector.broadcast %broadcast_in_dim3A_1045 : i32 to vector<16xi32>
        %swap3A_1047 = arith.index_cast %add3A_1030 : i32 to index
        %swap3A_1048 = arith.constant 48 : index
        %swap3A_1049 = tpu.vector_load %arg9[%swap3A_1047, %swap3A_1048] {strides = array<i32>} : memref<256x64xi32, #tpu.memory_space<vmem>>, vector<16xi32>,
        tpu.vector_store %arg9[%swap3A_1047, %swap3A_1048], %broadcast_in_dim3A_1046 {strides = array<i32>} : memref<256x64xi32, #tpu.memory_space<vmem>>, vector<16xi32>,
      }
      %scan3A_92 = arith.constant 256 : i32
      %scan3A_93 = arith.constant 0 : i32
      %scan3A_94 = arith.constant 314 : i32
      %scan3A_95 = arith.addi %scan3A_93, %scan3A_94 : i32
      %scan3A_96 = arith.constant 1 : i32
      scf.for %scan3A_1026 = %scan3A_93 to %scan3A_95 step %scan3A_96  : i32 {
        %mul3A_1027 = arith.constant 1 : i32
        %mul3A_1028 = arith.muli %scan3A_1026, %mul3A_1027 : i32
        %add3A_1029 = arith.constant 0 : i32
        %add3A_1030 = arith.addi %add3A_1029, %mul3A_1028 : i32
        %add3A_1031 = vector.broadcast %add3A_1030 : i32 to vector<16xi32>
        %add3A_1032 = arith.addi %mul3A_6, %add3A_1031 : vector<16xi32>
        %gather3A = tpu.vector_load_idx %arg5[%add3A_1032] : memref<20096xi32, #tpu.memory_space<vmem>>[vector<16xi32>], vector<16xi32>,
        %shift_right_logical3A = arith.constant 16 : i32
        %shift_right_logical3A_1033 = vector.broadcast %shift_right_logical3A : i32 to vector<16xi32>
        %shift_right_logical3A_1034 = arith.shrui %gather3A, %shift_right_logical3A_1033 : vector<16xi32>
        %and3A = arith.constant 255 : i32
        %and3A_1035 = vector.broadcast %and3A : i32 to vector<16xi32>
        %and3A_1036 = arith.andi %shift_right_logical3A_1034, %and3A_1035 : vector<16xi32>
        tpu.vector_store_idx %arg9[%and3A_1036, %add3A_27], %broadcast_in_dim3A_37 {add = true} : memref<256x64xi32, #tpu.memory_space<vmem>>[vector<16xi32>, vector<16xi32>], vector<16xi32>,
        %add3A_1037 = vector.broadcast %add3A_1030 : i32 to vector<16xi32>
        %add3A_1038 = arith.addi %mul3A_12, %add3A_1037 : vector<16xi32>
        %gather3A_1039 = tpu.vector_load_idx %arg5[%add3A_1038] : memref<20096xi32, #tpu.memory_space<vmem>>[vector<16xi32>], vector<16xi32>,
        %shift_right_logical3A_1040 = arith.constant 16 : i32
        %shift_right_logical3A_1041 = vector.broadcast %shift_right_logical3A_1040 : i32 to vector<16xi32>
        %shift_right_logical3A_1042 = arith.shrui %gather3A_1039, %shift_right_logical3A_1041 : vector<16xi32>
        %and3A_1043 = arith.constant 255 : i32
        %and3A_1044 = vector.broadcast %and3A_1043 : i32 to vector<16xi32>
        %and3A_1045 = arith.andi %shift_right_logical3A_1042, %and3A_1044 : vector<16xi32>
        tpu.vector_store_idx %arg9[%and3A_1045, %add3A_30], %broadcast_in_dim3A_37 {add = true} : memref<256x64xi32, #tpu.memory_space<vmem>>[vector<16xi32>, vector<16xi32>], vector<16xi32>,
        %add3A_1046 = vector.broadcast %add3A_1030 : i32 to vector<16xi32>
        %add3A_1047 = arith.addi %mul3A_18, %add3A_1046 : vector<16xi32>
        %gather3A_1048 = tpu.vector_load_idx %arg5[%add3A_1047] : memref<20096xi32, #tpu.memory_space<vmem>>[vector<16xi32>], vector<16xi32>,
        %shift_right_logical3A_1049 = arith.constant 16 : i32
        %shift_right_logical3A_1050 = vector.broadcast %shift_right_logical3A_1049 : i32 to vector<16xi32>
        %shift_right_logical3A_1051 = arith.shrui %gather3A_1048, %shift_right_logical3A_1050 : vector<16xi32>
        %and3A_1052 = arith.constant 255 : i32
        %and3A_1053 = vector.broadcast %and3A_1052 : i32 to vector<16xi32>
        %and3A_1054 = arith.andi %shift_right_logical3A_1051, %and3A_1053 : vector<16xi32>
        tpu.vector_store_idx %arg9[%and3A_1054, %add3A_33], %broadcast_in_dim3A_37 {add = true} : memref<256x64xi32, #tpu.memory_space<vmem>>[vector<16xi32>, vector<16xi32>], vector<16xi32>,
        %add3A_1055 = vector.broadcast %add3A_1030 : i32 to vector<16xi32>
        %add3A_1056 = arith.addi %mul3A_24, %add3A_1055 : vector<16xi32>
        %gather3A_1057 = tpu.vector_load_idx %arg5[%add3A_1056] : memref<20096xi32, #tpu.memory_space<vmem>>[vector<16xi32>], vector<16xi32>,
        %shift_right_logical3A_1058 = arith.constant 16 : i32
        %shift_right_logical3A_1059 = vector.broadcast %shift_right_logical3A_1058 : i32 to vector<16xi32>
        %shift_right_logical3A_1060 = arith.shrui %gather3A_1057, %shift_right_logical3A_1059 : vector<16xi32>
        %and3A_1061 = arith.constant 255 : i32
        %and3A_1062 = vector.broadcast %and3A_1061 : i32 to vector<16xi32>
        %and3A_1063 = arith.andi %shift_right_logical3A_1060, %and3A_1062 : vector<16xi32>
        tpu.vector_store_idx %arg9[%and3A_1063, %add3A_36], %broadcast_in_dim3A_37 {add = true} : memref<256x64xi32, #tpu.memory_space<vmem>>[vector<16xi32>, vector<16xi32>], vector<16xi32>,
      }
      %scan3A_97 = arith.constant 314 : i32
      %scan3A_98 = arith.constant 0 : i32
      %scan3A_99 = arith.constant 0 : i32
      %scan3A_100 = arith.constant 256 : i32
      %scan3A_101 = arith.addi %scan3A_99, %scan3A_100 : i32
      %scan3A_102 = arith.constant 1 : i32
      %scan3A_103 = scf.for %scan3A_1026 = %scan3A_99 to %scan3A_101 step %scan3A_102 iter_args(%scan3A_1027 = %scan3A_98) -> (i32)  : i32 {
        %mul3A_1028 = arith.constant 1 : i32
        %mul3A_1029 = arith.muli %scan3A_1026, %mul3A_1028 : i32
        %add3A_1030 = arith.constant 0 : i32
        %add3A_1031 = arith.addi %add3A_1030, %mul3A_1029 : i32
        %get3A = arith.index_cast %add3A_1031 : i32 to index
        %get3A_1032 = arith.constant 0 : index
        %get3A_1033 = tpu.vector_load %arg9[%get3A, %get3A_1032] {strides = array<i32>} : memref<256x64xi32, #tpu.memory_space<vmem>>, vector<16xi32>,
        %broadcast_in_dim3A_1034 = arith.constant true
        %broadcast_in_dim3A_1035 = vector.broadcast %broadcast_in_dim3A_1034 : i1 to vector<16xi1>
        %masked_cumsum3A = tpu.scan <sum>, %get3A_1033 masked %broadcast_in_dim3A_1035 : vector<16xi32>, vector<16xi1> -> vector<16xi32>
        %sub3A = arith.subi %masked_cumsum3A, %get3A_1033 : vector<16xi32>
        %add3A_1036 = vector.broadcast %scan3A_1027 : i32 to vector<16xi32>
        %add3A_1037 = arith.addi %sub3A, %add3A_1036 : vector<16xi32>
        %swap3A = arith.index_cast %add3A_1031 : i32 to index
        %swap3A_1038 = arith.constant 0 : index
        %swap3A_1039 = tpu.vector_load %arg9[%swap3A, %swap3A_1038] {strides = array<i32>} : memref<256x64xi32, #tpu.memory_space<vmem>>, vector<16xi32>,
        tpu.vector_store %arg9[%swap3A, %swap3A_1038], %add3A_1037 {strides = array<i32>} : memref<256x64xi32, #tpu.memory_space<vmem>>, vector<16xi32>,
        %reduce_sum3A = arith.constant true
        %reduce_sum3A_1040 = vector.broadcast %reduce_sum3A : i1 to vector<16xi1>
        %reduce_sum3A_1041 = tpu.scan <sum>, %get3A_1033 masked %reduce_sum3A_1040 : vector<16xi32>, vector<16xi1> -> vector<16xi32>
        %reduce_sum3A_1042 = vector.extract %reduce_sum3A_1041[15] : i32 from vector<16xi32>
        %add3A_1043 = arith.addi %scan3A_1027, %reduce_sum3A_1042 : i32
        %get3A_1044 = arith.index_cast %add3A_1031 : i32 to index
        %get3A_1045 = arith.constant 16 : index
        %get3A_1046 = tpu.vector_load %arg9[%get3A_1044, %get3A_1045] {strides = array<i32>} : memref<256x64xi32, #tpu.memory_space<vmem>>, vector<16xi32>,
        %broadcast_in_dim3A_1047 = arith.constant true
        %broadcast_in_dim3A_1048 = vector.broadcast %broadcast_in_dim3A_1047 : i1 to vector<16xi1>
        %masked_cumsum3A_1049 = tpu.scan <sum>, %get3A_1046 masked %broadcast_in_dim3A_1048 : vector<16xi32>, vector<16xi1> -> vector<16xi32>
        %sub3A_1050 = arith.subi %masked_cumsum3A_1049, %get3A_1046 : vector<16xi32>
        %add3A_1051 = vector.broadcast %add3A_1043 : i32 to vector<16xi32>
        %add3A_1052 = arith.addi %sub3A_1050, %add3A_1051 : vector<16xi32>
        %swap3A_1053 = arith.index_cast %add3A_1031 : i32 to index
        %swap3A_1054 = arith.constant 16 : index
        %swap3A_1055 = tpu.vector_load %arg9[%swap3A_1053, %swap3A_1054] {strides = array<i32>} : memref<256x64xi32, #tpu.memory_space<vmem>>, vector<16xi32>,
        tpu.vector_store %arg9[%swap3A_1053, %swap3A_1054], %add3A_1052 {strides = array<i32>} : memref<256x64xi32, #tpu.memory_space<vmem>>, vector<16xi32>,
        %reduce_sum3A_1056 = arith.constant true
        %reduce_sum3A_1057 = vector.broadcast %reduce_sum3A_1056 : i1 to vector<16xi1>
        %reduce_sum3A_1058 = tpu.scan <sum>, %get3A_1046 masked %reduce_sum3A_1057 : vector<16xi32>, vector<16xi1> -> vector<16xi32>
        %reduce_sum3A_1059 = vector.extract %reduce_sum3A_1058[15] : i32 from vector<16xi32>
        %add3A_1060 = arith.addi %add3A_1043, %reduce_sum3A_1059 : i32
        %get3A_1061 = arith.index_cast %add3A_1031 : i32 to index
        %get3A_1062 = arith.constant 32 : index
        %get3A_1063 = tpu.vector_load %arg9[%get3A_1061, %get3A_1062] {strides = array<i32>} : memref<256x64xi32, #tpu.memory_space<vmem>>, vector<16xi32>,
        %broadcast_in_dim3A_1064 = arith.constant true
        %broadcast_in_dim3A_1065 = vector.broadcast %broadcast_in_dim3A_1064 : i1 to vector<16xi1>
        %masked_cumsum3A_1066 = tpu.scan <sum>, %get3A_1063 masked %broadcast_in_dim3A_1065 : vector<16xi32>, vector<16xi1> -> vector<16xi32>
        %sub3A_1067 = arith.subi %masked_cumsum3A_1066, %get3A_1063 : vector<16xi32>
        %add3A_1068 = vector.broadcast %add3A_1060 : i32 to vector<16xi32>
        %add3A_1069 = arith.addi %sub3A_1067, %add3A_1068 : vector<16xi32>
        %swap3A_1070 = arith.index_cast %add3A_1031 : i32 to index
        %swap3A_1071 = arith.constant 32 : index
        %swap3A_1072 = tpu.vector_load %arg9[%swap3A_1070, %swap3A_1071] {strides = array<i32>} : memref<256x64xi32, #tpu.memory_space<vmem>>, vector<16xi32>,
        tpu.vector_store %arg9[%swap3A_1070, %swap3A_1071], %add3A_1069 {strides = array<i32>} : memref<256x64xi32, #tpu.memory_space<vmem>>, vector<16xi32>,
        %reduce_sum3A_1073 = arith.constant true
        %reduce_sum3A_1074 = vector.broadcast %reduce_sum3A_1073 : i1 to vector<16xi1>
        %reduce_sum3A_1075 = tpu.scan <sum>, %get3A_1063 masked %reduce_sum3A_1074 : vector<16xi32>, vector<16xi1> -> vector<16xi32>
        %reduce_sum3A_1076 = vector.extract %reduce_sum3A_1075[15] : i32 from vector<16xi32>
        %add3A_1077 = arith.addi %add3A_1060, %reduce_sum3A_1076 : i32
        %get3A_1078 = arith.index_cast %add3A_1031 : i32 to index
        %get3A_1079 = arith.constant 48 : index
        %get3A_1080 = tpu.vector_load %arg9[%get3A_1078, %get3A_1079] {strides = array<i32>} : memref<256x64xi32, #tpu.memory_space<vmem>>, vector<16xi32>,
        %broadcast_in_dim3A_1081 = arith.constant true
        %broadcast_in_dim3A_1082 = vector.broadcast %broadcast_in_dim3A_1081 : i1 to vector<16xi1>
        %masked_cumsum3A_1083 = tpu.scan <sum>, %get3A_1080 masked %broadcast_in_dim3A_1082 : vector<16xi32>, vector<16xi1> -> vector<16xi32>
        %sub3A_1084 = arith.subi %masked_cumsum3A_1083, %get3A_1080 : vector<16xi32>
        %add3A_1085 = vector.broadcast %add3A_1077 : i32 to vector<16xi32>
        %add3A_1086 = arith.addi %sub3A_1084, %add3A_1085 : vector<16xi32>
        %swap3A_1087 = arith.index_cast %add3A_1031 : i32 to index
        %swap3A_1088 = arith.constant 48 : index
        %swap3A_1089 = tpu.vector_load %arg9[%swap3A_1087, %swap3A_1088] {strides = array<i32>} : memref<256x64xi32, #tpu.memory_space<vmem>>, vector<16xi32>,
        tpu.vector_store %arg9[%swap3A_1087, %swap3A_1088], %add3A_1086 {strides = array<i32>} : memref<256x64xi32, #tpu.memory_space<vmem>>, vector<16xi32>,
        %reduce_sum3A_1090 = arith.constant true
        %reduce_sum3A_1091 = vector.broadcast %reduce_sum3A_1090 : i1 to vector<16xi1>
        %reduce_sum3A_1092 = tpu.scan <sum>, %get3A_1080 masked %reduce_sum3A_1091 : vector<16xi32>, vector<16xi1> -> vector<16xi32>
        %reduce_sum3A_1093 = vector.extract %reduce_sum3A_1092[15] : i32 from vector<16xi32>
        %add3A_1094 = arith.addi %add3A_1077, %reduce_sum3A_1093 : i32
        scf.yield %add3A_1094 : i32
      }
      %scan3A_104 = arith.constant 256 : i32
      %scan3A_105 = arith.constant 0 : i32
      %scan3A_106 = arith.constant 314 : i32
      %scan3A_107 = arith.addi %scan3A_105, %scan3A_106 : i32
      %scan3A_108 = arith.constant 1 : i32
      scf.for %scan3A_1026 = %scan3A_105 to %scan3A_107 step %scan3A_108  : i32 {
        %mul3A_1027 = arith.constant 1 : i32
        %mul3A_1028 = arith.muli %scan3A_1026, %mul3A_1027 : i32
        %add3A_1029 = arith.constant 0 : i32
        %add3A_1030 = arith.addi %add3A_1029, %mul3A_1028 : i32
        %add3A_1031 = vector.broadcast %add3A_1030 : i32 to vector<16xi32>
        %add3A_1032 = arith.addi %mul3A_6, %add3A_1031 : vector<16xi32>
        %gather3A = tpu.vector_load_idx %arg5[%add3A_1032] : memref<20096xi32, #tpu.memory_space<vmem>>[vector<16xi32>], vector<16xi32>,
        %gather3A_1033 = tpu.vector_load_idx %arg6[%add3A_1032] : memref<20096xi32, #tpu.memory_space<vmem>>[vector<16xi32>], vector<16xi32>,
        %shift_right_logical3A = arith.constant 16 : i32
        %shift_right_logical3A_1034 = vector.broadcast %shift_right_logical3A : i32 to vector<16xi32>
        %shift_right_logical3A_1035 = arith.shrui %gather3A, %shift_right_logical3A_1034 : vector<16xi32>
        %and3A = arith.constant 255 : i32
        %and3A_1036 = vector.broadcast %and3A : i32 to vector<16xi32>
        %and3A_1037 = arith.andi %shift_right_logical3A_1035, %and3A_1036 : vector<16xi32>
        %gather3A_1038 = tpu.vector_load_idx %arg9[%and3A_1037, %add3A_27] : memref<256x64xi32, #tpu.memory_space<vmem>>[vector<16xi32>, vector<16xi32>], vector<16xi32>,
        tpu.vector_store_idx %arg7[%gather3A_1038], %gather3A : memref<20096xi32, #tpu.memory_space<vmem>>[vector<16xi32>], vector<16xi32>,
        tpu.vector_store_idx %arg8[%gather3A_1038], %gather3A_1033 : memref<20096xi32, #tpu.memory_space<vmem>>[vector<16xi32>], vector<16xi32>,
        %add3A_1039 = arith.constant 1 : i32
        %add3A_1040 = vector.broadcast %add3A_1039 : i32 to vector<16xi32>
        %add3A_1041 = arith.addi %gather3A_1038, %add3A_1040 : vector<16xi32>
        tpu.vector_store_idx %arg9[%and3A_1037, %add3A_27], %add3A_1041 : memref<256x64xi32, #tpu.memory_space<vmem>>[vector<16xi32>, vector<16xi32>], vector<16xi32>,
        %add3A_1042 = vector.broadcast %add3A_1030 : i32 to vector<16xi32>
        %add3A_1043 = arith.addi %mul3A_12, %add3A_1042 : vector<16xi32>
        %gather3A_1044 = tpu.vector_load_idx %arg5[%add3A_1043] : memref<20096xi32, #tpu.memory_space<vmem>>[vector<16xi32>], vector<16xi32>,
        %gather3A_1045 = tpu.vector_load_idx %arg6[%add3A_1043] : memref<20096xi32, #tpu.memory_space<vmem>>[vector<16xi32>], vector<16xi32>,
        %shift_right_logical3A_1046 = arith.constant 16 : i32
        %shift_right_logical3A_1047 = vector.broadcast %shift_right_logical3A_1046 : i32 to vector<16xi32>
        %shift_right_logical3A_1048 = arith.shrui %gather3A_1044, %shift_right_logical3A_1047 : vector<16xi32>
        %and3A_1049 = arith.constant 255 : i32
        %and3A_1050 = vector.broadcast %and3A_1049 : i32 to vector<16xi32>
        %and3A_1051 = arith.andi %shift_right_logical3A_1048, %and3A_1050 : vector<16xi32>
        %gather3A_1052 = tpu.vector_load_idx %arg9[%and3A_1051, %add3A_30] : memref<256x64xi32, #tpu.memory_space<vmem>>[vector<16xi32>, vector<16xi32>], vector<16xi32>,
        tpu.vector_store_idx %arg7[%gather3A_1052], %gather3A_1044 : memref<20096xi32, #tpu.memory_space<vmem>>[vector<16xi32>], vector<16xi32>,
        tpu.vector_store_idx %arg8[%gather3A_1052], %gather3A_1045 : memref<20096xi32, #tpu.memory_space<vmem>>[vector<16xi32>], vector<16xi32>,
        %add3A_1053 = arith.constant 1 : i32
        %add3A_1054 = vector.broadcast %add3A_1053 : i32 to vector<16xi32>
        %add3A_1055 = arith.addi %gather3A_1052, %add3A_1054 : vector<16xi32>
        tpu.vector_store_idx %arg9[%and3A_1051, %add3A_30], %add3A_1055 : memref<256x64xi32, #tpu.memory_space<vmem>>[vector<16xi32>, vector<16xi32>], vector<16xi32>,
        %add3A_1056 = vector.broadcast %add3A_1030 : i32 to vector<16xi32>
        %add3A_1057 = arith.addi %mul3A_18, %add3A_1056 : vector<16xi32>
        %gather3A_1058 = tpu.vector_load_idx %arg5[%add3A_1057] : memref<20096xi32, #tpu.memory_space<vmem>>[vector<16xi32>], vector<16xi32>,
        %gather3A_1059 = tpu.vector_load_idx %arg6[%add3A_1057] : memref<20096xi32, #tpu.memory_space<vmem>>[vector<16xi32>], vector<16xi32>,
        %shift_right_logical3A_1060 = arith.constant 16 : i32
        %shift_right_logical3A_1061 = vector.broadcast %shift_right_logical3A_1060 : i32 to vector<16xi32>
        %shift_right_logical3A_1062 = arith.shrui %gather3A_1058, %shift_right_logical3A_1061 : vector<16xi32>
        %and3A_1063 = arith.constant 255 : i32
        %and3A_1064 = vector.broadcast %and3A_1063 : i32 to vector<16xi32>
        %and3A_1065 = arith.andi %shift_right_logical3A_1062, %and3A_1064 : vector<16xi32>
        %gather3A_1066 = tpu.vector_load_idx %arg9[%and3A_1065, %add3A_33] : memref<256x64xi32, #tpu.memory_space<vmem>>[vector<16xi32>, vector<16xi32>], vector<16xi32>,
        tpu.vector_store_idx %arg7[%gather3A_1066], %gather3A_1058 : memref<20096xi32, #tpu.memory_space<vmem>>[vector<16xi32>], vector<16xi32>,
        tpu.vector_store_idx %arg8[%gather3A_1066], %gather3A_1059 : memref<20096xi32, #tpu.memory_space<vmem>>[vector<16xi32>], vector<16xi32>,
        %add3A_1067 = arith.constant 1 : i32
        %add3A_1068 = vector.broadcast %add3A_1067 : i32 to vector<16xi32>
        %add3A_1069 = arith.addi %gather3A_1066, %add3A_1068 : vector<16xi32>
        tpu.vector_store_idx %arg9[%and3A_1065, %add3A_33], %add3A_1069 : memref<256x64xi32, #tpu.memory_space<vmem>>[vector<16xi32>, vector<16xi32>], vector<16xi32>,
        %add3A_1070 = vector.broadcast %add3A_1030 : i32 to vector<16xi32>
        %add3A_1071 = arith.addi %mul3A_24, %add3A_1070 : vector<16xi32>
        %gather3A_1072 = tpu.vector_load_idx %arg5[%add3A_1071] : memref<20096xi32, #tpu.memory_space<vmem>>[vector<16xi32>], vector<16xi32>,
        %gather3A_1073 = tpu.vector_load_idx %arg6[%add3A_1071] : memref<20096xi32, #tpu.memory_space<vmem>>[vector<16xi32>], vector<16xi32>,
        %shift_right_logical3A_1074 = arith.constant 16 : i32
        %shift_right_logical3A_1075 = vector.broadcast %shift_right_logical3A_1074 : i32 to vector<16xi32>
        %shift_right_logical3A_1076 = arith.shrui %gather3A_1072, %shift_right_logical3A_1075 : vector<16xi32>
        %and3A_1077 = arith.constant 255 : i32
        %and3A_1078 = vector.broadcast %and3A_1077 : i32 to vector<16xi32>
        %and3A_1079 = arith.andi %shift_right_logical3A_1076, %and3A_1078 : vector<16xi32>
        %gather3A_1080 = tpu.vector_load_idx %arg9[%and3A_1079, %add3A_36] : memref<256x64xi32, #tpu.memory_space<vmem>>[vector<16xi32>, vector<16xi32>], vector<16xi32>,
        tpu.vector_store_idx %arg7[%gather3A_1080], %gather3A_1072 : memref<20096xi32, #tpu.memory_space<vmem>>[vector<16xi32>], vector<16xi32>,
        tpu.vector_store_idx %arg8[%gather3A_1080], %gather3A_1073 : memref<20096xi32, #tpu.memory_space<vmem>>[vector<16xi32>], vector<16xi32>,
        %add3A_1081 = arith.constant 1 : i32
        %add3A_1082 = vector.broadcast %add3A_1081 : i32 to vector<16xi32>
        %add3A_1083 = arith.addi %gather3A_1080, %add3A_1082 : vector<16xi32>
        tpu.vector_store_idx %arg9[%and3A_1079, %add3A_36], %add3A_1083 : memref<256x64xi32, #tpu.memory_space<vmem>>[vector<16xi32>, vector<16xi32>], vector<16xi32>,
      }
      %scan3A_109 = arith.constant 314 : i32
      %scan3A_110 = arith.constant 0 : i32
      %scan3A_111 = arith.constant 256 : i32
      %scan3A_112 = arith.addi %scan3A_110, %scan3A_111 : i32
      %scan3A_113 = arith.constant 1 : i32
      scf.for %scan3A_1026 = %scan3A_110 to %scan3A_112 step %scan3A_113  : i32 {
        %mul3A_1027 = arith.constant 1 : i32
        %mul3A_1028 = arith.muli %scan3A_1026, %mul3A_1027 : i32
        %add3A_1029 = arith.constant 0 : i32
        %add3A_1030 = arith.addi %add3A_1029, %mul3A_1028 : i32
        %broadcast_in_dim3A_1031 = arith.constant 0 : i32
        %broadcast_in_dim3A_1032 = vector.broadcast %broadcast_in_dim3A_1031 : i32 to vector<16xi32>
        %swap3A = arith.index_cast %add3A_1030 : i32 to index
        %swap3A_1033 = arith.constant 0 : index
        %swap3A_1034 = tpu.vector_load %arg9[%swap3A, %swap3A_1033] {strides = array<i32>} : memref<256x64xi32, #tpu.memory_space<vmem>>, vector<16xi32>,
        tpu.vector_store %arg9[%swap3A, %swap3A_1033], %broadcast_in_dim3A_1032 {strides = array<i32>} : memref<256x64xi32, #tpu.memory_space<vmem>>, vector<16xi32>,
        %broadcast_in_dim3A_1035 = arith.constant 0 : i32
        %broadcast_in_dim3A_1036 = vector.broadcast %broadcast_in_dim3A_1035 : i32 to vector<16xi32>
        %swap3A_1037 = arith.index_cast %add3A_1030 : i32 to index
        %swap3A_1038 = arith.constant 16 : index
        %swap3A_1039 = tpu.vector_load %arg9[%swap3A_1037, %swap3A_1038] {strides = array<i32>} : memref<256x64xi32, #tpu.memory_space<vmem>>, vector<16xi32>,
        tpu.vector_store %arg9[%swap3A_1037, %swap3A_1038], %broadcast_in_dim3A_1036 {strides = array<i32>} : memref<256x64xi32, #tpu.memory_space<vmem>>, vector<16xi32>,
        %broadcast_in_dim3A_1040 = arith.constant 0 : i32
        %broadcast_in_dim3A_1041 = vector.broadcast %broadcast_in_dim3A_1040 : i32 to vector<16xi32>
        %swap3A_1042 = arith.index_cast %add3A_1030 : i32 to index
        %swap3A_1043 = arith.constant 32 : index
        %swap3A_1044 = tpu.vector_load %arg9[%swap3A_1042, %swap3A_1043] {strides = array<i32>} : memref<256x64xi32, #tpu.memory_space<vmem>>, vector<16xi32>,
        tpu.vector_store %arg9[%swap3A_1042, %swap3A_1043], %broadcast_in_dim3A_1041 {strides = array<i32>} : memref<256x64xi32, #tpu.memory_space<vmem>>, vector<16xi32>,
        %broadcast_in_dim3A_1045 = arith.constant 0 : i32
        %broadcast_in_dim3A_1046 = vector.broadcast %broadcast_in_dim3A_1045 : i32 to vector<16xi32>
        %swap3A_1047 = arith.index_cast %add3A_1030 : i32 to index
        %swap3A_1048 = arith.constant 48 : index
        %swap3A_1049 = tpu.vector_load %arg9[%swap3A_1047, %swap3A_1048] {strides = array<i32>} : memref<256x64xi32, #tpu.memory_space<vmem>>, vector<16xi32>,
        tpu.vector_store %arg9[%swap3A_1047, %swap3A_1048], %broadcast_in_dim3A_1046 {strides = array<i32>} : memref<256x64xi32, #tpu.memory_space<vmem>>, vector<16xi32>,
      }
      %scan3A_114 = arith.constant 256 : i32
      %scan3A_115 = arith.constant 0 : i32
      %scan3A_116 = arith.constant 314 : i32
      %scan3A_117 = arith.addi %scan3A_115, %scan3A_116 : i32
      %scan3A_118 = arith.constant 1 : i32
      scf.for %scan3A_1026 = %scan3A_115 to %scan3A_117 step %scan3A_118  : i32 {
        %mul3A_1027 = arith.constant 1 : i32
        %mul3A_1028 = arith.muli %scan3A_1026, %mul3A_1027 : i32
        %add3A_1029 = arith.constant 0 : i32
        %add3A_1030 = arith.addi %add3A_1029, %mul3A_1028 : i32
        %add3A_1031 = vector.broadcast %add3A_1030 : i32 to vector<16xi32>
        %add3A_1032 = arith.addi %mul3A_6, %add3A_1031 : vector<16xi32>
        %gather3A = tpu.vector_load_idx %arg7[%add3A_1032] : memref<20096xi32, #tpu.memory_space<vmem>>[vector<16xi32>], vector<16xi32>,
        %shift_right_logical3A = arith.constant 24 : i32
        %shift_right_logical3A_1033 = vector.broadcast %shift_right_logical3A : i32 to vector<16xi32>
        %shift_right_logical3A_1034 = arith.shrui %gather3A, %shift_right_logical3A_1033 : vector<16xi32>
        %and3A = arith.constant 255 : i32
        %and3A_1035 = vector.broadcast %and3A : i32 to vector<16xi32>
        %and3A_1036 = arith.andi %shift_right_logical3A_1034, %and3A_1035 : vector<16xi32>
        tpu.vector_store_idx %arg9[%and3A_1036, %add3A_27], %broadcast_in_dim3A_37 {add = true} : memref<256x64xi32, #tpu.memory_space<vmem>>[vector<16xi32>, vector<16xi32>], vector<16xi32>,
        %add3A_1037 = vector.broadcast %add3A_1030 : i32 to vector<16xi32>
        %add3A_1038 = arith.addi %mul3A_12, %add3A_1037 : vector<16xi32>
        %gather3A_1039 = tpu.vector_load_idx %arg7[%add3A_1038] : memref<20096xi32, #tpu.memory_space<vmem>>[vector<16xi32>], vector<16xi32>,
        %shift_right_logical3A_1040 = arith.constant 24 : i32
        %shift_right_logical3A_1041 = vector.broadcast %shift_right_logical3A_1040 : i32 to vector<16xi32>
        %shift_right_logical3A_1042 = arith.shrui %gather3A_1039, %shift_right_logical3A_1041 : vector<16xi32>
        %and3A_1043 = arith.constant 255 : i32
        %and3A_1044 = vector.broadcast %and3A_1043 : i32 to vector<16xi32>
        %and3A_1045 = arith.andi %shift_right_logical3A_1042, %and3A_1044 : vector<16xi32>
        tpu.vector_store_idx %arg9[%and3A_1045, %add3A_30], %broadcast_in_dim3A_37 {add = true} : memref<256x64xi32, #tpu.memory_space<vmem>>[vector<16xi32>, vector<16xi32>], vector<16xi32>,
        %add3A_1046 = vector.broadcast %add3A_1030 : i32 to vector<16xi32>
        %add3A_1047 = arith.addi %mul3A_18, %add3A_1046 : vector<16xi32>
        %gather3A_1048 = tpu.vector_load_idx %arg7[%add3A_1047] : memref<20096xi32, #tpu.memory_space<vmem>>[vector<16xi32>], vector<16xi32>,
        %shift_right_logical3A_1049 = arith.constant 24 : i32
        %shift_right_logical3A_1050 = vector.broadcast %shift_right_logical3A_1049 : i32 to vector<16xi32>
        %shift_right_logical3A_1051 = arith.shrui %gather3A_1048, %shift_right_logical3A_1050 : vector<16xi32>
        %and3A_1052 = arith.constant 255 : i32
        %and3A_1053 = vector.broadcast %and3A_1052 : i32 to vector<16xi32>
        %and3A_1054 = arith.andi %shift_right_logical3A_1051, %and3A_1053 : vector<16xi32>
        tpu.vector_store_idx %arg9[%and3A_1054, %add3A_33], %broadcast_in_dim3A_37 {add = true} : memref<256x64xi32, #tpu.memory_space<vmem>>[vector<16xi32>, vector<16xi32>], vector<16xi32>,
        %add3A_1055 = vector.broadcast %add3A_1030 : i32 to vector<16xi32>
        %add3A_1056 = arith.addi %mul3A_24, %add3A_1055 : vector<16xi32>
        %gather3A_1057 = tpu.vector_load_idx %arg7[%add3A_1056] : memref<20096xi32, #tpu.memory_space<vmem>>[vector<16xi32>], vector<16xi32>,
        %shift_right_logical3A_1058 = arith.constant 24 : i32
        %shift_right_logical3A_1059 = vector.broadcast %shift_right_logical3A_1058 : i32 to vector<16xi32>
        %shift_right_logical3A_1060 = arith.shrui %gather3A_1057, %shift_right_logical3A_1059 : vector<16xi32>
        %and3A_1061 = arith.constant 255 : i32
        %and3A_1062 = vector.broadcast %and3A_1061 : i32 to vector<16xi32>
        %and3A_1063 = arith.andi %shift_right_logical3A_1060, %and3A_1062 : vector<16xi32>
        tpu.vector_store_idx %arg9[%and3A_1063, %add3A_36], %broadcast_in_dim3A_37 {add = true} : memref<256x64xi32, #tpu.memory_space<vmem>>[vector<16xi32>, vector<16xi32>], vector<16xi32>,
      }
      %scan3A_119 = arith.constant 314 : i32
      %scan3A_120 = arith.constant 0 : i32
      %scan3A_121 = arith.constant 0 : i32
      %scan3A_122 = arith.constant 256 : i32
      %scan3A_123 = arith.addi %scan3A_121, %scan3A_122 : i32
      %scan3A_124 = arith.constant 1 : i32
      %scan3A_125 = scf.for %scan3A_1026 = %scan3A_121 to %scan3A_123 step %scan3A_124 iter_args(%scan3A_1027 = %scan3A_120) -> (i32)  : i32 {
        %mul3A_1028 = arith.constant 1 : i32
        %mul3A_1029 = arith.muli %scan3A_1026, %mul3A_1028 : i32
        %add3A_1030 = arith.constant 0 : i32
        %add3A_1031 = arith.addi %add3A_1030, %mul3A_1029 : i32
        %get3A = arith.index_cast %add3A_1031 : i32 to index
        %get3A_1032 = arith.constant 0 : index
        %get3A_1033 = tpu.vector_load %arg9[%get3A, %get3A_1032] {strides = array<i32>} : memref<256x64xi32, #tpu.memory_space<vmem>>, vector<16xi32>,
        %broadcast_in_dim3A_1034 = arith.constant true
        %broadcast_in_dim3A_1035 = vector.broadcast %broadcast_in_dim3A_1034 : i1 to vector<16xi1>
        %masked_cumsum3A = tpu.scan <sum>, %get3A_1033 masked %broadcast_in_dim3A_1035 : vector<16xi32>, vector<16xi1> -> vector<16xi32>
        %sub3A = arith.subi %masked_cumsum3A, %get3A_1033 : vector<16xi32>
        %add3A_1036 = vector.broadcast %scan3A_1027 : i32 to vector<16xi32>
        %add3A_1037 = arith.addi %sub3A, %add3A_1036 : vector<16xi32>
        %swap3A = arith.index_cast %add3A_1031 : i32 to index
        %swap3A_1038 = arith.constant 0 : index
        %swap3A_1039 = tpu.vector_load %arg9[%swap3A, %swap3A_1038] {strides = array<i32>} : memref<256x64xi32, #tpu.memory_space<vmem>>, vector<16xi32>,
        tpu.vector_store %arg9[%swap3A, %swap3A_1038], %add3A_1037 {strides = array<i32>} : memref<256x64xi32, #tpu.memory_space<vmem>>, vector<16xi32>,
        %reduce_sum3A = arith.constant true
        %reduce_sum3A_1040 = vector.broadcast %reduce_sum3A : i1 to vector<16xi1>
        %reduce_sum3A_1041 = tpu.scan <sum>, %get3A_1033 masked %reduce_sum3A_1040 : vector<16xi32>, vector<16xi1> -> vector<16xi32>
        %reduce_sum3A_1042 = vector.extract %reduce_sum3A_1041[15] : i32 from vector<16xi32>
        %add3A_1043 = arith.addi %scan3A_1027, %reduce_sum3A_1042 : i32
        %get3A_1044 = arith.index_cast %add3A_1031 : i32 to index
        %get3A_1045 = arith.constant 16 : index
        %get3A_1046 = tpu.vector_load %arg9[%get3A_1044, %get3A_1045] {strides = array<i32>} : memref<256x64xi32, #tpu.memory_space<vmem>>, vector<16xi32>,
        %broadcast_in_dim3A_1047 = arith.constant true
        %broadcast_in_dim3A_1048 = vector.broadcast %broadcast_in_dim3A_1047 : i1 to vector<16xi1>
        %masked_cumsum3A_1049 = tpu.scan <sum>, %get3A_1046 masked %broadcast_in_dim3A_1048 : vector<16xi32>, vector<16xi1> -> vector<16xi32>
        %sub3A_1050 = arith.subi %masked_cumsum3A_1049, %get3A_1046 : vector<16xi32>
        %add3A_1051 = vector.broadcast %add3A_1043 : i32 to vector<16xi32>
        %add3A_1052 = arith.addi %sub3A_1050, %add3A_1051 : vector<16xi32>
        %swap3A_1053 = arith.index_cast %add3A_1031 : i32 to index
        %swap3A_1054 = arith.constant 16 : index
        %swap3A_1055 = tpu.vector_load %arg9[%swap3A_1053, %swap3A_1054] {strides = array<i32>} : memref<256x64xi32, #tpu.memory_space<vmem>>, vector<16xi32>,
        tpu.vector_store %arg9[%swap3A_1053, %swap3A_1054], %add3A_1052 {strides = array<i32>} : memref<256x64xi32, #tpu.memory_space<vmem>>, vector<16xi32>,
        %reduce_sum3A_1056 = arith.constant true
        %reduce_sum3A_1057 = vector.broadcast %reduce_sum3A_1056 : i1 to vector<16xi1>
        %reduce_sum3A_1058 = tpu.scan <sum>, %get3A_1046 masked %reduce_sum3A_1057 : vector<16xi32>, vector<16xi1> -> vector<16xi32>
        %reduce_sum3A_1059 = vector.extract %reduce_sum3A_1058[15] : i32 from vector<16xi32>
        %add3A_1060 = arith.addi %add3A_1043, %reduce_sum3A_1059 : i32
        %get3A_1061 = arith.index_cast %add3A_1031 : i32 to index
        %get3A_1062 = arith.constant 32 : index
        %get3A_1063 = tpu.vector_load %arg9[%get3A_1061, %get3A_1062] {strides = array<i32>} : memref<256x64xi32, #tpu.memory_space<vmem>>, vector<16xi32>,
        %broadcast_in_dim3A_1064 = arith.constant true
        %broadcast_in_dim3A_1065 = vector.broadcast %broadcast_in_dim3A_1064 : i1 to vector<16xi1>
        %masked_cumsum3A_1066 = tpu.scan <sum>, %get3A_1063 masked %broadcast_in_dim3A_1065 : vector<16xi32>, vector<16xi1> -> vector<16xi32>
        %sub3A_1067 = arith.subi %masked_cumsum3A_1066, %get3A_1063 : vector<16xi32>
        %add3A_1068 = vector.broadcast %add3A_1060 : i32 to vector<16xi32>
        %add3A_1069 = arith.addi %sub3A_1067, %add3A_1068 : vector<16xi32>
        %swap3A_1070 = arith.index_cast %add3A_1031 : i32 to index
        %swap3A_1071 = arith.constant 32 : index
        %swap3A_1072 = tpu.vector_load %arg9[%swap3A_1070, %swap3A_1071] {strides = array<i32>} : memref<256x64xi32, #tpu.memory_space<vmem>>, vector<16xi32>,
        tpu.vector_store %arg9[%swap3A_1070, %swap3A_1071], %add3A_1069 {strides = array<i32>} : memref<256x64xi32, #tpu.memory_space<vmem>>, vector<16xi32>,
        %reduce_sum3A_1073 = arith.constant true
        %reduce_sum3A_1074 = vector.broadcast %reduce_sum3A_1073 : i1 to vector<16xi1>
        %reduce_sum3A_1075 = tpu.scan <sum>, %get3A_1063 masked %reduce_sum3A_1074 : vector<16xi32>, vector<16xi1> -> vector<16xi32>
        %reduce_sum3A_1076 = vector.extract %reduce_sum3A_1075[15] : i32 from vector<16xi32>
        %add3A_1077 = arith.addi %add3A_1060, %reduce_sum3A_1076 : i32
        %get3A_1078 = arith.index_cast %add3A_1031 : i32 to index
        %get3A_1079 = arith.constant 48 : index
        %get3A_1080 = tpu.vector_load %arg9[%get3A_1078, %get3A_1079] {strides = array<i32>} : memref<256x64xi32, #tpu.memory_space<vmem>>, vector<16xi32>,
        %broadcast_in_dim3A_1081 = arith.constant true
        %broadcast_in_dim3A_1082 = vector.broadcast %broadcast_in_dim3A_1081 : i1 to vector<16xi1>
        %masked_cumsum3A_1083 = tpu.scan <sum>, %get3A_1080 masked %broadcast_in_dim3A_1082 : vector<16xi32>, vector<16xi1> -> vector<16xi32>
        %sub3A_1084 = arith.subi %masked_cumsum3A_1083, %get3A_1080 : vector<16xi32>
        %add3A_1085 = vector.broadcast %add3A_1077 : i32 to vector<16xi32>
        %add3A_1086 = arith.addi %sub3A_1084, %add3A_1085 : vector<16xi32>
        %swap3A_1087 = arith.index_cast %add3A_1031 : i32 to index
        %swap3A_1088 = arith.constant 48 : index
        %swap3A_1089 = tpu.vector_load %arg9[%swap3A_1087, %swap3A_1088] {strides = array<i32>} : memref<256x64xi32, #tpu.memory_space<vmem>>, vector<16xi32>,
        tpu.vector_store %arg9[%swap3A_1087, %swap3A_1088], %add3A_1086 {strides = array<i32>} : memref<256x64xi32, #tpu.memory_space<vmem>>, vector<16xi32>,
        %reduce_sum3A_1090 = arith.constant true
        %reduce_sum3A_1091 = vector.broadcast %reduce_sum3A_1090 : i1 to vector<16xi1>
        %reduce_sum3A_1092 = tpu.scan <sum>, %get3A_1080 masked %reduce_sum3A_1091 : vector<16xi32>, vector<16xi1> -> vector<16xi32>
        %reduce_sum3A_1093 = vector.extract %reduce_sum3A_1092[15] : i32 from vector<16xi32>
        %add3A_1094 = arith.addi %add3A_1077, %reduce_sum3A_1093 : i32
        scf.yield %add3A_1094 : i32
      }
      %scan3A_126 = arith.constant 256 : i32
      %scan3A_127 = arith.constant 0 : i32
      %scan3A_128 = arith.constant 314 : i32
      %scan3A_129 = arith.addi %scan3A_127, %scan3A_128 : i32
      %scan3A_130 = arith.constant 1 : i32
      scf.for %scan3A_1026 = %scan3A_127 to %scan3A_129 step %scan3A_130  : i32 {
        %mul3A_1027 = arith.constant 1 : i32
        %mul3A_1028 = arith.muli %scan3A_1026, %mul3A_1027 : i32
        %add3A_1029 = arith.constant 0 : i32
        %add3A_1030 = arith.addi %add3A_1029, %mul3A_1028 : i32
        %add3A_1031 = vector.broadcast %add3A_1030 : i32 to vector<16xi32>
        %add3A_1032 = arith.addi %mul3A_6, %add3A_1031 : vector<16xi32>
        %gather3A = tpu.vector_load_idx %arg7[%add3A_1032] : memref<20096xi32, #tpu.memory_space<vmem>>[vector<16xi32>], vector<16xi32>,
        %gather3A_1033 = tpu.vector_load_idx %arg8[%add3A_1032] : memref<20096xi32, #tpu.memory_space<vmem>>[vector<16xi32>], vector<16xi32>,
        %shift_right_logical3A = arith.constant 24 : i32
        %shift_right_logical3A_1034 = vector.broadcast %shift_right_logical3A : i32 to vector<16xi32>
        %shift_right_logical3A_1035 = arith.shrui %gather3A, %shift_right_logical3A_1034 : vector<16xi32>
        %and3A = arith.constant 255 : i32
        %and3A_1036 = vector.broadcast %and3A : i32 to vector<16xi32>
        %and3A_1037 = arith.andi %shift_right_logical3A_1035, %and3A_1036 : vector<16xi32>
        %gather3A_1038 = tpu.vector_load_idx %arg9[%and3A_1037, %add3A_27] : memref<256x64xi32, #tpu.memory_space<vmem>>[vector<16xi32>, vector<16xi32>], vector<16xi32>,
        %shift_right_logical3A_1039 = arith.constant 7 : i32
        %shift_right_logical3A_1040 = vector.broadcast %shift_right_logical3A_1039 : i32 to vector<16xi32>
        %shift_right_logical3A_1041 = arith.shrui %gather3A_1038, %shift_right_logical3A_1040 : vector<16xi32>
        %and3A_1042 = arith.constant 127 : i32
        %and3A_1043 = vector.broadcast %and3A_1042 : i32 to vector<16xi32>
        %and3A_1044 = arith.andi %gather3A_1038, %and3A_1043 : vector<16xi32>
        %lt3A_1045 = arith.constant 4096 : i32
        %lt3A_1046 = vector.broadcast %lt3A_1045 : i32 to vector<16xi32>
        %lt3A_1047 = arith.cmpi slt, %gather3A_1038, %lt3A_1046 : vector<16xi32>
        tpu.vector_store_idx %arg10[%shift_right_logical3A_1041, %and3A_1044], %gather3A_1033 masked %lt3A_1047 : memref<32x128xi32, #tpu.memory_space<vmem>>[vector<16xi32>, vector<16xi32>], vector<16xi32>, vector<16xi1>
        %add3A_1048 = arith.constant 1 : i32
        %add3A_1049 = vector.broadcast %add3A_1048 : i32 to vector<16xi32>
        %add3A_1050 = arith.addi %gather3A_1038, %add3A_1049 : vector<16xi32>
        tpu.vector_store_idx %arg9[%and3A_1037, %add3A_27], %add3A_1050 : memref<256x64xi32, #tpu.memory_space<vmem>>[vector<16xi32>, vector<16xi32>], vector<16xi32>,
        %add3A_1051 = vector.broadcast %add3A_1030 : i32 to vector<16xi32>
        %add3A_1052 = arith.addi %mul3A_12, %add3A_1051 : vector<16xi32>
        %gather3A_1053 = tpu.vector_load_idx %arg7[%add3A_1052] : memref<20096xi32, #tpu.memory_space<vmem>>[vector<16xi32>], vector<16xi32>,
        %gather3A_1054 = tpu.vector_load_idx %arg8[%add3A_1052] : memref<20096xi32, #tpu.memory_space<vmem>>[vector<16xi32>], vector<16xi32>,
        %shift_right_logical3A_1055 = arith.constant 24 : i32
        %shift_right_logical3A_1056 = vector.broadcast %shift_right_logical3A_1055 : i32 to vector<16xi32>
        %shift_right_logical3A_1057 = arith.shrui %gather3A_1053, %shift_right_logical3A_1056 : vector<16xi32>
        %and3A_1058 = arith.constant 255 : i32
        %and3A_1059 = vector.broadcast %and3A_1058 : i32 to vector<16xi32>
        %and3A_1060 = arith.andi %shift_right_logical3A_1057, %and3A_1059 : vector<16xi32>
        %gather3A_1061 = tpu.vector_load_idx %arg9[%and3A_1060, %add3A_30] : memref<256x64xi32, #tpu.memory_space<vmem>>[vector<16xi32>, vector<16xi32>], vector<16xi32>,
        %shift_right_logical3A_1062 = arith.constant 7 : i32
        %shift_right_logical3A_1063 = vector.broadcast %shift_right_logical3A_1062 : i32 to vector<16xi32>
        %shift_right_logical3A_1064 = arith.shrui %gather3A_1061, %shift_right_logical3A_1063 : vector<16xi32>
        %and3A_1065 = arith.constant 127 : i32
        %and3A_1066 = vector.broadcast %and3A_1065 : i32 to vector<16xi32>
        %and3A_1067 = arith.andi %gather3A_1061, %and3A_1066 : vector<16xi32>
        %lt3A_1068 = arith.constant 4096 : i32
        %lt3A_1069 = vector.broadcast %lt3A_1068 : i32 to vector<16xi32>
        %lt3A_1070 = arith.cmpi slt, %gather3A_1061, %lt3A_1069 : vector<16xi32>
        tpu.vector_store_idx %arg10[%shift_right_logical3A_1064, %and3A_1067], %gather3A_1054 masked %lt3A_1070 : memref<32x128xi32, #tpu.memory_space<vmem>>[vector<16xi32>, vector<16xi32>], vector<16xi32>, vector<16xi1>
        %add3A_1071 = arith.constant 1 : i32
        %add3A_1072 = vector.broadcast %add3A_1071 : i32 to vector<16xi32>
        %add3A_1073 = arith.addi %gather3A_1061, %add3A_1072 : vector<16xi32>
        tpu.vector_store_idx %arg9[%and3A_1060, %add3A_30], %add3A_1073 : memref<256x64xi32, #tpu.memory_space<vmem>>[vector<16xi32>, vector<16xi32>], vector<16xi32>,
        %add3A_1074 = vector.broadcast %add3A_1030 : i32 to vector<16xi32>
        %add3A_1075 = arith.addi %mul3A_18, %add3A_1074 : vector<16xi32>
        %gather3A_1076 = tpu.vector_load_idx %arg7[%add3A_1075] : memref<20096xi32, #tpu.memory_space<vmem>>[vector<16xi32>], vector<16xi32>,
        %gather3A_1077 = tpu.vector_load_idx %arg8[%add3A_1075] : memref<20096xi32, #tpu.memory_space<vmem>>[vector<16xi32>], vector<16xi32>,
        %shift_right_logical3A_1078 = arith.constant 24 : i32
        %shift_right_logical3A_1079 = vector.broadcast %shift_right_logical3A_1078 : i32 to vector<16xi32>
        %shift_right_logical3A_1080 = arith.shrui %gather3A_1076, %shift_right_logical3A_1079 : vector<16xi32>
        %and3A_1081 = arith.constant 255 : i32
        %and3A_1082 = vector.broadcast %and3A_1081 : i32 to vector<16xi32>
        %and3A_1083 = arith.andi %shift_right_logical3A_1080, %and3A_1082 : vector<16xi32>
        %gather3A_1084 = tpu.vector_load_idx %arg9[%and3A_1083, %add3A_33] : memref<256x64xi32, #tpu.memory_space<vmem>>[vector<16xi32>, vector<16xi32>], vector<16xi32>,
        %shift_right_logical3A_1085 = arith.constant 7 : i32
        %shift_right_logical3A_1086 = vector.broadcast %shift_right_logical3A_1085 : i32 to vector<16xi32>
        %shift_right_logical3A_1087 = arith.shrui %gather3A_1084, %shift_right_logical3A_1086 : vector<16xi32>
        %and3A_1088 = arith.constant 127 : i32
        %and3A_1089 = vector.broadcast %and3A_1088 : i32 to vector<16xi32>
        %and3A_1090 = arith.andi %gather3A_1084, %and3A_1089 : vector<16xi32>
        %lt3A_1091 = arith.constant 4096 : i32
        %lt3A_1092 = vector.broadcast %lt3A_1091 : i32 to vector<16xi32>
        %lt3A_1093 = arith.cmpi slt, %gather3A_1084, %lt3A_1092 : vector<16xi32>
        tpu.vector_store_idx %arg10[%shift_right_logical3A_1087, %and3A_1090], %gather3A_1077 masked %lt3A_1093 : memref<32x128xi32, #tpu.memory_space<vmem>>[vector<16xi32>, vector<16xi32>], vector<16xi32>, vector<16xi1>
        %add3A_1094 = arith.constant 1 : i32
        %add3A_1095 = vector.broadcast %add3A_1094 : i32 to vector<16xi32>
        %add3A_1096 = arith.addi %gather3A_1084, %add3A_1095 : vector<16xi32>
        tpu.vector_store_idx %arg9[%and3A_1083, %add3A_33], %add3A_1096 : memref<256x64xi32, #tpu.memory_space<vmem>>[vector<16xi32>, vector<16xi32>], vector<16xi32>,
        %add3A_1097 = vector.broadcast %add3A_1030 : i32 to vector<16xi32>
        %add3A_1098 = arith.addi %mul3A_24, %add3A_1097 : vector<16xi32>
        %gather3A_1099 = tpu.vector_load_idx %arg7[%add3A_1098] : memref<20096xi32, #tpu.memory_space<vmem>>[vector<16xi32>], vector<16xi32>,
        %gather3A_1100 = tpu.vector_load_idx %arg8[%add3A_1098] : memref<20096xi32, #tpu.memory_space<vmem>>[vector<16xi32>], vector<16xi32>,
        %shift_right_logical3A_1101 = arith.constant 24 : i32
        %shift_right_logical3A_1102 = vector.broadcast %shift_right_logical3A_1101 : i32 to vector<16xi32>
        %shift_right_logical3A_1103 = arith.shrui %gather3A_1099, %shift_right_logical3A_1102 : vector<16xi32>
        %and3A_1104 = arith.constant 255 : i32
        %and3A_1105 = vector.broadcast %and3A_1104 : i32 to vector<16xi32>
        %and3A_1106 = arith.andi %shift_right_logical3A_1103, %and3A_1105 : vector<16xi32>
        %gather3A_1107 = tpu.vector_load_idx %arg9[%and3A_1106, %add3A_36] : memref<256x64xi32, #tpu.memory_space<vmem>>[vector<16xi32>, vector<16xi32>], vector<16xi32>,
        %shift_right_logical3A_1108 = arith.constant 7 : i32
        %shift_right_logical3A_1109 = vector.broadcast %shift_right_logical3A_1108 : i32 to vector<16xi32>
        %shift_right_logical3A_1110 = arith.shrui %gather3A_1107, %shift_right_logical3A_1109 : vector<16xi32>
        %and3A_1111 = arith.constant 127 : i32
        %and3A_1112 = vector.broadcast %and3A_1111 : i32 to vector<16xi32>
        %and3A_1113 = arith.andi %gather3A_1107, %and3A_1112 : vector<16xi32>
        %lt3A_1114 = arith.constant 4096 : i32
        %lt3A_1115 = vector.broadcast %lt3A_1114 : i32 to vector<16xi32>
        %lt3A_1116 = arith.cmpi slt, %gather3A_1107, %lt3A_1115 : vector<16xi32>
        tpu.vector_store_idx %arg10[%shift_right_logical3A_1110, %and3A_1113], %gather3A_1100 masked %lt3A_1116 : memref<32x128xi32, #tpu.memory_space<vmem>>[vector<16xi32>, vector<16xi32>], vector<16xi32>, vector<16xi1>
        %add3A_1117 = arith.constant 1 : i32
        %add3A_1118 = vector.broadcast %add3A_1117 : i32 to vector<16xi32>
        %add3A_1119 = arith.addi %gather3A_1107, %add3A_1118 : vector<16xi32>
        tpu.vector_store_idx %arg9[%and3A_1106, %add3A_36], %add3A_1119 : memref<256x64xi32, #tpu.memory_space<vmem>>[vector<16xi32>, vector<16xi32>], vector<16xi32>,
      }
      %scan3A_131 = arith.constant 314 : i32
      %dma_start3A = arith.constant 0 : i32
      %dma_start3A_132 = arith.constant 0 : i32
      %dma_start3A_133 = arith.constant 0 : i32
      %dma_start3A_134 = tpu.memref_slice %arg11[%dma_start3A_132, %dma_start3A_133] : memref<1024x16xf32, #tpu.memory_space<vmem>> -> memref<128x16xf32, #tpu.memory_space<vmem>>
      %dma_start3A_135 = arith.constant 0 : i32
      %dma_start3A_136 = tpu.memref_slice %arg10[%dma_start3A, %dma_start3A_135] : memref<32x128xi32, #tpu.memory_space<vmem>> -> memref<1x128xi32, #tpu.memory_space<vmem>>
      %dma_start3A_137 = tpu.memref_squeeze %dma_start3A_136 : memref<1x128xi32, #tpu.memory_space<vmem>> -> memref<128xi32, #tpu.memory_space<vmem>>
      %dma_start3A_138 = arith.constant 0 : i32
      %dma_start3A_139 = arith.constant 0 : i32
      %dma_start3A_140 = tpu.memref_slice %arg3[%add3A, %dma_start3A_138, %dma_start3A_139] : memref<8x20000x16xf32, #tpu.memory_space<hbm>> -> memref<1x20000x16xf32, #tpu.memory_space<hbm>>
      %dma_start3A_141 = tpu.memref_squeeze %dma_start3A_140 : memref<1x20000x16xf32, #tpu.memory_space<hbm>> -> memref<20000x16xf32, #tpu.memory_space<hbm>>
      %dma_start3A_142 = arith.constant 0 : i32
      %dma_start3A_143 = arith.constant 0 : i32
      %dma_start3A_144 = tpu.memref_slice %dma_start3A_141[%dma_start3A_142, %dma_start3A_143] : memref<20000x16xf32, #tpu.memory_space<hbm>> -> memref<20000x16xf32, #tpu.memory_space<hbm>>
      tpu.enqueue_indirect_dma source(%dma_start3A_144 : memref<20000x16xf32, #tpu.memory_space<hbm>>) target(%dma_start3A_134 : memref<128x16xf32, #tpu.memory_space<vmem>>) offsets(%dma_start3A_137 : memref<128xi32, #tpu.memory_space<vmem>>) semaphore(%arg12 : memref<!tpu.dma_semaphore, #tpu.memory_space<semaphore_mem>>)
      %dma_start3A_145 = arith.constant 1 : i32
      %dma_start3A_146 = arith.constant 128 : i32
      %dma_start3A_147 = arith.constant 0 : i32
      %dma_start3A_148 = tpu.memref_slice %arg11[%dma_start3A_146, %dma_start3A_147] : memref<1024x16xf32, #tpu.memory_space<vmem>> -> memref<128x16xf32, #tpu.memory_space<vmem>>
      %dma_start3A_149 = arith.constant 0 : i32
      %dma_start3A_150 = tpu.memref_slice %arg10[%dma_start3A_145, %dma_start3A_149] : memref<32x128xi32, #tpu.memory_space<vmem>> -> memref<1x128xi32, #tpu.memory_space<vmem>>
      %dma_start3A_151 = tpu.memref_squeeze %dma_start3A_150 : memref<1x128xi32, #tpu.memory_space<vmem>> -> memref<128xi32, #tpu.memory_space<vmem>>
      %dma_start3A_152 = arith.constant 0 : i32
      %dma_start3A_153 = arith.constant 0 : i32
      %dma_start3A_154 = tpu.memref_slice %arg3[%add3A, %dma_start3A_152, %dma_start3A_153] : memref<8x20000x16xf32, #tpu.memory_space<hbm>> -> memref<1x20000x16xf32, #tpu.memory_space<hbm>>
      %dma_start3A_155 = tpu.memref_squeeze %dma_start3A_154 : memref<1x20000x16xf32, #tpu.memory_space<hbm>> -> memref<20000x16xf32, #tpu.memory_space<hbm>>
      %dma_start3A_156 = arith.constant 0 : i32
      %dma_start3A_157 = arith.constant 0 : i32
      %dma_start3A_158 = tpu.memref_slice %dma_start3A_155[%dma_start3A_156, %dma_start3A_157] : memref<20000x16xf32, #tpu.memory_space<hbm>> -> memref<20000x16xf32, #tpu.memory_space<hbm>>
      tpu.enqueue_indirect_dma source(%dma_start3A_158 : memref<20000x16xf32, #tpu.memory_space<hbm>>) target(%dma_start3A_148 : memref<128x16xf32, #tpu.memory_space<vmem>>) offsets(%dma_start3A_151 : memref<128xi32, #tpu.memory_space<vmem>>) semaphore(%arg12 : memref<!tpu.dma_semaphore, #tpu.memory_space<semaphore_mem>>)
      %dma_start3A_159 = arith.constant 2 : i32
      %dma_start3A_160 = arith.constant 256 : i32
      %dma_start3A_161 = arith.constant 0 : i32
      %dma_start3A_162 = tpu.memref_slice %arg11[%dma_start3A_160, %dma_start3A_161] : memref<1024x16xf32, #tpu.memory_space<vmem>> -> memref<128x16xf32, #tpu.memory_space<vmem>>
      %dma_start3A_163 = arith.constant 0 : i32
      %dma_start3A_164 = tpu.memref_slice %arg10[%dma_start3A_159, %dma_start3A_163] : memref<32x128xi32, #tpu.memory_space<vmem>> -> memref<1x128xi32, #tpu.memory_space<vmem>>
      %dma_start3A_165 = tpu.memref_squeeze %dma_start3A_164 : memref<1x128xi32, #tpu.memory_space<vmem>> -> memref<128xi32, #tpu.memory_space<vmem>>
      %dma_start3A_166 = arith.constant 0 : i32
      %dma_start3A_167 = arith.constant 0 : i32
      %dma_start3A_168 = tpu.memref_slice %arg3[%add3A, %dma_start3A_166, %dma_start3A_167] : memref<8x20000x16xf32, #tpu.memory_space<hbm>> -> memref<1x20000x16xf32, #tpu.memory_space<hbm>>
      %dma_start3A_169 = tpu.memref_squeeze %dma_start3A_168 : memref<1x20000x16xf32, #tpu.memory_space<hbm>> -> memref<20000x16xf32, #tpu.memory_space<hbm>>
      %dma_start3A_170 = arith.constant 0 : i32
      %dma_start3A_171 = arith.constant 0 : i32
      %dma_start3A_172 = tpu.memref_slice %dma_start3A_169[%dma_start3A_170, %dma_start3A_171] : memref<20000x16xf32, #tpu.memory_space<hbm>> -> memref<20000x16xf32, #tpu.memory_space<hbm>>
      tpu.enqueue_indirect_dma source(%dma_start3A_172 : memref<20000x16xf32, #tpu.memory_space<hbm>>) target(%dma_start3A_162 : memref<128x16xf32, #tpu.memory_space<vmem>>) offsets(%dma_start3A_165 : memref<128xi32, #tpu.memory_space<vmem>>) semaphore(%arg12 : memref<!tpu.dma_semaphore, #tpu.memory_space<semaphore_mem>>)
      %dma_start3A_173 = arith.constant 3 : i32
      %dma_start3A_174 = arith.constant 384 : i32
      %dma_start3A_175 = arith.constant 0 : i32
      %dma_start3A_176 = tpu.memref_slice %arg11[%dma_start3A_174, %dma_start3A_175] : memref<1024x16xf32, #tpu.memory_space<vmem>> -> memref<128x16xf32, #tpu.memory_space<vmem>>
      %dma_start3A_177 = arith.constant 0 : i32
      %dma_start3A_178 = tpu.memref_slice %arg10[%dma_start3A_173, %dma_start3A_177] : memref<32x128xi32, #tpu.memory_space<vmem>> -> memref<1x128xi32, #tpu.memory_space<vmem>>
      %dma_start3A_179 = tpu.memref_squeeze %dma_start3A_178 : memref<1x128xi32, #tpu.memory_space<vmem>> -> memref<128xi32, #tpu.memory_space<vmem>>
      %dma_start3A_180 = arith.constant 0 : i32
      %dma_start3A_181 = arith.constant 0 : i32
      %dma_start3A_182 = tpu.memref_slice %arg3[%add3A, %dma_start3A_180, %dma_start3A_181] : memref<8x20000x16xf32, #tpu.memory_space<hbm>> -> memref<1x20000x16xf32, #tpu.memory_space<hbm>>
      %dma_start3A_183 = tpu.memref_squeeze %dma_start3A_182 : memref<1x20000x16xf32, #tpu.memory_space<hbm>> -> memref<20000x16xf32, #tpu.memory_space<hbm>>
      %dma_start3A_184 = arith.constant 0 : i32
      %dma_start3A_185 = arith.constant 0 : i32
      %dma_start3A_186 = tpu.memref_slice %dma_start3A_183[%dma_start3A_184, %dma_start3A_185] : memref<20000x16xf32, #tpu.memory_space<hbm>> -> memref<20000x16xf32, #tpu.memory_space<hbm>>
      tpu.enqueue_indirect_dma source(%dma_start3A_186 : memref<20000x16xf32, #tpu.memory_space<hbm>>) target(%dma_start3A_176 : memref<128x16xf32, #tpu.memory_space<vmem>>) offsets(%dma_start3A_179 : memref<128xi32, #tpu.memory_space<vmem>>) semaphore(%arg12 : memref<!tpu.dma_semaphore, #tpu.memory_space<semaphore_mem>>)
      %dma_start3A_187 = arith.constant 4 : i32
      %dma_start3A_188 = arith.constant 512 : i32
      %dma_start3A_189 = arith.constant 0 : i32
      %dma_start3A_190 = tpu.memref_slice %arg11[%dma_start3A_188, %dma_start3A_189] : memref<1024x16xf32, #tpu.memory_space<vmem>> -> memref<128x16xf32, #tpu.memory_space<vmem>>
      %dma_start3A_191 = arith.constant 0 : i32
      %dma_start3A_192 = tpu.memref_slice %arg10[%dma_start3A_187, %dma_start3A_191] : memref<32x128xi32, #tpu.memory_space<vmem>> -> memref<1x128xi32, #tpu.memory_space<vmem>>
      %dma_start3A_193 = tpu.memref_squeeze %dma_start3A_192 : memref<1x128xi32, #tpu.memory_space<vmem>> -> memref<128xi32, #tpu.memory_space<vmem>>
      %dma_start3A_194 = arith.constant 0 : i32
      %dma_start3A_195 = arith.constant 0 : i32
      %dma_start3A_196 = tpu.memref_slice %arg3[%add3A, %dma_start3A_194, %dma_start3A_195] : memref<8x20000x16xf32, #tpu.memory_space<hbm>> -> memref<1x20000x16xf32, #tpu.memory_space<hbm>>
      %dma_start3A_197 = tpu.memref_squeeze %dma_start3A_196 : memref<1x20000x16xf32, #tpu.memory_space<hbm>> -> memref<20000x16xf32, #tpu.memory_space<hbm>>
      %dma_start3A_198 = arith.constant 0 : i32
      %dma_start3A_199 = arith.constant 0 : i32
      %dma_start3A_200 = tpu.memref_slice %dma_start3A_197[%dma_start3A_198, %dma_start3A_199] : memref<20000x16xf32, #tpu.memory_space<hbm>> -> memref<20000x16xf32, #tpu.memory_space<hbm>>
      tpu.enqueue_indirect_dma source(%dma_start3A_200 : memref<20000x16xf32, #tpu.memory_space<hbm>>) target(%dma_start3A_190 : memref<128x16xf32, #tpu.memory_space<vmem>>) offsets(%dma_start3A_193 : memref<128xi32, #tpu.memory_space<vmem>>) semaphore(%arg12 : memref<!tpu.dma_semaphore, #tpu.memory_space<semaphore_mem>>)
      %dma_start3A_201 = arith.constant 5 : i32
      %dma_start3A_202 = arith.constant 640 : i32
      %dma_start3A_203 = arith.constant 0 : i32
      %dma_start3A_204 = tpu.memref_slice %arg11[%dma_start3A_202, %dma_start3A_203] : memref<1024x16xf32, #tpu.memory_space<vmem>> -> memref<128x16xf32, #tpu.memory_space<vmem>>
      %dma_start3A_205 = arith.constant 0 : i32
      %dma_start3A_206 = tpu.memref_slice %arg10[%dma_start3A_201, %dma_start3A_205] : memref<32x128xi32, #tpu.memory_space<vmem>> -> memref<1x128xi32, #tpu.memory_space<vmem>>
      %dma_start3A_207 = tpu.memref_squeeze %dma_start3A_206 : memref<1x128xi32, #tpu.memory_space<vmem>> -> memref<128xi32, #tpu.memory_space<vmem>>
      %dma_start3A_208 = arith.constant 0 : i32
      %dma_start3A_209 = arith.constant 0 : i32
      %dma_start3A_210 = tpu.memref_slice %arg3[%add3A, %dma_start3A_208, %dma_start3A_209] : memref<8x20000x16xf32, #tpu.memory_space<hbm>> -> memref<1x20000x16xf32, #tpu.memory_space<hbm>>
      %dma_start3A_211 = tpu.memref_squeeze %dma_start3A_210 : memref<1x20000x16xf32, #tpu.memory_space<hbm>> -> memref<20000x16xf32, #tpu.memory_space<hbm>>
      %dma_start3A_212 = arith.constant 0 : i32
      %dma_start3A_213 = arith.constant 0 : i32
      %dma_start3A_214 = tpu.memref_slice %dma_start3A_211[%dma_start3A_212, %dma_start3A_213] : memref<20000x16xf32, #tpu.memory_space<hbm>> -> memref<20000x16xf32, #tpu.memory_space<hbm>>
      tpu.enqueue_indirect_dma source(%dma_start3A_214 : memref<20000x16xf32, #tpu.memory_space<hbm>>) target(%dma_start3A_204 : memref<128x16xf32, #tpu.memory_space<vmem>>) offsets(%dma_start3A_207 : memref<128xi32, #tpu.memory_space<vmem>>) semaphore(%arg12 : memref<!tpu.dma_semaphore, #tpu.memory_space<semaphore_mem>>)
      %dma_start3A_215 = arith.constant 6 : i32
      %dma_start3A_216 = arith.constant 768 : i32
      %dma_start3A_217 = arith.constant 0 : i32
      %dma_start3A_218 = tpu.memref_slice %arg11[%dma_start3A_216, %dma_start3A_217] : memref<1024x16xf32, #tpu.memory_space<vmem>> -> memref<128x16xf32, #tpu.memory_space<vmem>>
      %dma_start3A_219 = arith.constant 0 : i32
      %dma_start3A_220 = tpu.memref_slice %arg10[%dma_start3A_215, %dma_start3A_219] : memref<32x128xi32, #tpu.memory_space<vmem>> -> memref<1x128xi32, #tpu.memory_space<vmem>>
      %dma_start3A_221 = tpu.memref_squeeze %dma_start3A_220 : memref<1x128xi32, #tpu.memory_space<vmem>> -> memref<128xi32, #tpu.memory_space<vmem>>
      %dma_start3A_222 = arith.constant 0 : i32
      %dma_start3A_223 = arith.constant 0 : i32
      %dma_start3A_224 = tpu.memref_slice %arg3[%add3A, %dma_start3A_222, %dma_start3A_223] : memref<8x20000x16xf32, #tpu.memory_space<hbm>> -> memref<1x20000x16xf32, #tpu.memory_space<hbm>>
      %dma_start3A_225 = tpu.memref_squeeze %dma_start3A_224 : memref<1x20000x16xf32, #tpu.memory_space<hbm>> -> memref<20000x16xf32, #tpu.memory_space<hbm>>
      %dma_start3A_226 = arith.constant 0 : i32
      %dma_start3A_227 = arith.constant 0 : i32
      %dma_start3A_228 = tpu.memref_slice %dma_start3A_225[%dma_start3A_226, %dma_start3A_227] : memref<20000x16xf32, #tpu.memory_space<hbm>> -> memref<20000x16xf32, #tpu.memory_space<hbm>>
      tpu.enqueue_indirect_dma source(%dma_start3A_228 : memref<20000x16xf32, #tpu.memory_space<hbm>>) target(%dma_start3A_218 : memref<128x16xf32, #tpu.memory_space<vmem>>) offsets(%dma_start3A_221 : memref<128xi32, #tpu.memory_space<vmem>>) semaphore(%arg12 : memref<!tpu.dma_semaphore, #tpu.memory_space<semaphore_mem>>)
      %dma_start3A_229 = arith.constant 7 : i32
      %dma_start3A_230 = arith.constant 896 : i32
      %dma_start3A_231 = arith.constant 0 : i32
      %dma_start3A_232 = tpu.memref_slice %arg11[%dma_start3A_230, %dma_start3A_231] : memref<1024x16xf32, #tpu.memory_space<vmem>> -> memref<128x16xf32, #tpu.memory_space<vmem>>
      %dma_start3A_233 = arith.constant 0 : i32
      %dma_start3A_234 = tpu.memref_slice %arg10[%dma_start3A_229, %dma_start3A_233] : memref<32x128xi32, #tpu.memory_space<vmem>> -> memref<1x128xi32, #tpu.memory_space<vmem>>
      %dma_start3A_235 = tpu.memref_squeeze %dma_start3A_234 : memref<1x128xi32, #tpu.memory_space<vmem>> -> memref<128xi32, #tpu.memory_space<vmem>>
      %dma_start3A_236 = arith.constant 0 : i32
      %dma_start3A_237 = arith.constant 0 : i32
      %dma_start3A_238 = tpu.memref_slice %arg3[%add3A, %dma_start3A_236, %dma_start3A_237] : memref<8x20000x16xf32, #tpu.memory_space<hbm>> -> memref<1x20000x16xf32, #tpu.memory_space<hbm>>
      %dma_start3A_239 = tpu.memref_squeeze %dma_start3A_238 : memref<1x20000x16xf32, #tpu.memory_space<hbm>> -> memref<20000x16xf32, #tpu.memory_space<hbm>>
      %dma_start3A_240 = arith.constant 0 : i32
      %dma_start3A_241 = arith.constant 0 : i32
      %dma_start3A_242 = tpu.memref_slice %dma_start3A_239[%dma_start3A_240, %dma_start3A_241] : memref<20000x16xf32, #tpu.memory_space<hbm>> -> memref<20000x16xf32, #tpu.memory_space<hbm>>
      tpu.enqueue_indirect_dma source(%dma_start3A_242 : memref<20000x16xf32, #tpu.memory_space<hbm>>) target(%dma_start3A_232 : memref<128x16xf32, #tpu.memory_space<vmem>>) offsets(%dma_start3A_235 : memref<128xi32, #tpu.memory_space<vmem>>) semaphore(%arg12 : memref<!tpu.dma_semaphore, #tpu.memory_space<semaphore_mem>>)
      %dma_wait3A = arith.constant 0 : i32
      %dma_wait3A_243 = arith.constant 0 : i32
      %dma_wait3A_244 = arith.constant 0 : i32
      %dma_wait3A_245 = tpu.memref_slice %arg11[%dma_wait3A_243, %dma_wait3A_244] : memref<1024x16xf32, #tpu.memory_space<vmem>> -> memref<128x16xf32, #tpu.memory_space<vmem>>
      %dma_wait3A_246 = arith.constant 0 : i32
      %dma_wait3A_247 = tpu.memref_slice %arg10[%dma_wait3A, %dma_wait3A_246] : memref<32x128xi32, #tpu.memory_space<vmem>> -> memref<1x128xi32, #tpu.memory_space<vmem>>
      %dma_wait3A_248 = tpu.memref_squeeze %dma_wait3A_247 : memref<1x128xi32, #tpu.memory_space<vmem>> -> memref<128xi32, #tpu.memory_space<vmem>>
      %dma_wait3A_249 = arith.constant 0 : i32
      %dma_wait3A_250 = arith.constant 0 : i32
      %dma_wait3A_251 = tpu.memref_slice %arg3[%add3A, %dma_wait3A_249, %dma_wait3A_250] : memref<8x20000x16xf32, #tpu.memory_space<hbm>> -> memref<1x20000x16xf32, #tpu.memory_space<hbm>>
      %dma_wait3A_252 = tpu.memref_squeeze %dma_wait3A_251 : memref<1x20000x16xf32, #tpu.memory_space<hbm>> -> memref<20000x16xf32, #tpu.memory_space<hbm>>
      %dma_wait3A_253 = arith.constant 0 : i32
      %dma_wait3A_254 = arith.constant 0 : i32
      %dma_wait3A_255 = tpu.memref_slice %dma_wait3A_252[%dma_wait3A_253, %dma_wait3A_254] : memref<20000x16xf32, #tpu.memory_space<hbm>> -> memref<20000x16xf32, #tpu.memory_space<hbm>>
      tpu.wait_indirect_dma semaphore(%arg12 : memref<!tpu.dma_semaphore, #tpu.memory_space<semaphore_mem>>) src(%dma_wait3A_255 : memref<20000x16xf32, #tpu.memory_space<hbm>>) dst(%dma_wait3A_245 : memref<128x16xf32, #tpu.memory_space<vmem>>)
      %dma_wait3A_256 = arith.constant 1 : i32
      %dma_wait3A_257 = arith.constant 128 : i32
      %dma_wait3A_258 = arith.constant 0 : i32
      %dma_wait3A_259 = tpu.memref_slice %arg11[%dma_wait3A_257, %dma_wait3A_258] : memref<1024x16xf32, #tpu.memory_space<vmem>> -> memref<128x16xf32, #tpu.memory_space<vmem>>
      %dma_wait3A_260 = arith.constant 0 : i32
      %dma_wait3A_261 = tpu.memref_slice %arg10[%dma_wait3A_256, %dma_wait3A_260] : memref<32x128xi32, #tpu.memory_space<vmem>> -> memref<1x128xi32, #tpu.memory_space<vmem>>
      %dma_wait3A_262 = tpu.memref_squeeze %dma_wait3A_261 : memref<1x128xi32, #tpu.memory_space<vmem>> -> memref<128xi32, #tpu.memory_space<vmem>>
      %dma_wait3A_263 = arith.constant 0 : i32
      %dma_wait3A_264 = arith.constant 0 : i32
      %dma_wait3A_265 = tpu.memref_slice %arg3[%add3A, %dma_wait3A_263, %dma_wait3A_264] : memref<8x20000x16xf32, #tpu.memory_space<hbm>> -> memref<1x20000x16xf32, #tpu.memory_space<hbm>>
      %dma_wait3A_266 = tpu.memref_squeeze %dma_wait3A_265 : memref<1x20000x16xf32, #tpu.memory_space<hbm>> -> memref<20000x16xf32, #tpu.memory_space<hbm>>
      %dma_wait3A_267 = arith.constant 0 : i32
      %dma_wait3A_268 = arith.constant 0 : i32
      %dma_wait3A_269 = tpu.memref_slice %dma_wait3A_266[%dma_wait3A_267, %dma_wait3A_268] : memref<20000x16xf32, #tpu.memory_space<hbm>> -> memref<20000x16xf32, #tpu.memory_space<hbm>>
      tpu.wait_indirect_dma semaphore(%arg12 : memref<!tpu.dma_semaphore, #tpu.memory_space<semaphore_mem>>) src(%dma_wait3A_269 : memref<20000x16xf32, #tpu.memory_space<hbm>>) dst(%dma_wait3A_259 : memref<128x16xf32, #tpu.memory_space<vmem>>)
      %dma_wait3A_270 = arith.constant 2 : i32
      %dma_wait3A_271 = arith.constant 256 : i32
      %dma_wait3A_272 = arith.constant 0 : i32
      %dma_wait3A_273 = tpu.memref_slice %arg11[%dma_wait3A_271, %dma_wait3A_272] : memref<1024x16xf32, #tpu.memory_space<vmem>> -> memref<128x16xf32, #tpu.memory_space<vmem>>
      %dma_wait3A_274 = arith.constant 0 : i32
      %dma_wait3A_275 = tpu.memref_slice %arg10[%dma_wait3A_270, %dma_wait3A_274] : memref<32x128xi32, #tpu.memory_space<vmem>> -> memref<1x128xi32, #tpu.memory_space<vmem>>
      %dma_wait3A_276 = tpu.memref_squeeze %dma_wait3A_275 : memref<1x128xi32, #tpu.memory_space<vmem>> -> memref<128xi32, #tpu.memory_space<vmem>>
      %dma_wait3A_277 = arith.constant 0 : i32
      %dma_wait3A_278 = arith.constant 0 : i32
      %dma_wait3A_279 = tpu.memref_slice %arg3[%add3A, %dma_wait3A_277, %dma_wait3A_278] : memref<8x20000x16xf32, #tpu.memory_space<hbm>> -> memref<1x20000x16xf32, #tpu.memory_space<hbm>>
      %dma_wait3A_280 = tpu.memref_squeeze %dma_wait3A_279 : memref<1x20000x16xf32, #tpu.memory_space<hbm>> -> memref<20000x16xf32, #tpu.memory_space<hbm>>
      %dma_wait3A_281 = arith.constant 0 : i32
      %dma_wait3A_282 = arith.constant 0 : i32
      %dma_wait3A_283 = tpu.memref_slice %dma_wait3A_280[%dma_wait3A_281, %dma_wait3A_282] : memref<20000x16xf32, #tpu.memory_space<hbm>> -> memref<20000x16xf32, #tpu.memory_space<hbm>>
      tpu.wait_indirect_dma semaphore(%arg12 : memref<!tpu.dma_semaphore, #tpu.memory_space<semaphore_mem>>) src(%dma_wait3A_283 : memref<20000x16xf32, #tpu.memory_space<hbm>>) dst(%dma_wait3A_273 : memref<128x16xf32, #tpu.memory_space<vmem>>)
      %dma_wait3A_284 = arith.constant 3 : i32
      %dma_wait3A_285 = arith.constant 384 : i32
      %dma_wait3A_286 = arith.constant 0 : i32
      %dma_wait3A_287 = tpu.memref_slice %arg11[%dma_wait3A_285, %dma_wait3A_286] : memref<1024x16xf32, #tpu.memory_space<vmem>> -> memref<128x16xf32, #tpu.memory_space<vmem>>
      %dma_wait3A_288 = arith.constant 0 : i32
      %dma_wait3A_289 = tpu.memref_slice %arg10[%dma_wait3A_284, %dma_wait3A_288] : memref<32x128xi32, #tpu.memory_space<vmem>> -> memref<1x128xi32, #tpu.memory_space<vmem>>
      %dma_wait3A_290 = tpu.memref_squeeze %dma_wait3A_289 : memref<1x128xi32, #tpu.memory_space<vmem>> -> memref<128xi32, #tpu.memory_space<vmem>>
      %dma_wait3A_291 = arith.constant 0 : i32
      %dma_wait3A_292 = arith.constant 0 : i32
      %dma_wait3A_293 = tpu.memref_slice %arg3[%add3A, %dma_wait3A_291, %dma_wait3A_292] : memref<8x20000x16xf32, #tpu.memory_space<hbm>> -> memref<1x20000x16xf32, #tpu.memory_space<hbm>>
      %dma_wait3A_294 = tpu.memref_squeeze %dma_wait3A_293 : memref<1x20000x16xf32, #tpu.memory_space<hbm>> -> memref<20000x16xf32, #tpu.memory_space<hbm>>
      %dma_wait3A_295 = arith.constant 0 : i32
      %dma_wait3A_296 = arith.constant 0 : i32
      %dma_wait3A_297 = tpu.memref_slice %dma_wait3A_294[%dma_wait3A_295, %dma_wait3A_296] : memref<20000x16xf32, #tpu.memory_space<hbm>> -> memref<20000x16xf32, #tpu.memory_space<hbm>>
      tpu.wait_indirect_dma semaphore(%arg12 : memref<!tpu.dma_semaphore, #tpu.memory_space<semaphore_mem>>) src(%dma_wait3A_297 : memref<20000x16xf32, #tpu.memory_space<hbm>>) dst(%dma_wait3A_287 : memref<128x16xf32, #tpu.memory_space<vmem>>)
      %dma_wait3A_298 = arith.constant 4 : i32
      %dma_wait3A_299 = arith.constant 512 : i32
      %dma_wait3A_300 = arith.constant 0 : i32
      %dma_wait3A_301 = tpu.memref_slice %arg11[%dma_wait3A_299, %dma_wait3A_300] : memref<1024x16xf32, #tpu.memory_space<vmem>> -> memref<128x16xf32, #tpu.memory_space<vmem>>
      %dma_wait3A_302 = arith.constant 0 : i32
      %dma_wait3A_303 = tpu.memref_slice %arg10[%dma_wait3A_298, %dma_wait3A_302] : memref<32x128xi32, #tpu.memory_space<vmem>> -> memref<1x128xi32, #tpu.memory_space<vmem>>
      %dma_wait3A_304 = tpu.memref_squeeze %dma_wait3A_303 : memref<1x128xi32, #tpu.memory_space<vmem>> -> memref<128xi32, #tpu.memory_space<vmem>>
      %dma_wait3A_305 = arith.constant 0 : i32
      %dma_wait3A_306 = arith.constant 0 : i32
      %dma_wait3A_307 = tpu.memref_slice %arg3[%add3A, %dma_wait3A_305, %dma_wait3A_306] : memref<8x20000x16xf32, #tpu.memory_space<hbm>> -> memref<1x20000x16xf32, #tpu.memory_space<hbm>>
      %dma_wait3A_308 = tpu.memref_squeeze %dma_wait3A_307 : memref<1x20000x16xf32, #tpu.memory_space<hbm>> -> memref<20000x16xf32, #tpu.memory_space<hbm>>
      %dma_wait3A_309 = arith.constant 0 : i32
      %dma_wait3A_310 = arith.constant 0 : i32
      %dma_wait3A_311 = tpu.memref_slice %dma_wait3A_308[%dma_wait3A_309, %dma_wait3A_310] : memref<20000x16xf32, #tpu.memory_space<hbm>> -> memref<20000x16xf32, #tpu.memory_space<hbm>>
      tpu.wait_indirect_dma semaphore(%arg12 : memref<!tpu.dma_semaphore, #tpu.memory_space<semaphore_mem>>) src(%dma_wait3A_311 : memref<20000x16xf32, #tpu.memory_space<hbm>>) dst(%dma_wait3A_301 : memref<128x16xf32, #tpu.memory_space<vmem>>)
      %dma_wait3A_312 = arith.constant 5 : i32
      %dma_wait3A_313 = arith.constant 640 : i32
      %dma_wait3A_314 = arith.constant 0 : i32
      %dma_wait3A_315 = tpu.memref_slice %arg11[%dma_wait3A_313, %dma_wait3A_314] : memref<1024x16xf32, #tpu.memory_space<vmem>> -> memref<128x16xf32, #tpu.memory_space<vmem>>
      %dma_wait3A_316 = arith.constant 0 : i32
      %dma_wait3A_317 = tpu.memref_slice %arg10[%dma_wait3A_312, %dma_wait3A_316] : memref<32x128xi32, #tpu.memory_space<vmem>> -> memref<1x128xi32, #tpu.memory_space<vmem>>
      %dma_wait3A_318 = tpu.memref_squeeze %dma_wait3A_317 : memref<1x128xi32, #tpu.memory_space<vmem>> -> memref<128xi32, #tpu.memory_space<vmem>>
      %dma_wait3A_319 = arith.constant 0 : i32
      %dma_wait3A_320 = arith.constant 0 : i32
      %dma_wait3A_321 = tpu.memref_slice %arg3[%add3A, %dma_wait3A_319, %dma_wait3A_320] : memref<8x20000x16xf32, #tpu.memory_space<hbm>> -> memref<1x20000x16xf32, #tpu.memory_space<hbm>>
      %dma_wait3A_322 = tpu.memref_squeeze %dma_wait3A_321 : memref<1x20000x16xf32, #tpu.memory_space<hbm>> -> memref<20000x16xf32, #tpu.memory_space<hbm>>
      %dma_wait3A_323 = arith.constant 0 : i32
      %dma_wait3A_324 = arith.constant 0 : i32
      %dma_wait3A_325 = tpu.memref_slice %dma_wait3A_322[%dma_wait3A_323, %dma_wait3A_324] : memref<20000x16xf32, #tpu.memory_space<hbm>> -> memref<20000x16xf32, #tpu.memory_space<hbm>>
      tpu.wait_indirect_dma semaphore(%arg12 : memref<!tpu.dma_semaphore, #tpu.memory_space<semaphore_mem>>) src(%dma_wait3A_325 : memref<20000x16xf32, #tpu.memory_space<hbm>>) dst(%dma_wait3A_315 : memref<128x16xf32, #tpu.memory_space<vmem>>)
      %dma_wait3A_326 = arith.constant 6 : i32
      %dma_wait3A_327 = arith.constant 768 : i32
      %dma_wait3A_328 = arith.constant 0 : i32
      %dma_wait3A_329 = tpu.memref_slice %arg11[%dma_wait3A_327, %dma_wait3A_328] : memref<1024x16xf32, #tpu.memory_space<vmem>> -> memref<128x16xf32, #tpu.memory_space<vmem>>
      %dma_wait3A_330 = arith.constant 0 : i32
      %dma_wait3A_331 = tpu.memref_slice %arg10[%dma_wait3A_326, %dma_wait3A_330] : memref<32x128xi32, #tpu.memory_space<vmem>> -> memref<1x128xi32, #tpu.memory_space<vmem>>
      %dma_wait3A_332 = tpu.memref_squeeze %dma_wait3A_331 : memref<1x128xi32, #tpu.memory_space<vmem>> -> memref<128xi32, #tpu.memory_space<vmem>>
      %dma_wait3A_333 = arith.constant 0 : i32
      %dma_wait3A_334 = arith.constant 0 : i32
      %dma_wait3A_335 = tpu.memref_slice %arg3[%add3A, %dma_wait3A_333, %dma_wait3A_334] : memref<8x20000x16xf32, #tpu.memory_space<hbm>> -> memref<1x20000x16xf32, #tpu.memory_space<hbm>>
      %dma_wait3A_336 = tpu.memref_squeeze %dma_wait3A_335 : memref<1x20000x16xf32, #tpu.memory_space<hbm>> -> memref<20000x16xf32, #tpu.memory_space<hbm>>
      %dma_wait3A_337 = arith.constant 0 : i32
      %dma_wait3A_338 = arith.constant 0 : i32
      %dma_wait3A_339 = tpu.memref_slice %dma_wait3A_336[%dma_wait3A_337, %dma_wait3A_338] : memref<20000x16xf32, #tpu.memory_space<hbm>> -> memref<20000x16xf32, #tpu.memory_space<hbm>>
      tpu.wait_indirect_dma semaphore(%arg12 : memref<!tpu.dma_semaphore, #tpu.memory_space<semaphore_mem>>) src(%dma_wait3A_339 : memref<20000x16xf32, #tpu.memory_space<hbm>>) dst(%dma_wait3A_329 : memref<128x16xf32, #tpu.memory_space<vmem>>)
      %dma_wait3A_340 = arith.constant 7 : i32
      %dma_wait3A_341 = arith.constant 896 : i32
      %dma_wait3A_342 = arith.constant 0 : i32
      %dma_wait3A_343 = tpu.memref_slice %arg11[%dma_wait3A_341, %dma_wait3A_342] : memref<1024x16xf32, #tpu.memory_space<vmem>> -> memref<128x16xf32, #tpu.memory_space<vmem>>
      %dma_wait3A_344 = arith.constant 0 : i32
      %dma_wait3A_345 = tpu.memref_slice %arg10[%dma_wait3A_340, %dma_wait3A_344] : memref<32x128xi32, #tpu.memory_space<vmem>> -> memref<1x128xi32, #tpu.memory_space<vmem>>
      %dma_wait3A_346 = tpu.memref_squeeze %dma_wait3A_345 : memref<1x128xi32, #tpu.memory_space<vmem>> -> memref<128xi32, #tpu.memory_space<vmem>>
      %dma_wait3A_347 = arith.constant 0 : i32
      %dma_wait3A_348 = arith.constant 0 : i32
      %dma_wait3A_349 = tpu.memref_slice %arg3[%add3A, %dma_wait3A_347, %dma_wait3A_348] : memref<8x20000x16xf32, #tpu.memory_space<hbm>> -> memref<1x20000x16xf32, #tpu.memory_space<hbm>>
      %dma_wait3A_350 = tpu.memref_squeeze %dma_wait3A_349 : memref<1x20000x16xf32, #tpu.memory_space<hbm>> -> memref<20000x16xf32, #tpu.memory_space<hbm>>
      %dma_wait3A_351 = arith.constant 0 : i32
      %dma_wait3A_352 = arith.constant 0 : i32
      %dma_wait3A_353 = tpu.memref_slice %dma_wait3A_350[%dma_wait3A_351, %dma_wait3A_352] : memref<20000x16xf32, #tpu.memory_space<hbm>> -> memref<20000x16xf32, #tpu.memory_space<hbm>>
      tpu.wait_indirect_dma semaphore(%arg12 : memref<!tpu.dma_semaphore, #tpu.memory_space<semaphore_mem>>) src(%dma_wait3A_353 : memref<20000x16xf32, #tpu.memory_space<hbm>>) dst(%dma_wait3A_343 : memref<128x16xf32, #tpu.memory_space<vmem>>)
      "tpu.region"() ({
        %run_scoped3A = tpu.sem_alloc : memref<!tpu.dma_semaphore, #tpu.memory_space<semaphore_mem>>
        %dma_start3A_1026 = arith.constant 0 : i32
        %dma_start3A_1027 = arith.constant 0 : i32
        %dma_start3A_1028 = tpu.memref_slice %arg4[%add3A, %dma_start3A_1026, %dma_start3A_1027] : memref<8x4096x16xf32, #tpu.memory_space<hbm>> -> memref<1x4096x16xf32, #tpu.memory_space<hbm>>
        %dma_start3A_1029 = tpu.memref_squeeze %dma_start3A_1028 : memref<1x4096x16xf32, #tpu.memory_space<hbm>> -> memref<4096x16xf32, #tpu.memory_space<hbm>>
        %dma_start3A_1030 = arith.constant 0 : i32
        %dma_start3A_1031 = arith.constant 0 : i32
        %dma_start3A_1032 = tpu.memref_slice %dma_start3A_1029[%dma_start3A_1030, %dma_start3A_1031] : memref<4096x16xf32, #tpu.memory_space<hbm>> -> memref<1024x16xf32, #tpu.memory_space<hbm>>
        %dma_start3A_1033 = arith.constant 0 : i32
        %dma_start3A_1034 = arith.constant 0 : i32
        %dma_start3A_1035 = tpu.memref_slice %arg4[%add3A, %dma_start3A_1033, %dma_start3A_1034] : memref<8x4096x16xf32, #tpu.memory_space<hbm>> -> memref<1x4096x16xf32, #tpu.memory_space<hbm>>
        %dma_start3A_1036 = tpu.memref_squeeze %dma_start3A_1035 : memref<1x4096x16xf32, #tpu.memory_space<hbm>> -> memref<4096x16xf32, #tpu.memory_space<hbm>>
        %dma_start3A_1037 = arith.constant 0 : i32
        %dma_start3A_1038 = arith.constant 0 : i32
        %dma_start3A_1039 = tpu.memref_slice %dma_start3A_1036[%dma_start3A_1037, %dma_start3A_1038] : memref<4096x16xf32, #tpu.memory_space<hbm>> -> memref<1024x16xf32, #tpu.memory_space<hbm>>
        tpu.enqueue_dma source(%arg11 : memref<1024x16xf32, #tpu.memory_space<vmem>>) target(%dma_start3A_1039 : memref<1024x16xf32, #tpu.memory_space<hbm>>) target_semaphore(%run_scoped3A : memref<!tpu.dma_semaphore, #tpu.memory_space<semaphore_mem>>)
        %dma_wait3A_1040 = arith.constant 0 : i32
        %dma_wait3A_1041 = arith.constant 0 : i32
        %dma_wait3A_1042 = tpu.memref_slice %arg4[%add3A, %dma_wait3A_1040, %dma_wait3A_1041] : memref<8x4096x16xf32, #tpu.memory_space<hbm>> -> memref<1x4096x16xf32, #tpu.memory_space<hbm>>
        %dma_wait3A_1043 = tpu.memref_squeeze %dma_wait3A_1042 : memref<1x4096x16xf32, #tpu.memory_space<hbm>> -> memref<4096x16xf32, #tpu.memory_space<hbm>>
        %dma_wait3A_1044 = arith.constant 0 : i32
        %dma_wait3A_1045 = arith.constant 0 : i32
        %dma_wait3A_1046 = tpu.memref_slice %dma_wait3A_1043[%dma_wait3A_1044, %dma_wait3A_1045] : memref<4096x16xf32, #tpu.memory_space<hbm>> -> memref<1024x16xf32, #tpu.memory_space<hbm>>
        %dma_wait3A_1047 = arith.constant 0 : i32
        %dma_wait3A_1048 = arith.constant 0 : i32
        %dma_wait3A_1049 = tpu.memref_slice %arg4[%add3A, %dma_wait3A_1047, %dma_wait3A_1048] : memref<8x4096x16xf32, #tpu.memory_space<hbm>> -> memref<1x4096x16xf32, #tpu.memory_space<hbm>>
        %dma_wait3A_1050 = tpu.memref_squeeze %dma_wait3A_1049 : memref<1x4096x16xf32, #tpu.memory_space<hbm>> -> memref<4096x16xf32, #tpu.memory_space<hbm>>
        %dma_wait3A_1051 = arith.constant 0 : i32
        %dma_wait3A_1052 = arith.constant 0 : i32
        %dma_wait3A_1053 = tpu.memref_slice %dma_wait3A_1050[%dma_wait3A_1051, %dma_wait3A_1052] : memref<4096x16xf32, #tpu.memory_space<hbm>> -> memref<1024x16xf32, #tpu.memory_space<hbm>>
        tpu.wait_dma2 semaphore(%run_scoped3A : memref<!tpu.dma_semaphore, #tpu.memory_space<semaphore_mem>>) src(%arg11 : memref<1024x16xf32, #tpu.memory_space<vmem>>) dst(%dma_wait3A_1053 : memref<1024x16xf32, #tpu.memory_space<hbm>>)
        tpu.yield
      }) : () -> ()
      %dma_start3A_354 = arith.constant 8 : i32
      %dma_start3A_355 = arith.constant 0 : i32
      %dma_start3A_356 = arith.constant 0 : i32
      %dma_start3A_357 = tpu.memref_slice %arg11[%dma_start3A_355, %dma_start3A_356] : memref<1024x16xf32, #tpu.memory_space<vmem>> -> memref<128x16xf32, #tpu.memory_space<vmem>>
      %dma_start3A_358 = arith.constant 0 : i32
      %dma_start3A_359 = tpu.memref_slice %arg10[%dma_start3A_354, %dma_start3A_358] : memref<32x128xi32, #tpu.memory_space<vmem>> -> memref<1x128xi32, #tpu.memory_space<vmem>>
      %dma_start3A_360 = tpu.memref_squeeze %dma_start3A_359 : memref<1x128xi32, #tpu.memory_space<vmem>> -> memref<128xi32, #tpu.memory_space<vmem>>
      %dma_start3A_361 = arith.constant 0 : i32
      %dma_start3A_362 = arith.constant 0 : i32
      %dma_start3A_363 = tpu.memref_slice %arg3[%add3A, %dma_start3A_361, %dma_start3A_362] : memref<8x20000x16xf32, #tpu.memory_space<hbm>> -> memref<1x20000x16xf32, #tpu.memory_space<hbm>>
      %dma_start3A_364 = tpu.memref_squeeze %dma_start3A_363 : memref<1x20000x16xf32, #tpu.memory_space<hbm>> -> memref<20000x16xf32, #tpu.memory_space<hbm>>
      %dma_start3A_365 = arith.constant 0 : i32
      %dma_start3A_366 = arith.constant 0 : i32
      %dma_start3A_367 = tpu.memref_slice %dma_start3A_364[%dma_start3A_365, %dma_start3A_366] : memref<20000x16xf32, #tpu.memory_space<hbm>> -> memref<20000x16xf32, #tpu.memory_space<hbm>>
      tpu.enqueue_indirect_dma source(%dma_start3A_367 : memref<20000x16xf32, #tpu.memory_space<hbm>>) target(%dma_start3A_357 : memref<128x16xf32, #tpu.memory_space<vmem>>) offsets(%dma_start3A_360 : memref<128xi32, #tpu.memory_space<vmem>>) semaphore(%arg12 : memref<!tpu.dma_semaphore, #tpu.memory_space<semaphore_mem>>)
      %dma_start3A_368 = arith.constant 9 : i32
      %dma_start3A_369 = arith.constant 128 : i32
      %dma_start3A_370 = arith.constant 0 : i32
      %dma_start3A_371 = tpu.memref_slice %arg11[%dma_start3A_369, %dma_start3A_370] : memref<1024x16xf32, #tpu.memory_space<vmem>> -> memref<128x16xf32, #tpu.memory_space<vmem>>
      %dma_start3A_372 = arith.constant 0 : i32
      %dma_start3A_373 = tpu.memref_slice %arg10[%dma_start3A_368, %dma_start3A_372] : memref<32x128xi32, #tpu.memory_space<vmem>> -> memref<1x128xi32, #tpu.memory_space<vmem>>
      %dma_start3A_374 = tpu.memref_squeeze %dma_start3A_373 : memref<1x128xi32, #tpu.memory_space<vmem>> -> memref<128xi32, #tpu.memory_space<vmem>>
      %dma_start3A_375 = arith.constant 0 : i32
      %dma_start3A_376 = arith.constant 0 : i32
      %dma_start3A_377 = tpu.memref_slice %arg3[%add3A, %dma_start3A_375, %dma_start3A_376] : memref<8x20000x16xf32, #tpu.memory_space<hbm>> -> memref<1x20000x16xf32, #tpu.memory_space<hbm>>
      %dma_start3A_378 = tpu.memref_squeeze %dma_start3A_377 : memref<1x20000x16xf32, #tpu.memory_space<hbm>> -> memref<20000x16xf32, #tpu.memory_space<hbm>>
      %dma_start3A_379 = arith.constant 0 : i32
      %dma_start3A_380 = arith.constant 0 : i32
      %dma_start3A_381 = tpu.memref_slice %dma_start3A_378[%dma_start3A_379, %dma_start3A_380] : memref<20000x16xf32, #tpu.memory_space<hbm>> -> memref<20000x16xf32, #tpu.memory_space<hbm>>
      tpu.enqueue_indirect_dma source(%dma_start3A_381 : memref<20000x16xf32, #tpu.memory_space<hbm>>) target(%dma_start3A_371 : memref<128x16xf32, #tpu.memory_space<vmem>>) offsets(%dma_start3A_374 : memref<128xi32, #tpu.memory_space<vmem>>) semaphore(%arg12 : memref<!tpu.dma_semaphore, #tpu.memory_space<semaphore_mem>>)
      %dma_start3A_382 = arith.constant 10 : i32
      %dma_start3A_383 = arith.constant 256 : i32
      %dma_start3A_384 = arith.constant 0 : i32
      %dma_start3A_385 = tpu.memref_slice %arg11[%dma_start3A_383, %dma_start3A_384] : memref<1024x16xf32, #tpu.memory_space<vmem>> -> memref<128x16xf32, #tpu.memory_space<vmem>>
      %dma_start3A_386 = arith.constant 0 : i32
      %dma_start3A_387 = tpu.memref_slice %arg10[%dma_start3A_382, %dma_start3A_386] : memref<32x128xi32, #tpu.memory_space<vmem>> -> memref<1x128xi32, #tpu.memory_space<vmem>>
      %dma_start3A_388 = tpu.memref_squeeze %dma_start3A_387 : memref<1x128xi32, #tpu.memory_space<vmem>> -> memref<128xi32, #tpu.memory_space<vmem>>
      %dma_start3A_389 = arith.constant 0 : i32
      %dma_start3A_390 = arith.constant 0 : i32
      %dma_start3A_391 = tpu.memref_slice %arg3[%add3A, %dma_start3A_389, %dma_start3A_390] : memref<8x20000x16xf32, #tpu.memory_space<hbm>> -> memref<1x20000x16xf32, #tpu.memory_space<hbm>>
      %dma_start3A_392 = tpu.memref_squeeze %dma_start3A_391 : memref<1x20000x16xf32, #tpu.memory_space<hbm>> -> memref<20000x16xf32, #tpu.memory_space<hbm>>
      %dma_start3A_393 = arith.constant 0 : i32
      %dma_start3A_394 = arith.constant 0 : i32
      %dma_start3A_395 = tpu.memref_slice %dma_start3A_392[%dma_start3A_393, %dma_start3A_394] : memref<20000x16xf32, #tpu.memory_space<hbm>> -> memref<20000x16xf32, #tpu.memory_space<hbm>>
      tpu.enqueue_indirect_dma source(%dma_start3A_395 : memref<20000x16xf32, #tpu.memory_space<hbm>>) target(%dma_start3A_385 : memref<128x16xf32, #tpu.memory_space<vmem>>) offsets(%dma_start3A_388 : memref<128xi32, #tpu.memory_space<vmem>>) semaphore(%arg12 : memref<!tpu.dma_semaphore, #tpu.memory_space<semaphore_mem>>)
      %dma_start3A_396 = arith.constant 11 : i32
      %dma_start3A_397 = arith.constant 384 : i32
      %dma_start3A_398 = arith.constant 0 : i32
      %dma_start3A_399 = tpu.memref_slice %arg11[%dma_start3A_397, %dma_start3A_398] : memref<1024x16xf32, #tpu.memory_space<vmem>> -> memref<128x16xf32, #tpu.memory_space<vmem>>
      %dma_start3A_400 = arith.constant 0 : i32
      %dma_start3A_401 = tpu.memref_slice %arg10[%dma_start3A_396, %dma_start3A_400] : memref<32x128xi32, #tpu.memory_space<vmem>> -> memref<1x128xi32, #tpu.memory_space<vmem>>
      %dma_start3A_402 = tpu.memref_squeeze %dma_start3A_401 : memref<1x128xi32, #tpu.memory_space<vmem>> -> memref<128xi32, #tpu.memory_space<vmem>>
      %dma_start3A_403 = arith.constant 0 : i32
      %dma_start3A_404 = arith.constant 0 : i32
      %dma_start3A_405 = tpu.memref_slice %arg3[%add3A, %dma_start3A_403, %dma_start3A_404] : memref<8x20000x16xf32, #tpu.memory_space<hbm>> -> memref<1x20000x16xf32, #tpu.memory_space<hbm>>
      %dma_start3A_406 = tpu.memref_squeeze %dma_start3A_405 : memref<1x20000x16xf32, #tpu.memory_space<hbm>> -> memref<20000x16xf32, #tpu.memory_space<hbm>>
      %dma_start3A_407 = arith.constant 0 : i32
      %dma_start3A_408 = arith.constant 0 : i32
      %dma_start3A_409 = tpu.memref_slice %dma_start3A_406[%dma_start3A_407, %dma_start3A_408] : memref<20000x16xf32, #tpu.memory_space<hbm>> -> memref<20000x16xf32, #tpu.memory_space<hbm>>
      tpu.enqueue_indirect_dma source(%dma_start3A_409 : memref<20000x16xf32, #tpu.memory_space<hbm>>) target(%dma_start3A_399 : memref<128x16xf32, #tpu.memory_space<vmem>>) offsets(%dma_start3A_402 : memref<128xi32, #tpu.memory_space<vmem>>) semaphore(%arg12 : memref<!tpu.dma_semaphore, #tpu.memory_space<semaphore_mem>>)
      %dma_start3A_410 = arith.constant 12 : i32
      %dma_start3A_411 = arith.constant 512 : i32
      %dma_start3A_412 = arith.constant 0 : i32
      %dma_start3A_413 = tpu.memref_slice %arg11[%dma_start3A_411, %dma_start3A_412] : memref<1024x16xf32, #tpu.memory_space<vmem>> -> memref<128x16xf32, #tpu.memory_space<vmem>>
      %dma_start3A_414 = arith.constant 0 : i32
      %dma_start3A_415 = tpu.memref_slice %arg10[%dma_start3A_410, %dma_start3A_414] : memref<32x128xi32, #tpu.memory_space<vmem>> -> memref<1x128xi32, #tpu.memory_space<vmem>>
      %dma_start3A_416 = tpu.memref_squeeze %dma_start3A_415 : memref<1x128xi32, #tpu.memory_space<vmem>> -> memref<128xi32, #tpu.memory_space<vmem>>
      %dma_start3A_417 = arith.constant 0 : i32
      %dma_start3A_418 = arith.constant 0 : i32
      %dma_start3A_419 = tpu.memref_slice %arg3[%add3A, %dma_start3A_417, %dma_start3A_418] : memref<8x20000x16xf32, #tpu.memory_space<hbm>> -> memref<1x20000x16xf32, #tpu.memory_space<hbm>>
      %dma_start3A_420 = tpu.memref_squeeze %dma_start3A_419 : memref<1x20000x16xf32, #tpu.memory_space<hbm>> -> memref<20000x16xf32, #tpu.memory_space<hbm>>
      %dma_start3A_421 = arith.constant 0 : i32
      %dma_start3A_422 = arith.constant 0 : i32
      %dma_start3A_423 = tpu.memref_slice %dma_start3A_420[%dma_start3A_421, %dma_start3A_422] : memref<20000x16xf32, #tpu.memory_space<hbm>> -> memref<20000x16xf32, #tpu.memory_space<hbm>>
      tpu.enqueue_indirect_dma source(%dma_start3A_423 : memref<20000x16xf32, #tpu.memory_space<hbm>>) target(%dma_start3A_413 : memref<128x16xf32, #tpu.memory_space<vmem>>) offsets(%dma_start3A_416 : memref<128xi32, #tpu.memory_space<vmem>>) semaphore(%arg12 : memref<!tpu.dma_semaphore, #tpu.memory_space<semaphore_mem>>)
      %dma_start3A_424 = arith.constant 13 : i32
      %dma_start3A_425 = arith.constant 640 : i32
      %dma_start3A_426 = arith.constant 0 : i32
      %dma_start3A_427 = tpu.memref_slice %arg11[%dma_start3A_425, %dma_start3A_426] : memref<1024x16xf32, #tpu.memory_space<vmem>> -> memref<128x16xf32, #tpu.memory_space<vmem>>
      %dma_start3A_428 = arith.constant 0 : i32
      %dma_start3A_429 = tpu.memref_slice %arg10[%dma_start3A_424, %dma_start3A_428] : memref<32x128xi32, #tpu.memory_space<vmem>> -> memref<1x128xi32, #tpu.memory_space<vmem>>
      %dma_start3A_430 = tpu.memref_squeeze %dma_start3A_429 : memref<1x128xi32, #tpu.memory_space<vmem>> -> memref<128xi32, #tpu.memory_space<vmem>>
      %dma_start3A_431 = arith.constant 0 : i32
      %dma_start3A_432 = arith.constant 0 : i32
      %dma_start3A_433 = tpu.memref_slice %arg3[%add3A, %dma_start3A_431, %dma_start3A_432] : memref<8x20000x16xf32, #tpu.memory_space<hbm>> -> memref<1x20000x16xf32, #tpu.memory_space<hbm>>
      %dma_start3A_434 = tpu.memref_squeeze %dma_start3A_433 : memref<1x20000x16xf32, #tpu.memory_space<hbm>> -> memref<20000x16xf32, #tpu.memory_space<hbm>>
      %dma_start3A_435 = arith.constant 0 : i32
      %dma_start3A_436 = arith.constant 0 : i32
      %dma_start3A_437 = tpu.memref_slice %dma_start3A_434[%dma_start3A_435, %dma_start3A_436] : memref<20000x16xf32, #tpu.memory_space<hbm>> -> memref<20000x16xf32, #tpu.memory_space<hbm>>
      tpu.enqueue_indirect_dma source(%dma_start3A_437 : memref<20000x16xf32, #tpu.memory_space<hbm>>) target(%dma_start3A_427 : memref<128x16xf32, #tpu.memory_space<vmem>>) offsets(%dma_start3A_430 : memref<128xi32, #tpu.memory_space<vmem>>) semaphore(%arg12 : memref<!tpu.dma_semaphore, #tpu.memory_space<semaphore_mem>>)
      %dma_start3A_438 = arith.constant 14 : i32
      %dma_start3A_439 = arith.constant 768 : i32
      %dma_start3A_440 = arith.constant 0 : i32
      %dma_start3A_441 = tpu.memref_slice %arg11[%dma_start3A_439, %dma_start3A_440] : memref<1024x16xf32, #tpu.memory_space<vmem>> -> memref<128x16xf32, #tpu.memory_space<vmem>>
      %dma_start3A_442 = arith.constant 0 : i32
      %dma_start3A_443 = tpu.memref_slice %arg10[%dma_start3A_438, %dma_start3A_442] : memref<32x128xi32, #tpu.memory_space<vmem>> -> memref<1x128xi32, #tpu.memory_space<vmem>>
      %dma_start3A_444 = tpu.memref_squeeze %dma_start3A_443 : memref<1x128xi32, #tpu.memory_space<vmem>> -> memref<128xi32, #tpu.memory_space<vmem>>
      %dma_start3A_445 = arith.constant 0 : i32
      %dma_start3A_446 = arith.constant 0 : i32
      %dma_start3A_447 = tpu.memref_slice %arg3[%add3A, %dma_start3A_445, %dma_start3A_446] : memref<8x20000x16xf32, #tpu.memory_space<hbm>> -> memref<1x20000x16xf32, #tpu.memory_space<hbm>>
      %dma_start3A_448 = tpu.memref_squeeze %dma_start3A_447 : memref<1x20000x16xf32, #tpu.memory_space<hbm>> -> memref<20000x16xf32, #tpu.memory_space<hbm>>
      %dma_start3A_449 = arith.constant 0 : i32
      %dma_start3A_450 = arith.constant 0 : i32
      %dma_start3A_451 = tpu.memref_slice %dma_start3A_448[%dma_start3A_449, %dma_start3A_450] : memref<20000x16xf32, #tpu.memory_space<hbm>> -> memref<20000x16xf32, #tpu.memory_space<hbm>>
      tpu.enqueue_indirect_dma source(%dma_start3A_451 : memref<20000x16xf32, #tpu.memory_space<hbm>>) target(%dma_start3A_441 : memref<128x16xf32, #tpu.memory_space<vmem>>) offsets(%dma_start3A_444 : memref<128xi32, #tpu.memory_space<vmem>>) semaphore(%arg12 : memref<!tpu.dma_semaphore, #tpu.memory_space<semaphore_mem>>)
      %dma_start3A_452 = arith.constant 15 : i32
      %dma_start3A_453 = arith.constant 896 : i32
      %dma_start3A_454 = arith.constant 0 : i32
      %dma_start3A_455 = tpu.memref_slice %arg11[%dma_start3A_453, %dma_start3A_454] : memref<1024x16xf32, #tpu.memory_space<vmem>> -> memref<128x16xf32, #tpu.memory_space<vmem>>
      %dma_start3A_456 = arith.constant 0 : i32
      %dma_start3A_457 = tpu.memref_slice %arg10[%dma_start3A_452, %dma_start3A_456] : memref<32x128xi32, #tpu.memory_space<vmem>> -> memref<1x128xi32, #tpu.memory_space<vmem>>
      %dma_start3A_458 = tpu.memref_squeeze %dma_start3A_457 : memref<1x128xi32, #tpu.memory_space<vmem>> -> memref<128xi32, #tpu.memory_space<vmem>>
      %dma_start3A_459 = arith.constant 0 : i32
      %dma_start3A_460 = arith.constant 0 : i32
      %dma_start3A_461 = tpu.memref_slice %arg3[%add3A, %dma_start3A_459, %dma_start3A_460] : memref<8x20000x16xf32, #tpu.memory_space<hbm>> -> memref<1x20000x16xf32, #tpu.memory_space<hbm>>
      %dma_start3A_462 = tpu.memref_squeeze %dma_start3A_461 : memref<1x20000x16xf32, #tpu.memory_space<hbm>> -> memref<20000x16xf32, #tpu.memory_space<hbm>>
      %dma_start3A_463 = arith.constant 0 : i32
      %dma_start3A_464 = arith.constant 0 : i32
      %dma_start3A_465 = tpu.memref_slice %dma_start3A_462[%dma_start3A_463, %dma_start3A_464] : memref<20000x16xf32, #tpu.memory_space<hbm>> -> memref<20000x16xf32, #tpu.memory_space<hbm>>
      tpu.enqueue_indirect_dma source(%dma_start3A_465 : memref<20000x16xf32, #tpu.memory_space<hbm>>) target(%dma_start3A_455 : memref<128x16xf32, #tpu.memory_space<vmem>>) offsets(%dma_start3A_458 : memref<128xi32, #tpu.memory_space<vmem>>) semaphore(%arg12 : memref<!tpu.dma_semaphore, #tpu.memory_space<semaphore_mem>>)
      %dma_wait3A_466 = arith.constant 8 : i32
      %dma_wait3A_467 = arith.constant 0 : i32
      %dma_wait3A_468 = arith.constant 0 : i32
      %dma_wait3A_469 = tpu.memref_slice %arg11[%dma_wait3A_467, %dma_wait3A_468] : memref<1024x16xf32, #tpu.memory_space<vmem>> -> memref<128x16xf32, #tpu.memory_space<vmem>>
      %dma_wait3A_470 = arith.constant 0 : i32
      %dma_wait3A_471 = tpu.memref_slice %arg10[%dma_wait3A_466, %dma_wait3A_470] : memref<32x128xi32, #tpu.memory_space<vmem>> -> memref<1x128xi32, #tpu.memory_space<vmem>>
      %dma_wait3A_472 = tpu.memref_squeeze %dma_wait3A_471 : memref<1x128xi32, #tpu.memory_space<vmem>> -> memref<128xi32, #tpu.memory_space<vmem>>
      %dma_wait3A_473 = arith.constant 0 : i32
      %dma_wait3A_474 = arith.constant 0 : i32
      %dma_wait3A_475 = tpu.memref_slice %arg3[%add3A, %dma_wait3A_473, %dma_wait3A_474] : memref<8x20000x16xf32, #tpu.memory_space<hbm>> -> memref<1x20000x16xf32, #tpu.memory_space<hbm>>
      %dma_wait3A_476 = tpu.memref_squeeze %dma_wait3A_475 : memref<1x20000x16xf32, #tpu.memory_space<hbm>> -> memref<20000x16xf32, #tpu.memory_space<hbm>>
      %dma_wait3A_477 = arith.constant 0 : i32
      %dma_wait3A_478 = arith.constant 0 : i32
      %dma_wait3A_479 = tpu.memref_slice %dma_wait3A_476[%dma_wait3A_477, %dma_wait3A_478] : memref<20000x16xf32, #tpu.memory_space<hbm>> -> memref<20000x16xf32, #tpu.memory_space<hbm>>
      tpu.wait_indirect_dma semaphore(%arg12 : memref<!tpu.dma_semaphore, #tpu.memory_space<semaphore_mem>>) src(%dma_wait3A_479 : memref<20000x16xf32, #tpu.memory_space<hbm>>) dst(%dma_wait3A_469 : memref<128x16xf32, #tpu.memory_space<vmem>>)
      %dma_wait3A_480 = arith.constant 9 : i32
      %dma_wait3A_481 = arith.constant 128 : i32
      %dma_wait3A_482 = arith.constant 0 : i32
      %dma_wait3A_483 = tpu.memref_slice %arg11[%dma_wait3A_481, %dma_wait3A_482] : memref<1024x16xf32, #tpu.memory_space<vmem>> -> memref<128x16xf32, #tpu.memory_space<vmem>>
      %dma_wait3A_484 = arith.constant 0 : i32
      %dma_wait3A_485 = tpu.memref_slice %arg10[%dma_wait3A_480, %dma_wait3A_484] : memref<32x128xi32, #tpu.memory_space<vmem>> -> memref<1x128xi32, #tpu.memory_space<vmem>>
      %dma_wait3A_486 = tpu.memref_squeeze %dma_wait3A_485 : memref<1x128xi32, #tpu.memory_space<vmem>> -> memref<128xi32, #tpu.memory_space<vmem>>
      %dma_wait3A_487 = arith.constant 0 : i32
      %dma_wait3A_488 = arith.constant 0 : i32
      %dma_wait3A_489 = tpu.memref_slice %arg3[%add3A, %dma_wait3A_487, %dma_wait3A_488] : memref<8x20000x16xf32, #tpu.memory_space<hbm>> -> memref<1x20000x16xf32, #tpu.memory_space<hbm>>
      %dma_wait3A_490 = tpu.memref_squeeze %dma_wait3A_489 : memref<1x20000x16xf32, #tpu.memory_space<hbm>> -> memref<20000x16xf32, #tpu.memory_space<hbm>>
      %dma_wait3A_491 = arith.constant 0 : i32
      %dma_wait3A_492 = arith.constant 0 : i32
      %dma_wait3A_493 = tpu.memref_slice %dma_wait3A_490[%dma_wait3A_491, %dma_wait3A_492] : memref<20000x16xf32, #tpu.memory_space<hbm>> -> memref<20000x16xf32, #tpu.memory_space<hbm>>
      tpu.wait_indirect_dma semaphore(%arg12 : memref<!tpu.dma_semaphore, #tpu.memory_space<semaphore_mem>>) src(%dma_wait3A_493 : memref<20000x16xf32, #tpu.memory_space<hbm>>) dst(%dma_wait3A_483 : memref<128x16xf32, #tpu.memory_space<vmem>>)
      %dma_wait3A_494 = arith.constant 10 : i32
      %dma_wait3A_495 = arith.constant 256 : i32
      %dma_wait3A_496 = arith.constant 0 : i32
      %dma_wait3A_497 = tpu.memref_slice %arg11[%dma_wait3A_495, %dma_wait3A_496] : memref<1024x16xf32, #tpu.memory_space<vmem>> -> memref<128x16xf32, #tpu.memory_space<vmem>>
      %dma_wait3A_498 = arith.constant 0 : i32
      %dma_wait3A_499 = tpu.memref_slice %arg10[%dma_wait3A_494, %dma_wait3A_498] : memref<32x128xi32, #tpu.memory_space<vmem>> -> memref<1x128xi32, #tpu.memory_space<vmem>>
      %dma_wait3A_500 = tpu.memref_squeeze %dma_wait3A_499 : memref<1x128xi32, #tpu.memory_space<vmem>> -> memref<128xi32, #tpu.memory_space<vmem>>
      %dma_wait3A_501 = arith.constant 0 : i32
      %dma_wait3A_502 = arith.constant 0 : i32
      %dma_wait3A_503 = tpu.memref_slice %arg3[%add3A, %dma_wait3A_501, %dma_wait3A_502] : memref<8x20000x16xf32, #tpu.memory_space<hbm>> -> memref<1x20000x16xf32, #tpu.memory_space<hbm>>
      %dma_wait3A_504 = tpu.memref_squeeze %dma_wait3A_503 : memref<1x20000x16xf32, #tpu.memory_space<hbm>> -> memref<20000x16xf32, #tpu.memory_space<hbm>>
      %dma_wait3A_505 = arith.constant 0 : i32
      %dma_wait3A_506 = arith.constant 0 : i32
      %dma_wait3A_507 = tpu.memref_slice %dma_wait3A_504[%dma_wait3A_505, %dma_wait3A_506] : memref<20000x16xf32, #tpu.memory_space<hbm>> -> memref<20000x16xf32, #tpu.memory_space<hbm>>
      tpu.wait_indirect_dma semaphore(%arg12 : memref<!tpu.dma_semaphore, #tpu.memory_space<semaphore_mem>>) src(%dma_wait3A_507 : memref<20000x16xf32, #tpu.memory_space<hbm>>) dst(%dma_wait3A_497 : memref<128x16xf32, #tpu.memory_space<vmem>>)
      %dma_wait3A_508 = arith.constant 11 : i32
      %dma_wait3A_509 = arith.constant 384 : i32
      %dma_wait3A_510 = arith.constant 0 : i32
      %dma_wait3A_511 = tpu.memref_slice %arg11[%dma_wait3A_509, %dma_wait3A_510] : memref<1024x16xf32, #tpu.memory_space<vmem>> -> memref<128x16xf32, #tpu.memory_space<vmem>>
      %dma_wait3A_512 = arith.constant 0 : i32
      %dma_wait3A_513 = tpu.memref_slice %arg10[%dma_wait3A_508, %dma_wait3A_512] : memref<32x128xi32, #tpu.memory_space<vmem>> -> memref<1x128xi32, #tpu.memory_space<vmem>>
      %dma_wait3A_514 = tpu.memref_squeeze %dma_wait3A_513 : memref<1x128xi32, #tpu.memory_space<vmem>> -> memref<128xi32, #tpu.memory_space<vmem>>
      %dma_wait3A_515 = arith.constant 0 : i32
      %dma_wait3A_516 = arith.constant 0 : i32
      %dma_wait3A_517 = tpu.memref_slice %arg3[%add3A, %dma_wait3A_515, %dma_wait3A_516] : memref<8x20000x16xf32, #tpu.memory_space<hbm>> -> memref<1x20000x16xf32, #tpu.memory_space<hbm>>
      %dma_wait3A_518 = tpu.memref_squeeze %dma_wait3A_517 : memref<1x20000x16xf32, #tpu.memory_space<hbm>> -> memref<20000x16xf32, #tpu.memory_space<hbm>>
      %dma_wait3A_519 = arith.constant 0 : i32
      %dma_wait3A_520 = arith.constant 0 : i32
      %dma_wait3A_521 = tpu.memref_slice %dma_wait3A_518[%dma_wait3A_519, %dma_wait3A_520] : memref<20000x16xf32, #tpu.memory_space<hbm>> -> memref<20000x16xf32, #tpu.memory_space<hbm>>
      tpu.wait_indirect_dma semaphore(%arg12 : memref<!tpu.dma_semaphore, #tpu.memory_space<semaphore_mem>>) src(%dma_wait3A_521 : memref<20000x16xf32, #tpu.memory_space<hbm>>) dst(%dma_wait3A_511 : memref<128x16xf32, #tpu.memory_space<vmem>>)
      %dma_wait3A_522 = arith.constant 12 : i32
      %dma_wait3A_523 = arith.constant 512 : i32
      %dma_wait3A_524 = arith.constant 0 : i32
      %dma_wait3A_525 = tpu.memref_slice %arg11[%dma_wait3A_523, %dma_wait3A_524] : memref<1024x16xf32, #tpu.memory_space<vmem>> -> memref<128x16xf32, #tpu.memory_space<vmem>>
      %dma_wait3A_526 = arith.constant 0 : i32
      %dma_wait3A_527 = tpu.memref_slice %arg10[%dma_wait3A_522, %dma_wait3A_526] : memref<32x128xi32, #tpu.memory_space<vmem>> -> memref<1x128xi32, #tpu.memory_space<vmem>>
      %dma_wait3A_528 = tpu.memref_squeeze %dma_wait3A_527 : memref<1x128xi32, #tpu.memory_space<vmem>> -> memref<128xi32, #tpu.memory_space<vmem>>
      %dma_wait3A_529 = arith.constant 0 : i32
      %dma_wait3A_530 = arith.constant 0 : i32
      %dma_wait3A_531 = tpu.memref_slice %arg3[%add3A, %dma_wait3A_529, %dma_wait3A_530] : memref<8x20000x16xf32, #tpu.memory_space<hbm>> -> memref<1x20000x16xf32, #tpu.memory_space<hbm>>
      %dma_wait3A_532 = tpu.memref_squeeze %dma_wait3A_531 : memref<1x20000x16xf32, #tpu.memory_space<hbm>> -> memref<20000x16xf32, #tpu.memory_space<hbm>>
      %dma_wait3A_533 = arith.constant 0 : i32
      %dma_wait3A_534 = arith.constant 0 : i32
      %dma_wait3A_535 = tpu.memref_slice %dma_wait3A_532[%dma_wait3A_533, %dma_wait3A_534] : memref<20000x16xf32, #tpu.memory_space<hbm>> -> memref<20000x16xf32, #tpu.memory_space<hbm>>
      tpu.wait_indirect_dma semaphore(%arg12 : memref<!tpu.dma_semaphore, #tpu.memory_space<semaphore_mem>>) src(%dma_wait3A_535 : memref<20000x16xf32, #tpu.memory_space<hbm>>) dst(%dma_wait3A_525 : memref<128x16xf32, #tpu.memory_space<vmem>>)
      %dma_wait3A_536 = arith.constant 13 : i32
      %dma_wait3A_537 = arith.constant 640 : i32
      %dma_wait3A_538 = arith.constant 0 : i32
      %dma_wait3A_539 = tpu.memref_slice %arg11[%dma_wait3A_537, %dma_wait3A_538] : memref<1024x16xf32, #tpu.memory_space<vmem>> -> memref<128x16xf32, #tpu.memory_space<vmem>>
      %dma_wait3A_540 = arith.constant 0 : i32
      %dma_wait3A_541 = tpu.memref_slice %arg10[%dma_wait3A_536, %dma_wait3A_540] : memref<32x128xi32, #tpu.memory_space<vmem>> -> memref<1x128xi32, #tpu.memory_space<vmem>>
      %dma_wait3A_542 = tpu.memref_squeeze %dma_wait3A_541 : memref<1x128xi32, #tpu.memory_space<vmem>> -> memref<128xi32, #tpu.memory_space<vmem>>
      %dma_wait3A_543 = arith.constant 0 : i32
      %dma_wait3A_544 = arith.constant 0 : i32
      %dma_wait3A_545 = tpu.memref_slice %arg3[%add3A, %dma_wait3A_543, %dma_wait3A_544] : memref<8x20000x16xf32, #tpu.memory_space<hbm>> -> memref<1x20000x16xf32, #tpu.memory_space<hbm>>
      %dma_wait3A_546 = tpu.memref_squeeze %dma_wait3A_545 : memref<1x20000x16xf32, #tpu.memory_space<hbm>> -> memref<20000x16xf32, #tpu.memory_space<hbm>>
      %dma_wait3A_547 = arith.constant 0 : i32
      %dma_wait3A_548 = arith.constant 0 : i32
      %dma_wait3A_549 = tpu.memref_slice %dma_wait3A_546[%dma_wait3A_547, %dma_wait3A_548] : memref<20000x16xf32, #tpu.memory_space<hbm>> -> memref<20000x16xf32, #tpu.memory_space<hbm>>
      tpu.wait_indirect_dma semaphore(%arg12 : memref<!tpu.dma_semaphore, #tpu.memory_space<semaphore_mem>>) src(%dma_wait3A_549 : memref<20000x16xf32, #tpu.memory_space<hbm>>) dst(%dma_wait3A_539 : memref<128x16xf32, #tpu.memory_space<vmem>>)
      %dma_wait3A_550 = arith.constant 14 : i32
      %dma_wait3A_551 = arith.constant 768 : i32
      %dma_wait3A_552 = arith.constant 0 : i32
      %dma_wait3A_553 = tpu.memref_slice %arg11[%dma_wait3A_551, %dma_wait3A_552] : memref<1024x16xf32, #tpu.memory_space<vmem>> -> memref<128x16xf32, #tpu.memory_space<vmem>>
      %dma_wait3A_554 = arith.constant 0 : i32
      %dma_wait3A_555 = tpu.memref_slice %arg10[%dma_wait3A_550, %dma_wait3A_554] : memref<32x128xi32, #tpu.memory_space<vmem>> -> memref<1x128xi32, #tpu.memory_space<vmem>>
      %dma_wait3A_556 = tpu.memref_squeeze %dma_wait3A_555 : memref<1x128xi32, #tpu.memory_space<vmem>> -> memref<128xi32, #tpu.memory_space<vmem>>
      %dma_wait3A_557 = arith.constant 0 : i32
      %dma_wait3A_558 = arith.constant 0 : i32
      %dma_wait3A_559 = tpu.memref_slice %arg3[%add3A, %dma_wait3A_557, %dma_wait3A_558] : memref<8x20000x16xf32, #tpu.memory_space<hbm>> -> memref<1x20000x16xf32, #tpu.memory_space<hbm>>
      %dma_wait3A_560 = tpu.memref_squeeze %dma_wait3A_559 : memref<1x20000x16xf32, #tpu.memory_space<hbm>> -> memref<20000x16xf32, #tpu.memory_space<hbm>>
      %dma_wait3A_561 = arith.constant 0 : i32
      %dma_wait3A_562 = arith.constant 0 : i32
      %dma_wait3A_563 = tpu.memref_slice %dma_wait3A_560[%dma_wait3A_561, %dma_wait3A_562] : memref<20000x16xf32, #tpu.memory_space<hbm>> -> memref<20000x16xf32, #tpu.memory_space<hbm>>
      tpu.wait_indirect_dma semaphore(%arg12 : memref<!tpu.dma_semaphore, #tpu.memory_space<semaphore_mem>>) src(%dma_wait3A_563 : memref<20000x16xf32, #tpu.memory_space<hbm>>) dst(%dma_wait3A_553 : memref<128x16xf32, #tpu.memory_space<vmem>>)
      %dma_wait3A_564 = arith.constant 15 : i32
      %dma_wait3A_565 = arith.constant 896 : i32
      %dma_wait3A_566 = arith.constant 0 : i32
      %dma_wait3A_567 = tpu.memref_slice %arg11[%dma_wait3A_565, %dma_wait3A_566] : memref<1024x16xf32, #tpu.memory_space<vmem>> -> memref<128x16xf32, #tpu.memory_space<vmem>>
      %dma_wait3A_568 = arith.constant 0 : i32
      %dma_wait3A_569 = tpu.memref_slice %arg10[%dma_wait3A_564, %dma_wait3A_568] : memref<32x128xi32, #tpu.memory_space<vmem>> -> memref<1x128xi32, #tpu.memory_space<vmem>>
      %dma_wait3A_570 = tpu.memref_squeeze %dma_wait3A_569 : memref<1x128xi32, #tpu.memory_space<vmem>> -> memref<128xi32, #tpu.memory_space<vmem>>
      %dma_wait3A_571 = arith.constant 0 : i32
      %dma_wait3A_572 = arith.constant 0 : i32
      %dma_wait3A_573 = tpu.memref_slice %arg3[%add3A, %dma_wait3A_571, %dma_wait3A_572] : memref<8x20000x16xf32, #tpu.memory_space<hbm>> -> memref<1x20000x16xf32, #tpu.memory_space<hbm>>
      %dma_wait3A_574 = tpu.memref_squeeze %dma_wait3A_573 : memref<1x20000x16xf32, #tpu.memory_space<hbm>> -> memref<20000x16xf32, #tpu.memory_space<hbm>>
      %dma_wait3A_575 = arith.constant 0 : i32
      %dma_wait3A_576 = arith.constant 0 : i32
      %dma_wait3A_577 = tpu.memref_slice %dma_wait3A_574[%dma_wait3A_575, %dma_wait3A_576] : memref<20000x16xf32, #tpu.memory_space<hbm>> -> memref<20000x16xf32, #tpu.memory_space<hbm>>
      tpu.wait_indirect_dma semaphore(%arg12 : memref<!tpu.dma_semaphore, #tpu.memory_space<semaphore_mem>>) src(%dma_wait3A_577 : memref<20000x16xf32, #tpu.memory_space<hbm>>) dst(%dma_wait3A_567 : memref<128x16xf32, #tpu.memory_space<vmem>>)
      "tpu.region"() ({
        %run_scoped3A = tpu.sem_alloc : memref<!tpu.dma_semaphore, #tpu.memory_space<semaphore_mem>>
        %dma_start3A_1026 = arith.constant 0 : i32
        %dma_start3A_1027 = arith.constant 0 : i32
        %dma_start3A_1028 = tpu.memref_slice %arg4[%add3A, %dma_start3A_1026, %dma_start3A_1027] : memref<8x4096x16xf32, #tpu.memory_space<hbm>> -> memref<1x4096x16xf32, #tpu.memory_space<hbm>>
        %dma_start3A_1029 = tpu.memref_squeeze %dma_start3A_1028 : memref<1x4096x16xf32, #tpu.memory_space<hbm>> -> memref<4096x16xf32, #tpu.memory_space<hbm>>
        %dma_start3A_1030 = arith.constant 1024 : i32
        %dma_start3A_1031 = arith.constant 0 : i32
        %dma_start3A_1032 = tpu.memref_slice %dma_start3A_1029[%dma_start3A_1030, %dma_start3A_1031] : memref<4096x16xf32, #tpu.memory_space<hbm>> -> memref<1024x16xf32, #tpu.memory_space<hbm>>
        %dma_start3A_1033 = arith.constant 0 : i32
        %dma_start3A_1034 = arith.constant 0 : i32
        %dma_start3A_1035 = tpu.memref_slice %arg4[%add3A, %dma_start3A_1033, %dma_start3A_1034] : memref<8x4096x16xf32, #tpu.memory_space<hbm>> -> memref<1x4096x16xf32, #tpu.memory_space<hbm>>
        %dma_start3A_1036 = tpu.memref_squeeze %dma_start3A_1035 : memref<1x4096x16xf32, #tpu.memory_space<hbm>> -> memref<4096x16xf32, #tpu.memory_space<hbm>>
        %dma_start3A_1037 = arith.constant 1024 : i32
        %dma_start3A_1038 = arith.constant 0 : i32
        %dma_start3A_1039 = tpu.memref_slice %dma_start3A_1036[%dma_start3A_1037, %dma_start3A_1038] : memref<4096x16xf32, #tpu.memory_space<hbm>> -> memref<1024x16xf32, #tpu.memory_space<hbm>>
        tpu.enqueue_dma source(%arg11 : memref<1024x16xf32, #tpu.memory_space<vmem>>) target(%dma_start3A_1039 : memref<1024x16xf32, #tpu.memory_space<hbm>>) target_semaphore(%run_scoped3A : memref<!tpu.dma_semaphore, #tpu.memory_space<semaphore_mem>>)
        %dma_wait3A_1040 = arith.constant 0 : i32
        %dma_wait3A_1041 = arith.constant 0 : i32
        %dma_wait3A_1042 = tpu.memref_slice %arg4[%add3A, %dma_wait3A_1040, %dma_wait3A_1041] : memref<8x4096x16xf32, #tpu.memory_space<hbm>> -> memref<1x4096x16xf32, #tpu.memory_space<hbm>>
        %dma_wait3A_1043 = tpu.memref_squeeze %dma_wait3A_1042 : memref<1x4096x16xf32, #tpu.memory_space<hbm>> -> memref<4096x16xf32, #tpu.memory_space<hbm>>
        %dma_wait3A_1044 = arith.constant 1024 : i32
        %dma_wait3A_1045 = arith.constant 0 : i32
        %dma_wait3A_1046 = tpu.memref_slice %dma_wait3A_1043[%dma_wait3A_1044, %dma_wait3A_1045] : memref<4096x16xf32, #tpu.memory_space<hbm>> -> memref<1024x16xf32, #tpu.memory_space<hbm>>
        %dma_wait3A_1047 = arith.constant 0 : i32
        %dma_wait3A_1048 = arith.constant 0 : i32
        %dma_wait3A_1049 = tpu.memref_slice %arg4[%add3A, %dma_wait3A_1047, %dma_wait3A_1048] : memref<8x4096x16xf32, #tpu.memory_space<hbm>> -> memref<1x4096x16xf32, #tpu.memory_space<hbm>>
        %dma_wait3A_1050 = tpu.memref_squeeze %dma_wait3A_1049 : memref<1x4096x16xf32, #tpu.memory_space<hbm>> -> memref<4096x16xf32, #tpu.memory_space<hbm>>
        %dma_wait3A_1051 = arith.constant 1024 : i32
        %dma_wait3A_1052 = arith.constant 0 : i32
        %dma_wait3A_1053 = tpu.memref_slice %dma_wait3A_1050[%dma_wait3A_1051, %dma_wait3A_1052] : memref<4096x16xf32, #tpu.memory_space<hbm>> -> memref<1024x16xf32, #tpu.memory_space<hbm>>
        tpu.wait_dma2 semaphore(%run_scoped3A : memref<!tpu.dma_semaphore, #tpu.memory_space<semaphore_mem>>) src(%arg11 : memref<1024x16xf32, #tpu.memory_space<vmem>>) dst(%dma_wait3A_1053 : memref<1024x16xf32, #tpu.memory_space<hbm>>)
        tpu.yield
      }) : () -> ()
      %dma_start3A_578 = arith.constant 16 : i32
      %dma_start3A_579 = arith.constant 0 : i32
      %dma_start3A_580 = arith.constant 0 : i32
      %dma_start3A_581 = tpu.memref_slice %arg11[%dma_start3A_579, %dma_start3A_580] : memref<1024x16xf32, #tpu.memory_space<vmem>> -> memref<128x16xf32, #tpu.memory_space<vmem>>
      %dma_start3A_582 = arith.constant 0 : i32
      %dma_start3A_583 = tpu.memref_slice %arg10[%dma_start3A_578, %dma_start3A_582] : memref<32x128xi32, #tpu.memory_space<vmem>> -> memref<1x128xi32, #tpu.memory_space<vmem>>
      %dma_start3A_584 = tpu.memref_squeeze %dma_start3A_583 : memref<1x128xi32, #tpu.memory_space<vmem>> -> memref<128xi32, #tpu.memory_space<vmem>>
      %dma_start3A_585 = arith.constant 0 : i32
      %dma_start3A_586 = arith.constant 0 : i32
      %dma_start3A_587 = tpu.memref_slice %arg3[%add3A, %dma_start3A_585, %dma_start3A_586] : memref<8x20000x16xf32, #tpu.memory_space<hbm>> -> memref<1x20000x16xf32, #tpu.memory_space<hbm>>
      %dma_start3A_588 = tpu.memref_squeeze %dma_start3A_587 : memref<1x20000x16xf32, #tpu.memory_space<hbm>> -> memref<20000x16xf32, #tpu.memory_space<hbm>>
      %dma_start3A_589 = arith.constant 0 : i32
      %dma_start3A_590 = arith.constant 0 : i32
      %dma_start3A_591 = tpu.memref_slice %dma_start3A_588[%dma_start3A_589, %dma_start3A_590] : memref<20000x16xf32, #tpu.memory_space<hbm>> -> memref<20000x16xf32, #tpu.memory_space<hbm>>
      tpu.enqueue_indirect_dma source(%dma_start3A_591 : memref<20000x16xf32, #tpu.memory_space<hbm>>) target(%dma_start3A_581 : memref<128x16xf32, #tpu.memory_space<vmem>>) offsets(%dma_start3A_584 : memref<128xi32, #tpu.memory_space<vmem>>) semaphore(%arg12 : memref<!tpu.dma_semaphore, #tpu.memory_space<semaphore_mem>>)
      %dma_start3A_592 = arith.constant 17 : i32
      %dma_start3A_593 = arith.constant 128 : i32
      %dma_start3A_594 = arith.constant 0 : i32
      %dma_start3A_595 = tpu.memref_slice %arg11[%dma_start3A_593, %dma_start3A_594] : memref<1024x16xf32, #tpu.memory_space<vmem>> -> memref<128x16xf32, #tpu.memory_space<vmem>>
      %dma_start3A_596 = arith.constant 0 : i32
      %dma_start3A_597 = tpu.memref_slice %arg10[%dma_start3A_592, %dma_start3A_596] : memref<32x128xi32, #tpu.memory_space<vmem>> -> memref<1x128xi32, #tpu.memory_space<vmem>>
      %dma_start3A_598 = tpu.memref_squeeze %dma_start3A_597 : memref<1x128xi32, #tpu.memory_space<vmem>> -> memref<128xi32, #tpu.memory_space<vmem>>
      %dma_start3A_599 = arith.constant 0 : i32
      %dma_start3A_600 = arith.constant 0 : i32
      %dma_start3A_601 = tpu.memref_slice %arg3[%add3A, %dma_start3A_599, %dma_start3A_600] : memref<8x20000x16xf32, #tpu.memory_space<hbm>> -> memref<1x20000x16xf32, #tpu.memory_space<hbm>>
      %dma_start3A_602 = tpu.memref_squeeze %dma_start3A_601 : memref<1x20000x16xf32, #tpu.memory_space<hbm>> -> memref<20000x16xf32, #tpu.memory_space<hbm>>
      %dma_start3A_603 = arith.constant 0 : i32
      %dma_start3A_604 = arith.constant 0 : i32
      %dma_start3A_605 = tpu.memref_slice %dma_start3A_602[%dma_start3A_603, %dma_start3A_604] : memref<20000x16xf32, #tpu.memory_space<hbm>> -> memref<20000x16xf32, #tpu.memory_space<hbm>>
      tpu.enqueue_indirect_dma source(%dma_start3A_605 : memref<20000x16xf32, #tpu.memory_space<hbm>>) target(%dma_start3A_595 : memref<128x16xf32, #tpu.memory_space<vmem>>) offsets(%dma_start3A_598 : memref<128xi32, #tpu.memory_space<vmem>>) semaphore(%arg12 : memref<!tpu.dma_semaphore, #tpu.memory_space<semaphore_mem>>)
      %dma_start3A_606 = arith.constant 18 : i32
      %dma_start3A_607 = arith.constant 256 : i32
      %dma_start3A_608 = arith.constant 0 : i32
      %dma_start3A_609 = tpu.memref_slice %arg11[%dma_start3A_607, %dma_start3A_608] : memref<1024x16xf32, #tpu.memory_space<vmem>> -> memref<128x16xf32, #tpu.memory_space<vmem>>
      %dma_start3A_610 = arith.constant 0 : i32
      %dma_start3A_611 = tpu.memref_slice %arg10[%dma_start3A_606, %dma_start3A_610] : memref<32x128xi32, #tpu.memory_space<vmem>> -> memref<1x128xi32, #tpu.memory_space<vmem>>
      %dma_start3A_612 = tpu.memref_squeeze %dma_start3A_611 : memref<1x128xi32, #tpu.memory_space<vmem>> -> memref<128xi32, #tpu.memory_space<vmem>>
      %dma_start3A_613 = arith.constant 0 : i32
      %dma_start3A_614 = arith.constant 0 : i32
      %dma_start3A_615 = tpu.memref_slice %arg3[%add3A, %dma_start3A_613, %dma_start3A_614] : memref<8x20000x16xf32, #tpu.memory_space<hbm>> -> memref<1x20000x16xf32, #tpu.memory_space<hbm>>
      %dma_start3A_616 = tpu.memref_squeeze %dma_start3A_615 : memref<1x20000x16xf32, #tpu.memory_space<hbm>> -> memref<20000x16xf32, #tpu.memory_space<hbm>>
      %dma_start3A_617 = arith.constant 0 : i32
      %dma_start3A_618 = arith.constant 0 : i32
      %dma_start3A_619 = tpu.memref_slice %dma_start3A_616[%dma_start3A_617, %dma_start3A_618] : memref<20000x16xf32, #tpu.memory_space<hbm>> -> memref<20000x16xf32, #tpu.memory_space<hbm>>
      tpu.enqueue_indirect_dma source(%dma_start3A_619 : memref<20000x16xf32, #tpu.memory_space<hbm>>) target(%dma_start3A_609 : memref<128x16xf32, #tpu.memory_space<vmem>>) offsets(%dma_start3A_612 : memref<128xi32, #tpu.memory_space<vmem>>) semaphore(%arg12 : memref<!tpu.dma_semaphore, #tpu.memory_space<semaphore_mem>>)
      %dma_start3A_620 = arith.constant 19 : i32
      %dma_start3A_621 = arith.constant 384 : i32
      %dma_start3A_622 = arith.constant 0 : i32
      %dma_start3A_623 = tpu.memref_slice %arg11[%dma_start3A_621, %dma_start3A_622] : memref<1024x16xf32, #tpu.memory_space<vmem>> -> memref<128x16xf32, #tpu.memory_space<vmem>>
      %dma_start3A_624 = arith.constant 0 : i32
      %dma_start3A_625 = tpu.memref_slice %arg10[%dma_start3A_620, %dma_start3A_624] : memref<32x128xi32, #tpu.memory_space<vmem>> -> memref<1x128xi32, #tpu.memory_space<vmem>>
      %dma_start3A_626 = tpu.memref_squeeze %dma_start3A_625 : memref<1x128xi32, #tpu.memory_space<vmem>> -> memref<128xi32, #tpu.memory_space<vmem>>
      %dma_start3A_627 = arith.constant 0 : i32
      %dma_start3A_628 = arith.constant 0 : i32
      %dma_start3A_629 = tpu.memref_slice %arg3[%add3A, %dma_start3A_627, %dma_start3A_628] : memref<8x20000x16xf32, #tpu.memory_space<hbm>> -> memref<1x20000x16xf32, #tpu.memory_space<hbm>>
      %dma_start3A_630 = tpu.memref_squeeze %dma_start3A_629 : memref<1x20000x16xf32, #tpu.memory_space<hbm>> -> memref<20000x16xf32, #tpu.memory_space<hbm>>
      %dma_start3A_631 = arith.constant 0 : i32
      %dma_start3A_632 = arith.constant 0 : i32
      %dma_start3A_633 = tpu.memref_slice %dma_start3A_630[%dma_start3A_631, %dma_start3A_632] : memref<20000x16xf32, #tpu.memory_space<hbm>> -> memref<20000x16xf32, #tpu.memory_space<hbm>>
      tpu.enqueue_indirect_dma source(%dma_start3A_633 : memref<20000x16xf32, #tpu.memory_space<hbm>>) target(%dma_start3A_623 : memref<128x16xf32, #tpu.memory_space<vmem>>) offsets(%dma_start3A_626 : memref<128xi32, #tpu.memory_space<vmem>>) semaphore(%arg12 : memref<!tpu.dma_semaphore, #tpu.memory_space<semaphore_mem>>)
      %dma_start3A_634 = arith.constant 20 : i32
      %dma_start3A_635 = arith.constant 512 : i32
      %dma_start3A_636 = arith.constant 0 : i32
      %dma_start3A_637 = tpu.memref_slice %arg11[%dma_start3A_635, %dma_start3A_636] : memref<1024x16xf32, #tpu.memory_space<vmem>> -> memref<128x16xf32, #tpu.memory_space<vmem>>
      %dma_start3A_638 = arith.constant 0 : i32
      %dma_start3A_639 = tpu.memref_slice %arg10[%dma_start3A_634, %dma_start3A_638] : memref<32x128xi32, #tpu.memory_space<vmem>> -> memref<1x128xi32, #tpu.memory_space<vmem>>
      %dma_start3A_640 = tpu.memref_squeeze %dma_start3A_639 : memref<1x128xi32, #tpu.memory_space<vmem>> -> memref<128xi32, #tpu.memory_space<vmem>>
      %dma_start3A_641 = arith.constant 0 : i32
      %dma_start3A_642 = arith.constant 0 : i32
      %dma_start3A_643 = tpu.memref_slice %arg3[%add3A, %dma_start3A_641, %dma_start3A_642] : memref<8x20000x16xf32, #tpu.memory_space<hbm>> -> memref<1x20000x16xf32, #tpu.memory_space<hbm>>
      %dma_start3A_644 = tpu.memref_squeeze %dma_start3A_643 : memref<1x20000x16xf32, #tpu.memory_space<hbm>> -> memref<20000x16xf32, #tpu.memory_space<hbm>>
      %dma_start3A_645 = arith.constant 0 : i32
      %dma_start3A_646 = arith.constant 0 : i32
      %dma_start3A_647 = tpu.memref_slice %dma_start3A_644[%dma_start3A_645, %dma_start3A_646] : memref<20000x16xf32, #tpu.memory_space<hbm>> -> memref<20000x16xf32, #tpu.memory_space<hbm>>
      tpu.enqueue_indirect_dma source(%dma_start3A_647 : memref<20000x16xf32, #tpu.memory_space<hbm>>) target(%dma_start3A_637 : memref<128x16xf32, #tpu.memory_space<vmem>>) offsets(%dma_start3A_640 : memref<128xi32, #tpu.memory_space<vmem>>) semaphore(%arg12 : memref<!tpu.dma_semaphore, #tpu.memory_space<semaphore_mem>>)
      %dma_start3A_648 = arith.constant 21 : i32
      %dma_start3A_649 = arith.constant 640 : i32
      %dma_start3A_650 = arith.constant 0 : i32
      %dma_start3A_651 = tpu.memref_slice %arg11[%dma_start3A_649, %dma_start3A_650] : memref<1024x16xf32, #tpu.memory_space<vmem>> -> memref<128x16xf32, #tpu.memory_space<vmem>>
      %dma_start3A_652 = arith.constant 0 : i32
      %dma_start3A_653 = tpu.memref_slice %arg10[%dma_start3A_648, %dma_start3A_652] : memref<32x128xi32, #tpu.memory_space<vmem>> -> memref<1x128xi32, #tpu.memory_space<vmem>>
      %dma_start3A_654 = tpu.memref_squeeze %dma_start3A_653 : memref<1x128xi32, #tpu.memory_space<vmem>> -> memref<128xi32, #tpu.memory_space<vmem>>
      %dma_start3A_655 = arith.constant 0 : i32
      %dma_start3A_656 = arith.constant 0 : i32
      %dma_start3A_657 = tpu.memref_slice %arg3[%add3A, %dma_start3A_655, %dma_start3A_656] : memref<8x20000x16xf32, #tpu.memory_space<hbm>> -> memref<1x20000x16xf32, #tpu.memory_space<hbm>>
      %dma_start3A_658 = tpu.memref_squeeze %dma_start3A_657 : memref<1x20000x16xf32, #tpu.memory_space<hbm>> -> memref<20000x16xf32, #tpu.memory_space<hbm>>
      %dma_start3A_659 = arith.constant 0 : i32
      %dma_start3A_660 = arith.constant 0 : i32
      %dma_start3A_661 = tpu.memref_slice %dma_start3A_658[%dma_start3A_659, %dma_start3A_660] : memref<20000x16xf32, #tpu.memory_space<hbm>> -> memref<20000x16xf32, #tpu.memory_space<hbm>>
      tpu.enqueue_indirect_dma source(%dma_start3A_661 : memref<20000x16xf32, #tpu.memory_space<hbm>>) target(%dma_start3A_651 : memref<128x16xf32, #tpu.memory_space<vmem>>) offsets(%dma_start3A_654 : memref<128xi32, #tpu.memory_space<vmem>>) semaphore(%arg12 : memref<!tpu.dma_semaphore, #tpu.memory_space<semaphore_mem>>)
      %dma_start3A_662 = arith.constant 22 : i32
      %dma_start3A_663 = arith.constant 768 : i32
      %dma_start3A_664 = arith.constant 0 : i32
      %dma_start3A_665 = tpu.memref_slice %arg11[%dma_start3A_663, %dma_start3A_664] : memref<1024x16xf32, #tpu.memory_space<vmem>> -> memref<128x16xf32, #tpu.memory_space<vmem>>
      %dma_start3A_666 = arith.constant 0 : i32
      %dma_start3A_667 = tpu.memref_slice %arg10[%dma_start3A_662, %dma_start3A_666] : memref<32x128xi32, #tpu.memory_space<vmem>> -> memref<1x128xi32, #tpu.memory_space<vmem>>
      %dma_start3A_668 = tpu.memref_squeeze %dma_start3A_667 : memref<1x128xi32, #tpu.memory_space<vmem>> -> memref<128xi32, #tpu.memory_space<vmem>>
      %dma_start3A_669 = arith.constant 0 : i32
      %dma_start3A_670 = arith.constant 0 : i32
      %dma_start3A_671 = tpu.memref_slice %arg3[%add3A, %dma_start3A_669, %dma_start3A_670] : memref<8x20000x16xf32, #tpu.memory_space<hbm>> -> memref<1x20000x16xf32, #tpu.memory_space<hbm>>
      %dma_start3A_672 = tpu.memref_squeeze %dma_start3A_671 : memref<1x20000x16xf32, #tpu.memory_space<hbm>> -> memref<20000x16xf32, #tpu.memory_space<hbm>>
      %dma_start3A_673 = arith.constant 0 : i32
      %dma_start3A_674 = arith.constant 0 : i32
      %dma_start3A_675 = tpu.memref_slice %dma_start3A_672[%dma_start3A_673, %dma_start3A_674] : memref<20000x16xf32, #tpu.memory_space<hbm>> -> memref<20000x16xf32, #tpu.memory_space<hbm>>
      tpu.enqueue_indirect_dma source(%dma_start3A_675 : memref<20000x16xf32, #tpu.memory_space<hbm>>) target(%dma_start3A_665 : memref<128x16xf32, #tpu.memory_space<vmem>>) offsets(%dma_start3A_668 : memref<128xi32, #tpu.memory_space<vmem>>) semaphore(%arg12 : memref<!tpu.dma_semaphore, #tpu.memory_space<semaphore_mem>>)
      %dma_start3A_676 = arith.constant 23 : i32
      %dma_start3A_677 = arith.constant 896 : i32
      %dma_start3A_678 = arith.constant 0 : i32
      %dma_start3A_679 = tpu.memref_slice %arg11[%dma_start3A_677, %dma_start3A_678] : memref<1024x16xf32, #tpu.memory_space<vmem>> -> memref<128x16xf32, #tpu.memory_space<vmem>>
      %dma_start3A_680 = arith.constant 0 : i32
      %dma_start3A_681 = tpu.memref_slice %arg10[%dma_start3A_676, %dma_start3A_680] : memref<32x128xi32, #tpu.memory_space<vmem>> -> memref<1x128xi32, #tpu.memory_space<vmem>>
      %dma_start3A_682 = tpu.memref_squeeze %dma_start3A_681 : memref<1x128xi32, #tpu.memory_space<vmem>> -> memref<128xi32, #tpu.memory_space<vmem>>
      %dma_start3A_683 = arith.constant 0 : i32
      %dma_start3A_684 = arith.constant 0 : i32
      %dma_start3A_685 = tpu.memref_slice %arg3[%add3A, %dma_start3A_683, %dma_start3A_684] : memref<8x20000x16xf32, #tpu.memory_space<hbm>> -> memref<1x20000x16xf32, #tpu.memory_space<hbm>>
      %dma_start3A_686 = tpu.memref_squeeze %dma_start3A_685 : memref<1x20000x16xf32, #tpu.memory_space<hbm>> -> memref<20000x16xf32, #tpu.memory_space<hbm>>
      %dma_start3A_687 = arith.constant 0 : i32
      %dma_start3A_688 = arith.constant 0 : i32
      %dma_start3A_689 = tpu.memref_slice %dma_start3A_686[%dma_start3A_687, %dma_start3A_688] : memref<20000x16xf32, #tpu.memory_space<hbm>> -> memref<20000x16xf32, #tpu.memory_space<hbm>>
      tpu.enqueue_indirect_dma source(%dma_start3A_689 : memref<20000x16xf32, #tpu.memory_space<hbm>>) target(%dma_start3A_679 : memref<128x16xf32, #tpu.memory_space<vmem>>) offsets(%dma_start3A_682 : memref<128xi32, #tpu.memory_space<vmem>>) semaphore(%arg12 : memref<!tpu.dma_semaphore, #tpu.memory_space<semaphore_mem>>)
      %dma_wait3A_690 = arith.constant 16 : i32
      %dma_wait3A_691 = arith.constant 0 : i32
      %dma_wait3A_692 = arith.constant 0 : i32
      %dma_wait3A_693 = tpu.memref_slice %arg11[%dma_wait3A_691, %dma_wait3A_692] : memref<1024x16xf32, #tpu.memory_space<vmem>> -> memref<128x16xf32, #tpu.memory_space<vmem>>
      %dma_wait3A_694 = arith.constant 0 : i32
      %dma_wait3A_695 = tpu.memref_slice %arg10[%dma_wait3A_690, %dma_wait3A_694] : memref<32x128xi32, #tpu.memory_space<vmem>> -> memref<1x128xi32, #tpu.memory_space<vmem>>
      %dma_wait3A_696 = tpu.memref_squeeze %dma_wait3A_695 : memref<1x128xi32, #tpu.memory_space<vmem>> -> memref<128xi32, #tpu.memory_space<vmem>>
      %dma_wait3A_697 = arith.constant 0 : i32
      %dma_wait3A_698 = arith.constant 0 : i32
      %dma_wait3A_699 = tpu.memref_slice %arg3[%add3A, %dma_wait3A_697, %dma_wait3A_698] : memref<8x20000x16xf32, #tpu.memory_space<hbm>> -> memref<1x20000x16xf32, #tpu.memory_space<hbm>>
      %dma_wait3A_700 = tpu.memref_squeeze %dma_wait3A_699 : memref<1x20000x16xf32, #tpu.memory_space<hbm>> -> memref<20000x16xf32, #tpu.memory_space<hbm>>
      %dma_wait3A_701 = arith.constant 0 : i32
      %dma_wait3A_702 = arith.constant 0 : i32
      %dma_wait3A_703 = tpu.memref_slice %dma_wait3A_700[%dma_wait3A_701, %dma_wait3A_702] : memref<20000x16xf32, #tpu.memory_space<hbm>> -> memref<20000x16xf32, #tpu.memory_space<hbm>>
      tpu.wait_indirect_dma semaphore(%arg12 : memref<!tpu.dma_semaphore, #tpu.memory_space<semaphore_mem>>) src(%dma_wait3A_703 : memref<20000x16xf32, #tpu.memory_space<hbm>>) dst(%dma_wait3A_693 : memref<128x16xf32, #tpu.memory_space<vmem>>)
      %dma_wait3A_704 = arith.constant 17 : i32
      %dma_wait3A_705 = arith.constant 128 : i32
      %dma_wait3A_706 = arith.constant 0 : i32
      %dma_wait3A_707 = tpu.memref_slice %arg11[%dma_wait3A_705, %dma_wait3A_706] : memref<1024x16xf32, #tpu.memory_space<vmem>> -> memref<128x16xf32, #tpu.memory_space<vmem>>
      %dma_wait3A_708 = arith.constant 0 : i32
      %dma_wait3A_709 = tpu.memref_slice %arg10[%dma_wait3A_704, %dma_wait3A_708] : memref<32x128xi32, #tpu.memory_space<vmem>> -> memref<1x128xi32, #tpu.memory_space<vmem>>
      %dma_wait3A_710 = tpu.memref_squeeze %dma_wait3A_709 : memref<1x128xi32, #tpu.memory_space<vmem>> -> memref<128xi32, #tpu.memory_space<vmem>>
      %dma_wait3A_711 = arith.constant 0 : i32
      %dma_wait3A_712 = arith.constant 0 : i32
      %dma_wait3A_713 = tpu.memref_slice %arg3[%add3A, %dma_wait3A_711, %dma_wait3A_712] : memref<8x20000x16xf32, #tpu.memory_space<hbm>> -> memref<1x20000x16xf32, #tpu.memory_space<hbm>>
      %dma_wait3A_714 = tpu.memref_squeeze %dma_wait3A_713 : memref<1x20000x16xf32, #tpu.memory_space<hbm>> -> memref<20000x16xf32, #tpu.memory_space<hbm>>
      %dma_wait3A_715 = arith.constant 0 : i32
      %dma_wait3A_716 = arith.constant 0 : i32
      %dma_wait3A_717 = tpu.memref_slice %dma_wait3A_714[%dma_wait3A_715, %dma_wait3A_716] : memref<20000x16xf32, #tpu.memory_space<hbm>> -> memref<20000x16xf32, #tpu.memory_space<hbm>>
      tpu.wait_indirect_dma semaphore(%arg12 : memref<!tpu.dma_semaphore, #tpu.memory_space<semaphore_mem>>) src(%dma_wait3A_717 : memref<20000x16xf32, #tpu.memory_space<hbm>>) dst(%dma_wait3A_707 : memref<128x16xf32, #tpu.memory_space<vmem>>)
      %dma_wait3A_718 = arith.constant 18 : i32
      %dma_wait3A_719 = arith.constant 256 : i32
      %dma_wait3A_720 = arith.constant 0 : i32
      %dma_wait3A_721 = tpu.memref_slice %arg11[%dma_wait3A_719, %dma_wait3A_720] : memref<1024x16xf32, #tpu.memory_space<vmem>> -> memref<128x16xf32, #tpu.memory_space<vmem>>
      %dma_wait3A_722 = arith.constant 0 : i32
      %dma_wait3A_723 = tpu.memref_slice %arg10[%dma_wait3A_718, %dma_wait3A_722] : memref<32x128xi32, #tpu.memory_space<vmem>> -> memref<1x128xi32, #tpu.memory_space<vmem>>
      %dma_wait3A_724 = tpu.memref_squeeze %dma_wait3A_723 : memref<1x128xi32, #tpu.memory_space<vmem>> -> memref<128xi32, #tpu.memory_space<vmem>>
      %dma_wait3A_725 = arith.constant 0 : i32
      %dma_wait3A_726 = arith.constant 0 : i32
      %dma_wait3A_727 = tpu.memref_slice %arg3[%add3A, %dma_wait3A_725, %dma_wait3A_726] : memref<8x20000x16xf32, #tpu.memory_space<hbm>> -> memref<1x20000x16xf32, #tpu.memory_space<hbm>>
      %dma_wait3A_728 = tpu.memref_squeeze %dma_wait3A_727 : memref<1x20000x16xf32, #tpu.memory_space<hbm>> -> memref<20000x16xf32, #tpu.memory_space<hbm>>
      %dma_wait3A_729 = arith.constant 0 : i32
      %dma_wait3A_730 = arith.constant 0 : i32
      %dma_wait3A_731 = tpu.memref_slice %dma_wait3A_728[%dma_wait3A_729, %dma_wait3A_730] : memref<20000x16xf32, #tpu.memory_space<hbm>> -> memref<20000x16xf32, #tpu.memory_space<hbm>>
      tpu.wait_indirect_dma semaphore(%arg12 : memref<!tpu.dma_semaphore, #tpu.memory_space<semaphore_mem>>) src(%dma_wait3A_731 : memref<20000x16xf32, #tpu.memory_space<hbm>>) dst(%dma_wait3A_721 : memref<128x16xf32, #tpu.memory_space<vmem>>)
      %dma_wait3A_732 = arith.constant 19 : i32
      %dma_wait3A_733 = arith.constant 384 : i32
      %dma_wait3A_734 = arith.constant 0 : i32
      %dma_wait3A_735 = tpu.memref_slice %arg11[%dma_wait3A_733, %dma_wait3A_734] : memref<1024x16xf32, #tpu.memory_space<vmem>> -> memref<128x16xf32, #tpu.memory_space<vmem>>
      %dma_wait3A_736 = arith.constant 0 : i32
      %dma_wait3A_737 = tpu.memref_slice %arg10[%dma_wait3A_732, %dma_wait3A_736] : memref<32x128xi32, #tpu.memory_space<vmem>> -> memref<1x128xi32, #tpu.memory_space<vmem>>
      %dma_wait3A_738 = tpu.memref_squeeze %dma_wait3A_737 : memref<1x128xi32, #tpu.memory_space<vmem>> -> memref<128xi32, #tpu.memory_space<vmem>>
      %dma_wait3A_739 = arith.constant 0 : i32
      %dma_wait3A_740 = arith.constant 0 : i32
      %dma_wait3A_741 = tpu.memref_slice %arg3[%add3A, %dma_wait3A_739, %dma_wait3A_740] : memref<8x20000x16xf32, #tpu.memory_space<hbm>> -> memref<1x20000x16xf32, #tpu.memory_space<hbm>>
      %dma_wait3A_742 = tpu.memref_squeeze %dma_wait3A_741 : memref<1x20000x16xf32, #tpu.memory_space<hbm>> -> memref<20000x16xf32, #tpu.memory_space<hbm>>
      %dma_wait3A_743 = arith.constant 0 : i32
      %dma_wait3A_744 = arith.constant 0 : i32
      %dma_wait3A_745 = tpu.memref_slice %dma_wait3A_742[%dma_wait3A_743, %dma_wait3A_744] : memref<20000x16xf32, #tpu.memory_space<hbm>> -> memref<20000x16xf32, #tpu.memory_space<hbm>>
      tpu.wait_indirect_dma semaphore(%arg12 : memref<!tpu.dma_semaphore, #tpu.memory_space<semaphore_mem>>) src(%dma_wait3A_745 : memref<20000x16xf32, #tpu.memory_space<hbm>>) dst(%dma_wait3A_735 : memref<128x16xf32, #tpu.memory_space<vmem>>)
      %dma_wait3A_746 = arith.constant 20 : i32
      %dma_wait3A_747 = arith.constant 512 : i32
      %dma_wait3A_748 = arith.constant 0 : i32
      %dma_wait3A_749 = tpu.memref_slice %arg11[%dma_wait3A_747, %dma_wait3A_748] : memref<1024x16xf32, #tpu.memory_space<vmem>> -> memref<128x16xf32, #tpu.memory_space<vmem>>
      %dma_wait3A_750 = arith.constant 0 : i32
      %dma_wait3A_751 = tpu.memref_slice %arg10[%dma_wait3A_746, %dma_wait3A_750] : memref<32x128xi32, #tpu.memory_space<vmem>> -> memref<1x128xi32, #tpu.memory_space<vmem>>
      %dma_wait3A_752 = tpu.memref_squeeze %dma_wait3A_751 : memref<1x128xi32, #tpu.memory_space<vmem>> -> memref<128xi32, #tpu.memory_space<vmem>>
      %dma_wait3A_753 = arith.constant 0 : i32
      %dma_wait3A_754 = arith.constant 0 : i32
      %dma_wait3A_755 = tpu.memref_slice %arg3[%add3A, %dma_wait3A_753, %dma_wait3A_754] : memref<8x20000x16xf32, #tpu.memory_space<hbm>> -> memref<1x20000x16xf32, #tpu.memory_space<hbm>>
      %dma_wait3A_756 = tpu.memref_squeeze %dma_wait3A_755 : memref<1x20000x16xf32, #tpu.memory_space<hbm>> -> memref<20000x16xf32, #tpu.memory_space<hbm>>
      %dma_wait3A_757 = arith.constant 0 : i32
      %dma_wait3A_758 = arith.constant 0 : i32
      %dma_wait3A_759 = tpu.memref_slice %dma_wait3A_756[%dma_wait3A_757, %dma_wait3A_758] : memref<20000x16xf32, #tpu.memory_space<hbm>> -> memref<20000x16xf32, #tpu.memory_space<hbm>>
      tpu.wait_indirect_dma semaphore(%arg12 : memref<!tpu.dma_semaphore, #tpu.memory_space<semaphore_mem>>) src(%dma_wait3A_759 : memref<20000x16xf32, #tpu.memory_space<hbm>>) dst(%dma_wait3A_749 : memref<128x16xf32, #tpu.memory_space<vmem>>)
      %dma_wait3A_760 = arith.constant 21 : i32
      %dma_wait3A_761 = arith.constant 640 : i32
      %dma_wait3A_762 = arith.constant 0 : i32
      %dma_wait3A_763 = tpu.memref_slice %arg11[%dma_wait3A_761, %dma_wait3A_762] : memref<1024x16xf32, #tpu.memory_space<vmem>> -> memref<128x16xf32, #tpu.memory_space<vmem>>
      %dma_wait3A_764 = arith.constant 0 : i32
      %dma_wait3A_765 = tpu.memref_slice %arg10[%dma_wait3A_760, %dma_wait3A_764] : memref<32x128xi32, #tpu.memory_space<vmem>> -> memref<1x128xi32, #tpu.memory_space<vmem>>
      %dma_wait3A_766 = tpu.memref_squeeze %dma_wait3A_765 : memref<1x128xi32, #tpu.memory_space<vmem>> -> memref<128xi32, #tpu.memory_space<vmem>>
      %dma_wait3A_767 = arith.constant 0 : i32
      %dma_wait3A_768 = arith.constant 0 : i32
      %dma_wait3A_769 = tpu.memref_slice %arg3[%add3A, %dma_wait3A_767, %dma_wait3A_768] : memref<8x20000x16xf32, #tpu.memory_space<hbm>> -> memref<1x20000x16xf32, #tpu.memory_space<hbm>>
      %dma_wait3A_770 = tpu.memref_squeeze %dma_wait3A_769 : memref<1x20000x16xf32, #tpu.memory_space<hbm>> -> memref<20000x16xf32, #tpu.memory_space<hbm>>
      %dma_wait3A_771 = arith.constant 0 : i32
      %dma_wait3A_772 = arith.constant 0 : i32
      %dma_wait3A_773 = tpu.memref_slice %dma_wait3A_770[%dma_wait3A_771, %dma_wait3A_772] : memref<20000x16xf32, #tpu.memory_space<hbm>> -> memref<20000x16xf32, #tpu.memory_space<hbm>>
      tpu.wait_indirect_dma semaphore(%arg12 : memref<!tpu.dma_semaphore, #tpu.memory_space<semaphore_mem>>) src(%dma_wait3A_773 : memref<20000x16xf32, #tpu.memory_space<hbm>>) dst(%dma_wait3A_763 : memref<128x16xf32, #tpu.memory_space<vmem>>)
      %dma_wait3A_774 = arith.constant 22 : i32
      %dma_wait3A_775 = arith.constant 768 : i32
      %dma_wait3A_776 = arith.constant 0 : i32
      %dma_wait3A_777 = tpu.memref_slice %arg11[%dma_wait3A_775, %dma_wait3A_776] : memref<1024x16xf32, #tpu.memory_space<vmem>> -> memref<128x16xf32, #tpu.memory_space<vmem>>
      %dma_wait3A_778 = arith.constant 0 : i32
      %dma_wait3A_779 = tpu.memref_slice %arg10[%dma_wait3A_774, %dma_wait3A_778] : memref<32x128xi32, #tpu.memory_space<vmem>> -> memref<1x128xi32, #tpu.memory_space<vmem>>
      %dma_wait3A_780 = tpu.memref_squeeze %dma_wait3A_779 : memref<1x128xi32, #tpu.memory_space<vmem>> -> memref<128xi32, #tpu.memory_space<vmem>>
      %dma_wait3A_781 = arith.constant 0 : i32
      %dma_wait3A_782 = arith.constant 0 : i32
      %dma_wait3A_783 = tpu.memref_slice %arg3[%add3A, %dma_wait3A_781, %dma_wait3A_782] : memref<8x20000x16xf32, #tpu.memory_space<hbm>> -> memref<1x20000x16xf32, #tpu.memory_space<hbm>>
      %dma_wait3A_784 = tpu.memref_squeeze %dma_wait3A_783 : memref<1x20000x16xf32, #tpu.memory_space<hbm>> -> memref<20000x16xf32, #tpu.memory_space<hbm>>
      %dma_wait3A_785 = arith.constant 0 : i32
      %dma_wait3A_786 = arith.constant 0 : i32
      %dma_wait3A_787 = tpu.memref_slice %dma_wait3A_784[%dma_wait3A_785, %dma_wait3A_786] : memref<20000x16xf32, #tpu.memory_space<hbm>> -> memref<20000x16xf32, #tpu.memory_space<hbm>>
      tpu.wait_indirect_dma semaphore(%arg12 : memref<!tpu.dma_semaphore, #tpu.memory_space<semaphore_mem>>) src(%dma_wait3A_787 : memref<20000x16xf32, #tpu.memory_space<hbm>>) dst(%dma_wait3A_777 : memref<128x16xf32, #tpu.memory_space<vmem>>)
      %dma_wait3A_788 = arith.constant 23 : i32
      %dma_wait3A_789 = arith.constant 896 : i32
      %dma_wait3A_790 = arith.constant 0 : i32
      %dma_wait3A_791 = tpu.memref_slice %arg11[%dma_wait3A_789, %dma_wait3A_790] : memref<1024x16xf32, #tpu.memory_space<vmem>> -> memref<128x16xf32, #tpu.memory_space<vmem>>
      %dma_wait3A_792 = arith.constant 0 : i32
      %dma_wait3A_793 = tpu.memref_slice %arg10[%dma_wait3A_788, %dma_wait3A_792] : memref<32x128xi32, #tpu.memory_space<vmem>> -> memref<1x128xi32, #tpu.memory_space<vmem>>
      %dma_wait3A_794 = tpu.memref_squeeze %dma_wait3A_793 : memref<1x128xi32, #tpu.memory_space<vmem>> -> memref<128xi32, #tpu.memory_space<vmem>>
      %dma_wait3A_795 = arith.constant 0 : i32
      %dma_wait3A_796 = arith.constant 0 : i32
      %dma_wait3A_797 = tpu.memref_slice %arg3[%add3A, %dma_wait3A_795, %dma_wait3A_796] : memref<8x20000x16xf32, #tpu.memory_space<hbm>> -> memref<1x20000x16xf32, #tpu.memory_space<hbm>>
      %dma_wait3A_798 = tpu.memref_squeeze %dma_wait3A_797 : memref<1x20000x16xf32, #tpu.memory_space<hbm>> -> memref<20000x16xf32, #tpu.memory_space<hbm>>
      %dma_wait3A_799 = arith.constant 0 : i32
      %dma_wait3A_800 = arith.constant 0 : i32
      %dma_wait3A_801 = tpu.memref_slice %dma_wait3A_798[%dma_wait3A_799, %dma_wait3A_800] : memref<20000x16xf32, #tpu.memory_space<hbm>> -> memref<20000x16xf32, #tpu.memory_space<hbm>>
      tpu.wait_indirect_dma semaphore(%arg12 : memref<!tpu.dma_semaphore, #tpu.memory_space<semaphore_mem>>) src(%dma_wait3A_801 : memref<20000x16xf32, #tpu.memory_space<hbm>>) dst(%dma_wait3A_791 : memref<128x16xf32, #tpu.memory_space<vmem>>)
      "tpu.region"() ({
        %run_scoped3A = tpu.sem_alloc : memref<!tpu.dma_semaphore, #tpu.memory_space<semaphore_mem>>
        %dma_start3A_1026 = arith.constant 0 : i32
        %dma_start3A_1027 = arith.constant 0 : i32
        %dma_start3A_1028 = tpu.memref_slice %arg4[%add3A, %dma_start3A_1026, %dma_start3A_1027] : memref<8x4096x16xf32, #tpu.memory_space<hbm>> -> memref<1x4096x16xf32, #tpu.memory_space<hbm>>
        %dma_start3A_1029 = tpu.memref_squeeze %dma_start3A_1028 : memref<1x4096x16xf32, #tpu.memory_space<hbm>> -> memref<4096x16xf32, #tpu.memory_space<hbm>>
        %dma_start3A_1030 = arith.constant 2048 : i32
        %dma_start3A_1031 = arith.constant 0 : i32
        %dma_start3A_1032 = tpu.memref_slice %dma_start3A_1029[%dma_start3A_1030, %dma_start3A_1031] : memref<4096x16xf32, #tpu.memory_space<hbm>> -> memref<1024x16xf32, #tpu.memory_space<hbm>>
        %dma_start3A_1033 = arith.constant 0 : i32
        %dma_start3A_1034 = arith.constant 0 : i32
        %dma_start3A_1035 = tpu.memref_slice %arg4[%add3A, %dma_start3A_1033, %dma_start3A_1034] : memref<8x4096x16xf32, #tpu.memory_space<hbm>> -> memref<1x4096x16xf32, #tpu.memory_space<hbm>>
        %dma_start3A_1036 = tpu.memref_squeeze %dma_start3A_1035 : memref<1x4096x16xf32, #tpu.memory_space<hbm>> -> memref<4096x16xf32, #tpu.memory_space<hbm>>
        %dma_start3A_1037 = arith.constant 2048 : i32
        %dma_start3A_1038 = arith.constant 0 : i32
        %dma_start3A_1039 = tpu.memref_slice %dma_start3A_1036[%dma_start3A_1037, %dma_start3A_1038] : memref<4096x16xf32, #tpu.memory_space<hbm>> -> memref<1024x16xf32, #tpu.memory_space<hbm>>
        tpu.enqueue_dma source(%arg11 : memref<1024x16xf32, #tpu.memory_space<vmem>>) target(%dma_start3A_1039 : memref<1024x16xf32, #tpu.memory_space<hbm>>) target_semaphore(%run_scoped3A : memref<!tpu.dma_semaphore, #tpu.memory_space<semaphore_mem>>)
        %dma_wait3A_1040 = arith.constant 0 : i32
        %dma_wait3A_1041 = arith.constant 0 : i32
        %dma_wait3A_1042 = tpu.memref_slice %arg4[%add3A, %dma_wait3A_1040, %dma_wait3A_1041] : memref<8x4096x16xf32, #tpu.memory_space<hbm>> -> memref<1x4096x16xf32, #tpu.memory_space<hbm>>
        %dma_wait3A_1043 = tpu.memref_squeeze %dma_wait3A_1042 : memref<1x4096x16xf32, #tpu.memory_space<hbm>> -> memref<4096x16xf32, #tpu.memory_space<hbm>>
        %dma_wait3A_1044 = arith.constant 2048 : i32
        %dma_wait3A_1045 = arith.constant 0 : i32
        %dma_wait3A_1046 = tpu.memref_slice %dma_wait3A_1043[%dma_wait3A_1044, %dma_wait3A_1045] : memref<4096x16xf32, #tpu.memory_space<hbm>> -> memref<1024x16xf32, #tpu.memory_space<hbm>>
        %dma_wait3A_1047 = arith.constant 0 : i32
        %dma_wait3A_1048 = arith.constant 0 : i32
        %dma_wait3A_1049 = tpu.memref_slice %arg4[%add3A, %dma_wait3A_1047, %dma_wait3A_1048] : memref<8x4096x16xf32, #tpu.memory_space<hbm>> -> memref<1x4096x16xf32, #tpu.memory_space<hbm>>
        %dma_wait3A_1050 = tpu.memref_squeeze %dma_wait3A_1049 : memref<1x4096x16xf32, #tpu.memory_space<hbm>> -> memref<4096x16xf32, #tpu.memory_space<hbm>>
        %dma_wait3A_1051 = arith.constant 2048 : i32
        %dma_wait3A_1052 = arith.constant 0 : i32
        %dma_wait3A_1053 = tpu.memref_slice %dma_wait3A_1050[%dma_wait3A_1051, %dma_wait3A_1052] : memref<4096x16xf32, #tpu.memory_space<hbm>> -> memref<1024x16xf32, #tpu.memory_space<hbm>>
        tpu.wait_dma2 semaphore(%run_scoped3A : memref<!tpu.dma_semaphore, #tpu.memory_space<semaphore_mem>>) src(%arg11 : memref<1024x16xf32, #tpu.memory_space<vmem>>) dst(%dma_wait3A_1053 : memref<1024x16xf32, #tpu.memory_space<hbm>>)
        tpu.yield
      }) : () -> ()
      %dma_start3A_802 = arith.constant 24 : i32
      %dma_start3A_803 = arith.constant 0 : i32
      %dma_start3A_804 = arith.constant 0 : i32
      %dma_start3A_805 = tpu.memref_slice %arg11[%dma_start3A_803, %dma_start3A_804] : memref<1024x16xf32, #tpu.memory_space<vmem>> -> memref<128x16xf32, #tpu.memory_space<vmem>>
      %dma_start3A_806 = arith.constant 0 : i32
      %dma_start3A_807 = tpu.memref_slice %arg10[%dma_start3A_802, %dma_start3A_806] : memref<32x128xi32, #tpu.memory_space<vmem>> -> memref<1x128xi32, #tpu.memory_space<vmem>>
      %dma_start3A_808 = tpu.memref_squeeze %dma_start3A_807 : memref<1x128xi32, #tpu.memory_space<vmem>> -> memref<128xi32, #tpu.memory_space<vmem>>
      %dma_start3A_809 = arith.constant 0 : i32
      %dma_start3A_810 = arith.constant 0 : i32
      %dma_start3A_811 = tpu.memref_slice %arg3[%add3A, %dma_start3A_809, %dma_start3A_810] : memref<8x20000x16xf32, #tpu.memory_space<hbm>> -> memref<1x20000x16xf32, #tpu.memory_space<hbm>>
      %dma_start3A_812 = tpu.memref_squeeze %dma_start3A_811 : memref<1x20000x16xf32, #tpu.memory_space<hbm>> -> memref<20000x16xf32, #tpu.memory_space<hbm>>
      %dma_start3A_813 = arith.constant 0 : i32
      %dma_start3A_814 = arith.constant 0 : i32
      %dma_start3A_815 = tpu.memref_slice %dma_start3A_812[%dma_start3A_813, %dma_start3A_814] : memref<20000x16xf32, #tpu.memory_space<hbm>> -> memref<20000x16xf32, #tpu.memory_space<hbm>>
      tpu.enqueue_indirect_dma source(%dma_start3A_815 : memref<20000x16xf32, #tpu.memory_space<hbm>>) target(%dma_start3A_805 : memref<128x16xf32, #tpu.memory_space<vmem>>) offsets(%dma_start3A_808 : memref<128xi32, #tpu.memory_space<vmem>>) semaphore(%arg12 : memref<!tpu.dma_semaphore, #tpu.memory_space<semaphore_mem>>)
      %dma_start3A_816 = arith.constant 25 : i32
      %dma_start3A_817 = arith.constant 128 : i32
      %dma_start3A_818 = arith.constant 0 : i32
      %dma_start3A_819 = tpu.memref_slice %arg11[%dma_start3A_817, %dma_start3A_818] : memref<1024x16xf32, #tpu.memory_space<vmem>> -> memref<128x16xf32, #tpu.memory_space<vmem>>
      %dma_start3A_820 = arith.constant 0 : i32
      %dma_start3A_821 = tpu.memref_slice %arg10[%dma_start3A_816, %dma_start3A_820] : memref<32x128xi32, #tpu.memory_space<vmem>> -> memref<1x128xi32, #tpu.memory_space<vmem>>
      %dma_start3A_822 = tpu.memref_squeeze %dma_start3A_821 : memref<1x128xi32, #tpu.memory_space<vmem>> -> memref<128xi32, #tpu.memory_space<vmem>>
      %dma_start3A_823 = arith.constant 0 : i32
      %dma_start3A_824 = arith.constant 0 : i32
      %dma_start3A_825 = tpu.memref_slice %arg3[%add3A, %dma_start3A_823, %dma_start3A_824] : memref<8x20000x16xf32, #tpu.memory_space<hbm>> -> memref<1x20000x16xf32, #tpu.memory_space<hbm>>
      %dma_start3A_826 = tpu.memref_squeeze %dma_start3A_825 : memref<1x20000x16xf32, #tpu.memory_space<hbm>> -> memref<20000x16xf32, #tpu.memory_space<hbm>>
      %dma_start3A_827 = arith.constant 0 : i32
      %dma_start3A_828 = arith.constant 0 : i32
      %dma_start3A_829 = tpu.memref_slice %dma_start3A_826[%dma_start3A_827, %dma_start3A_828] : memref<20000x16xf32, #tpu.memory_space<hbm>> -> memref<20000x16xf32, #tpu.memory_space<hbm>>
      tpu.enqueue_indirect_dma source(%dma_start3A_829 : memref<20000x16xf32, #tpu.memory_space<hbm>>) target(%dma_start3A_819 : memref<128x16xf32, #tpu.memory_space<vmem>>) offsets(%dma_start3A_822 : memref<128xi32, #tpu.memory_space<vmem>>) semaphore(%arg12 : memref<!tpu.dma_semaphore, #tpu.memory_space<semaphore_mem>>)
      %dma_start3A_830 = arith.constant 26 : i32
      %dma_start3A_831 = arith.constant 256 : i32
      %dma_start3A_832 = arith.constant 0 : i32
      %dma_start3A_833 = tpu.memref_slice %arg11[%dma_start3A_831, %dma_start3A_832] : memref<1024x16xf32, #tpu.memory_space<vmem>> -> memref<128x16xf32, #tpu.memory_space<vmem>>
      %dma_start3A_834 = arith.constant 0 : i32
      %dma_start3A_835 = tpu.memref_slice %arg10[%dma_start3A_830, %dma_start3A_834] : memref<32x128xi32, #tpu.memory_space<vmem>> -> memref<1x128xi32, #tpu.memory_space<vmem>>
      %dma_start3A_836 = tpu.memref_squeeze %dma_start3A_835 : memref<1x128xi32, #tpu.memory_space<vmem>> -> memref<128xi32, #tpu.memory_space<vmem>>
      %dma_start3A_837 = arith.constant 0 : i32
      %dma_start3A_838 = arith.constant 0 : i32
      %dma_start3A_839 = tpu.memref_slice %arg3[%add3A, %dma_start3A_837, %dma_start3A_838] : memref<8x20000x16xf32, #tpu.memory_space<hbm>> -> memref<1x20000x16xf32, #tpu.memory_space<hbm>>
      %dma_start3A_840 = tpu.memref_squeeze %dma_start3A_839 : memref<1x20000x16xf32, #tpu.memory_space<hbm>> -> memref<20000x16xf32, #tpu.memory_space<hbm>>
      %dma_start3A_841 = arith.constant 0 : i32
      %dma_start3A_842 = arith.constant 0 : i32
      %dma_start3A_843 = tpu.memref_slice %dma_start3A_840[%dma_start3A_841, %dma_start3A_842] : memref<20000x16xf32, #tpu.memory_space<hbm>> -> memref<20000x16xf32, #tpu.memory_space<hbm>>
      tpu.enqueue_indirect_dma source(%dma_start3A_843 : memref<20000x16xf32, #tpu.memory_space<hbm>>) target(%dma_start3A_833 : memref<128x16xf32, #tpu.memory_space<vmem>>) offsets(%dma_start3A_836 : memref<128xi32, #tpu.memory_space<vmem>>) semaphore(%arg12 : memref<!tpu.dma_semaphore, #tpu.memory_space<semaphore_mem>>)
      %dma_start3A_844 = arith.constant 27 : i32
      %dma_start3A_845 = arith.constant 384 : i32
      %dma_start3A_846 = arith.constant 0 : i32
      %dma_start3A_847 = tpu.memref_slice %arg11[%dma_start3A_845, %dma_start3A_846] : memref<1024x16xf32, #tpu.memory_space<vmem>> -> memref<128x16xf32, #tpu.memory_space<vmem>>
      %dma_start3A_848 = arith.constant 0 : i32
      %dma_start3A_849 = tpu.memref_slice %arg10[%dma_start3A_844, %dma_start3A_848] : memref<32x128xi32, #tpu.memory_space<vmem>> -> memref<1x128xi32, #tpu.memory_space<vmem>>
      %dma_start3A_850 = tpu.memref_squeeze %dma_start3A_849 : memref<1x128xi32, #tpu.memory_space<vmem>> -> memref<128xi32, #tpu.memory_space<vmem>>
      %dma_start3A_851 = arith.constant 0 : i32
      %dma_start3A_852 = arith.constant 0 : i32
      %dma_start3A_853 = tpu.memref_slice %arg3[%add3A, %dma_start3A_851, %dma_start3A_852] : memref<8x20000x16xf32, #tpu.memory_space<hbm>> -> memref<1x20000x16xf32, #tpu.memory_space<hbm>>
      %dma_start3A_854 = tpu.memref_squeeze %dma_start3A_853 : memref<1x20000x16xf32, #tpu.memory_space<hbm>> -> memref<20000x16xf32, #tpu.memory_space<hbm>>
      %dma_start3A_855 = arith.constant 0 : i32
      %dma_start3A_856 = arith.constant 0 : i32
      %dma_start3A_857 = tpu.memref_slice %dma_start3A_854[%dma_start3A_855, %dma_start3A_856] : memref<20000x16xf32, #tpu.memory_space<hbm>> -> memref<20000x16xf32, #tpu.memory_space<hbm>>
      tpu.enqueue_indirect_dma source(%dma_start3A_857 : memref<20000x16xf32, #tpu.memory_space<hbm>>) target(%dma_start3A_847 : memref<128x16xf32, #tpu.memory_space<vmem>>) offsets(%dma_start3A_850 : memref<128xi32, #tpu.memory_space<vmem>>) semaphore(%arg12 : memref<!tpu.dma_semaphore, #tpu.memory_space<semaphore_mem>>)
      %dma_start3A_858 = arith.constant 28 : i32
      %dma_start3A_859 = arith.constant 512 : i32
      %dma_start3A_860 = arith.constant 0 : i32
      %dma_start3A_861 = tpu.memref_slice %arg11[%dma_start3A_859, %dma_start3A_860] : memref<1024x16xf32, #tpu.memory_space<vmem>> -> memref<128x16xf32, #tpu.memory_space<vmem>>
      %dma_start3A_862 = arith.constant 0 : i32
      %dma_start3A_863 = tpu.memref_slice %arg10[%dma_start3A_858, %dma_start3A_862] : memref<32x128xi32, #tpu.memory_space<vmem>> -> memref<1x128xi32, #tpu.memory_space<vmem>>
      %dma_start3A_864 = tpu.memref_squeeze %dma_start3A_863 : memref<1x128xi32, #tpu.memory_space<vmem>> -> memref<128xi32, #tpu.memory_space<vmem>>
      %dma_start3A_865 = arith.constant 0 : i32
      %dma_start3A_866 = arith.constant 0 : i32
      %dma_start3A_867 = tpu.memref_slice %arg3[%add3A, %dma_start3A_865, %dma_start3A_866] : memref<8x20000x16xf32, #tpu.memory_space<hbm>> -> memref<1x20000x16xf32, #tpu.memory_space<hbm>>
      %dma_start3A_868 = tpu.memref_squeeze %dma_start3A_867 : memref<1x20000x16xf32, #tpu.memory_space<hbm>> -> memref<20000x16xf32, #tpu.memory_space<hbm>>
      %dma_start3A_869 = arith.constant 0 : i32
      %dma_start3A_870 = arith.constant 0 : i32
      %dma_start3A_871 = tpu.memref_slice %dma_start3A_868[%dma_start3A_869, %dma_start3A_870] : memref<20000x16xf32, #tpu.memory_space<hbm>> -> memref<20000x16xf32, #tpu.memory_space<hbm>>
      tpu.enqueue_indirect_dma source(%dma_start3A_871 : memref<20000x16xf32, #tpu.memory_space<hbm>>) target(%dma_start3A_861 : memref<128x16xf32, #tpu.memory_space<vmem>>) offsets(%dma_start3A_864 : memref<128xi32, #tpu.memory_space<vmem>>) semaphore(%arg12 : memref<!tpu.dma_semaphore, #tpu.memory_space<semaphore_mem>>)
      %dma_start3A_872 = arith.constant 29 : i32
      %dma_start3A_873 = arith.constant 640 : i32
      %dma_start3A_874 = arith.constant 0 : i32
      %dma_start3A_875 = tpu.memref_slice %arg11[%dma_start3A_873, %dma_start3A_874] : memref<1024x16xf32, #tpu.memory_space<vmem>> -> memref<128x16xf32, #tpu.memory_space<vmem>>
      %dma_start3A_876 = arith.constant 0 : i32
      %dma_start3A_877 = tpu.memref_slice %arg10[%dma_start3A_872, %dma_start3A_876] : memref<32x128xi32, #tpu.memory_space<vmem>> -> memref<1x128xi32, #tpu.memory_space<vmem>>
      %dma_start3A_878 = tpu.memref_squeeze %dma_start3A_877 : memref<1x128xi32, #tpu.memory_space<vmem>> -> memref<128xi32, #tpu.memory_space<vmem>>
      %dma_start3A_879 = arith.constant 0 : i32
      %dma_start3A_880 = arith.constant 0 : i32
      %dma_start3A_881 = tpu.memref_slice %arg3[%add3A, %dma_start3A_879, %dma_start3A_880] : memref<8x20000x16xf32, #tpu.memory_space<hbm>> -> memref<1x20000x16xf32, #tpu.memory_space<hbm>>
      %dma_start3A_882 = tpu.memref_squeeze %dma_start3A_881 : memref<1x20000x16xf32, #tpu.memory_space<hbm>> -> memref<20000x16xf32, #tpu.memory_space<hbm>>
      %dma_start3A_883 = arith.constant 0 : i32
      %dma_start3A_884 = arith.constant 0 : i32
      %dma_start3A_885 = tpu.memref_slice %dma_start3A_882[%dma_start3A_883, %dma_start3A_884] : memref<20000x16xf32, #tpu.memory_space<hbm>> -> memref<20000x16xf32, #tpu.memory_space<hbm>>
      tpu.enqueue_indirect_dma source(%dma_start3A_885 : memref<20000x16xf32, #tpu.memory_space<hbm>>) target(%dma_start3A_875 : memref<128x16xf32, #tpu.memory_space<vmem>>) offsets(%dma_start3A_878 : memref<128xi32, #tpu.memory_space<vmem>>) semaphore(%arg12 : memref<!tpu.dma_semaphore, #tpu.memory_space<semaphore_mem>>)
      %dma_start3A_886 = arith.constant 30 : i32
      %dma_start3A_887 = arith.constant 768 : i32
      %dma_start3A_888 = arith.constant 0 : i32
      %dma_start3A_889 = tpu.memref_slice %arg11[%dma_start3A_887, %dma_start3A_888] : memref<1024x16xf32, #tpu.memory_space<vmem>> -> memref<128x16xf32, #tpu.memory_space<vmem>>
      %dma_start3A_890 = arith.constant 0 : i32
      %dma_start3A_891 = tpu.memref_slice %arg10[%dma_start3A_886, %dma_start3A_890] : memref<32x128xi32, #tpu.memory_space<vmem>> -> memref<1x128xi32, #tpu.memory_space<vmem>>
      %dma_start3A_892 = tpu.memref_squeeze %dma_start3A_891 : memref<1x128xi32, #tpu.memory_space<vmem>> -> memref<128xi32, #tpu.memory_space<vmem>>
      %dma_start3A_893 = arith.constant 0 : i32
      %dma_start3A_894 = arith.constant 0 : i32
      %dma_start3A_895 = tpu.memref_slice %arg3[%add3A, %dma_start3A_893, %dma_start3A_894] : memref<8x20000x16xf32, #tpu.memory_space<hbm>> -> memref<1x20000x16xf32, #tpu.memory_space<hbm>>
      %dma_start3A_896 = tpu.memref_squeeze %dma_start3A_895 : memref<1x20000x16xf32, #tpu.memory_space<hbm>> -> memref<20000x16xf32, #tpu.memory_space<hbm>>
      %dma_start3A_897 = arith.constant 0 : i32
      %dma_start3A_898 = arith.constant 0 : i32
      %dma_start3A_899 = tpu.memref_slice %dma_start3A_896[%dma_start3A_897, %dma_start3A_898] : memref<20000x16xf32, #tpu.memory_space<hbm>> -> memref<20000x16xf32, #tpu.memory_space<hbm>>
      tpu.enqueue_indirect_dma source(%dma_start3A_899 : memref<20000x16xf32, #tpu.memory_space<hbm>>) target(%dma_start3A_889 : memref<128x16xf32, #tpu.memory_space<vmem>>) offsets(%dma_start3A_892 : memref<128xi32, #tpu.memory_space<vmem>>) semaphore(%arg12 : memref<!tpu.dma_semaphore, #tpu.memory_space<semaphore_mem>>)
      %dma_start3A_900 = arith.constant 31 : i32
      %dma_start3A_901 = arith.constant 896 : i32
      %dma_start3A_902 = arith.constant 0 : i32
      %dma_start3A_903 = tpu.memref_slice %arg11[%dma_start3A_901, %dma_start3A_902] : memref<1024x16xf32, #tpu.memory_space<vmem>> -> memref<128x16xf32, #tpu.memory_space<vmem>>
      %dma_start3A_904 = arith.constant 0 : i32
      %dma_start3A_905 = tpu.memref_slice %arg10[%dma_start3A_900, %dma_start3A_904] : memref<32x128xi32, #tpu.memory_space<vmem>> -> memref<1x128xi32, #tpu.memory_space<vmem>>
      %dma_start3A_906 = tpu.memref_squeeze %dma_start3A_905 : memref<1x128xi32, #tpu.memory_space<vmem>> -> memref<128xi32, #tpu.memory_space<vmem>>
      %dma_start3A_907 = arith.constant 0 : i32
      %dma_start3A_908 = arith.constant 0 : i32
      %dma_start3A_909 = tpu.memref_slice %arg3[%add3A, %dma_start3A_907, %dma_start3A_908] : memref<8x20000x16xf32, #tpu.memory_space<hbm>> -> memref<1x20000x16xf32, #tpu.memory_space<hbm>>
      %dma_start3A_910 = tpu.memref_squeeze %dma_start3A_909 : memref<1x20000x16xf32, #tpu.memory_space<hbm>> -> memref<20000x16xf32, #tpu.memory_space<hbm>>
      %dma_start3A_911 = arith.constant 0 : i32
      %dma_start3A_912 = arith.constant 0 : i32
      %dma_start3A_913 = tpu.memref_slice %dma_start3A_910[%dma_start3A_911, %dma_start3A_912] : memref<20000x16xf32, #tpu.memory_space<hbm>> -> memref<20000x16xf32, #tpu.memory_space<hbm>>
      tpu.enqueue_indirect_dma source(%dma_start3A_913 : memref<20000x16xf32, #tpu.memory_space<hbm>>) target(%dma_start3A_903 : memref<128x16xf32, #tpu.memory_space<vmem>>) offsets(%dma_start3A_906 : memref<128xi32, #tpu.memory_space<vmem>>) semaphore(%arg12 : memref<!tpu.dma_semaphore, #tpu.memory_space<semaphore_mem>>)
      %dma_wait3A_914 = arith.constant 24 : i32
      %dma_wait3A_915 = arith.constant 0 : i32
      %dma_wait3A_916 = arith.constant 0 : i32
      %dma_wait3A_917 = tpu.memref_slice %arg11[%dma_wait3A_915, %dma_wait3A_916] : memref<1024x16xf32, #tpu.memory_space<vmem>> -> memref<128x16xf32, #tpu.memory_space<vmem>>
      %dma_wait3A_918 = arith.constant 0 : i32
      %dma_wait3A_919 = tpu.memref_slice %arg10[%dma_wait3A_914, %dma_wait3A_918] : memref<32x128xi32, #tpu.memory_space<vmem>> -> memref<1x128xi32, #tpu.memory_space<vmem>>
      %dma_wait3A_920 = tpu.memref_squeeze %dma_wait3A_919 : memref<1x128xi32, #tpu.memory_space<vmem>> -> memref<128xi32, #tpu.memory_space<vmem>>
      %dma_wait3A_921 = arith.constant 0 : i32
      %dma_wait3A_922 = arith.constant 0 : i32
      %dma_wait3A_923 = tpu.memref_slice %arg3[%add3A, %dma_wait3A_921, %dma_wait3A_922] : memref<8x20000x16xf32, #tpu.memory_space<hbm>> -> memref<1x20000x16xf32, #tpu.memory_space<hbm>>
      %dma_wait3A_924 = tpu.memref_squeeze %dma_wait3A_923 : memref<1x20000x16xf32, #tpu.memory_space<hbm>> -> memref<20000x16xf32, #tpu.memory_space<hbm>>
      %dma_wait3A_925 = arith.constant 0 : i32
      %dma_wait3A_926 = arith.constant 0 : i32
      %dma_wait3A_927 = tpu.memref_slice %dma_wait3A_924[%dma_wait3A_925, %dma_wait3A_926] : memref<20000x16xf32, #tpu.memory_space<hbm>> -> memref<20000x16xf32, #tpu.memory_space<hbm>>
      tpu.wait_indirect_dma semaphore(%arg12 : memref<!tpu.dma_semaphore, #tpu.memory_space<semaphore_mem>>) src(%dma_wait3A_927 : memref<20000x16xf32, #tpu.memory_space<hbm>>) dst(%dma_wait3A_917 : memref<128x16xf32, #tpu.memory_space<vmem>>)
      %dma_wait3A_928 = arith.constant 25 : i32
      %dma_wait3A_929 = arith.constant 128 : i32
      %dma_wait3A_930 = arith.constant 0 : i32
      %dma_wait3A_931 = tpu.memref_slice %arg11[%dma_wait3A_929, %dma_wait3A_930] : memref<1024x16xf32, #tpu.memory_space<vmem>> -> memref<128x16xf32, #tpu.memory_space<vmem>>
      %dma_wait3A_932 = arith.constant 0 : i32
      %dma_wait3A_933 = tpu.memref_slice %arg10[%dma_wait3A_928, %dma_wait3A_932] : memref<32x128xi32, #tpu.memory_space<vmem>> -> memref<1x128xi32, #tpu.memory_space<vmem>>
      %dma_wait3A_934 = tpu.memref_squeeze %dma_wait3A_933 : memref<1x128xi32, #tpu.memory_space<vmem>> -> memref<128xi32, #tpu.memory_space<vmem>>
      %dma_wait3A_935 = arith.constant 0 : i32
      %dma_wait3A_936 = arith.constant 0 : i32
      %dma_wait3A_937 = tpu.memref_slice %arg3[%add3A, %dma_wait3A_935, %dma_wait3A_936] : memref<8x20000x16xf32, #tpu.memory_space<hbm>> -> memref<1x20000x16xf32, #tpu.memory_space<hbm>>
      %dma_wait3A_938 = tpu.memref_squeeze %dma_wait3A_937 : memref<1x20000x16xf32, #tpu.memory_space<hbm>> -> memref<20000x16xf32, #tpu.memory_space<hbm>>
      %dma_wait3A_939 = arith.constant 0 : i32
      %dma_wait3A_940 = arith.constant 0 : i32
      %dma_wait3A_941 = tpu.memref_slice %dma_wait3A_938[%dma_wait3A_939, %dma_wait3A_940] : memref<20000x16xf32, #tpu.memory_space<hbm>> -> memref<20000x16xf32, #tpu.memory_space<hbm>>
      tpu.wait_indirect_dma semaphore(%arg12 : memref<!tpu.dma_semaphore, #tpu.memory_space<semaphore_mem>>) src(%dma_wait3A_941 : memref<20000x16xf32, #tpu.memory_space<hbm>>) dst(%dma_wait3A_931 : memref<128x16xf32, #tpu.memory_space<vmem>>)
      %dma_wait3A_942 = arith.constant 26 : i32
      %dma_wait3A_943 = arith.constant 256 : i32
      %dma_wait3A_944 = arith.constant 0 : i32
      %dma_wait3A_945 = tpu.memref_slice %arg11[%dma_wait3A_943, %dma_wait3A_944] : memref<1024x16xf32, #tpu.memory_space<vmem>> -> memref<128x16xf32, #tpu.memory_space<vmem>>
      %dma_wait3A_946 = arith.constant 0 : i32
      %dma_wait3A_947 = tpu.memref_slice %arg10[%dma_wait3A_942, %dma_wait3A_946] : memref<32x128xi32, #tpu.memory_space<vmem>> -> memref<1x128xi32, #tpu.memory_space<vmem>>
      %dma_wait3A_948 = tpu.memref_squeeze %dma_wait3A_947 : memref<1x128xi32, #tpu.memory_space<vmem>> -> memref<128xi32, #tpu.memory_space<vmem>>
      %dma_wait3A_949 = arith.constant 0 : i32
      %dma_wait3A_950 = arith.constant 0 : i32
      %dma_wait3A_951 = tpu.memref_slice %arg3[%add3A, %dma_wait3A_949, %dma_wait3A_950] : memref<8x20000x16xf32, #tpu.memory_space<hbm>> -> memref<1x20000x16xf32, #tpu.memory_space<hbm>>
      %dma_wait3A_952 = tpu.memref_squeeze %dma_wait3A_951 : memref<1x20000x16xf32, #tpu.memory_space<hbm>> -> memref<20000x16xf32, #tpu.memory_space<hbm>>
      %dma_wait3A_953 = arith.constant 0 : i32
      %dma_wait3A_954 = arith.constant 0 : i32
      %dma_wait3A_955 = tpu.memref_slice %dma_wait3A_952[%dma_wait3A_953, %dma_wait3A_954] : memref<20000x16xf32, #tpu.memory_space<hbm>> -> memref<20000x16xf32, #tpu.memory_space<hbm>>
      tpu.wait_indirect_dma semaphore(%arg12 : memref<!tpu.dma_semaphore, #tpu.memory_space<semaphore_mem>>) src(%dma_wait3A_955 : memref<20000x16xf32, #tpu.memory_space<hbm>>) dst(%dma_wait3A_945 : memref<128x16xf32, #tpu.memory_space<vmem>>)
      %dma_wait3A_956 = arith.constant 27 : i32
      %dma_wait3A_957 = arith.constant 384 : i32
      %dma_wait3A_958 = arith.constant 0 : i32
      %dma_wait3A_959 = tpu.memref_slice %arg11[%dma_wait3A_957, %dma_wait3A_958] : memref<1024x16xf32, #tpu.memory_space<vmem>> -> memref<128x16xf32, #tpu.memory_space<vmem>>
      %dma_wait3A_960 = arith.constant 0 : i32
      %dma_wait3A_961 = tpu.memref_slice %arg10[%dma_wait3A_956, %dma_wait3A_960] : memref<32x128xi32, #tpu.memory_space<vmem>> -> memref<1x128xi32, #tpu.memory_space<vmem>>
      %dma_wait3A_962 = tpu.memref_squeeze %dma_wait3A_961 : memref<1x128xi32, #tpu.memory_space<vmem>> -> memref<128xi32, #tpu.memory_space<vmem>>
      %dma_wait3A_963 = arith.constant 0 : i32
      %dma_wait3A_964 = arith.constant 0 : i32
      %dma_wait3A_965 = tpu.memref_slice %arg3[%add3A, %dma_wait3A_963, %dma_wait3A_964] : memref<8x20000x16xf32, #tpu.memory_space<hbm>> -> memref<1x20000x16xf32, #tpu.memory_space<hbm>>
      %dma_wait3A_966 = tpu.memref_squeeze %dma_wait3A_965 : memref<1x20000x16xf32, #tpu.memory_space<hbm>> -> memref<20000x16xf32, #tpu.memory_space<hbm>>
      %dma_wait3A_967 = arith.constant 0 : i32
      %dma_wait3A_968 = arith.constant 0 : i32
      %dma_wait3A_969 = tpu.memref_slice %dma_wait3A_966[%dma_wait3A_967, %dma_wait3A_968] : memref<20000x16xf32, #tpu.memory_space<hbm>> -> memref<20000x16xf32, #tpu.memory_space<hbm>>
      tpu.wait_indirect_dma semaphore(%arg12 : memref<!tpu.dma_semaphore, #tpu.memory_space<semaphore_mem>>) src(%dma_wait3A_969 : memref<20000x16xf32, #tpu.memory_space<hbm>>) dst(%dma_wait3A_959 : memref<128x16xf32, #tpu.memory_space<vmem>>)
      %dma_wait3A_970 = arith.constant 28 : i32
      %dma_wait3A_971 = arith.constant 512 : i32
      %dma_wait3A_972 = arith.constant 0 : i32
      %dma_wait3A_973 = tpu.memref_slice %arg11[%dma_wait3A_971, %dma_wait3A_972] : memref<1024x16xf32, #tpu.memory_space<vmem>> -> memref<128x16xf32, #tpu.memory_space<vmem>>
      %dma_wait3A_974 = arith.constant 0 : i32
      %dma_wait3A_975 = tpu.memref_slice %arg10[%dma_wait3A_970, %dma_wait3A_974] : memref<32x128xi32, #tpu.memory_space<vmem>> -> memref<1x128xi32, #tpu.memory_space<vmem>>
      %dma_wait3A_976 = tpu.memref_squeeze %dma_wait3A_975 : memref<1x128xi32, #tpu.memory_space<vmem>> -> memref<128xi32, #tpu.memory_space<vmem>>
      %dma_wait3A_977 = arith.constant 0 : i32
      %dma_wait3A_978 = arith.constant 0 : i32
      %dma_wait3A_979 = tpu.memref_slice %arg3[%add3A, %dma_wait3A_977, %dma_wait3A_978] : memref<8x20000x16xf32, #tpu.memory_space<hbm>> -> memref<1x20000x16xf32, #tpu.memory_space<hbm>>
      %dma_wait3A_980 = tpu.memref_squeeze %dma_wait3A_979 : memref<1x20000x16xf32, #tpu.memory_space<hbm>> -> memref<20000x16xf32, #tpu.memory_space<hbm>>
      %dma_wait3A_981 = arith.constant 0 : i32
      %dma_wait3A_982 = arith.constant 0 : i32
      %dma_wait3A_983 = tpu.memref_slice %dma_wait3A_980[%dma_wait3A_981, %dma_wait3A_982] : memref<20000x16xf32, #tpu.memory_space<hbm>> -> memref<20000x16xf32, #tpu.memory_space<hbm>>
      tpu.wait_indirect_dma semaphore(%arg12 : memref<!tpu.dma_semaphore, #tpu.memory_space<semaphore_mem>>) src(%dma_wait3A_983 : memref<20000x16xf32, #tpu.memory_space<hbm>>) dst(%dma_wait3A_973 : memref<128x16xf32, #tpu.memory_space<vmem>>)
      %dma_wait3A_984 = arith.constant 29 : i32
      %dma_wait3A_985 = arith.constant 640 : i32
      %dma_wait3A_986 = arith.constant 0 : i32
      %dma_wait3A_987 = tpu.memref_slice %arg11[%dma_wait3A_985, %dma_wait3A_986] : memref<1024x16xf32, #tpu.memory_space<vmem>> -> memref<128x16xf32, #tpu.memory_space<vmem>>
      %dma_wait3A_988 = arith.constant 0 : i32
      %dma_wait3A_989 = tpu.memref_slice %arg10[%dma_wait3A_984, %dma_wait3A_988] : memref<32x128xi32, #tpu.memory_space<vmem>> -> memref<1x128xi32, #tpu.memory_space<vmem>>
      %dma_wait3A_990 = tpu.memref_squeeze %dma_wait3A_989 : memref<1x128xi32, #tpu.memory_space<vmem>> -> memref<128xi32, #tpu.memory_space<vmem>>
      %dma_wait3A_991 = arith.constant 0 : i32
      %dma_wait3A_992 = arith.constant 0 : i32
      %dma_wait3A_993 = tpu.memref_slice %arg3[%add3A, %dma_wait3A_991, %dma_wait3A_992] : memref<8x20000x16xf32, #tpu.memory_space<hbm>> -> memref<1x20000x16xf32, #tpu.memory_space<hbm>>
      %dma_wait3A_994 = tpu.memref_squeeze %dma_wait3A_993 : memref<1x20000x16xf32, #tpu.memory_space<hbm>> -> memref<20000x16xf32, #tpu.memory_space<hbm>>
      %dma_wait3A_995 = arith.constant 0 : i32
      %dma_wait3A_996 = arith.constant 0 : i32
      %dma_wait3A_997 = tpu.memref_slice %dma_wait3A_994[%dma_wait3A_995, %dma_wait3A_996] : memref<20000x16xf32, #tpu.memory_space<hbm>> -> memref<20000x16xf32, #tpu.memory_space<hbm>>
      tpu.wait_indirect_dma semaphore(%arg12 : memref<!tpu.dma_semaphore, #tpu.memory_space<semaphore_mem>>) src(%dma_wait3A_997 : memref<20000x16xf32, #tpu.memory_space<hbm>>) dst(%dma_wait3A_987 : memref<128x16xf32, #tpu.memory_space<vmem>>)
      %dma_wait3A_998 = arith.constant 30 : i32
      %dma_wait3A_999 = arith.constant 768 : i32
      %dma_wait3A_1000 = arith.constant 0 : i32
      %dma_wait3A_1001 = tpu.memref_slice %arg11[%dma_wait3A_999, %dma_wait3A_1000] : memref<1024x16xf32, #tpu.memory_space<vmem>> -> memref<128x16xf32, #tpu.memory_space<vmem>>
      %dma_wait3A_1002 = arith.constant 0 : i32
      %dma_wait3A_1003 = tpu.memref_slice %arg10[%dma_wait3A_998, %dma_wait3A_1002] : memref<32x128xi32, #tpu.memory_space<vmem>> -> memref<1x128xi32, #tpu.memory_space<vmem>>
      %dma_wait3A_1004 = tpu.memref_squeeze %dma_wait3A_1003 : memref<1x128xi32, #tpu.memory_space<vmem>> -> memref<128xi32, #tpu.memory_space<vmem>>
      %dma_wait3A_1005 = arith.constant 0 : i32
      %dma_wait3A_1006 = arith.constant 0 : i32
      %dma_wait3A_1007 = tpu.memref_slice %arg3[%add3A, %dma_wait3A_1005, %dma_wait3A_1006] : memref<8x20000x16xf32, #tpu.memory_space<hbm>> -> memref<1x20000x16xf32, #tpu.memory_space<hbm>>
      %dma_wait3A_1008 = tpu.memref_squeeze %dma_wait3A_1007 : memref<1x20000x16xf32, #tpu.memory_space<hbm>> -> memref<20000x16xf32, #tpu.memory_space<hbm>>
      %dma_wait3A_1009 = arith.constant 0 : i32
      %dma_wait3A_1010 = arith.constant 0 : i32
      %dma_wait3A_1011 = tpu.memref_slice %dma_wait3A_1008[%dma_wait3A_1009, %dma_wait3A_1010] : memref<20000x16xf32, #tpu.memory_space<hbm>> -> memref<20000x16xf32, #tpu.memory_space<hbm>>
      tpu.wait_indirect_dma semaphore(%arg12 : memref<!tpu.dma_semaphore, #tpu.memory_space<semaphore_mem>>) src(%dma_wait3A_1011 : memref<20000x16xf32, #tpu.memory_space<hbm>>) dst(%dma_wait3A_1001 : memref<128x16xf32, #tpu.memory_space<vmem>>)
      %dma_wait3A_1012 = arith.constant 31 : i32
      %dma_wait3A_1013 = arith.constant 896 : i32
      %dma_wait3A_1014 = arith.constant 0 : i32
      %dma_wait3A_1015 = tpu.memref_slice %arg11[%dma_wait3A_1013, %dma_wait3A_1014] : memref<1024x16xf32, #tpu.memory_space<vmem>> -> memref<128x16xf32, #tpu.memory_space<vmem>>
      %dma_wait3A_1016 = arith.constant 0 : i32
      %dma_wait3A_1017 = tpu.memref_slice %arg10[%dma_wait3A_1012, %dma_wait3A_1016] : memref<32x128xi32, #tpu.memory_space<vmem>> -> memref<1x128xi32, #tpu.memory_space<vmem>>
      %dma_wait3A_1018 = tpu.memref_squeeze %dma_wait3A_1017 : memref<1x128xi32, #tpu.memory_space<vmem>> -> memref<128xi32, #tpu.memory_space<vmem>>
      %dma_wait3A_1019 = arith.constant 0 : i32
      %dma_wait3A_1020 = arith.constant 0 : i32
      %dma_wait3A_1021 = tpu.memref_slice %arg3[%add3A, %dma_wait3A_1019, %dma_wait3A_1020] : memref<8x20000x16xf32, #tpu.memory_space<hbm>> -> memref<1x20000x16xf32, #tpu.memory_space<hbm>>
      %dma_wait3A_1022 = tpu.memref_squeeze %dma_wait3A_1021 : memref<1x20000x16xf32, #tpu.memory_space<hbm>> -> memref<20000x16xf32, #tpu.memory_space<hbm>>
      %dma_wait3A_1023 = arith.constant 0 : i32
      %dma_wait3A_1024 = arith.constant 0 : i32
      %dma_wait3A_1025 = tpu.memref_slice %dma_wait3A_1022[%dma_wait3A_1023, %dma_wait3A_1024] : memref<20000x16xf32, #tpu.memory_space<hbm>> -> memref<20000x16xf32, #tpu.memory_space<hbm>>
      tpu.wait_indirect_dma semaphore(%arg12 : memref<!tpu.dma_semaphore, #tpu.memory_space<semaphore_mem>>) src(%dma_wait3A_1025 : memref<20000x16xf32, #tpu.memory_space<hbm>>) dst(%dma_wait3A_1015 : memref<128x16xf32, #tpu.memory_space<vmem>>)
      "tpu.region"() ({
        %run_scoped3A = tpu.sem_alloc : memref<!tpu.dma_semaphore, #tpu.memory_space<semaphore_mem>>
        %dma_start3A_1026 = arith.constant 0 : i32
        %dma_start3A_1027 = arith.constant 0 : i32
        %dma_start3A_1028 = tpu.memref_slice %arg4[%add3A, %dma_start3A_1026, %dma_start3A_1027] : memref<8x4096x16xf32, #tpu.memory_space<hbm>> -> memref<1x4096x16xf32, #tpu.memory_space<hbm>>
        %dma_start3A_1029 = tpu.memref_squeeze %dma_start3A_1028 : memref<1x4096x16xf32, #tpu.memory_space<hbm>> -> memref<4096x16xf32, #tpu.memory_space<hbm>>
        %dma_start3A_1030 = arith.constant 3072 : i32
        %dma_start3A_1031 = arith.constant 0 : i32
        %dma_start3A_1032 = tpu.memref_slice %dma_start3A_1029[%dma_start3A_1030, %dma_start3A_1031] : memref<4096x16xf32, #tpu.memory_space<hbm>> -> memref<1024x16xf32, #tpu.memory_space<hbm>>
        %dma_start3A_1033 = arith.constant 0 : i32
        %dma_start3A_1034 = arith.constant 0 : i32
        %dma_start3A_1035 = tpu.memref_slice %arg4[%add3A, %dma_start3A_1033, %dma_start3A_1034] : memref<8x4096x16xf32, #tpu.memory_space<hbm>> -> memref<1x4096x16xf32, #tpu.memory_space<hbm>>
        %dma_start3A_1036 = tpu.memref_squeeze %dma_start3A_1035 : memref<1x4096x16xf32, #tpu.memory_space<hbm>> -> memref<4096x16xf32, #tpu.memory_space<hbm>>
        %dma_start3A_1037 = arith.constant 3072 : i32
        %dma_start3A_1038 = arith.constant 0 : i32
        %dma_start3A_1039 = tpu.memref_slice %dma_start3A_1036[%dma_start3A_1037, %dma_start3A_1038] : memref<4096x16xf32, #tpu.memory_space<hbm>> -> memref<1024x16xf32, #tpu.memory_space<hbm>>
        tpu.enqueue_dma source(%arg11 : memref<1024x16xf32, #tpu.memory_space<vmem>>) target(%dma_start3A_1039 : memref<1024x16xf32, #tpu.memory_space<hbm>>) target_semaphore(%run_scoped3A : memref<!tpu.dma_semaphore, #tpu.memory_space<semaphore_mem>>)
        %dma_wait3A_1040 = arith.constant 0 : i32
        %dma_wait3A_1041 = arith.constant 0 : i32
        %dma_wait3A_1042 = tpu.memref_slice %arg4[%add3A, %dma_wait3A_1040, %dma_wait3A_1041] : memref<8x4096x16xf32, #tpu.memory_space<hbm>> -> memref<1x4096x16xf32, #tpu.memory_space<hbm>>
        %dma_wait3A_1043 = tpu.memref_squeeze %dma_wait3A_1042 : memref<1x4096x16xf32, #tpu.memory_space<hbm>> -> memref<4096x16xf32, #tpu.memory_space<hbm>>
        %dma_wait3A_1044 = arith.constant 3072 : i32
        %dma_wait3A_1045 = arith.constant 0 : i32
        %dma_wait3A_1046 = tpu.memref_slice %dma_wait3A_1043[%dma_wait3A_1044, %dma_wait3A_1045] : memref<4096x16xf32, #tpu.memory_space<hbm>> -> memref<1024x16xf32, #tpu.memory_space<hbm>>
        %dma_wait3A_1047 = arith.constant 0 : i32
        %dma_wait3A_1048 = arith.constant 0 : i32
        %dma_wait3A_1049 = tpu.memref_slice %arg4[%add3A, %dma_wait3A_1047, %dma_wait3A_1048] : memref<8x4096x16xf32, #tpu.memory_space<hbm>> -> memref<1x4096x16xf32, #tpu.memory_space<hbm>>
        %dma_wait3A_1050 = tpu.memref_squeeze %dma_wait3A_1049 : memref<1x4096x16xf32, #tpu.memory_space<hbm>> -> memref<4096x16xf32, #tpu.memory_space<hbm>>
        %dma_wait3A_1051 = arith.constant 3072 : i32
        %dma_wait3A_1052 = arith.constant 0 : i32
        %dma_wait3A_1053 = tpu.memref_slice %dma_wait3A_1050[%dma_wait3A_1051, %dma_wait3A_1052] : memref<4096x16xf32, #tpu.memory_space<hbm>> -> memref<1024x16xf32, #tpu.memory_space<hbm>>
        tpu.wait_dma2 semaphore(%run_scoped3A : memref<!tpu.dma_semaphore, #tpu.memory_space<semaphore_mem>>) src(%arg11 : memref<1024x16xf32, #tpu.memory_space<vmem>>) dst(%dma_wait3A_1053 : memref<1024x16xf32, #tpu.memory_space<hbm>>)
        tpu.yield
      }) : () -> ()
    } else {
    }
    return
  }
}

module attributes {stable_mosaic.version = 14 : i64} {
  func.func @_pack_body(%arg0: i32, %arg1: i32, %arg2: memref<1x2000x7xf32, #tpu.memory_space<vmem>>, %arg3: memref<1x2000x3xf32, #tpu.memory_space<vmem>>, %arg4: memref<1x2000x16xf32, #tpu.memory_space<vmem>>) attributes {dimension_semantics = [#tpu.dimension_semantics<arbitrary>, #tpu.dimension_semantics<arbitrary>], iteration_bounds = array<i64: 8, 10>, scalar_prefetch = 0 : i64, scratch_operands = 0 : i64, tpu.core_type = #tpu.core_type<tc>, window_params = [{transform_indices = @transform_0, window_bounds = array<i64: 1, 2000, 7>}, {transform_indices = @transform_1, window_bounds = array<i64: 1, 2000, 3>}, {transform_indices = @transform_2, window_bounds = array<i64: 1, 2000, 16>}]} {
    %get3A = arith.constant 0 : index
    %get3A_0 = arith.constant 0 : index
    %get3A_1 = arith.constant 0 : index
    %get3A_2 = vector.load %arg2[%get3A, %get3A_0, %get3A_1] : memref<1x2000x7xf32, #tpu.memory_space<vmem>>, vector<1x2000x7xf32>
    %get3A_3 = vector.shape_cast %get3A_2 : vector<1x2000x7xf32> to vector<2000x7xf32>
    %get3A_4 = arith.constant 0 : index
    %get3A_5 = arith.constant 0 : index
    %get3A_6 = arith.constant 0 : index
    %get3A_7 = vector.load %arg3[%get3A_4, %get3A_5, %get3A_6] : memref<1x2000x3xf32, #tpu.memory_space<vmem>>, vector<1x2000x3xf32>
    %get3A_8 = vector.shape_cast %get3A_7 : vector<1x2000x3xf32> to vector<2000x3xf32>
    %broadcast_in_dim3A = arith.constant 0.000000e+00 : f32
    %broadcast_in_dim3A_9 = vector.broadcast %broadcast_in_dim3A : f32 to vector<2000x1xf32>
    %broadcast_in_dim3A_10 = arith.constant 0.000000e+00 : f32
    %broadcast_in_dim3A_11 = vector.broadcast %broadcast_in_dim3A_10 : f32 to vector<2000x5xf32>
    %concatenate3A = tpu.concatenate %get3A_3, %broadcast_in_dim3A_9, %get3A_8, %broadcast_in_dim3A_11 in 1 : vector<2000x7xf32>, vector<2000x1xf32>, vector<2000x3xf32>, vector<2000x5xf32> -> vector<2000x16xf32>
    %swap3A = arith.constant 0 : index
    %swap3A_12 = arith.constant 0 : index
    %swap3A_13 = arith.constant 0 : index
    %swap3A_14 = vector.load %arg4[%swap3A, %swap3A_12, %swap3A_13] : memref<1x2000x16xf32, #tpu.memory_space<vmem>>, vector<1x2000x16xf32>
    %swap3A_15 = vector.shape_cast %swap3A_14 : vector<1x2000x16xf32> to vector<2000x16xf32>
    %swap3A_16 = vector.shape_cast %concatenate3A : vector<2000x16xf32> to vector<1x2000x16xf32>
    tpu.vector_store %arg4[%swap3A, %swap3A_12, %swap3A_13], %swap3A_16 {strides = array<i32>} : memref<1x2000x16xf32, #tpu.memory_space<vmem>>, vector<1x2000x16xf32>,
    return
  }
  func.func @transform_0(%arg0: i32, %arg1: i32) -> (i32, i32, i32) {
    %c0_i32 = arith.constant 0 : i32
    %c0_i32_0 = arith.constant 0 : i32
    return %arg0, %arg1, %c0_i32 : i32, i32, i32
  }
  func.func @transform_1(%arg0: i32, %arg1: i32) -> (i32, i32, i32) {
    %c0_i32 = arith.constant 0 : i32
    %c0_i32_0 = arith.constant 0 : i32
    return %arg0, %arg1, %c0_i32 : i32, i32, i32
  }
  func.func @transform_2(%arg0: i32, %arg1: i32) -> (i32, i32, i32) {
    %c0_i32 = arith.constant 0 : i32
    %c0_i32_0 = arith.constant 0 : i32
    return %arg0, %arg1, %c0_i32 : i32, i32, i32
  }
}

module attributes {stable_mosaic.version = 14 : i64} {
  func.func @_keys_body(%arg0: memref<3x8x20000xf32, #tpu.memory_space<vmem>>, %arg1: memref<8x20096xi32, #tpu.memory_space<vmem>>) attributes {dimension_semantics = [], scalar_prefetch = 0 : i64, scratch_operands = 0 : i64, tpu.core_type = #tpu.core_type<tc>} {
    %get3A = arith.constant 0 : index
    %get3A_0 = arith.constant 0 : index
    %get3A_1 = arith.constant 0 : index
    %get3A_2 = vector.load %arg0[%get3A, %get3A_0, %get3A_1] : memref<3x8x20000xf32, #tpu.memory_space<vmem>>, vector<3x8x20000xf32>
    %reduce_max3A = arith.constant dense<0xFF800000> : vector<8x20000xf32>
    %reduce_max3A_3 = vector.multi_reduction <maximumf>, %get3A_2, %reduce_max3A [0] : vector<3x8x20000xf32> to vector<8x20000xf32>
    %bitcast_convert_type3A = tpu.bitcast %reduce_max3A_3 : vector<8x20000xf32> -> vector<8x20000xi32>
    %lt3A = arith.constant 0 : i32
    %lt3A_4 = vector.broadcast %lt3A : i32 to vector<8x20000xi32>
    %lt3A_5 = arith.cmpi slt, %bitcast_convert_type3A, %lt3A_4 : vector<8x20000xi32>
    %or3A = arith.constant -2147483648 : i32
    %or3A_6 = vector.broadcast %or3A : i32 to vector<8x20000xi32>
    %or3A_7 = arith.ori %bitcast_convert_type3A, %or3A_6 : vector<8x20000xi32>
    %not3A = arith.constant dense<-1> : vector<8x20000xi32>
    %not3A_8 = arith.xori %or3A_7, %not3A : vector<8x20000xi32>
    %select_n3A = arith.select %lt3A_5, %bitcast_convert_type3A, %not3A_8 : vector<8x20000xi1>, vector<8x20000xi32>
    %swap3A = arith.constant 0 : index
    %swap3A_9 = arith.constant 0 : index
    %swap3A_10 = vector.load %arg1[%swap3A, %swap3A_9] : memref<8x20096xi32, #tpu.memory_space<vmem>>, vector<8x20000xi32>
    tpu.vector_store %arg1[%swap3A, %swap3A_9], %select_n3A {strides = array<i32>} : memref<8x20096xi32, #tpu.memory_space<vmem>>, vector<8x20000xi32>,
    %broadcast_in_dim3A = arith.constant -1 : i32
    %broadcast_in_dim3A_11 = vector.broadcast %broadcast_in_dim3A : i32 to vector<8x96xi32>
    %swap3A_12 = arith.constant 0 : index
    %swap3A_13 = arith.constant 20000 : index
    %swap3A_14 = vector.load %arg1[%swap3A_12, %swap3A_13] : memref<8x20096xi32, #tpu.memory_space<vmem>>, vector<8x96xi32>
    tpu.vector_store %arg1[%swap3A_12, %swap3A_13], %broadcast_in_dim3A_11 {strides = array<i32>} : memref<8x20096xi32, #tpu.memory_space<vmem>>, vector<8x96xi32>,
    return
  }
}

module attributes {stable_mosaic.version = 14 : i64} {
  func.func @_head_body(%arg0: i32, %arg1: memref<1x4096x16xf32, #tpu.memory_space<vmem>>, %arg2: memref<48x32xf32, #tpu.memory_space<vmem>>, %arg3: memref<32xf32, #tpu.memory_space<vmem>>, %arg4: memref<96x64xf32, #tpu.memory_space<vmem>>, %arg5: memref<64xf32, #tpu.memory_space<vmem>>, %arg6: memref<64x5xf32, #tpu.memory_space<vmem>>, %arg7: memref<5xf32, #tpu.memory_space<vmem>>, %arg8: memref<64x1xf32, #tpu.memory_space<vmem>>, %arg9: memref<1xf32, #tpu.memory_space<vmem>>, %arg10: memref<1x4096x5xf32, #tpu.memory_space<vmem>>, %arg11: memref<1x4096x1xf32, #tpu.memory_space<vmem>>, %arg12: memref<1x4096x7xf32, #tpu.memory_space<vmem>>, %arg13: memref<1x4096x3xf32, #tpu.memory_space<vmem>>) attributes {dimension_semantics = [#tpu.dimension_semantics<arbitrary>], iteration_bounds = array<i64: 8>, scalar_prefetch = 0 : i64, scratch_operands = 0 : i64, tpu.core_type = #tpu.core_type<tc>, window_params = [{transform_indices = @transform_0, window_bounds = array<i64: 1, 4096, 16>}, {pipeline_mode = #tpu.pipeline_mode<synchronous>, transform_indices = @transform_1, window_bounds = array<i64: 48, 32>}, {pipeline_mode = #tpu.pipeline_mode<synchronous>, transform_indices = @transform_2, window_bounds = array<i64: 32>}, {pipeline_mode = #tpu.pipeline_mode<synchronous>, transform_indices = @transform_3, window_bounds = array<i64: 96, 64>}, {pipeline_mode = #tpu.pipeline_mode<synchronous>, transform_indices = @transform_4, window_bounds = array<i64: 64>}, {pipeline_mode = #tpu.pipeline_mode<synchronous>, transform_indices = @transform_5, window_bounds = array<i64: 64, 5>}, {pipeline_mode = #tpu.pipeline_mode<synchronous>, transform_indices = @transform_6, window_bounds = array<i64: 5>}, {pipeline_mode = #tpu.pipeline_mode<synchronous>, transform_indices = @transform_7, window_bounds = array<i64: 64, 1>}, {pipeline_mode = #tpu.pipeline_mode<synchronous>, transform_indices = @transform_8, window_bounds = array<i64: 1>}, {transform_indices = @transform_9, window_bounds = array<i64: 1, 4096, 5>}, {transform_indices = @transform_10, window_bounds = array<i64: 1, 4096, 1>}, {transform_indices = @transform_11, window_bounds = array<i64: 1, 4096, 7>}, {transform_indices = @transform_12, window_bounds = array<i64: 1, 4096, 3>}]} {
    %get3A = arith.constant 0 : index
    %get3A_0 = arith.constant 0 : index
    %get3A_1 = arith.constant 0 : index
    %get3A_2 = vector.load %arg1[%get3A, %get3A_0, %get3A_1] : memref<1x4096x16xf32, #tpu.memory_space<vmem>>, vector<1x4096x16xf32>
    %get3A_3 = vector.shape_cast %get3A_2 : vector<1x4096x16xf32> to vector<4096x16xf32>
    %slice3A = vector.extract_strided_slice %get3A_3 {offsets = [0, 0], sizes = [4096, 7], strides = [1, 1]} : vector<4096x16xf32> to vector<4096x7xf32>
    %swap3A = arith.constant 0 : index
    %swap3A_4 = arith.constant 0 : index
    %swap3A_5 = arith.constant 0 : index
    %swap3A_6 = vector.load %arg12[%swap3A, %swap3A_4, %swap3A_5] : memref<1x4096x7xf32, #tpu.memory_space<vmem>>, vector<1x4096x7xf32>
    %swap3A_7 = vector.shape_cast %swap3A_6 : vector<1x4096x7xf32> to vector<4096x7xf32>
    %swap3A_8 = vector.shape_cast %slice3A : vector<4096x7xf32> to vector<1x4096x7xf32>
    tpu.vector_store %arg12[%swap3A, %swap3A_4, %swap3A_5], %swap3A_8 {strides = array<i32>} : memref<1x4096x7xf32, #tpu.memory_space<vmem>>, vector<1x4096x7xf32>,
    %slice3A_9 = vector.extract_strided_slice %get3A_3 {offsets = [0, 8], sizes = [4096, 3], strides = [1, 1]} : vector<4096x16xf32> to vector<4096x3xf32>
    %swap3A_10 = arith.constant 0 : index
    %swap3A_11 = arith.constant 0 : index
    %swap3A_12 = arith.constant 0 : index
    %swap3A_13 = vector.load %arg13[%swap3A_10, %swap3A_11, %swap3A_12] : memref<1x4096x3xf32, #tpu.memory_space<vmem>>, vector<1x4096x3xf32>
    %swap3A_14 = vector.shape_cast %swap3A_13 : vector<1x4096x3xf32> to vector<4096x3xf32>
    %swap3A_15 = vector.shape_cast %slice3A_9 : vector<4096x3xf32> to vector<1x4096x3xf32>
    tpu.vector_store %arg13[%swap3A_10, %swap3A_11, %swap3A_12], %swap3A_15 {strides = array<i32>} : memref<1x4096x3xf32, #tpu.memory_space<vmem>>, vector<1x4096x3xf32>,
    %broadcast_in_dim3A = arith.constant 0.000000e+00 : f32
    %broadcast_in_dim3A_16 = vector.broadcast %broadcast_in_dim3A : f32 to vector<1x16xf32>
    %slice3A_17 = vector.extract_strided_slice %get3A_3 {offsets = [0, 0], sizes = [4095, 16], strides = [1, 1]} : vector<4096x16xf32> to vector<4095x16xf32>
    %concatenate3A = tpu.concatenate %broadcast_in_dim3A_16, %slice3A_17 in 0 : vector<1x16xf32>, vector<4095x16xf32> -> vector<4096x16xf32>
    %slice3A_18 = vector.extract_strided_slice %get3A_3 {offsets = [1, 0], sizes = [4095, 16], strides = [1, 1]} : vector<4096x16xf32> to vector<4095x16xf32>
    %concatenate3A_19 = tpu.concatenate %slice3A_18, %broadcast_in_dim3A_16 in 0 : vector<4095x16xf32>, vector<1x16xf32> -> vector<4096x16xf32>
    %get3A_20 = arith.constant 0 : index
    %get3A_21 = arith.constant 0 : index
    %get3A_22 = vector.load %arg2[%get3A_20, %get3A_21] : memref<48x32xf32, #tpu.memory_space<vmem>>, vector<48x32xf32>
    %slice3A_23 = vector.extract_strided_slice %get3A_22 {offsets = [0, 0], sizes = [16, 32], strides = [1, 1]} : vector<48x32xf32> to vector<16x32xf32>
    %dot_general3A = arith.constant dense<0.000000e+00> : vector<4096x32xf32>
    %dot_general3A_24 = tpu.matmul %concatenate3A, %slice3A_23, %dot_general3A {dimension_numbers = #tpu.dot_dimension_numbers<[1], [0], [0], [1], [0, 0, 1, 1], [], []>, transpose_lhs_hint = false} : vector<4096x16xf32>, vector<16x32xf32>, vector<4096x32xf32> -> vector<4096x32xf32>
    %slice3A_25 = vector.extract_strided_slice %get3A_22 {offsets = [16, 0], sizes = [16, 32], strides = [1, 1]} : vector<48x32xf32> to vector<16x32xf32>
    %dot_general3A_26 = arith.constant dense<0.000000e+00> : vector<4096x32xf32>
    %dot_general3A_27 = tpu.matmul %get3A_3, %slice3A_25, %dot_general3A_26 {dimension_numbers = #tpu.dot_dimension_numbers<[1], [0], [0], [1], [0, 0, 1, 1], [], []>, transpose_lhs_hint = false} : vector<4096x16xf32>, vector<16x32xf32>, vector<4096x32xf32> -> vector<4096x32xf32>
    %add3A = arith.addf %dot_general3A_24, %dot_general3A_27 : vector<4096x32xf32>
    %slice3A_28 = vector.extract_strided_slice %get3A_22 {offsets = [32, 0], sizes = [16, 32], strides = [1, 1]} : vector<48x32xf32> to vector<16x32xf32>
    %dot_general3A_29 = arith.constant dense<0.000000e+00> : vector<4096x32xf32>
    %dot_general3A_30 = tpu.matmul %concatenate3A_19, %slice3A_28, %dot_general3A_29 {dimension_numbers = #tpu.dot_dimension_numbers<[1], [0], [0], [1], [0, 0, 1, 1], [], []>, transpose_lhs_hint = false} : vector<4096x16xf32>, vector<16x32xf32>, vector<4096x32xf32> -> vector<4096x32xf32>
    %add3A_31 = arith.addf %add3A, %dot_general3A_30 : vector<4096x32xf32>
    %get3A_32 = arith.constant 0 : index
    %get3A_33 = vector.load %arg3[%get3A_32] : memref<32xf32, #tpu.memory_space<vmem>>, vector<32xf32>
    %broadcast_in_dim3A_34 = vector.shape_cast %get3A_33 : vector<32xf32> to vector<1x32xf32>
    %add3A_35 = vector.broadcast %broadcast_in_dim3A_34 : vector<1x32xf32> to vector<4096x32xf32>
    %add3A_36 = arith.addf %add3A_31, %add3A_35 : vector<4096x32xf32>
    %max3A = arith.constant 0.000000e+00 : f32
    %max3A_37 = vector.broadcast %max3A : f32 to vector<4096x32xf32>
    %max3A_38 = arith.maximumf %add3A_36, %max3A_37 : vector<4096x32xf32>
    %broadcast_in_dim3A_39 = arith.constant 0.000000e+00 : f32
    %broadcast_in_dim3A_40 = vector.broadcast %broadcast_in_dim3A_39 : f32 to vector<1x32xf32>
    %slice3A_41 = vector.extract_strided_slice %max3A_38 {offsets = [0, 0], sizes = [4095, 32], strides = [1, 1]} : vector<4096x32xf32> to vector<4095x32xf32>
    %concatenate3A_42 = tpu.concatenate %broadcast_in_dim3A_40, %slice3A_41 in 0 : vector<1x32xf32>, vector<4095x32xf32> -> vector<4096x32xf32>
    %slice3A_43 = vector.extract_strided_slice %max3A_38 {offsets = [1, 0], sizes = [4095, 32], strides = [1, 1]} : vector<4096x32xf32> to vector<4095x32xf32>
    %concatenate3A_44 = tpu.concatenate %slice3A_43, %broadcast_in_dim3A_40 in 0 : vector<4095x32xf32>, vector<1x32xf32> -> vector<4096x32xf32>
    %get3A_45 = arith.constant 0 : index
    %get3A_46 = arith.constant 0 : index
    %get3A_47 = vector.load %arg4[%get3A_45, %get3A_46] : memref<96x64xf32, #tpu.memory_space<vmem>>, vector<96x64xf32>
    %slice3A_48 = vector.extract_strided_slice %get3A_47 {offsets = [0, 0], sizes = [32, 64], strides = [1, 1]} : vector<96x64xf32> to vector<32x64xf32>
    %dot_general3A_49 = arith.constant dense<0.000000e+00> : vector<4096x64xf32>
    %dot_general3A_50 = tpu.matmul %concatenate3A_42, %slice3A_48, %dot_general3A_49 {dimension_numbers = #tpu.dot_dimension_numbers<[1], [0], [0], [1], [0, 0, 1, 1], [], []>, transpose_lhs_hint = false} : vector<4096x32xf32>, vector<32x64xf32>, vector<4096x64xf32> -> vector<4096x64xf32>
    %slice3A_51 = vector.extract_strided_slice %get3A_47 {offsets = [32, 0], sizes = [32, 64], strides = [1, 1]} : vector<96x64xf32> to vector<32x64xf32>
    %dot_general3A_52 = arith.constant dense<0.000000e+00> : vector<4096x64xf32>
    %dot_general3A_53 = tpu.matmul %max3A_38, %slice3A_51, %dot_general3A_52 {dimension_numbers = #tpu.dot_dimension_numbers<[1], [0], [0], [1], [0, 0, 1, 1], [], []>, transpose_lhs_hint = false} : vector<4096x32xf32>, vector<32x64xf32>, vector<4096x64xf32> -> vector<4096x64xf32>
    %add3A_54 = arith.addf %dot_general3A_50, %dot_general3A_53 : vector<4096x64xf32>
    %slice3A_55 = vector.extract_strided_slice %get3A_47 {offsets = [64, 0], sizes = [32, 64], strides = [1, 1]} : vector<96x64xf32> to vector<32x64xf32>
    %dot_general3A_56 = arith.constant dense<0.000000e+00> : vector<4096x64xf32>
    %dot_general3A_57 = tpu.matmul %concatenate3A_44, %slice3A_55, %dot_general3A_56 {dimension_numbers = #tpu.dot_dimension_numbers<[1], [0], [0], [1], [0, 0, 1, 1], [], []>, transpose_lhs_hint = false} : vector<4096x32xf32>, vector<32x64xf32>, vector<4096x64xf32> -> vector<4096x64xf32>
    %add3A_58 = arith.addf %add3A_54, %dot_general3A_57 : vector<4096x64xf32>
    %get3A_59 = arith.constant 0 : index
    %get3A_60 = vector.load %arg5[%get3A_59] : memref<64xf32, #tpu.memory_space<vmem>>, vector<64xf32>
    %broadcast_in_dim3A_61 = vector.shape_cast %get3A_60 : vector<64xf32> to vector<1x64xf32>
    %add3A_62 = vector.broadcast %broadcast_in_dim3A_61 : vector<1x64xf32> to vector<4096x64xf32>
    %add3A_63 = arith.addf %add3A_58, %add3A_62 : vector<4096x64xf32>
    %max3A_64 = arith.constant 0.000000e+00 : f32
    %max3A_65 = vector.broadcast %max3A_64 : f32 to vector<4096x64xf32>
    %max3A_66 = arith.maximumf %add3A_63, %max3A_65 : vector<4096x64xf32>
    %get3A_67 = arith.constant 0 : index
    %get3A_68 = arith.constant 0 : index
    %get3A_69 = vector.load %arg6[%get3A_67, %get3A_68] : memref<64x5xf32, #tpu.memory_space<vmem>>, vector<64x5xf32>
    %dot_general3A_70 = arith.constant dense<0.000000e+00> : vector<4096x5xf32>
    %dot_general3A_71 = tpu.matmul %max3A_66, %get3A_69, %dot_general3A_70 {dimension_numbers = #tpu.dot_dimension_numbers<[1], [0], [0], [1], [0, 0, 1, 1], [], []>, transpose_lhs_hint = false} : vector<4096x64xf32>, vector<64x5xf32>, vector<4096x5xf32> -> vector<4096x5xf32>
    %get3A_72 = arith.constant 0 : index
    %get3A_73 = vector.load %arg7[%get3A_72] : memref<5xf32, #tpu.memory_space<vmem>>, vector<5xf32>
    %broadcast_in_dim3A_74 = vector.shape_cast %get3A_73 : vector<5xf32> to vector<1x5xf32>
    %add3A_75 = vector.broadcast %broadcast_in_dim3A_74 : vector<1x5xf32> to vector<4096x5xf32>
    %add3A_76 = arith.addf %dot_general3A_71, %add3A_75 : vector<4096x5xf32>
    %swap3A_77 = arith.constant 0 : index
    %swap3A_78 = arith.constant 0 : index
    %swap3A_79 = arith.constant 0 : index
    %swap3A_80 = vector.load %arg10[%swap3A_77, %swap3A_78, %swap3A_79] : memref<1x4096x5xf32, #tpu.memory_space<vmem>>, vector<1x4096x5xf32>
    %swap3A_81 = vector.shape_cast %swap3A_80 : vector<1x4096x5xf32> to vector<4096x5xf32>
    %swap3A_82 = vector.shape_cast %add3A_76 : vector<4096x5xf32> to vector<1x4096x5xf32>
    tpu.vector_store %arg10[%swap3A_77, %swap3A_78, %swap3A_79], %swap3A_82 {strides = array<i32>} : memref<1x4096x5xf32, #tpu.memory_space<vmem>>, vector<1x4096x5xf32>,
    %get3A_83 = arith.constant 0 : index
    %get3A_84 = arith.constant 0 : index
    %get3A_85 = vector.load %arg8[%get3A_83, %get3A_84] : memref<64x1xf32, #tpu.memory_space<vmem>>, vector<64x1xf32>
    %dot_general3A_86 = arith.constant dense<0.000000e+00> : vector<4096x1xf32>
    %dot_general3A_87 = tpu.matmul %max3A_66, %get3A_85, %dot_general3A_86 {dimension_numbers = #tpu.dot_dimension_numbers<[1], [0], [0], [1], [0, 0, 1, 1], [], []>, transpose_lhs_hint = false} : vector<4096x64xf32>, vector<64x1xf32>, vector<4096x1xf32> -> vector<4096x1xf32>
    %get3A_88 = arith.constant 0 : index
    %get3A_89 = vector.load %arg9[%get3A_88] : memref<1xf32, #tpu.memory_space<vmem>>, vector<1xf32>
    %broadcast_in_dim3A_90 = vector.shape_cast %get3A_89 : vector<1xf32> to vector<1x1xf32>
    %add3A_91 = vector.broadcast %broadcast_in_dim3A_90 : vector<1x1xf32> to vector<4096x1xf32>
    %add3A_92 = arith.addf %dot_general3A_87, %add3A_91 : vector<4096x1xf32>
    %swap3A_93 = arith.constant 0 : index
    %swap3A_94 = arith.constant 0 : index
    %swap3A_95 = arith.constant 0 : index
    %swap3A_96 = vector.load %arg11[%swap3A_93, %swap3A_94, %swap3A_95] : memref<1x4096x1xf32, #tpu.memory_space<vmem>>, vector<1x4096x1xf32>
    %swap3A_97 = vector.shape_cast %swap3A_96 : vector<1x4096x1xf32> to vector<4096x1xf32>
    %swap3A_98 = vector.shape_cast %add3A_92 : vector<4096x1xf32> to vector<1x4096x1xf32>
    tpu.vector_store %arg11[%swap3A_93, %swap3A_94, %swap3A_95], %swap3A_98 {strides = array<i32>} : memref<1x4096x1xf32, #tpu.memory_space<vmem>>, vector<1x4096x1xf32>,
    return
  }
  func.func @transform_0(%arg0: i32) -> (i32, i32, i32) {
    %c0_i32 = arith.constant 0 : i32
    %c0_i32_0 = arith.constant 0 : i32
    %c0_i32_1 = arith.constant 0 : i32
    return %arg0, %c0_i32, %c0_i32_0 : i32, i32, i32
  }
  func.func @transform_1(%arg0: i32) -> (i32, i32) {
    %c0_i32 = arith.constant 0 : i32
    %c0_i32_0 = arith.constant 0 : i32
    %c0_i32_1 = arith.constant 0 : i32
    return %c0_i32, %c0_i32_0 : i32, i32
  }
  func.func @transform_2(%arg0: i32) -> i32 {
    %c0_i32 = arith.constant 0 : i32
    %c0_i32_0 = arith.constant 0 : i32
    return %c0_i32 : i32
  }
  func.func @transform_3(%arg0: i32) -> (i32, i32) {
    %c0_i32 = arith.constant 0 : i32
    %c0_i32_0 = arith.constant 0 : i32
    %c0_i32_1 = arith.constant 0 : i32
    return %c0_i32, %c0_i32_0 : i32, i32
  }
  func.func @transform_4(%arg0: i32) -> i32 {
    %c0_i32 = arith.constant 0 : i32
    %c0_i32_0 = arith.constant 0 : i32
    return %c0_i32 : i32
  }
  func.func @transform_5(%arg0: i32) -> (i32, i32) {
    %c0_i32 = arith.constant 0 : i32
    %c0_i32_0 = arith.constant 0 : i32
    %c0_i32_1 = arith.constant 0 : i32
    return %c0_i32, %c0_i32_0 : i32, i32
  }
  func.func @transform_6(%arg0: i32) -> i32 {
    %c0_i32 = arith.constant 0 : i32
    %c0_i32_0 = arith.constant 0 : i32
    return %c0_i32 : i32
  }
  func.func @transform_7(%arg0: i32) -> (i32, i32) {
    %c0_i32 = arith.constant 0 : i32
    %c0_i32_0 = arith.constant 0 : i32
    %c0_i32_1 = arith.constant 0 : i32
    return %c0_i32, %c0_i32_0 : i32, i32
  }
  func.func @transform_8(%arg0: i32) -> i32 {
    %c0_i32 = arith.constant 0 : i32
    %c0_i32_0 = arith.constant 0 : i32
    return %c0_i32 : i32
  }
  func.func @transform_9(%arg0: i32) -> (i32, i32, i32) {
    %c0_i32 = arith.constant 0 : i32
    %c0_i32_0 = arith.constant 0 : i32
    %c0_i32_1 = arith.constant 0 : i32
    return %arg0, %c0_i32, %c0_i32_0 : i32, i32, i32
  }
  func.func @transform_10(%arg0: i32) -> (i32, i32, i32) {
    %c0_i32 = arith.constant 0 : i32
    %c0_i32_0 = arith.constant 0 : i32
    %c0_i32_1 = arith.constant 0 : i32
    return %arg0, %c0_i32, %c0_i32_0 : i32, i32, i32
  }
  func.func @transform_11(%arg0: i32) -> (i32, i32, i32) {
    %c0_i32 = arith.constant 0 : i32
    %c0_i32_0 = arith.constant 0 : i32
    %c0_i32_1 = arith.constant 0 : i32
    return %arg0, %c0_i32, %c0_i32_0 : i32, i32, i32
  }
  func.func @transform_12(%arg0: i32) -> (i32, i32, i32) {
    %c0_i32 = arith.constant 0 : i32
    %c0_i32_0 = arith.constant 0 : i32
    %c0_i32_1 = arith.constant 0 : i32
    return %arg0, %c0_i32, %c0_i32_0 : i32, i32, i32
  }
}

</mosaic_0001>

<sc_bundles>
// kernel: kernel.6.cloned.1.call-start
scs
__scs_entry_jumppad:
0x0: {  	(pc) =	sbr.rel $0x88, $3  }
0x1: {  	(tag) =	ssettag $0x0;
	lr =	simm.s32 $0x1  }
0x2: {  	[smem:$0x3F91] =	sst lr;
	_ =	strace $0xD0000000  }
0x3: {  	_ = 	snop  }
0x4: {  	_ = 	snop  }
0x5: {  	_ = 	snop  }
0x6: {  	_ = 	snop  }
0x7: {  	_ = 	snop  }
__scs_overlays_trampoline_lowered:
0x8: {  	[smem:$0x3FA0] =	sst s0  }
0x9: {  	[smem:$0x3FA1] =	sst s1  }
0xa: {  	[smem:$0x3FA2] =	sst s2  }
0xb: {  	[smem:$0x3FA3] =	sst s3  }
0xc: {  	[smem:$0x3FA4] =	sst s4  }
0xd: {  	[smem:$0x3FA5] =	sst s5  }
0xe: {  	[smem:$0x3FA6] =	sst s6  }
0xf: {  	[smem:$0x3FA7] =	sst s7  }
0x10: {  	[smem:$0x3FA8] =	sst s8  }
0x11: {  	[smem:$0x3FA9] =	sst s9;
	s0 =	simm.s32 @!p0 $0x0  }
0x12: {  	s1 =	sld [smem:$0x3F8F];
	s0 =	simm.s32 @p0 $0x1  }
0x13: {  	[smem:$0x3FAA] =	sst s0;
	s0 =	simm.s32 @!p1 $0x0  }
0x14: {  	s2 =	sld [smem:$0x3F8E];
	s0 =	simm.s32 @p1 $0x1  }
0x15: {  	[smem:$0x3FAB] =	sst s0;
	s0 =	simm.s32 @!p2 $0x0  }
0x16: {  	s3 =	sld [smem:$0x3FDB];
	s0 =	simm.s32 @p2 $0x1  }
0x17: {  	s4 =	simm.s32 $0x1BF5;
	[smem:$0x3FAD] =	sst s0  }
0x18: {  	s0 =	sld [smem:$0x3F90];
	_ =	swait.ge [sflag:s4], $0x0  }
0x19: {  	s7 =	sld [smem:$0x3F91]  }
0x1a: {  	s8 =	sadd.s32 $0xFFFFE003, lr  }
0x1b: {  	s9 =	sadd.s32 $0xFFFFFEF7, lr;
	s5 =	simm.s32 $0xFFFFFFFF;
	p2 =	slt.u32 s8, $0xFFFFF086  }
0x1c: {  	p1 =	slt.u32 s9, $0xF7A;
	s5 =	simm.s32 @!p2 $0x0  }
0x1d: {  	s5 =	simm.s32 @p1 $0x1;
	p0 =	seq.s32 s7, s2  }
0x1e: {  	s7 =	smul.u32 @!p0 $0xF7A, s2;
	p2 =	seq.s32 @!p0 s5, $0x0  }
0x1f: {  	s9 =	smul.u32 $0xF7A, s1;
	s8 =	simm.s32 @!p0 $0x1BF5;
	p2 =	por !p2, p0  }
0x20: {  	[sflag:s8] =	ssyncset.s32 @!p0 $0xFFFFF086;
	s6 =	sadd.s32 @!p0 s3, s7;
	s7 =	simm.s32 @!p0 $0x108  }
0x21: {  	s3 =	sadd.s32 s3, s9;
	s6 =	sadd.s32 @!p0 $0x88, s6;
	s7 =	simm.s32 @p2 $0x1082  }
0x22: {  	[simem:s7], [sflag:s8] =	dma.local @!p0 [hbm:s6], $0xF7A  }
0x23: {  	s9 =	sor.u32 $0xD0000000, s2;
	s6 =	simm.s32 $0x108;
	_ =	swait.ge @!p0 [sflag:s8], $0x0  }
0x24: {  	s3 =	sadd.s32 $0x88, s3;
	s6 =	simm.s32 @!p1 $0x1082;
	[sflag:s4] =	ssyncset.s32 $0xFFFFF086  }
0x25: {  	[simem:s6], [sflag:s4] =	dma.local [hbm:s3], $0xF7A  }
0x26: {  	[smem:$0x3F91] =	sst s1;
	(tag) =	ssettag s2;
	_ =	strace s9  }
0x27: {  	s1 =	sld [smem:$0x3FA1]  }
0x28: {  	s2 =	sld [smem:$0x3FA2]  }
0x29: {  	s4 =	sld [smem:$0x3FA4]  }
0x2a: {  	p0 =	seq.s32 s5, $0x0;
	s5 =	sld [smem:$0x3FA5]  }
0x2b: {  	s6 =	sld [smem:$0x3FA6]  }
0x2c: {  	s7 =	sld [smem:$0x3FA7]  }
0x2d: {  	s3 =	simm.s32 $0x108;
	s8 =	sld [smem:$0x3FA8]  }
0x2e: {  	s3 =	simm.s32 @!p0 $0x1082;
	s9 =	sld [smem:$0x3FA9]  }
0x2f: {  	lr =	sadd.s32 s0, s3;
	s0 =	sld [smem:$0x3FA0]  }
0x30: {  	s3 =	sld [smem:$0x3FA3]  }
0x31: {  	[smem:$0x3FAC] =	sst s10  }
0x32: {  	s10 =	sld [smem:$0x3FAA];
	_ =	sdelay $0x3  }
0x33: {  	p0 =	seq.s32 s10, $0x1;
	s10 =	sld [smem:$0x3FAC];
	_ =	sdelay $0x3  }
0x34: {  	[smem:$0x3FAC] =	sst s10  }
0x35: {  	s10 =	sld [smem:$0x3FAB];
	_ =	sdelay $0x3  }
0x36: {  	p1 =	seq.s32 s10, $0x1;
	s10 =	sld [smem:$0x3FAC];
	_ =	sdelay $0x3  }
0x37: {  	[smem:$0x3FAC] =	sst s10  }
0x38: {  	s10 =	sld [smem:$0x3FAD]  }
0x39: {  	_ = 	snop;
	(pc) =	sbr.ind lr, $3  }
0x3a: {  	_ = 	snop  }
0x3b: {  	_ = 	snop  }
0x3c: {  	p2 =	seq.s32 s10, $0x1;
	s10 =	sld [smem:$0x3FAC]  }
0x3d: {  	_ =	shalt  }
0x3e: {  	_ =	shalt  }
0x3f: {  	_ =	shalt  }
0x40: {  	_ =	shalt  }
0x41: {  	_ =	shalt  }
0x42: {  	_ =	shalt  }
0x43: {  	_ =	shalt  }
0x44: {  	_ =	shalt  }
0x45: {  	_ =	shalt  }
0x46: {  	_ =	shalt  }
0x47: {  	_ =	shalt  }
0x48: {  	_ =	shalt  }
0x49: {  	_ =	shalt  }
0x4a: {  	_ =	shalt  }
0x4b: {  	_ =	shalt  }
0x4c: {  	_ =	shalt  }
0x4d: {  	_ =	shalt  }
0x4e: {  	_ =	shalt  }
0x4f: {  	_ =	shalt  }
0x50: {  	_ =	shalt  }
0x51: {  	_ =	shalt  }
0x52: {  	_ =	shalt  }
0x53: {  	_ =	shalt  }
0x54: {  	_ =	shalt  }
0x55: {  	_ =	shalt  }
0x56: {  	_ =	shalt  }
0x57: {  	_ =	shalt  }
0x58: {  	_ =	shalt  }
0x59: {  	_ =	shalt  }
0x5a: {  	_ =	shalt  }
0x5b: {  	_ =	shalt  }
0x5c: {  	_ =	shalt  }
0x5d: {  	_ =	shalt  }
0x5e: {  	_ =	shalt  }
0x5f: {  	_ =	shalt  }
0x60: {  	_ =	shalt  }
0x61: {  	_ =	shalt  }
0x62: {  	_ =	shalt  }
0x63: {  	_ =	shalt  }
0x64: {  	_ =	shalt  }
0x65: {  	_ =	shalt  }
0x66: {  	_ =	shalt  }
0x67: {  	_ =	shalt  }
0x68: {  	_ =	shalt  }
0x69: {  	_ =	shalt  }
0x6a: {  	_ =	shalt  }
0x6b: {  	_ =	shalt  }
0x6c: {  	_ =	shalt  }
0x6d: {  	_ =	shalt  }
0x6e: {  	_ =	shalt  }
0x6f: {  	_ =	shalt  }
0x70: {  	_ =	shalt  }
0x71: {  	_ =	shalt  }
0x72: {  	_ =	shalt  }
0x73: {  	_ =	shalt  }
0x74: {  	_ =	shalt  }
0x75: {  	_ =	shalt  }
0x76: {  	_ =	shalt  }
0x77: {  	_ =	shalt  }
0x78: {  	_ =	shalt  }
0x79: {  	_ =	shalt  }
0x7a: {  	_ =	shalt  }
0x7b: {  	_ =	shalt  }
0x7c: {  	_ =	shalt  }
0x7d: {  	_ =	shalt  }
0x7e: {  	_ =	shalt  }
0x7f: {  	_ =	shalt  }
0x80: {  	_ =	shalt  }
0x81: {  	_ =	shalt  }
0x82: {  	_ =	shalt  }
0x83: {  	_ =	shalt  }
0x84: {  	_ =	shalt  }
0x85: {  	_ =	shalt  }
0x86: {  	_ =	shalt  }
0x87: {  	_ =	shalt  }
.Lfunc_end0:
.L_simem_size_0:
called_computation_lowered:
.L_overlay_start_0:
0x88: {  	s2 =	sld [smem:$0x3FD9]  }
0x89: {  	s3 =	sld [smem:$0x3FFE];
	_ =	sdelay $0x1  }
0x8a: {  	s1 =	srdreg.scid  }
0x8b: {  	s0 =	sand.u32 $0x1, s1  }
0x8c: {  	s14 =	sshll.u32 s0, $0xA;
	s2 =	sadd.s32 s3, s2  }
0x8d: {  	s2 =	sadd.s32 s2, s14  }
0x8e: {  	[smem:$0x3FB8] =	sst s2  }
0x8f: {  	_ = 	snop  }
0x90: {  	s2 =	sld [smem:$0x3FD0];
	_ =	sdelay $0x2  }
0x91: {  	s15 =	simm.s32 $0xA;
	s4 =	simm.s32 $0x10  }
0x92: {  	[smem:s4], [sflag:s15] =	dma.local [hbm:s2], $0x1  }
0x93: {  	_ =	swait.eq [sflag:s15], $0x1  }
0x94: {  	[sflag:s15] =	ssyncset.done $0x0  }
0x95: {  	[sflag:s15] =	ssyncadd.s32 $0xFFFFFFFF  }
0x96: {  	s16 =	sld [smem:$0x10];
	(tm) =	ssettm $0x1  }
0x97: {  	s17 =	sld [smem:$0x3FFB];
	_ =	sdelay $0x3  }
0x98: {  	_ =	strace s17  }
0x99: {  	s3 =	sld [smem:$0x3FFC];
	_ =	sdelay $0x3  }
0x9a: {  	_ =	strace s3  }
0x9b: {  	s3 =	sld [smem:$0x3FFD];
	_ =	sdelay $0x3  }
0x9c: {  	_ =	strace s3  }
0x9d: {  	_ =	strace $0x8FFFFFFF  }
0x9e: {  	s18 =	sld [smem:$0x3FDB];
	_ =	sdelay $0x1  }
0x9f: {  	s19 =	simm.s32 $_scs_section_size  }
0xa0: {  	s5 =	simm.s32 $_size__tile_overlayer_lowered;
	s6 =	simm.s32 $_tile_overlayer_lowered  }
0xa1: {  	s22 =	simm.s32 $0x1BFF;
	s21 =	sshll.u32 s6, $0x1;
	s3 =	sadd.s32 s19, s18  }
0xa2: {  	s7 =	simm.s32 $0x0;
	s20 =	sshll.u32 s5, $0x1;
	s5 =	sadd.s32 s21, s3  }
0xa3: {  	[timem:s7], [sflag:s22] =	dma.local [hbm:s5], s20  }
0xa4: {  	_ =	swait.ge [sflag:s22], s20  }
0xa5: {  	s4 =	ssub.s32 $0x0, s20;
	[sflag:s22] =	ssyncset.done $0x0  }
0xa6: {  	[sflag:s22] =	ssyncadd.s32 s4;
	_ =	sdelay $0x1  }
0xa7: {  	s23 =	simm.s32 $0x1B8B  }
0xa8: {  	_ =	swait.ge [sflag:s23], $0x1  }
0xa9: {  	[sflag:s23] =	ssyncset.done $0x0  }
0xaa: {  	s25 =	simm.s32 $0x1B8E;
	s24 =	sld [smem:$0x3FFE];
	[sflag:s23] =	ssyncadd.s32 $0xFFFFFFFF  }
0xab: {  	s26 =	simm.s32 $execute0_lowered;
	[smem:$0x3FD2] =	sst s25  }
0xac: {  	s5 =	sshll.u32 s26, $0x1;
	_ =	strace $0x80000046;
	[dreg:$0x1] =	wrdreg $0xFFFFFFFF  }
0xad: {  	s28 =	simm.s32 $_size_execute0_lowered;
	s3 =	sadd.s32 s3, s5;
	[dreg:$0x0] =	wrdreg $0x0  }
0xae: {  	s5 =	sshll.u32 s28, $0x1;
	[dreg:$0x2] =	wrdreg s3  }
0xaf: {  	[dreg:$0x3] =	wrdreg s5  }
0xb0: {  	[dreg:$0x4] =	wrdreg $0xC0  }
0xb1: {  	_ =	task [dreg:s7], $0x5FFFF  }
0xb2: {  	[dreg:$0x1] =	wrdreg $0xFFFFFFFF  }
0xb3: {  	[dreg:$0x0] =	wrdreg $0x60  }
0xb4: {  	[dreg:$0x2] =	wrdreg s16  }
0xb5: {  	[dreg:$0x3] =	wrdreg s24  }
0xb6: {  	[dreg:$0x4] =	wrdreg $0x9  }
0xb7: {  	_ =	task.clear_ibuf [dreg:s7], $0x5FFFF;
	_ =	strace $0x90000046  }
0xb8: {  	s29 =	simm.s32 $0x9;
	_ =	strace $0x80000048  }
0xb9: {  	_ =	swait.ge [sflag:s29], $0x1  }
0xba: {  	[sflag:s29] =	ssyncadd.s32 $0xFFFFFFFF  }
0xbb: {  	_ =	strace $0x90000048  }
0xbc: {  	_ =	sfence  }
0xbd: {  	s30 =	sld [smem:$0x0];
	_ =	sdelay $0x2  }
0xbe: {  	s31 =	sshll.u32 s1, $0xD;
	s1 =	sshrl.u32 s1, $0x2  }
0xbf: {  	s3 =	sand.u32 $0x4000, s31;
	s1 =	sadd.s32 s1, s30  }
0xc0: {  	s0 =	sor.u32 s3, s0;
	s1 =	sshll.u32 s1, $0x11  }
0xc1: {  	s0 =	sor.u32 s1, s0  }
0xc2: {  	s0 =	sadd.s32 $0x8F2B, s0  }
0xc3: {  	[sflag:s0] =	ssyncadd.remote.s32 $0x1  }
0xc4: {  	_ =	sfence.sel $0xFFFF  }
0xc5: {  	[dreg:$0x0] =	wrdreg $0xFFFFFFFF;
	(pc) =	sbr.abs _section_cstart, $3  }
0xc6: {  	[dreg:$0x1] =	wrdreg $0xFFFFFFFF  }
0xc7: {  	_ =	task.clear_ibuf [dreg:s7], $0x2FFFF;
	_ =	strace $0x9FFFFFFF  }
0xc8: {  	(tm) =	ssettm $0x7FFFFFFF  }
0xc9: {  	_ =	shalt  }
tec
execute0_lowered:
.L_overlay_start_1:
0x0: {  	(tag) =	ssettag $0x1  }
0x1: {  	s3 =	stileid.u32  }
0x2: {  	p0 =	sgt.u32 s3, $0x3  }
.Ltmp0:
0x3: {  	_ = 	snop;
	(pc) =	sbr.rel @p0 .LBB2_37-.Ltmp0, $4  }
0x4: {  	_ = 	snop  }
0x5: {  	s0 =	rddreg [dreg:$0x0];
	s2 =	simm.s32 $0x0  }
0x6: {  	[smem:$0x7FF] =	sst s2  }
0x7: {  	s1 =	rddreg [dreg:$0x1];
	_ =	strace $0x80000047  }
0x8: {  	s3 =	srdreg.scid;
	s4 =	stileid.u32  }
0x9: {  	s9 =	simm.s32 $0x4E80;
	s10 =	simm.s32 $0x9D00;
	s11 =	simm.s32 $0xEB80  }
0xa: {  	s12 =	simm.s32 $0x17A00;
	s13 =	simm.s32 $0x80;
	s14 =	simm.s32 $0x18A00  }
0xb: {  	s16 =	simm.s32 $0x19200;
	s18 =	simm.s32 $0x19A00;
	s20 =	simm.s32 $0x1A200  }
0xc: {  	s22 =	simm.s32 $0x1AA00;
	s24 =	simm.s32 $0x1B200;
	s29 =	simm.s32 $0x1C200  }
0xd: {  	s30 =	simm.s32 $0x1;
	s3 =	sand.u32 $0x1, s3;
	s4 =	sshll.u32 s4, $0x1  }
0xe: {  	s31 =	simm.s32 $0x18800;
	s15 =	simm.s32 $0x18980;
	s4 =	sor.u32 s3, s4  }
0xf: {  	s17 =	simm.s32 $0x0;
	s6 =	ssub.s32 $0x2, s3;
	s5 =	smul.u32 $0x9C40, s4  }
0x10: {  	s26 =	sshll.u32 s4, $0xD;
	s7 =	sshrl.u32 s6, $0x1;
	s8 =	smul.u32 $0x9D0, s4  }
0x11: {  	v0 =	vlaneseq.u32;
	s28 =	sadd.s32 s26, s1;
	s6 =	ssub.s32 s6, s7;
	s7 =	simm.s32 $0x2  }
0x12: {  	v2 =	vimm.s32 $0x0;
	v3 =	vimm.s32 $0x1;
	v1 =	vmul.u32 $0x13A, v0;
	s26 =	simm.s32 $0x1BA00;
	s5 =	sadd.s32 s5, s1;
	s4 =	sadd.s32 $0x51800, s28  }
0x13: {  	v5 =	vor.u32 $0x10, v0;
	v7 =	vor.u32 $0x20, v0;
	v9 =	vor.u32 $0x30, v0;
	s6 =	smax.u32 s6, $0x1;
	s1 =	simm.s32 $0x18900;
	s3 =	sadd.s32 $0x3600, s5  }
0x14: {  	v4 =	vadd.s32 $0x13A0, v1;
	v6 =	vadd.s32 $0x2740, v1;
	v8 =	vadd.s32 $0x3AE0, v1;
	s5 =	sadd.s32 s0, s8;
	s8 =	simm.s32 $0x13A00;
	s0 =	simm.s32 $0x18880  }
.LBB2_2:
0x15: {  	s19 =	simm.s32 $0x0  }
0x16: {  	[tilespmem:s19], [sflag:$0x2] =	stream.linear.gather [hbm4b:s5+s19], $0x4E80, $0x38;
	[tilespmem:$0x1CA00] =	vst v63  }
0x17: {  	_ =	swait.ge [sflag:s7], $0x4E80  }
0x18: {  	[sflag:s7] =	ssyncset.done $0x0  }
0x19: {  	v10 =	vor.u32 s19, v0;
	[sflag:s7] =	ssyncadd.s32 $0xFFFFB180  }
0x1a: {  	s21 =	simm.s32 $0x4E80;
	s19 =	simm.s32 $0x10;
	[tilespmem:s9+$0x0] =	vst v10  }
.LBB2_3:
0x1b: {  	p0 =	sne.s32 s19, $0x4E70  }
.Ltmp1:
0x1c: {  	_ = 	snop;
	(pc) =	sbr.rel @p0 .LBB2_3-.Ltmp1, $3  }
0x1d: {  	_ =	sdelay $0x1  }
0x1e: {  	v10 =	vor.u32 s19, v0;
	s19 =	sadd.s32 $0x10, s19;
	s21 =	sadd.s32 $0x10, s21  }
0x1f: {  	[tilespmem:s21+$0x0] =	vst v10  }
0x20: {  	s19 =	simm.s32 $0x100;
	s21 =	simm.s32 $0x0  }
.LBB2_5:
0x21: {  	p0 =	sne.s32 s19, $0xFF00;
	[tilespmem:s21+$0x13A30] =	vst v2;
	s23 =	smov.u32 s19;
	s19 =	sadd.s32 $0x100, s19  }
.Ltmp2:
0x22: {  	[tilespmem:s21+$0x13A20] =	vst v2;
	(pc) =	sbr.rel @p0 .LBB2_5-.Ltmp2, $3  }
0x23: {  	[tilespmem:s21+$0x13A00] =	vst v2  }
0x24: {  	[tilespmem:s21+$0x13A10] =	vst v2;
	_ =	sdelay $0x1  }
0x25: {  	s21 =	sshra.s32 s23, $0x2  }
0x26: {  	[tilespmem:s21+$0x13A30] =	vst v2  }
0x27: {  	[tilespmem:s21+$0x13A20] =	vst v2  }
0x28: {  	[tilespmem:s21+$0x13A00] =	vst v2  }
0x29: {  	s19 =	simm.s32 $0x0;
	[tilespmem:s21+$0x13A10] =	vst v2;
	s21 =	simm.s32 $0x0  }
.LBB2_7:
0x2a: {  	v10 =	vadd.s32 s21, v1;
	_ =	sdelay $0x4  }
0x2b: {  	v10 =	vld.idx.msk [tilespmem:v10+s19+$0x0], $0xffff;
	_ =	sdelay $0x4  }
0x2c: {  	v10 =	vshll.u32 v10, $0x6  }
0x2d: {  	v10 =	vand.u32 $0x3FC0, v10  }
0x2e: {  	v10 =	vor.u32 v0, v10  }
0x2f: {  	v11 =	vadd.s32 s21, v4;
	_ =	sdelay $0x3  }
0x30: {  	[tilespmem:v10+s8+$0x0] =	vst.idx.add.s32.msk $0xffff, v3  }
0x31: {  	v10 =	vld.idx.msk [tilespmem:v11+s19+$0x0], $0xffff;
	_ =	sdelay $0x4  }
0x32: {  	v10 =	vshll.u32 v10, $0x6  }
0x33: {  	v10 =	vand.u32 $0x3FC0, v10  }
0x34: {  	v10 =	vor.u32 v5, v10  }
0x35: {  	v11 =	vadd.s32 s21, v6;
	_ =	sdelay $0x3  }
0x36: {  	[tilespmem:v10+s8+$0x0] =	vst.idx.add.s32.msk $0xffff, v3  }
0x37: {  	v10 =	vld.idx.msk [tilespmem:v11+s19+$0x0], $0xffff;
	_ =	sdelay $0x4  }
0x38: {  	v10 =	vshll.u32 v10, $0x6  }
0x39: {  	v10 =	vand.u32 $0x3FC0, v10  }
0x3a: {  	v10 =	vor.u32 v7, v10  }
0x3b: {  	v11 =	vadd.s32 s21, v8;
	_ =	sdelay $0x3  }
0x3c: {  	[tilespmem:v10+s8+$0x0] =	vst.idx.add.s32.msk $0xffff, v3  }
0x3d: {  	v10 =	vld.idx.msk [tilespmem:v11+s19+$0x0], $0xffff;
	_ =	sdelay $0x4  }
0x3e: {  	v10 =	vshll.u32 v10, $0x6  }
0x3f: {  	v10 =	vand.u32 $0x3FC0, v10  }
0x40: {  	p0 =	sne.s32 s21, $0x139;
	v10 =	vor.u32 v9, v10  }
.Ltmp3:
0x41: {  	_ = 	snop;
	(pc) =	sbr.rel @p0 .LBB2_7-.Ltmp3, $2  }
0x42: {  	_ =	sdelay $0x2  }
0x43: {  	s21 =	sadd.s32 $0x1, s21;
	[tilespmem:v10+s8+$0x0] =	vst.idx.add.s32.msk $0xffff, v3  }
0x44: {  	s21 =	simm.s32 $0x0  }
0x45: {  	v10 =	vld [tilespmem:s21+$0x13A00];
	_ =	sdelay $0x4  }
0x46: {  	(xrf0) =	vadd.scan.msk.s32 $0xffff, v10  }
0x47: {  	v11 =	vld [tilespmem:s21+$0x13A10];
	_ =	sdelay $0x4  }
0x48: {  	v12, _, _ =	vpop (xrf0);
	(xrf0) =	vadd.scan.msk.s32 $0xffff, v11  }
0x49: {  	v13 =	vld [tilespmem:s21+$0x13A20];
	(v2sf) =	vpush v12, $0xF;
	_ =	sdelay $0x4  }
0x4a: {  	v14 =	vld [tilespmem:s21+$0x13A30];
	(xrf0) =	vadd.scan.msk.s32 $0xffff, v13;
	v15, _, _ =	vpop (xrf0)  }
0x4b: {  	(v2sf) =	vpush v15, $0xF;
	_ =	sdelay $0x3  }
0x4c: {  	v10 =	vsub.s32 s19, v10;
	(xrf0) =	vadd.scan.msk.s32 $0xffff, v14  }
0x4d: {  	v10 =	vadd.s32 v12, v10;
	v16, _, _ =	vpop (xrf0)  }
0x4e: {  	s19 =	simm.s32 $0x40;
	[tilespmem:s21+$0x13A00] =	vst v10;
	(v2sf) =	vpush v16, $0xF  }
0x4f: {  	v10 =	vld [tilespmem:s19+$0x13A00];
	_ =	sdelay $0x1  }
0x50: {  	s23 =	spop (v2sf)  }
0x51: {  	v11 =	vsub.s32 v15, v11;
	v12, _, _ =	vpop (xrf0);
	s23 =	sadd.s32 $0x0, s23  }
0x52: {  	(v2sf) =	vpush v12, $0xF;
	v11 =	vadd.s32 s23, v11  }
0x53: {  	(xrf0) =	vadd.scan.msk.s32 $0xffff, v10;
	[tilespmem:s21+$0x13A10] =	vst v11  }
0x54: {  	v15 =	vld [tilespmem:s19+$0x13A10];
	_ =	sdelay $0x1  }
0x55: {  	s25 =	spop (v2sf)  }
0x56: {  	v11 =	vsub.s32 v16, v13;
	s23 =	sadd.s32 s23, s25  }
0x57: {  	v11 =	vadd.s32 s23, v11  }
0x58: {  	v13, _, _ =	vpop (xrf0);
	(xrf0) =	vadd.scan.msk.s32 $0xffff, v15;
	[tilespmem:s21+$0x13A20] =	vst v11  }
0x59: {  	(v2sf) =	vpush v13, $0xF;
	v11 =	vld [tilespmem:s19+$0x13A20];
	_ =	sdelay $0x1  }
0x5a: {  	s28 =	spop (v2sf)  }
0x5b: {  	v12 =	vsub.s32 v12, v14;
	s23 =	sadd.s32 s23, s28  }
0x5c: {  	v12 =	vadd.s32 s23, v12  }
0x5d: {  	[tilespmem:s21+$0x13A30] =	vst v12;
	v63, _, _ =	vpop (xrf0);
	(xrf0) =	vadd.scan.msk.s32 $0xffff, v11  }
0x5e: {  	v12 =	vld [tilespmem:s19+$0x13A30];
	(v2sf) =	vpush v63, $0xF  }
0x5f: {  	s21 =	simm.s32 $0x200;
	s25 =	spop (v2sf);
	v14 =	vsub.s32 v63, v15  }
.LBB2_9:
0x60: {  	p0 =	sne.s32 s21, $0xFF00  }
0x61: {  	s23 =	sadd.s32 s23, s25;
	s25 =	smov.u32 s21;
	s21 =	sadd.s32 $0x100, s21  }
0x62: {  	v10 =	vsub.s32 s23, v10  }
0x63: {  	v10 =	vadd.s32 v13, v10;
	v13, _, _ =	vpop (xrf0);
	(xrf0) =	vadd.scan.msk.s32 $0xffff, v12  }
0x64: {  	s25 =	sshra.s32 s25, $0x2;
	[tilespmem:s19+$0x13A00] =	vst v10;
	v11 =	vsub.s32 v13, v11;
	(v2sf) =	vpush v13, $0xF  }
0x65: {  	v10 =	vld [tilespmem:s25+$0x13A00];
	_ =	sdelay $0x1  }
0x66: {  	s28 =	spop (v2sf)  }
0x67: {  	s23 =	sadd.s32 s23, s28  }
0x68: {  	v13 =	vadd.s32 s23, v14;
	v14, _, _ =	vpop (xrf0)  }
0x69: {  	(xrf0) =	vadd.scan.msk.s32 $0xffff, v10;
	[tilespmem:s19+$0x13A10] =	vst v13;
	v12 =	vsub.s32 v14, v12;
	(v2sf) =	vpush v14, $0xF  }
0x6a: {  	v14 =	vld [tilespmem:s25+$0x13A10];
	_ =	sdelay $0x1  }
0x6b: {  	s28 =	spop (v2sf)  }
0x6c: {  	s23 =	sadd.s32 s23, s28  }
0x6d: {  	v11 =	vadd.s32 s23, v11  }
0x6e: {  	v13, _, _ =	vpop (xrf0);
	(xrf0) =	vadd.scan.msk.s32 $0xffff, v14;
	[tilespmem:s19+$0x13A20] =	vst v11  }
0x6f: {  	v11 =	vld [tilespmem:s25+$0x13A20];
	(v2sf) =	vpush v13, $0xF;
	_ =	sdelay $0x1  }
0x70: {  	s28 =	spop (v2sf)  }
0x71: {  	s23 =	sadd.s32 s23, s28  }
.Ltmp4:
0x72: {  	v12 =	vadd.s32 s23, v12;
	(pc) =	sbr.rel @p0 .LBB2_9-.Ltmp4, $3  }
0x73: {  	v15, _, _ =	vpop (xrf0);
	(xrf0) =	vadd.scan.msk.s32 $0xffff, v11;
	[tilespmem:s19+$0x13A30] =	vst v12;
	s19 =	smov.u32 s25  }
0x74: {  	v14 =	vsub.s32 v15, v14;
	v12 =	vld [tilespmem:s19+$0x13A30];
	(v2sf) =	vpush v15, $0xF;
	_ =	sdelay $0x1  }
0x75: {  	s25 =	spop (v2sf)  }
0x76: {  	_ =	sdelay $0x1  }
0x77: {  	(xrf0) =	vadd.scan.msk.s32 $0xffff, v12;
	_ =	sdelay $0x2  }
0x78: {  	v15, _, _ =	vpop (xrf0)  }
0x79: {  	(v2sf) =	vpush v15, $0xF;
	_ =	sdelay $0x1  }
0x7a: {  	v16, _, _ =	vpop (xrf0)  }
0x7b: {  	(v2sf) =	vpush v16, $0xF;
	_ =	sdelay $0x8  }
0x7c: {  	s21 =	sadd.s32 s23, s25  }
0x7d: {  	v10 =	vsub.s32 s21, v10;
	s25 =	spop (v2sf)  }
0x7e: {  	v10 =	vadd.s32 v13, v10;
	s21 =	sadd.s32 s21, s25;
	s28 =	spop (v2sf)  }
0x7f: {  	[tilespmem:s19+$0x13A00] =	vst v10;
	v10 =	vsub.s32 v15, v11;
	v11 =	vadd.s32 s21, v14;
	s21 =	sadd.s32 s21, s28;
	s25 =	spop (v2sf)  }
0x80: {  	[tilespmem:s19+$0x13A10] =	vst v11;
	v11 =	vsub.s32 v16, v12;
	v10 =	vadd.s32 s21, v10;
	s21 =	sadd.s32 s21, s25  }
0x81: {  	[tilespmem:s19+$0x13A20] =	vst v10;
	v10 =	vadd.s32 s21, v11  }
0x82: {  	s21 =	simm.s32 $0x0;
	[tilespmem:s19+$0x13A30] =	vst v10;
	s19 =	simm.s32 $0x0;
	s28 =	spop (v2sf)  }
.LBB2_11:
0x83: {  	v10 =	vadd.s32 s21, v1;
	_ =	sdelay $0x4  }
0x84: {  	v11 =	vld.idx.msk [tilespmem:v10+s19+$0x0], $0xffff;
	_ =	sdelay $0x4  }
0x85: {  	v12 =	vshll.u32 v11, $0x6  }
0x86: {  	v12 =	vand.u32 $0x3FC0, v12  }
0x87: {  	v12 =	vor.u32 v0, v12;
	_ =	sdelay $0x4  }
0x88: {  	v13 =	vld.idx.msk [tilespmem:v12+s8+$0x0], $0xffff;
	_ =	sdelay $0x3  }
0x89: {  	v10 =	vld.idx.msk [tilespmem:v10+s9+$0x0], $0xffff;
	_ =	sdelay $0x1  }
0x8a: {  	v14 =	vadd.s32 s21, v4;
	_ =	sdelay $0x1  }
0x8b: {  	[tilespmem:v13+s10+$0x0] =	vst.idx.msk $0xffff, v11  }
0x8c: {  	[tilespmem:v13+s11+$0x0] =	vst.idx.msk $0xffff, v10;
	v10 =	vadd.s32 $0x1, v13  }
0x8d: {  	[tilespmem:v12+s8+$0x0] =	vst.idx.msk $0xffff, v10  }
0x8e: {  	v10 =	vld.idx.msk [tilespmem:v14+s19+$0x0], $0xffff;
	_ =	sdelay $0x4  }
0x8f: {  	v11 =	vshll.u32 v10, $0x6  }
0x90: {  	v11 =	vand.u32 $0x3FC0, v11  }
0x91: {  	v11 =	vor.u32 v5, v11;
	_ =	sdelay $0x4  }
0x92: {  	v12 =	vld.idx.msk [tilespmem:v11+s8+$0x0], $0xffff;
	_ =	sdelay $0x3  }
0x93: {  	v59 =	vld.idx.msk [tilespmem:v14+s9+$0x0], $0xffff;
	_ =	sdelay $0x1  }
0x94: {  	v60 =	vadd.s32 s21, v6;
	_ =	sdelay $0x1  }
0x95: {  	[tilespmem:v12+s10+$0x0] =	vst.idx.msk $0xffff, v10  }
0x96: {  	v10 =	vadd.s32 $0x1, v12;
	[tilespmem:v12+s11+$0x0] =	vst.idx.msk $0xffff, v59  }
0x97: {  	[tilespmem:v11+s8+$0x0] =	vst.idx.msk $0xffff, v10  }
0x98: {  	v10 =	vld.idx.msk [tilespmem:v60+s19+$0x0], $0xffff;
	_ =	sdelay $0x4  }
0x99: {  	v11 =	vshll.u32 v10, $0x6  }
0x9a: {  	v11 =	vand.u32 $0x3FC0, v11  }
0x9b: {  	v11 =	vor.u32 v7, v11;
	_ =	sdelay $0x4  }
0x9c: {  	v61 =	vld.idx.msk [tilespmem:v11+s8+$0x0], $0xffff;
	_ =	sdelay $0x3  }
0x9d: {  	v13 =	vld.idx.msk [tilespmem:v60+s9+$0x0], $0xffff;
	_ =	sdelay $0x1  }
0x9e: {  	v62 =	vadd.s32 s21, v8;
	_ =	sdelay $0x1  }
0x9f: {  	[tilespmem:v61+s10+$0x0] =	vst.idx.msk $0xffff, v10  }
0xa0: {  	v10 =	vadd.s32 $0x1, v61;
	[tilespmem:v61+s11+$0x0] =	vst.idx.msk $0xffff, v13  }
0xa1: {  	[tilespmem:v11+s8+$0x0] =	vst.idx.msk $0xffff, v10  }
0xa2: {  	v10 =	vld.idx.msk [tilespmem:v62+s19+$0x0], $0xffff;
	_ =	sdelay $0x4  }
0xa3: {  	v11 =	vshll.u32 v10, $0x6  }
0xa4: {  	v11 =	vand.u32 $0x3FC0, v11  }
0xa5: {  	v11 =	vor.u32 v9, v11;
	_ =	sdelay $0x4  }
0xa6: {  	v63 =	vld.idx.msk [tilespmem:v11+s8+$0x0], $0xffff;
	_ =	sdelay $0x3  }
0xa7: {  	v13 =	vld.idx.msk [tilespmem:v62+s9+$0x0], $0xffff  }
0xa8: {  	p0 =	sne.s32 s21, $0x139  }
.Ltmp5:
0xa9: {  	_ = 	snop;
	(pc) =	sbr.rel @p0 .LBB2_11-.Ltmp5, $4  }
0xaa: {  	_ = 	snop  }
0xab: {  	[tilespmem:v63+s10+$0x0] =	vst.idx.msk $0xffff, v10  }
0xac: {  	v10 =	vadd.s32 $0x1, v63;
	[tilespmem:v63+s11+$0x0] =	vst.idx.msk $0xffff, v13  }
0xad: {  	s21 =	sadd.s32 $0x1, s21;
	[tilespmem:v11+s8+$0x0] =	vst.idx.msk $0xffff, v10  }
0xae: {  	p0 =	por $0x1, $0x1  }
.Ltmp6:
0xaf: {  	_ = 	snop;
	(pc) =	sbr.rel @!p0 .LBB2_14-.Ltmp6, $2  }
0xb0: {  	_ =	sdelay $0x2  }
0xb1: {  	s19 =	simm.s32 $0x100;
	s21 =	simm.s32 $0x0  }
.LBB2_13:
0xb2: {  	p0 =	sne.s32 s19, $0xFF00;
	[tilespmem:s21+$0x13A30] =	vst v2;
	s23 =	smov.u32 s19;
	s19 =	sadd.s32 $0x100, s19  }
.Ltmp7:
0xb3: {  	[tilespmem:s21+$0x13A20] =	vst v2;
	(pc) =	sbr.rel @p0 .LBB2_13-.Ltmp7, $3  }
0xb4: {  	[tilespmem:s21+$0x13A00] =	vst v2  }
0xb5: {  	[tilespmem:s21+$0x13A10] =	vst v2;
	_ =	sdelay $0x1  }
0xb6: {  	s21 =	sshra.s32 s23, $0x2  }
.LBB2_14:
0xb7: {  	[tilespmem:s21+$0x13A30] =	vst v2  }
0xb8: {  	[tilespmem:s21+$0x13A20] =	vst v2  }
0xb9: {  	[tilespmem:s21+$0x13A00] =	vst v2  }
0xba: {  	s19 =	simm.s32 $0x0;
	[tilespmem:s21+$0x13A10] =	vst v2;
	s21 =	simm.s32 $0x0  }
.LBB2_15:
0xbb: {  	v10 =	vadd.s32 s21, v1;
	_ =	sdelay $0x4  }
0xbc: {  	v10 =	vld.idx.msk [tilespmem:v10+s10+$0x0], $0xffff;
	_ =	sdelay $0x4  }
0xbd: {  	v10 =	vshrl.u32 v10, $0x2  }
0xbe: {  	v10 =	vand.u32 $0x3FC0, v10  }
0xbf: {  	v10 =	vor.u32 v0, v10  }
0xc0: {  	v11 =	vadd.s32 s21, v4;
	_ =	sdelay $0x3  }
0xc1: {  	[tilespmem:v10+s8+$0x0] =	vst.idx.add.s32.msk $0xffff, v3  }
0xc2: {  	v10 =	vld.idx.msk [tilespmem:v11+s10+$0x0], $0xffff;
	_ =	sdelay $0x4  }
0xc3: {  	v10 =	vshrl.u32 v10, $0x2  }
0xc4: {  	v10 =	vand.u32 $0x3FC0, v10  }
0xc5: {  	v10 =	vor.u32 v5, v10  }
0xc6: {  	v11 =	vadd.s32 s21, v6;
	_ =	sdelay $0x3  }
0xc7: {  	[tilespmem:v10+s8+$0x0] =	vst.idx.add.s32.msk $0xffff, v3  }
0xc8: {  	v10 =	vld.idx.msk [tilespmem:v11+s10+$0x0], $0xffff;
	_ =	sdelay $0x4  }
0xc9: {  	v10 =	vshrl.u32 v10, $0x2  }
0xca: {  	v10 =	vand.u32 $0x3FC0, v10  }
0xcb: {  	v10 =	vor.u32 v7, v10  }
0xcc: {  	v11 =	vadd.s32 s21, v8;
	_ =	sdelay $0x3  }
0xcd: {  	[tilespmem:v10+s8+$0x0] =	vst.idx.add.s32.msk $0xffff, v3  }
0xce: {  	v10 =	vld.idx.msk [tilespmem:v11+s10+$0x0], $0xffff;
	_ =	sdelay $0x4  }
0xcf: {  	v10 =	vshrl.u32 v10, $0x2  }
0xd0: {  	v10 =	vand.u32 $0x3FC0, v10  }
0xd1: {  	p0 =	sne.s32 s21, $0x139;
	v10 =	vor.u32 v9, v10  }
.Ltmp8:
0xd2: {  	_ = 	snop;
	(pc) =	sbr.rel @p0 .LBB2_15-.Ltmp8, $2  }
0xd3: {  	_ =	sdelay $0x2  }
0xd4: {  	s21 =	sadd.s32 $0x1, s21;
	[tilespmem:v10+s8+$0x0] =	vst.idx.add.s32.msk $0xffff, v3  }
0xd5: {  	s21 =	simm.s32 $0x0  }
0xd6: {  	v10 =	vld [tilespmem:s21+$0x13A00];
	_ =	sdelay $0x4  }
0xd7: {  	(xrf0) =	vadd.scan.msk.s32 $0xffff, v10  }
0xd8: {  	v11 =	vld [tilespmem:s21+$0x13A10];
	_ =	sdelay $0x4  }
0xd9: {  	v12, _, _ =	vpop (xrf0);
	(xrf0) =	vadd.scan.msk.s32 $0xffff, v11  }
0xda: {  	v13 =	vld [tilespmem:s21+$0x13A20];
	(v2sf) =	vpush v12, $0xF;
	_ =	sdelay $0x4  }
0xdb: {  	v14 =	vld [tilespmem:s21+$0x13A30];
	(xrf0) =	vadd.scan.msk.s32 $0xffff, v13;
	v15, _, _ =	vpop (xrf0)  }
0xdc: {  	(v2sf) =	vpush v15, $0xF;
	_ =	sdelay $0x3  }
0xdd: {  	v10 =	vsub.s32 s19, v10;
	(xrf0) =	vadd.scan.msk.s32 $0xffff, v14  }
0xde: {  	v10 =	vadd.s32 v12, v10;
	v16, _, _ =	vpop (xrf0)  }
0xdf: {  	s19 =	simm.s32 $0x40;
	[tilespmem:s21+$0x13A00] =	vst v10;
	(v2sf) =	vpush v16, $0xF  }
0xe0: {  	v10 =	vld [tilespmem:s19+$0x13A00];
	_ =	sdelay $0x1  }
0xe1: {  	s23 =	spop (v2sf)  }
0xe2: {  	v11 =	vsub.s32 v15, v11;
	v12, _, _ =	vpop (xrf0);
	s23 =	sadd.s32 $0x0, s23  }
0xe3: {  	(v2sf) =	vpush v12, $0xF;
	v11 =	vadd.s32 s23, v11  }
0xe4: {  	(xrf0) =	vadd.scan.msk.s32 $0xffff, v10;
	[tilespmem:s21+$0x13A10] =	vst v11  }
0xe5: {  	v15 =	vld [tilespmem:s19+$0x13A10];
	_ =	sdelay $0x1  }
0xe6: {  	s25 =	spop (v2sf)  }
0xe7: {  	v11 =	vsub.s32 v16, v13;
	s23 =	sadd.s32 s23, s25  }
0xe8: {  	v11 =	vadd.s32 s23, v11  }
0xe9: {  	v13, _, _ =	vpop (xrf0);
	(xrf0) =	vadd.scan.msk.s32 $0xffff, v15;
	[tilespmem:s21+$0x13A20] =	vst v11  }
0xea: {  	(v2sf) =	vpush v13, $0xF;
	v11 =	vld [tilespmem:s19+$0x13A20];
	_ =	sdelay $0x1  }
0xeb: {  	s28 =	spop (v2sf)  }
0xec: {  	v12 =	vsub.s32 v12, v14;
	s23 =	sadd.s32 s23, s28  }
0xed: {  	v12 =	vadd.s32 s23, v12  }
0xee: {  	[tilespmem:s21+$0x13A30] =	vst v12;
	v63, _, _ =	vpop (xrf0);
	(xrf0) =	vadd.scan.msk.s32 $0xffff, v11  }
0xef: {  	v12 =	vld [tilespmem:s19+$0x13A30];
	(v2sf) =	vpush v63, $0xF  }
0xf0: {  	s21 =	simm.s32 $0x200;
	s25 =	spop (v2sf);
	v14 =	vsub.s32 v63, v15  }
.LBB2_17:
0xf1: {  	p0 =	sne.s32 s21, $0xFF00  }
0xf2: {  	s23 =	sadd.s32 s23, s25;
	s25 =	smov.u32 s21;
	s21 =	sadd.s32 $0x100, s21  }
0xf3: {  	v10 =	vsub.s32 s23, v10  }
0xf4: {  	v10 =	vadd.s32 v13, v10;
	v13, _, _ =	vpop (xrf0);
	(xrf0) =	vadd.scan.msk.s32 $0xffff, v12  }
0xf5: {  	s25 =	sshra.s32 s25, $0x2;
	[tilespmem:s19+$0x13A00] =	vst v10;
	v11 =	vsub.s32 v13, v11;
	(v2sf) =	vpush v13, $0xF  }
0xf6: {  	v10 =	vld [tilespmem:s25+$0x13A00];
	_ =	sdelay $0x1  }
0xf7: {  	s28 =	spop (v2sf)  }
0xf8: {  	s23 =	sadd.s32 s23, s28  }
0xf9: {  	v13 =	vadd.s32 s23, v14;
	v14, _, _ =	vpop (xrf0)  }
0xfa: {  	(xrf0) =	vadd.scan.msk.s32 $0xffff, v10;
	[tilespmem:s19+$0x13A10] =	vst v13;
	v12 =	vsub.s32 v14, v12;
	(v2sf) =	vpush v14, $0xF  }
0xfb: {  	v14 =	vld [tilespmem:s25+$0x13A10];
	_ =	sdelay $0x1  }
0xfc: {  	s28 =	spop (v2sf)  }
0xfd: {  	s23 =	sadd.s32 s23, s28  }
0xfe: {  	v11 =	vadd.s32 s23, v11  }
0xff: {  	v13, _, _ =	vpop (xrf0);
	(xrf0) =	vadd.scan.msk.s32 $0xffff, v14;
	[tilespmem:s19+$0x13A20] =	vst v11  }
0x100: {  	v11 =	vld [tilespmem:s25+$0x13A20];
	(v2sf) =	vpush v13, $0xF;
	_ =	sdelay $0x1  }
0x101: {  	s28 =	spop (v2sf)  }
0x102: {  	s23 =	sadd.s32 s23, s28  }
.Ltmp9:
0x103: {  	v12 =	vadd.s32 s23, v12;
	(pc) =	sbr.rel @p0 .LBB2_17-.Ltmp9, $3  }
0x104: {  	v15, _, _ =	vpop (xrf0);
	(xrf0) =	vadd.scan.msk.s32 $0xffff, v11;
	[tilespmem:s19+$0x13A30] =	vst v12;
	s19 =	smov.u32 s25  }
0x105: {  	v14 =	vsub.s32 v15, v14;
	v12 =	vld [tilespmem:s19+$0x13A30];
	(v2sf) =	vpush v15, $0xF;
	_ =	sdelay $0x1  }
0x106: {  	s25 =	spop (v2sf)  }
0x107: {  	_ =	sdelay $0x1  }
0x108: {  	(xrf0) =	vadd.scan.msk.s32 $0xffff, v12;
	_ =	sdelay $0x2  }
0x109: {  	v15, _, _ =	vpop (xrf0)  }
0x10a: {  	(v2sf) =	vpush v15, $0xF;
	_ =	sdelay $0x1  }
0x10b: {  	v16, _, _ =	vpop (xrf0)  }
0x10c: {  	(v2sf) =	vpush v16, $0xF;
	_ =	sdelay $0x8  }
0x10d: {  	s21 =	sadd.s32 s23, s25  }
0x10e: {  	v10 =	vsub.s32 s21, v10;
	s25 =	spop (v2sf)  }
0x10f: {  	v10 =	vadd.s32 v13, v10;
	s21 =	sadd.s32 s21, s25;
	s28 =	spop (v2sf)  }
0x110: {  	[tilespmem:s19+$0x13A00] =	vst v10;
	v10 =	vsub.s32 v15, v11;
	v11 =	vadd.s32 s21, v14;
	s21 =	sadd.s32 s21, s28;
	s25 =	spop (v2sf)  }
0x111: {  	[tilespmem:s19+$0x13A10] =	vst v11;
	v11 =	vsub.s32 v16, v12;
	v10 =	vadd.s32 s21, v10;
	s21 =	sadd.s32 s21, s25  }
0x112: {  	[tilespmem:s19+$0x13A20] =	vst v10;
	v10 =	vadd.s32 s21, v11  }
0x113: {  	s21 =	simm.s32 $0x0;
	[tilespmem:s19+$0x13A30] =	vst v10;
	s19 =	simm.s32 $0x0;
	s28 =	spop (v2sf)  }
.LBB2_19:
0x114: {  	v10 =	vadd.s32 s21, v1;
	_ =	sdelay $0x4  }
0x115: {  	v11 =	vld.idx.msk [tilespmem:v10+s10+$0x0], $0xffff;
	_ =	sdelay $0x4  }
0x116: {  	v12 =	vshrl.u32 v11, $0x2  }
0x117: {  	v12 =	vand.u32 $0x3FC0, v12  }
0x118: {  	v12 =	vor.u32 v0, v12;
	_ =	sdelay $0x4  }
0x119: {  	v13 =	vld.idx.msk [tilespmem:v12+s8+$0x0], $0xffff;
	_ =	sdelay $0x3  }
0x11a: {  	v10 =	vld.idx.msk [tilespmem:v10+s11+$0x0], $0xffff;
	_ =	sdelay $0x1  }
0x11b: {  	v14 =	vadd.s32 s21, v4;
	_ =	sdelay $0x1  }
0x11c: {  	[tilespmem:v13+s19+$0x0] =	vst.idx.msk $0xffff, v11  }
0x11d: {  	[tilespmem:v13+s9+$0x0] =	vst.idx.msk $0xffff, v10;
	v10 =	vadd.s32 $0x1, v13  }
0x11e: {  	[tilespmem:v12+s8+$0x0] =	vst.idx.msk $0xffff, v10  }
0x11f: {  	v10 =	vld.idx.msk [tilespmem:v14+s10+$0x0], $0xffff;
	_ =	sdelay $0x4  }
0x120: {  	v11 =	vshrl.u32 v10, $0x2  }
0x121: {  	v11 =	vand.u32 $0x3FC0, v11  }
0x122: {  	v11 =	vor.u32 v5, v11;
	_ =	sdelay $0x4  }
0x123: {  	v12 =	vld.idx.msk [tilespmem:v11+s8+$0x0], $0xffff;
	_ =	sdelay $0x3  }
0x124: {  	v59 =	vld.idx.msk [tilespmem:v14+s11+$0x0], $0xffff;
	_ =	sdelay $0x1  }
0x125: {  	v60 =	vadd.s32 s21, v6;
	_ =	sdelay $0x1  }
0x126: {  	[tilespmem:v12+s19+$0x0] =	vst.idx.msk $0xffff, v10  }
0x127: {  	v10 =	vadd.s32 $0x1, v12;
	[tilespmem:v12+s9+$0x0] =	vst.idx.msk $0xffff, v59  }
0x128: {  	[tilespmem:v11+s8+$0x0] =	vst.idx.msk $0xffff, v10  }
0x129: {  	v10 =	vld.idx.msk [tilespmem:v60+s10+$0x0], $0xffff;
	_ =	sdelay $0x4  }
0x12a: {  	v11 =	vshrl.u32 v10, $0x2  }
0x12b: {  	v11 =	vand.u32 $0x3FC0, v11  }
0x12c: {  	v11 =	vor.u32 v7, v11;
	_ =	sdelay $0x4  }
0x12d: {  	v61 =	vld.idx.msk [tilespmem:v11+s8+$0x0], $0xffff;
	_ =	sdelay $0x3  }
0x12e: {  	v13 =	vld.idx.msk [tilespmem:v60+s11+$0x0], $0xffff;
	_ =	sdelay $0x1  }
0x12f: {  	v62 =	vadd.s32 s21, v8;
	_ =	sdelay $0x1  }
0x130: {  	[tilespmem:v61+s19+$0x0] =	vst.idx.msk $0xffff, v10  }
0x131: {  	v10 =	vadd.s32 $0x1, v61;
	[tilespmem:v61+s9+$0x0] =	vst.idx.msk $0xffff, v13  }
0x132: {  	[tilespmem:v11+s8+$0x0] =	vst.idx.msk $0xffff, v10  }
0x133: {  	v10 =	vld.idx.msk [tilespmem:v62+s10+$0x0], $0xffff;
	_ =	sdelay $0x4  }
0x134: {  	v11 =	vshrl.u32 v10, $0x2  }
0x135: {  	v11 =	vand.u32 $0x3FC0, v11  }
0x136: {  	v11 =	vor.u32 v9, v11;
	_ =	sdelay $0x4  }
0x137: {  	v63 =	vld.idx.msk [tilespmem:v11+s8+$0x0], $0xffff;
	_ =	sdelay $0x3  }
0x138: {  	v13 =	vld.idx.msk [tilespmem:v62+s11+$0x0], $0xffff  }
0x139: {  	p0 =	sne.s32 s21, $0x139  }
.Ltmp10:
0x13a: {  	_ = 	snop;
	(pc) =	sbr.rel @p0 .LBB2_19-.Ltmp10, $4  }
0x13b: {  	_ = 	snop  }
0x13c: {  	[tilespmem:v63+s19+$0x0] =	vst.idx.msk $0xffff, v10  }
0x13d: {  	v10 =	vadd.s32 $0x1, v63;
	[tilespmem:v63+s9+$0x0] =	vst.idx.msk $0xffff, v13  }
0x13e: {  	s21 =	sadd.s32 $0x1, s21;
	[tilespmem:v11+s8+$0x0] =	vst.idx.msk $0xffff, v10  }
0x13f: {  	p0 =	por $0x1, $0x1  }
.Ltmp11:
0x140: {  	_ = 	snop;
	(pc) =	sbr.rel @!p0 .LBB2_22-.Ltmp11, $2  }
0x141: {  	_ =	sdelay $0x2  }
0x142: {  	s19 =	simm.s32 $0x100;
	s21 =	simm.s32 $0x0  }
.LBB2_21:
0x143: {  	p0 =	sne.s32 s19, $0xFF00;
	[tilespmem:s21+$0x13A30] =	vst v2;
	s23 =	smov.u32 s19;
	s19 =	sadd.s32 $0x100, s19  }
.Ltmp12:
0x144: {  	[tilespmem:s21+$0x13A20] =	vst v2;
	(pc) =	sbr.rel @p0 .LBB2_21-.Ltmp12, $3  }
0x145: {  	[tilespmem:s21+$0x13A00] =	vst v2  }
0x146: {  	[tilespmem:s21+$0x13A10] =	vst v2;
	_ =	sdelay $0x1  }
0x147: {  	s21 =	sshra.s32 s23, $0x2  }
.LBB2_22:
0x148: {  	[tilespmem:s21+$0x13A30] =	vst v2  }
0x149: {  	[tilespmem:s21+$0x13A20] =	vst v2  }
0x14a: {  	[tilespmem:s21+$0x13A00] =	vst v2  }
0x14b: {  	s19 =	simm.s32 $0x0;
	[tilespmem:s21+$0x13A10] =	vst v2;
	s21 =	simm.s32 $0x0  }
.LBB2_23:
0x14c: {  	v10 =	vadd.s32 s21, v1;
	_ =	sdelay $0x4  }
0x14d: {  	v10 =	vld.idx.msk [tilespmem:v10+s19+$0x0], $0xffff;
	_ =	sdelay $0x4  }
0x14e: {  	v10 =	vshrl.u32 v10, $0xA  }
0x14f: {  	v10 =	vand.u32 $0x3FC0, v10  }
0x150: {  	v10 =	vor.u32 v0, v10  }
0x151: {  	v11 =	vadd.s32 s21, v4;
	_ =	sdelay $0x3  }
0x152: {  	[tilespmem:v10+s8+$0x0] =	vst.idx.add.s32.msk $0xffff, v3  }
0x153: {  	v10 =	vld.idx.msk [tilespmem:v11+s19+$0x0], $0xffff;
	_ =	sdelay $0x4  }
0x154: {  	v10 =	vshrl.u32 v10, $0xA  }
0x155: {  	v10 =	vand.u32 $0x3FC0, v10  }
0x156: {  	v10 =	vor.u32 v5, v10  }
0x157: {  	v11 =	vadd.s32 s21, v6;
	_ =	sdelay $0x3  }
0x158: {  	[tilespmem:v10+s8+$0x0] =	vst.idx.add.s32.msk $0xffff, v3  }
0x159: {  	v10 =	vld.idx.msk [tilespmem:v11+s19+$0x0], $0xffff;
	_ =	sdelay $0x4  }
0x15a: {  	v10 =	vshrl.u32 v10, $0xA  }
0x15b: {  	v10 =	vand.u32 $0x3FC0, v10  }
0x15c: {  	v10 =	vor.u32 v7, v10  }
0x15d: {  	v11 =	vadd.s32 s21, v8;
	_ =	sdelay $0x3  }
0x15e: {  	[tilespmem:v10+s8+$0x0] =	vst.idx.add.s32.msk $0xffff, v3  }
0x15f: {  	v10 =	vld.idx.msk [tilespmem:v11+s19+$0x0], $0xffff;
	_ =	sdelay $0x4  }
0x160: {  	v10 =	vshrl.u32 v10, $0xA  }
0x161: {  	v10 =	vand.u32 $0x3FC0, v10  }
0x162: {  	p0 =	sne.s32 s21, $0x139;
	v10 =	vor.u32 v9, v10  }
.Ltmp13:
0x163: {  	_ = 	snop;
	(pc) =	sbr.rel @p0 .LBB2_23-.Ltmp13, $2  }
0x164: {  	_ =	sdelay $0x2  }
0x165: {  	s21 =	sadd.s32 $0x1, s21;
	[tilespmem:v10+s8+$0x0] =	vst.idx.add.s32.msk $0xffff, v3  }
0x166: {  	s21 =	simm.s32 $0x0  }
0x167: {  	v10 =	vld [tilespmem:s21+$0x13A00];
	_ =	sdelay $0x4  }
0x168: {  	(xrf0) =	vadd.scan.msk.s32 $0xffff, v10  }
0x169: {  	v11 =	vld [tilespmem:s21+$0x13A10];
	_ =	sdelay $0x4  }
0x16a: {  	v12, _, _ =	vpop (xrf0);
	(xrf0) =	vadd.scan.msk.s32 $0xffff, v11  }
0x16b: {  	v13 =	vld [tilespmem:s21+$0x13A20];
	(v2sf) =	vpush v12, $0xF;
	_ =	sdelay $0x4  }
0x16c: {  	v14 =	vld [tilespmem:s21+$0x13A30];
	(xrf0) =	vadd.scan.msk.s32 $0xffff, v13;
	v15, _, _ =	vpop (xrf0)  }
0x16d: {  	(v2sf) =	vpush v15, $0xF;
	_ =	sdelay $0x3  }
0x16e: {  	v10 =	vsub.s32 s19, v10;
	(xrf0) =	vadd.scan.msk.s32 $0xffff, v14  }
0x16f: {  	v10 =	vadd.s32 v12, v10;
	v16, _, _ =	vpop (xrf0)  }
0x170: {  	s19 =	simm.s32 $0x40;
	[tilespmem:s21+$0x13A00] =	vst v10;
	(v2sf) =	vpush v16, $0xF  }
0x171: {  	v10 =	vld [tilespmem:s19+$0x13A00];
	_ =	sdelay $0x1  }
0x172: {  	s23 =	spop (v2sf)  }
0x173: {  	v11 =	vsub.s32 v15, v11;
	v12, _, _ =	vpop (xrf0);
	s23 =	sadd.s32 $0x0, s23  }
0x174: {  	(v2sf) =	vpush v12, $0xF;
	v11 =	vadd.s32 s23, v11  }
0x175: {  	(xrf0) =	vadd.scan.msk.s32 $0xffff, v10;
	[tilespmem:s21+$0x13A10] =	vst v11  }
0x176: {  	v15 =	vld [tilespmem:s19+$0x13A10];
	_ =	sdelay $0x1  }
0x177: {  	s25 =	spop (v2sf)  }
0x178: {  	v11 =	vsub.s32 v16, v13;
	s23 =	sadd.s32 s23, s25  }
0x179: {  	v11 =	vadd.s32 s23, v11  }
0x17a: {  	v13, _, _ =	vpop (xrf0);
	(xrf0) =	vadd.scan.msk.s32 $0xffff, v15;
	[tilespmem:s21+$0x13A20] =	vst v11  }
0x17b: {  	(v2sf) =	vpush v13, $0xF;
	v11 =	vld [tilespmem:s19+$0x13A20];
	_ =	sdelay $0x1  }
0x17c: {  	s28 =	spop (v2sf)  }
0x17d: {  	v12 =	vsub.s32 v12, v14;
	s23 =	sadd.s32 s23, s28  }
0x17e: {  	v12 =	vadd.s32 s23, v12  }
0x17f: {  	[tilespmem:s21+$0x13A30] =	vst v12;
	v63, _, _ =	vpop (xrf0);
	(xrf0) =	vadd.scan.msk.s32 $0xffff, v11  }
0x180: {  	v12 =	vld [tilespmem:s19+$0x13A30];
	(v2sf) =	vpush v63, $0xF  }
0x181: {  	s21 =	simm.s32 $0x200;
	s25 =	spop (v2sf);
	v14 =	vsub.s32 v63, v15  }
.LBB2_25:
0x182: {  	p0 =	sne.s32 s21, $0xFF00  }
0x183: {  	s23 =	sadd.s32 s23, s25;
	s25 =	smov.u32 s21;
	s21 =	sadd.s32 $0x100, s21  }
0x184: {  	v10 =	vsub.s32 s23, v10  }
0x185: {  	v10 =	vadd.s32 v13, v10;
	v13, _, _ =	vpop (xrf0);
	(xrf0) =	vadd.scan.msk.s32 $0xffff, v12  }
0x186: {  	s25 =	sshra.s32 s25, $0x2;
	[tilespmem:s19+$0x13A00] =	vst v10;
	v11 =	vsub.s32 v13, v11;
	(v2sf) =	vpush v13, $0xF  }
0x187: {  	v10 =	vld [tilespmem:s25+$0x13A00];
	_ =	sdelay $0x1  }
0x188: {  	s28 =	spop (v2sf)  }
0x189: {  	s23 =	sadd.s32 s23, s28  }
0x18a: {  	v13 =	vadd.s32 s23, v14;
	v14, _, _ =	vpop (xrf0)  }
0x18b: {  	(xrf0) =	vadd.scan.msk.s32 $0xffff, v10;
	[tilespmem:s19+$0x13A10] =	vst v13;
	v12 =	vsub.s32 v14, v12;
	(v2sf) =	vpush v14, $0xF  }
0x18c: {  	v14 =	vld [tilespmem:s25+$0x13A10];
	_ =	sdelay $0x1  }
0x18d: {  	s28 =	spop (v2sf)  }
0x18e: {  	s23 =	sadd.s32 s23, s28  }
0x18f: {  	v11 =	vadd.s32 s23, v11  }
0x190: {  	v13, _, _ =	vpop (xrf0);
	(xrf0) =	vadd.scan.msk.s32 $0xffff, v14;
	[tilespmem:s19+$0x13A20] =	vst v11  }
0x191: {  	v11 =	vld [tilespmem:s25+$0x13A20];
	(v2sf) =	vpush v13, $0xF;
	_ =	sdelay $0x1  }
0x192: {  	s28 =	spop (v2sf)  }
0x193: {  	s23 =	sadd.s32 s23, s28  }
.Ltmp14:
0x194: {  	v12 =	vadd.s32 s23, v12;
	(pc) =	sbr.rel @p0 .LBB2_25-.Ltmp14, $3  }
0x195: {  	v15, _, _ =	vpop (xrf0);
	(xrf0) =	vadd.scan.msk.s32 $0xffff, v11;
	[tilespmem:s19+$0x13A30] =	vst v12;
	s19 =	smov.u32 s25  }
0x196: {  	v14 =	vsub.s32 v15, v14;
	v12 =	vld [tilespmem:s19+$0x13A30];
	(v2sf) =	vpush v15, $0xF;
	_ =	sdelay $0x1  }
0x197: {  	s25 =	spop (v2sf)  }
0x198: {  	_ =	sdelay $0x1  }
0x199: {  	(xrf0) =	vadd.scan.msk.s32 $0xffff, v12;
	_ =	sdelay $0x2  }
0x19a: {  	v15, _, _ =	vpop (xrf0)  }
0x19b: {  	(v2sf) =	vpush v15, $0xF;
	_ =	sdelay $0x1  }
0x19c: {  	v16, _, _ =	vpop (xrf0)  }
0x19d: {  	(v2sf) =	vpush v16, $0xF;
	_ =	sdelay $0x8  }
0x19e: {  	s21 =	sadd.s32 s23, s25  }
0x19f: {  	v10 =	vsub.s32 s21, v10;
	s25 =	spop (v2sf)  }
0x1a0: {  	v10 =	vadd.s32 v13, v10;
	s21 =	sadd.s32 s21, s25;
	s28 =	spop (v2sf)  }
0x1a1: {  	[tilespmem:s19+$0x13A00] =	vst v10;
	v10 =	vsub.s32 v15, v11;
	v11 =	vadd.s32 s21, v14;
	s21 =	sadd.s32 s21, s28;
	s25 =	spop (v2sf)  }
0x1a2: {  	[tilespmem:s19+$0x13A10] =	vst v11;
	v11 =	vsub.s32 v16, v12;
	v10 =	vadd.s32 s21, v10;
	s21 =	sadd.s32 s21, s25  }
0x1a3: {  	[tilespmem:s19+$0x13A20] =	vst v10;
	v10 =	vadd.s32 s21, v11  }
0x1a4: {  	s21 =	simm.s32 $0x0;
	[tilespmem:s19+$0x13A30] =	vst v10;
	s19 =	simm.s32 $0x0;
	s28 =	spop (v2sf)  }
.LBB2_27:
0x1a5: {  	v10 =	vadd.s32 s21, v1;
	_ =	sdelay $0x4  }
0x1a6: {  	v11 =	vld.idx.msk [tilespmem:v10+s19+$0x0], $0xffff;
	_ =	sdelay $0x4  }
0x1a7: {  	v12 =	vshrl.u32 v11, $0xA  }
0x1a8: {  	v12 =	vand.u32 $0x3FC0, v12  }
0x1a9: {  	v12 =	vor.u32 v0, v12;
	_ =	sdelay $0x4  }
0x1aa: {  	v13 =	vld.idx.msk [tilespmem:v12+s8+$0x0], $0xffff;
	_ =	sdelay $0x3  }
0x1ab: {  	v10 =	vld.idx.msk [tilespmem:v10+s9+$0x0], $0xffff;
	_ =	sdelay $0x1  }
0x1ac: {  	v14 =	vadd.s32 s21, v4;
	_ =	sdelay $0x1  }
0x1ad: {  	[tilespmem:v13+s10+$0x0] =	vst.idx.msk $0xffff, v11  }
0x1ae: {  	[tilespmem:v13+s11+$0x0] =	vst.idx.msk $0xffff, v10;
	v10 =	vadd.s32 $0x1, v13  }
0x1af: {  	[tilespmem:v12+s8+$0x0] =	vst.idx.msk $0xffff, v10  }
0x1b0: {  	v10 =	vld.idx.msk [tilespmem:v14+s19+$0x0], $0xffff;
	_ =	sdelay $0x4  }
0x1b1: {  	v11 =	vshrl.u32 v10, $0xA  }
0x1b2: {  	v11 =	vand.u32 $0x3FC0, v11  }
0x1b3: {  	v11 =	vor.u32 v5, v11;
	_ =	sdelay $0x4  }
0x1b4: {  	v12 =	vld.idx.msk [tilespmem:v11+s8+$0x0], $0xffff;
	_ =	sdelay $0x3  }
0x1b5: {  	v59 =	vld.idx.msk [tilespmem:v14+s9+$0x0], $0xffff;
	_ =	sdelay $0x1  }
0x1b6: {  	v60 =	vadd.s32 s21, v6;
	_ =	sdelay $0x1  }
0x1b7: {  	[tilespmem:v12+s10+$0x0] =	vst.idx.msk $0xffff, v10  }
0x1b8: {  	v10 =	vadd.s32 $0x1, v12;
	[tilespmem:v12+s11+$0x0] =	vst.idx.msk $0xffff, v59  }
0x1b9: {  	[tilespmem:v11+s8+$0x0] =	vst.idx.msk $0xffff, v10  }
0x1ba: {  	v10 =	vld.idx.msk [tilespmem:v60+s19+$0x0], $0xffff;
	_ =	sdelay $0x4  }
0x1bb: {  	v11 =	vshrl.u32 v10, $0xA  }
0x1bc: {  	v11 =	vand.u32 $0x3FC0, v11  }
0x1bd: {  	v11 =	vor.u32 v7, v11;
	_ =	sdelay $0x4  }
0x1be: {  	v61 =	vld.idx.msk [tilespmem:v11+s8+$0x0], $0xffff;
	_ =	sdelay $0x3  }
0x1bf: {  	v13 =	vld.idx.msk [tilespmem:v60+s9+$0x0], $0xffff;
	_ =	sdelay $0x1  }
0x1c0: {  	v62 =	vadd.s32 s21, v8;
	_ =	sdelay $0x1  }
0x1c1: {  	[tilespmem:v61+s10+$0x0] =	vst.idx.msk $0xffff, v10  }
0x1c2: {  	v10 =	vadd.s32 $0x1, v61;
	[tilespmem:v61+s11+$0x0] =	vst.idx.msk $0xffff, v13  }
0x1c3: {  	[tilespmem:v11+s8+$0x0] =	vst.idx.msk $0xffff, v10  }
0x1c4: {  	v10 =	vld.idx.msk [tilespmem:v62+s19+$0x0], $0xffff;
	_ =	sdelay $0x4  }
0x1c5: {  	v11 =	vshrl.u32 v10, $0xA  }
0x1c6: {  	v11 =	vand.u32 $0x3FC0, v11  }
0x1c7: {  	v11 =	vor.u32 v9, v11;
	_ =	sdelay $0x4  }
0x1c8: {  	v63 =	vld.idx.msk [tilespmem:v11+s8+$0x0], $0xffff;
	_ =	sdelay $0x3  }
0x1c9: {  	v13 =	vld.idx.msk [tilespmem:v62+s9+$0x0], $0xffff  }
0x1ca: {  	p0 =	sne.s32 s21, $0x139  }
.Ltmp15:
0x1cb: {  	_ = 	snop;
	(pc) =	sbr.rel @p0 .LBB2_27-.Ltmp15, $4  }
0x1cc: {  	_ = 	snop  }
0x1cd: {  	[tilespmem:v63+s10+$0x0] =	vst.idx.msk $0xffff, v10  }
0x1ce: {  	v10 =	vadd.s32 $0x1, v63;
	[tilespmem:v63+s11+$0x0] =	vst.idx.msk $0xffff, v13  }
0x1cf: {  	s21 =	sadd.s32 $0x1, s21;
	[tilespmem:v11+s8+$0x0] =	vst.idx.msk $0xffff, v10  }
0x1d0: {  	p0 =	por $0x1, $0x1  }
.Ltmp16:
0x1d1: {  	_ = 	snop;
	(pc) =	sbr.rel @!p0 .LBB2_30-.Ltmp16, $2  }
0x1d2: {  	_ =	sdelay $0x2  }
0x1d3: {  	s19 =	simm.s32 $0x100;
	s21 =	simm.s32 $0x0  }
.LBB2_29:
0x1d4: {  	p0 =	sne.s32 s19, $0xFF00;
	[tilespmem:s21+$0x13A30] =	vst v2;
	s23 =	smov.u32 s19;
	s19 =	sadd.s32 $0x100, s19  }
.Ltmp17:
0x1d5: {  	[tilespmem:s21+$0x13A20] =	vst v2;
	(pc) =	sbr.rel @p0 .LBB2_29-.Ltmp17, $3  }
0x1d6: {  	[tilespmem:s21+$0x13A00] =	vst v2  }
0x1d7: {  	[tilespmem:s21+$0x13A10] =	vst v2;
	_ =	sdelay $0x1  }
0x1d8: {  	s21 =	sshra.s32 s23, $0x2  }
.LBB2_30:
0x1d9: {  	[tilespmem:s21+$0x13A30] =	vst v2  }
0x1da: {  	[tilespmem:s21+$0x13A20] =	vst v2  }
0x1db: {  	[tilespmem:s21+$0x13A00] =	vst v2  }
0x1dc: {  	s19 =	simm.s32 $0x0;
	[tilespmem:s21+$0x13A10] =	vst v2;
	s21 =	simm.s32 $0x0  }
.LBB2_31:
0x1dd: {  	v10 =	vadd.s32 s21, v1;
	_ =	sdelay $0x4  }
0x1de: {  	v10 =	vld.idx.msk [tilespmem:v10+s10+$0x0], $0xffff;
	_ =	sdelay $0x4  }
0x1df: {  	v10 =	vshrl.u32 v10, $0x12  }
0x1e0: {  	v10 =	vand.u32 $0x3FC0, v10  }
0x1e1: {  	v10 =	vor.u32 v0, v10  }
0x1e2: {  	v11 =	vadd.s32 s21, v4;
	_ =	sdelay $0x3  }
0x1e3: {  	[tilespmem:v10+s8+$0x0] =	vst.idx.add.s32.msk $0xffff, v3  }
0x1e4: {  	v10 =	vld.idx.msk [tilespmem:v11+s10+$0x0], $0xffff;
	_ =	sdelay $0x4  }
0x1e5: {  	v10 =	vshrl.u32 v10, $0x12  }
0x1e6: {  	v10 =	vand.u32 $0x3FC0, v10  }
0x1e7: {  	v10 =	vor.u32 v5, v10  }
0x1e8: {  	v11 =	vadd.s32 s21, v6;
	_ =	sdelay $0x3  }
0x1e9: {  	[tilespmem:v10+s8+$0x0] =	vst.idx.add.s32.msk $0xffff, v3  }
0x1ea: {  	v10 =	vld.idx.msk [tilespmem:v11+s10+$0x0], $0xffff;
	_ =	sdelay $0x4  }
0x1eb: {  	v10 =	vshrl.u32 v10, $0x12  }
0x1ec: {  	v10 =	vand.u32 $0x3FC0, v10  }
0x1ed: {  	v10 =	vor.u32 v7, v10  }
0x1ee: {  	v11 =	vadd.s32 s21, v8;
	_ =	sdelay $0x3  }
0x1ef: {  	[tilespmem:v10+s8+$0x0] =	vst.idx.add.s32.msk $0xffff, v3  }
0x1f0: {  	v10 =	vld.idx.msk [tilespmem:v11+s10+$0x0], $0xffff;
	_ =	sdelay $0x4  }
0x1f1: {  	v10 =	vshrl.u32 v10, $0x12  }
0x1f2: {  	v10 =	vand.u32 $0x3FC0, v10  }
0x1f3: {  	p0 =	sne.s32 s21, $0x139;
	v10 =	vor.u32 v9, v10  }
.Ltmp18:
0x1f4: {  	_ = 	snop;
	(pc) =	sbr.rel @p0 .LBB2_31-.Ltmp18, $2  }
0x1f5: {  	_ =	sdelay $0x2  }
0x1f6: {  	s21 =	sadd.s32 $0x1, s21;
	[tilespmem:v10+s8+$0x0] =	vst.idx.add.s32.msk $0xffff, v3  }
0x1f7: {  	s21 =	simm.s32 $0x0  }
0x1f8: {  	v10 =	vld [tilespmem:s21+$0x13A00];
	_ =	sdelay $0x4  }
0x1f9: {  	(xrf0) =	vadd.scan.msk.s32 $0xffff, v10  }
0x1fa: {  	v11 =	vld [tilespmem:s21+$0x13A10];
	_ =	sdelay $0x4  }
0x1fb: {  	v12, _, _ =	vpop (xrf0);
	(xrf0) =	vadd.scan.msk.s32 $0xffff, v11  }
0x1fc: {  	v13 =	vld [tilespmem:s21+$0x13A20];
	(v2sf) =	vpush v12, $0xF;
	_ =	sdelay $0x4  }
0x1fd: {  	v14 =	vld [tilespmem:s21+$0x13A30];
	(xrf0) =	vadd.scan.msk.s32 $0xffff, v13;
	v15, _, _ =	vpop (xrf0)  }
0x1fe: {  	(v2sf) =	vpush v15, $0xF;
	_ =	sdelay $0x3  }
0x1ff: {  	v10 =	vsub.s32 s19, v10;
	(xrf0) =	vadd.scan.msk.s32 $0xffff, v14  }
0x200: {  	v10 =	vadd.s32 v12, v10;
	v16, _, _ =	vpop (xrf0)  }
0x201: {  	s19 =	simm.s32 $0x40;
	[tilespmem:s21+$0x13A00] =	vst v10;
	(v2sf) =	vpush v16, $0xF  }
0x202: {  	v10 =	vld [tilespmem:s19+$0x13A00];
	_ =	sdelay $0x1  }
0x203: {  	s23 =	spop (v2sf)  }
0x204: {  	v11 =	vsub.s32 v15, v11;
	v12, _, _ =	vpop (xrf0);
	s23 =	sadd.s32 $0x0, s23  }
0x205: {  	(v2sf) =	vpush v12, $0xF;
	v11 =	vadd.s32 s23, v11  }
0x206: {  	(xrf0) =	vadd.scan.msk.s32 $0xffff, v10;
	[tilespmem:s21+$0x13A10] =	vst v11  }
0x207: {  	v15 =	vld [tilespmem:s19+$0x13A10];
	_ =	sdelay $0x1  }
0x208: {  	s25 =	spop (v2sf)  }
0x209: {  	v11 =	vsub.s32 v16, v13;
	s23 =	sadd.s32 s23, s25  }
0x20a: {  	v11 =	vadd.s32 s23, v11  }
0x20b: {  	v13, _, _ =	vpop (xrf0);
	(xrf0) =	vadd.scan.msk.s32 $0xffff, v15;
	[tilespmem:s21+$0x13A20] =	vst v11  }
0x20c: {  	(v2sf) =	vpush v13, $0xF;
	v11 =	vld [tilespmem:s19+$0x13A20];
	_ =	sdelay $0x1  }
0x20d: {  	s28 =	spop (v2sf)  }
0x20e: {  	v12 =	vsub.s32 v12, v14;
	s23 =	sadd.s32 s23, s28  }
0x20f: {  	v12 =	vadd.s32 s23, v12  }
0x210: {  	[tilespmem:s21+$0x13A30] =	vst v12;
	v63, _, _ =	vpop (xrf0);
	(xrf0) =	vadd.scan.msk.s32 $0xffff, v11  }
0x211: {  	v12 =	vld [tilespmem:s19+$0x13A30];
	(v2sf) =	vpush v63, $0xF  }
0x212: {  	s21 =	simm.s32 $0x200;
	s25 =	spop (v2sf);
	v14 =	vsub.s32 v63, v15  }
.LBB2_33:
0x213: {  	p0 =	sne.s32 s21, $0xFF00  }
0x214: {  	s23 =	sadd.s32 s23, s25;
	s25 =	smov.u32 s21;
	s21 =	sadd.s32 $0x100, s21  }
0x215: {  	v10 =	vsub.s32 s23, v10  }
0x216: {  	v10 =	vadd.s32 v13, v10;
	v13, _, _ =	vpop (xrf0);
	(xrf0) =	vadd.scan.msk.s32 $0xffff, v12  }
0x217: {  	s25 =	sshra.s32 s25, $0x2;
	[tilespmem:s19+$0x13A00] =	vst v10;
	v11 =	vsub.s32 v13, v11;
	(v2sf) =	vpush v13, $0xF  }
0x218: {  	v10 =	vld [tilespmem:s25+$0x13A00];
	_ =	sdelay $0x1  }
0x219: {  	s28 =	spop (v2sf)  }
0x21a: {  	s23 =	sadd.s32 s23, s28  }
0x21b: {  	v13 =	vadd.s32 s23, v14;
	v14, _, _ =	vpop (xrf0)  }
0x21c: {  	(xrf0) =	vadd.scan.msk.s32 $0xffff, v10;
	[tilespmem:s19+$0x13A10] =	vst v13;
	v12 =	vsub.s32 v14, v12;
	(v2sf) =	vpush v14, $0xF  }
0x21d: {  	v14 =	vld [tilespmem:s25+$0x13A10];
	_ =	sdelay $0x1  }
0x21e: {  	s28 =	spop (v2sf)  }
0x21f: {  	s23 =	sadd.s32 s23, s28  }
0x220: {  	v11 =	vadd.s32 s23, v11  }
0x221: {  	v13, _, _ =	vpop (xrf0);
	(xrf0) =	vadd.scan.msk.s32 $0xffff, v14;
	[tilespmem:s19+$0x13A20] =	vst v11  }
0x222: {  	v11 =	vld [tilespmem:s25+$0x13A20];
	(v2sf) =	vpush v13, $0xF;
	_ =	sdelay $0x1  }
0x223: {  	s28 =	spop (v2sf)  }
0x224: {  	s23 =	sadd.s32 s23, s28  }
.Ltmp19:
0x225: {  	v12 =	vadd.s32 s23, v12;
	(pc) =	sbr.rel @p0 .LBB2_33-.Ltmp19, $3  }
0x226: {  	v15, _, _ =	vpop (xrf0);
	(xrf0) =	vadd.scan.msk.s32 $0xffff, v11;
	[tilespmem:s19+$0x13A30] =	vst v12;
	s19 =	smov.u32 s25  }
0x227: {  	v14 =	vsub.s32 v15, v14;
	v12 =	vld [tilespmem:s19+$0x13A30];
	(v2sf) =	vpush v15, $0xF;
	_ =	sdelay $0x1  }
0x228: {  	s25 =	spop (v2sf)  }
0x229: {  	_ =	sdelay $0x1  }
0x22a: {  	(xrf0) =	vadd.scan.msk.s32 $0xffff, v12;
	_ =	sdelay $0x2  }
0x22b: {  	v15, _, _ =	vpop (xrf0)  }
0x22c: {  	(v2sf) =	vpush v15, $0xF;
	_ =	sdelay $0x1  }
0x22d: {  	v16, _, _ =	vpop (xrf0)  }
0x22e: {  	(v2sf) =	vpush v16, $0xF;
	_ =	sdelay $0x8  }
0x22f: {  	s21 =	sadd.s32 s23, s25  }
0x230: {  	v10 =	vsub.s32 s21, v10;
	s25 =	spop (v2sf)  }
0x231: {  	v10 =	vadd.s32 v13, v10;
	s21 =	sadd.s32 s21, s25;
	s28 =	spop (v2sf)  }
0x232: {  	[tilespmem:s19+$0x13A00] =	vst v10;
	v10 =	vsub.s32 v15, v11;
	v11 =	vadd.s32 s21, v14;
	s21 =	sadd.s32 s21, s28;
	s25 =	spop (v2sf)  }
0x233: {  	[tilespmem:s19+$0x13A10] =	vst v11;
	v11 =	vsub.s32 v16, v12;
	v10 =	vadd.s32 s21, v10;
	s21 =	sadd.s32 s21, s25  }
0x234: {  	[tilespmem:s19+$0x13A20] =	vst v10;
	v10 =	vadd.s32 s21, v11  }
0x235: {  	[tilespmem:s19+$0x13A30] =	vst v10;
	s19 =	simm.s32 $0x0;
	s28 =	spop (v2sf)  }
.LBB2_35:
0x236: {  	v10 =	vadd.s32 s19, v1;
	_ =	sdelay $0x4  }
0x237: {  	v11 =	vld.idx.msk [tilespmem:v10+s10+$0x0], $0xffff;
	_ =	sdelay $0x4  }
0x238: {  	v11 =	vshrl.u32 v11, $0x12  }
0x239: {  	v11 =	vand.u32 $0x3FC0, v11  }
0x23a: {  	v11 =	vor.u32 v0, v11;
	_ =	sdelay $0x4  }
0x23b: {  	v12 =	vld.idx.msk [tilespmem:v11+s8+$0x0], $0xffff;
	_ =	sdelay $0x4  }
0x23c: {  	vm0 =	vlt.s32 v12, $0x1000  }
0x23d: {  	v10 =	vld.idx.msk [tilespmem:v10+s11+$0x0], $0xffff;
	_ =	sdelay $0x1  }
0x23e: {  	v13 =	vadd.s32 s19, v4;
	_ =	sdelay $0x2  }
0x23f: {  	[tilespmem:v12+s12+$0x0] =	vst.idx.msk vm0, v10;
	v10 =	vadd.s32 $0x1, v12  }
0x240: {  	[tilespmem:v11+s8+$0x0] =	vst.idx.msk $0xffff, v10  }
0x241: {  	v10 =	vld.idx.msk [tilespmem:v13+s10+$0x0], $0xffff;
	_ =	sdelay $0x4  }
0x242: {  	v10 =	vshrl.u32 v10, $0x12  }
0x243: {  	v10 =	vand.u32 $0x3FC0, v10  }
0x244: {  	v10 =	vor.u32 v5, v10;
	_ =	sdelay $0x4  }
0x245: {  	v11 =	vld.idx.msk [tilespmem:v10+s8+$0x0], $0xffff;
	_ =	sdelay $0x4  }
0x246: {  	vm13 =	vlt.s32 v11, $0x1000  }
0x247: {  	v61 =	vld.idx.msk [tilespmem:v13+s11+$0x0], $0xffff;
	_ =	sdelay $0x1  }
0x248: {  	v62 =	vadd.s32 s19, v6;
	_ =	sdelay $0x2  }
0x249: {  	[tilespmem:v11+s12+$0x0] =	vst.idx.msk vm13, v61;
	v11 =	vadd.s32 $0x1, v11  }
0x24a: {  	[tilespmem:v10+s8+$0x0] =	vst.idx.msk $0xffff, v11  }
0x24b: {  	v10 =	vld.idx.msk [tilespmem:v62+s10+$0x0], $0xffff;
	_ =	sdelay $0x4  }
0x24c: {  	v10 =	vshrl.u32 v10, $0x12  }
0x24d: {  	v10 =	vand.u32 $0x3FC0, v10  }
0x24e: {  	v10 =	vor.u32 v7, v10;
	_ =	sdelay $0x4  }
0x24f: {  	v11 =	vld.idx.msk [tilespmem:v10+s8+$0x0], $0xffff;
	_ =	sdelay $0x4  }
0x250: {  	vm14 =	vlt.s32 v11, $0x1000  }
0x251: {  	v12 =	vld.idx.msk [tilespmem:v62+s11+$0x0], $0xffff;
	_ =	sdelay $0x1  }
0x252: {  	v63 =	vadd.s32 s19, v8;
	_ =	sdelay $0x2  }
0x253: {  	[tilespmem:v11+s12+$0x0] =	vst.idx.msk vm14, v12;
	v11 =	vadd.s32 $0x1, v11  }
0x254: {  	[tilespmem:v10+s8+$0x0] =	vst.idx.msk $0xffff, v11  }
0x255: {  	v10 =	vld.idx.msk [tilespmem:v63+s10+$0x0], $0xffff;
	_ =	sdelay $0x4  }
0x256: {  	v10 =	vshrl.u32 v10, $0x12  }
0x257: {  	v10 =	vand.u32 $0x3FC0, v10  }
0x258: {  	v10 =	vor.u32 v9, v10;
	_ =	sdelay $0x4  }
0x259: {  	v11 =	vld.idx.msk [tilespmem:v10+s8+$0x0], $0xffff;
	_ =	sdelay $0x4  }
0x25a: {  	vm15 =	vlt.s32 v11, $0x1000  }
0x25b: {  	v12 =	vld.idx.msk [tilespmem:v63+s11+$0x0], $0xffff  }
0x25c: {  	p0 =	sne.s32 s19, $0x139  }
.Ltmp20:
0x25d: {  	_ = 	snop;
	(pc) =	sbr.rel @p0 .LBB2_35-.Ltmp20, $3  }
0x25e: {  	_ =	sdelay $0x1  }
0x25f: {  	[tilespmem:v11+s12+$0x0] =	vst.idx.msk vm15, v12;
	v11 =	vadd.s32 $0x1, v11  }
0x260: {  	s19 =	sadd.s32 $0x1, s19;
	[tilespmem:v10+s8+$0x0] =	vst.idx.msk $0xffff, v11  }
0x261: {  	[tilespmem:s14], [sflag:$0x1] =	stream.indirect.gather [hbm4b:s3+s13], $0x10, s12, s13, $0xb8;
	[tilespmem:$0x1CA00] =	vst v63  }
0x262: {  	s19 =	simm.s32 $0x17A80  }
0x263: {  	[tilespmem:s16], [sflag:$0x1] =	stream.indirect.gather [hbm4b:s3+s13], $0x10, s19, s13, $0xb8;
	[tilespmem:$0x1CA00] =	vst v63  }
0x264: {  	s28 =	simm.s32 $0x17B00  }
0x265: {  	[tilespmem:s18], [sflag:$0x1] =	stream.indirect.gather [hbm4b:s3+s13], $0x10, s28, s13, $0xb8;
	[tilespmem:$0x1CA00] =	vst v63  }
0x266: {  	s21 =	simm.s32 $0x17B80  }
0x267: {  	[tilespmem:s20], [sflag:$0x1] =	stream.indirect.gather [hbm4b:s3+s13], $0x10, s21, s13, $0xb8;
	[tilespmem:$0x1CA00] =	vst v63  }
0x268: {  	s23 =	simm.s32 $0x17C00  }
0x269: {  	[tilespmem:s22], [sflag:$0x1] =	stream.indirect.gather [hbm4b:s3+s13], $0x10, s23, s13, $0xb8;
	[tilespmem:$0x1CA00] =	vst v63  }
0x26a: {  	s25 =	simm.s32 $0x17C80  }
0x26b: {  	[tilespmem:s24], [sflag:$0x1] =	stream.indirect.gather [hbm4b:s3+s13], $0x10, s25, s13, $0xb8;
	[tilespmem:$0x1CA00] =	vst v63  }
0x26c: {  	s28 =	simm.s32 $0x17D00  }
0x26d: {  	[tilespmem:s26], [sflag:$0x1] =	stream.indirect.gather [hbm4b:s3+s13], $0x10, s28, s13, $0xb8;
	[tilespmem:$0x1CA00] =	vst v63  }
0x26e: {  	s21 =	simm.s32 $0x17D80  }
0x26f: {  	[tilespmem:s29], [sflag:$0x1] =	stream.indirect.gather [hbm4b:s3+s13], $0x10, s21, s13, $0xb8;
	[tilespmem:$0x1CA00] =	vst v63  }
0x270: {  	_ =	swait.ge [sflag:s30], $0x800  }
0x271: {  	[sflag:s30] =	ssyncset.done $0x0  }
0x272: {  	[sflag:s30] =	ssyncadd.s32 $0xFFFFF800  }
0x273: {  	_ =	swait.ge [sflag:s30], $0x800  }
0x274: {  	[sflag:s30] =	ssyncset.done $0x0  }
0x275: {  	[sflag:s30] =	ssyncadd.s32 $0xFFFFF800  }
0x276: {  	_ =	swait.ge [sflag:s30], $0x800  }
0x277: {  	[sflag:s30] =	ssyncset.done $0x0  }
0x278: {  	[sflag:s30] =	ssyncadd.s32 $0xFFFFF800  }
0x279: {  	_ =	swait.ge [sflag:s30], $0x800  }
0x27a: {  	[sflag:s30] =	ssyncset.done $0x0  }
0x27b: {  	[sflag:s30] =	ssyncadd.s32 $0xFFFFF800  }
0x27c: {  	_ =	swait.ge [sflag:s30], $0x800  }
0x27d: {  	[sflag:s30] =	ssyncset.done $0x0  }
0x27e: {  	[sflag:s30] =	ssyncadd.s32 $0xFFFFF800  }
0x27f: {  	_ =	swait.ge [sflag:s30], $0x800  }
0x280: {  	[sflag:s30] =	ssyncset.done $0x0  }
0x281: {  	[sflag:s30] =	ssyncadd.s32 $0xFFFFF800  }
0x282: {  	_ =	swait.ge [sflag:s30], $0x800  }
0x283: {  	[sflag:s30] =	ssyncset.done $0x0  }
0x284: {  	[sflag:s30] =	ssyncadd.s32 $0xFFFFF800  }
0x285: {  	_ =	swait.ge [sflag:s30], $0x800  }
0x286: {  	[sflag:s30] =	ssyncset.done $0x0  }
0x287: {  	[sflag:s30] =	ssyncadd.s32 $0xFFFFF800  }
0x288: {  	[hbm4b:s4+s2] =	stream.linear.scatter [tilespmem:s14], [sflag:$0x2], $0x4000, $0x38;
	[tilespmem:$0x1CA00] =	vst v63  }
0x289: {  	_ =	swait.ge [sflag:s7], $0x4000  }
0x28a: {  	[sflag:s7] =	ssyncset.done $0x0  }
0x28b: {  	s23 =	simm.s32 $0x17E00;
	[sflag:s7] =	ssyncadd.s32 $0xFFFFC000  }
0x28c: {  	[tilespmem:s14], [sflag:$0x1] =	stream.indirect.gather [hbm4b:s3+s13], $0x10, s23, s13, $0xb8;
	[tilespmem:$0x1CA00] =	vst v63  }
0x28d: {  	s25 =	simm.s32 $0x17E80  }
0x28e: {  	[tilespmem:s16], [sflag:$0x1] =	stream.indirect.gather [hbm4b:s3+s13], $0x10, s25, s13, $0xb8;
	[tilespmem:$0x1CA00] =	vst v63  }
0x28f: {  	s28 =	simm.s32 $0x17F00  }
0x290: {  	[tilespmem:s18], [sflag:$0x1] =	stream.indirect.gather [hbm4b:s3+s13], $0x10, s28, s13, $0xb8;
	[tilespmem:$0x1CA00] =	vst v63  }
0x291: {  	s21 =	simm.s32 $0x17F80  }
0x292: {  	[tilespmem:s20], [sflag:$0x1] =	stream.indirect.gather [hbm4b:s3+s13], $0x10, s21, s13, $0xb8;
	[tilespmem:$0x1CA00] =	vst v63  }
0x293: {  	s23 =	simm.s32 $0x18000  }
0x294: {  	[tilespmem:s22], [sflag:$0x1] =	stream.indirect.gather [hbm4b:s3+s13], $0x10, s23, s13, $0xb8;
	[tilespmem:$0x1CA00] =	vst v63  }
0x295: {  	s25 =	simm.s32 $0x18080  }
0x296: {  	[tilespmem:s24], [sflag:$0x1] =	stream.indirect.gather [hbm4b:s3+s13], $0x10, s25, s13, $0xb8;
	[tilespmem:$0x1CA00] =	vst v63  }
0x297: {  	s28 =	simm.s32 $0x18100  }
0x298: {  	[tilespmem:s26], [sflag:$0x1] =	stream.indirect.gather [hbm4b:s3+s13], $0x10, s28, s13, $0xb8;
	[tilespmem:$0x1CA00] =	vst v63  }
0x299: {  	s21 =	simm.s32 $0x18180  }
0x29a: {  	[tilespmem:s29], [sflag:$0x1] =	stream.indirect.gather [hbm4b:s3+s13], $0x10, s21, s13, $0xb8;
	[tilespmem:$0x1CA00] =	vst v63  }
0x29b: {  	_ =	swait.ge [sflag:s30], $0x800  }
0x29c: {  	[sflag:s30] =	ssyncset.done $0x0  }
0x29d: {  	[sflag:s30] =	ssyncadd.s32 $0xFFFFF800  }
0x29e: {  	_ =	swait.ge [sflag:s30], $0x800  }
0x29f: {  	[sflag:s30] =	ssyncset.done $0x0  }
0x2a0: {  	[sflag:s30] =	ssyncadd.s32 $0xFFFFF800  }
0x2a1: {  	_ =	swait.ge [sflag:s30], $0x800  }
0x2a2: {  	[sflag:s30] =	ssyncset.done $0x0  }
0x2a3: {  	[sflag:s30] =	ssyncadd.s32 $0xFFFFF800  }
0x2a4: {  	_ =	swait.ge [sflag:s30], $0x800  }
0x2a5: {  	[sflag:s30] =	ssyncset.done $0x0  }
0x2a6: {  	[sflag:s30] =	ssyncadd.s32 $0xFFFFF800  }
0x2a7: {  	_ =	swait.ge [sflag:s30], $0x800  }
0x2a8: {  	[sflag:s30] =	ssyncset.done $0x0  }
0x2a9: {  	[sflag:s30] =	ssyncadd.s32 $0xFFFFF800  }
0x2aa: {  	_ =	swait.ge [sflag:s30], $0x800  }
0x2ab: {  	[sflag:s30] =	ssyncset.done $0x0  }
0x2ac: {  	[sflag:s30] =	ssyncadd.s32 $0xFFFFF800  }
0x2ad: {  	_ =	swait.ge [sflag:s30], $0x800  }
0x2ae: {  	[sflag:s30] =	ssyncset.done $0x0  }
0x2af: {  	[sflag:s30] =	ssyncadd.s32 $0xFFFFF800  }
0x2b0: {  	_ =	swait.ge [sflag:s30], $0x800  }
0x2b1: {  	[sflag:s30] =	ssyncset.done $0x0  }
0x2b2: {  	s23 =	sadd.s32 $0x800, s4;
	[sflag:s30] =	ssyncadd.s32 $0xFFFFF800  }
0x2b3: {  	[hbm4b:s23+s2] =	stream.linear.scatter [tilespmem:s14], [sflag:$0x2], $0x4000, $0x38;
	[tilespmem:$0x1CA00] =	vst v63  }
0x2b4: {  	_ =	swait.ge [sflag:s7], $0x4000  }
0x2b5: {  	[sflag:s7] =	ssyncset.done $0x0  }
0x2b6: {  	s25 =	simm.s32 $0x18200;
	[sflag:s7] =	ssyncadd.s32 $0xFFFFC000  }
0x2b7: {  	[tilespmem:s14], [sflag:$0x1] =	stream.indirect.gather [hbm4b:s3+s13], $0x10, s25, s13, $0xb8;
	[tilespmem:$0x1CA00] =	vst v63  }
0x2b8: {  	s28 =	simm.s32 $0x18280  }
0x2b9: {  	[tilespmem:s16], [sflag:$0x1] =	stream.indirect.gather [hbm4b:s3+s13], $0x10, s28, s13, $0xb8;
	[tilespmem:$0x1CA00] =	vst v63  }
0x2ba: {  	s21 =	simm.s32 $0x18300  }
0x2bb: {  	[tilespmem:s18], [sflag:$0x1] =	stream.indirect.gather [hbm4b:s3+s13], $0x10, s21, s13, $0xb8;
	[tilespmem:$0x1CA00] =	vst v63  }
0x2bc: {  	s23 =	simm.s32 $0x18380  }
0x2bd: {  	[tilespmem:s20], [sflag:$0x1] =	stream.indirect.gather [hbm4b:s3+s13], $0x10, s23, s13, $0xb8;
	[tilespmem:$0x1CA00] =	vst v63  }
0x2be: {  	s25 =	simm.s32 $0x18400  }
0x2bf: {  	[tilespmem:s22], [sflag:$0x1] =	stream.indirect.gather [hbm4b:s3+s13], $0x10, s25, s13, $0xb8;
	[tilespmem:$0x1CA00] =	vst v63  }
0x2c0: {  	s28 =	simm.s32 $0x18480  }
0x2c1: {  	[tilespmem:s24], [sflag:$0x1] =	stream.indirect.gather [hbm4b:s3+s13], $0x10, s28, s13, $0xb8;
	[tilespmem:$0x1CA00] =	vst v63  }
0x2c2: {  	s21 =	simm.s32 $0x18500  }
0x2c3: {  	[tilespmem:s26], [sflag:$0x1] =	stream.indirect.gather [hbm4b:s3+s13], $0x10, s21, s13, $0xb8;
	[tilespmem:$0x1CA00] =	vst v63  }
0x2c4: {  	s23 =	simm.s32 $0x18580  }
0x2c5: {  	[tilespmem:s29], [sflag:$0x1] =	stream.indirect.gather [hbm4b:s3+s13], $0x10, s23, s13, $0xb8;
	[tilespmem:$0x1CA00] =	vst v63  }
0x2c6: {  	_ =	swait.ge [sflag:s30], $0x800  }
0x2c7: {  	[sflag:s30] =	ssyncset.done $0x0  }
0x2c8: {  	[sflag:s30] =	ssyncadd.s32 $0xFFFFF800  }
0x2c9: {  	_ =	swait.ge [sflag:s30], $0x800  }
0x2ca: {  	[sflag:s30] =	ssyncset.done $0x0  }
0x2cb: {  	[sflag:s30] =	ssyncadd.s32 $0xFFFFF800  }
0x2cc: {  	_ =	swait.ge [sflag:s30], $0x800  }
0x2cd: {  	[sflag:s30] =	ssyncset.done $0x0  }
0x2ce: {  	[sflag:s30] =	ssyncadd.s32 $0xFFFFF800  }
0x2cf: {  	_ =	swait.ge [sflag:s30], $0x800  }
0x2d0: {  	[sflag:s30] =	ssyncset.done $0x0  }
0x2d1: {  	[sflag:s30] =	ssyncadd.s32 $0xFFFFF800  }
0x2d2: {  	_ =	swait.ge [sflag:s30], $0x800  }
0x2d3: {  	[sflag:s30] =	ssyncset.done $0x0  }
0x2d4: {  	[sflag:s30] =	ssyncadd.s32 $0xFFFFF800  }
0x2d5: {  	_ =	swait.ge [sflag:s30], $0x800  }
0x2d6: {  	[sflag:s30] =	ssyncset.done $0x0  }
0x2d7: {  	[sflag:s30] =	ssyncadd.s32 $0xFFFFF800  }
0x2d8: {  	_ =	swait.ge [sflag:s30], $0x800  }
0x2d9: {  	[sflag:s30] =	ssyncset.done $0x0  }
0x2da: {  	[sflag:s30] =	ssyncadd.s32 $0xFFFFF800  }
0x2db: {  	_ =	swait.ge [sflag:s30], $0x800  }
0x2dc: {  	[sflag:s30] =	ssyncset.done $0x0  }
0x2dd: {  	s25 =	sadd.s32 $0x1000, s4;
	[sflag:s30] =	ssyncadd.s32 $0xFFFFF800  }
0x2de: {  	[hbm4b:s25+s2] =	stream.linear.scatter [tilespmem:s14], [sflag:$0x2], $0x4000, $0x38;
	[tilespmem:$0x1CA00] =	vst v63  }
0x2df: {  	_ =	swait.ge [sflag:s7], $0x4000  }
0x2e0: {  	[sflag:s7] =	ssyncset.done $0x0  }
0x2e1: {  	s28 =	simm.s32 $0x18600;
	[sflag:s7] =	ssyncadd.s32 $0xFFFFC000  }
0x2e2: {  	[tilespmem:s14], [sflag:$0x1] =	stream.indirect.gather [hbm4b:s3+s13], $0x10, s28, s13, $0xb8;
	[tilespmem:$0x1CA00] =	vst v63  }
0x2e3: {  	s21 =	simm.s32 $0x18680  }
0x2e4: {  	[tilespmem:s16], [sflag:$0x1] =	stream.indirect.gather [hbm4b:s3+s13], $0x10, s21, s13, $0xb8;
	[tilespmem:$0x1CA00] =	vst v63  }
0x2e5: {  	s23 =	simm.s32 $0x18700  }
0x2e6: {  	[tilespmem:s18], [sflag:$0x1] =	stream.indirect.gather [hbm4b:s3+s13], $0x10, s23, s13, $0xb8;
	[tilespmem:$0x1CA00] =	vst v63  }
0x2e7: {  	s25 =	simm.s32 $0x18780  }
0x2e8: {  	[tilespmem:s20], [sflag:$0x1] =	stream.indirect.gather [hbm4b:s3+s13], $0x10, s25, s13, $0xb8;
	[tilespmem:$0x1CA00] =	vst v63  }
0x2e9: {  	_ = 	snop  }
0x2ea: {  	[tilespmem:s22], [sflag:$0x1] =	stream.indirect.gather [hbm4b:s3+s13], $0x10, s31, s13, $0xb8;
	[tilespmem:$0x1CA00] =	vst v63  }
0x2eb: {  	_ = 	snop  }
0x2ec: {  	[tilespmem:s24], [sflag:$0x1] =	stream.indirect.gather [hbm4b:s3+s13], $0x10, s0, s13, $0xb8;
	[tilespmem:$0x1CA00] =	vst v63  }
0x2ed: {  	_ = 	snop  }
0x2ee: {  	[tilespmem:s26], [sflag:$0x1] =	stream.indirect.gather [hbm4b:s3+s13], $0x10, s1, s13, $0xb8;
	[tilespmem:$0x1CA00] =	vst v63  }
0x2ef: {  	_ = 	snop  }
0x2f0: {  	[tilespmem:s29], [sflag:$0x1] =	stream.indirect.gather [hbm4b:s3+s13], $0x10, s15, s13, $0xb8;
	[tilespmem:$0x1CA00] =	vst v63  }
0x2f1: {  	_ =	swait.ge [sflag:s30], $0x800  }
0x2f2: {  	[sflag:s30] =	ssyncset.done $0x0  }
0x2f3: {  	[sflag:s30] =	ssyncadd.s32 $0xFFFFF800  }
0x2f4: {  	_ =	swait.ge [sflag:s30], $0x800  }
0x2f5: {  	[sflag:s30] =	ssyncset.done $0x0  }
0x2f6: {  	[sflag:s30] =	ssyncadd.s32 $0xFFFFF800  }
0x2f7: {  	_ =	swait.ge [sflag:s30], $0x800  }
0x2f8: {  	[sflag:s30] =	ssyncset.done $0x0  }
0x2f9: {  	[sflag:s30] =	ssyncadd.s32 $0xFFFFF800  }
0x2fa: {  	_ =	swait.ge [sflag:s30], $0x800  }
0x2fb: {  	[sflag:s30] =	ssyncset.done $0x0  }
0x2fc: {  	[sflag:s30] =	ssyncadd.s32 $0xFFFFF800  }
0x2fd: {  	_ =	swait.ge [sflag:s30], $0x800  }
0x2fe: {  	[sflag:s30] =	ssyncset.done $0x0  }
0x2ff: {  	[sflag:s30] =	ssyncadd.s32 $0xFFFFF800  }
0x300: {  	_ =	swait.ge [sflag:s30], $0x800  }
0x301: {  	[sflag:s30] =	ssyncset.done $0x0  }
0x302: {  	[sflag:s30] =	ssyncadd.s32 $0xFFFFF800  }
0x303: {  	_ =	swait.ge [sflag:s30], $0x800  }
0x304: {  	[sflag:s30] =	ssyncset.done $0x0  }
0x305: {  	[sflag:s30] =	ssyncadd.s32 $0xFFFFF800  }
0x306: {  	s17 =	sadd.s32 $0x1, s17;
	_ =	swait.ge [sflag:s30], $0x800  }
0x307: {  	p0 =	sne.s32 s17, s6;
	[sflag:s30] =	ssyncset.done $0x0  }
.Ltmp21:
0x308: {  	s28 =	sadd.s32 $0x1800, s4;
	[sflag:s30] =	ssyncadd.s32 $0xFFFFF800;
	(pc) =	sbr.rel @p0 .LBB2_2-.Ltmp21, $4  }
0x309: {  	[hbm4b:s28+s2] =	stream.linear.scatter [tilespmem:s14], [sflag:$0x2], $0x4000, $0x38;
	[tilespmem:$0x1CA00] =	vst v63  }
0x30a: {  	_ =	swait.ge [sflag:s7], $0x4000  }
0x30b: {  	[sflag:s7] =	ssyncset.done $0x0  }
0x30c: {  	[sflag:s7] =	ssyncadd.s32 $0xFFFFC000  }
.LBB2_37:
0x30d: {  	_ =	sfence.sel $0x180000  }
0x30e: {  	[bflag:$0x0] =	sbarrier.arrive $0xFFFF  }
0x30f: {  	_ =	strace $0x90000047  }
0x310: {  	s0 =	stileid.u32;
	[bflag:$0x2] =	sbarrier.arrive $0xFFFF  }
0x311: {  	p0 =	sne.s32 s0, $0x0;
	s0 =	rddreg [dreg:$0x2]  }
0x312: {  	s0 =	sadd.s32 @!p0 $0x100000, s0  }
0x313: {  	[sflag:s0] =	ssyncadd.tile.s32 @!p0 $0x1;
	_ =	shalt  }
.Lfunc_end2:
_tile_overlayer_lowered:
.L_overlay_start_2:
0x314: {  	(tag) =	ssettag $0x2  }
0x315: {  	s0 =	rddreg [dreg:$0x0];
	s2 =	stileid.u32  }
0x316: {  	s1 =	rddreg [dreg:$0x1];
	p0 =	sne.s32 s2, $0x0  }
0x317: {  	s3 =	rddreg [dreg:$0x2];
	[bflag:$0x3] =	sbarrier.arrive $0xFFFF;
	s2 =	simm.s32 @!p0 $0x1C02  }
0x318: {  	[timem:s3], [sflag:s2] =	dma.local @!p0 [hbm:s0], s1  }
0x319: {  	s0 =	simm.s32 @!p0 $0x2  }
0x31a: {  	_ =	swait.ge @!p0 [sflag:s0], s1  }
0x31b: {  	s1 =	ssub.s32 @!p0 $0x0, s1;
	[sflag:s0] =	ssyncset.done @!p0 $0x0  }
0x31c: {  	[sflag:s0] =	ssyncadd.s32 @!p0 s1  }
0x31d: {  	[bflag:$0x3] =	sbarrier.arrive $0xFFFF  }
0x31e: {  	_ =	shalt  }

</sc_bundles>
